<compile_context>
chip_gen: v7x
topology: tpu7x:2x2x1
jax: 0.10.2.dev20260603
libtpu: 0.0.44.dev20260713+nightly
codegen_flags: <defaults>
</compile_context>

<pallas_src>
import functools

import jax
import jax.numpy as jnp
from jax import lax
from jax.experimental import pallas as pl
from jax.experimental.pallas import tpu as pltpu
from jax.experimental.pallas import tpu_sc as plsc

N = 10000
E = 320000
D = 128
H = 128
O = 32
Q = 1024
MLP_H = 64

NPAD = 10240
NC = 2
NS = 16
NW = NC * NS
CHUNK = 128
EPAD = 327680
NCHUNKS = EPAD // CHUNK
CH_PER_TILE = NCHUNKS // NW
ROWS_PER_TILE = NPAD // NS

_MESH = dict(core_axis_name="c", subcore_axis_name="s", num_cores=NC,
             num_subcores=NS)
_SC_PARAMS = pltpu.CompilerParams(use_tc_tiling_on_sc=False)


def _fill_zeros_2d(ref, nrows, ncols):
    zv = jnp.zeros((16,), jnp.float32)

    def body(r, _):
        for j in range(ncols // 16):
            ref[r, pl.ds(j * 16, 16)] = zv
        return 0

    lax.fori_loop(0, nrows, body, 0)


def _make_segsum_merged(F, K):
    mesh = plsc.VectorSubcoreMesh(**_MESH)

    @functools.partial(
        pl.kernel,
        out_type=jax.ShapeDtypeStruct((NC, NPAD, F), jnp.float32),
        mesh=mesh,
        compiler_params=_SC_PARAMS,
        scratch_types=[
            pltpu.VMEM((K, CHUNK), jnp.int32),
            pltpu.VMEM((K, CHUNK), jnp.int32),
        ] + [pltpu.VMEM((CHUNK, F), jnp.float32) for _ in range(K)] + [
            pltpu.VMEM_SHARED((NPAD, F), jnp.float32),
            pltpu.SemaphoreType.DMA,
        ],
    )
    def segsum(hs2, srcs3, dst2, out, src_blk, dst_blk, *rest):
        bufs = rest[:K]
        acc, gsem = rest[K], rest[K + 1]
        c = lax.axis_index("c")
        s = lax.axis_index("s")
        _fill_zeros_2d(bufs[0], CHUNK, F)
        for t in range(ROWS_PER_TILE // CHUNK):
            pltpu.sync_copy(bufs[0],
                            acc.at[pl.ds(s * ROWS_PER_TILE + t * CHUNK, CHUNK)])
        plsc.subcore_barrier()

        def blk_body(blk, _):
            row0 = (blk * NS + s) * K
            pltpu.sync_copy(srcs3.at[c, pl.ds(row0, K), :], src_blk)
            pltpu.sync_copy(dst2.at[pl.ds(row0, K), :], dst_blk)
            g = [pltpu.async_copy(hs2.at[src_blk.at[j]], bufs[j], gsem)
                 for j in range(K)]
            for j in range(K):
                g[j].wait()
                pltpu.sync_copy(bufs[j], acc.at[dst_blk.at[j]], add=True)
            return 0

        lax.fori_loop(0, NCHUNKS // (NS * K), blk_body, 0)
        plsc.subcore_barrier()
        pltpu.sync_copy(acc.at[pl.ds(s * ROWS_PER_TILE, ROWS_PER_TILE)],
                        out.at[c, pl.ds(s * ROWS_PER_TILE, ROWS_PER_TILE), :])

    return segsum


FH = H // 2
FO = O // 2
_segsum_h = _make_segsum_merged(FH, 10)
_segsum_o = _make_segsum_merged(FO, 16)


_KD = 16


@functools.partial(
    pl.kernel,
    out_type=jax.ShapeDtypeStruct((NC, NPAD), jnp.float32),
    mesh=plsc.VectorSubcoreMesh(**_MESH),
    compiler_params=_SC_PARAMS,
    scratch_types=[
        pltpu.VMEM((_KD, CHUNK), jnp.int32),
        pltpu.VMEM((CHUNK,), jnp.float32),
        pltpu.VMEM((ROWS_PER_TILE,), jnp.float32),
        pltpu.VMEM_SHARED((NPAD,), jnp.float32),
    ],
)
def _degree(dst2, out, dst_blk, ones_v, zer_v, acc):
    c = lax.axis_index("c")
    s = lax.axis_index("s")
    w = c * NS + s
    one = jnp.full((16,), 1.0, jnp.float32)
    zero = jnp.zeros((16,), jnp.float32)
    for j in range(CHUNK // 16):
        ones_v[pl.ds(j * 16, 16)] = one

    def zbody(r, _):
        zer_v[pl.ds(r * 16, 16)] = zero
        return 0

    lax.fori_loop(0, ROWS_PER_TILE // 16, zbody, 0)
    pltpu.sync_copy(zer_v, acc.at[pl.ds(s * ROWS_PER_TILE, ROWS_PER_TILE)])
    plsc.subcore_barrier()

    def body(blk, _):
        row0 = w * CH_PER_TILE + blk * _KD
        pltpu.sync_copy(dst2.at[pl.ds(row0, _KD), :], dst_blk)
        for j in range(_KD):
            pltpu.sync_copy(ones_v, acc.at[dst_blk.at[j]], add=True)
        return 0

    lax.fori_loop(0, CH_PER_TILE // _KD, body, 0)
    plsc.subcore_barrier()
    pltpu.sync_copy(acc.at[pl.ds(s * ROWS_PER_TILE, ROWS_PER_TILE)],
                    out.at[c, pl.ds(s * ROWS_PER_TILE, ROWS_PER_TILE)])


_Q_PER_TILE = Q // (NC * NS)


@functools.partial(
    pl.kernel,
    out_type=jax.ShapeDtypeStruct((Q, O), jnp.float32),
    mesh=plsc.VectorSubcoreMesh(**_MESH),
    compiler_params=_SC_PARAMS,
    scratch_types=[
        pltpu.VMEM((_Q_PER_TILE,), jnp.int32),
        pltpu.VMEM((_Q_PER_TILE, O), jnp.float32),
        pltpu.SemaphoreType.DMA,
    ],
)
def _gather_queries(table, qidx, out, idx_v, rows_v, sem):
    c = lax.axis_index("c")
    s = lax.axis_index("s")
    w = s * NC + c
    base = w * _Q_PER_TILE
    pltpu.sync_copy(qidx.at[pl.ds(base, _Q_PER_TILE)], idx_v)
    pltpu.async_copy(table.at[idx_v], rows_v, sem).wait()
    pltpu.sync_copy(rows_v, out.at[pl.ds(base, _Q_PER_TILE), :])


_NBLK = NPAD // 1024


def _tc_scale1(x_r, w_r, dp_r, hs2_r, dinv_r):
    deg = dp_r[0] + dp_r[1] + 1.0
    dinv = lax.rsqrt(jnp.maximum(deg, 1e-12))
    hs = jnp.dot(x_r[...], w_r[...],
                 preferred_element_type=jnp.float32) * dinv
    hs2_r[0] = hs[:, :FH]
    hs2_r[1] = hs[:, FH:]
    dinv_r[...] = dinv


_stage1 = pl.pallas_call(
    _tc_scale1,
    grid=(_NBLK,),
    in_specs=[
        pl.BlockSpec((1024, D), lambda i: (i, 0)),
        pl.BlockSpec((D, H), lambda i: (0, 0)),
        pl.BlockSpec((NC, 1024, 1), lambda i: (0, i, 0)),
    ],
    out_specs=[
        pl.BlockSpec((NC, 1024, FH), lambda i: (0, i, 0)),
        pl.BlockSpec((1024, 1), lambda i: (i, 0)),
    ],
    out_shape=[
        jax.ShapeDtypeStruct((NC, NPAD, FH), jnp.float32),
        jax.ShapeDtypeStruct((NPAD, 1), jnp.float32),
    ],
)


def _tc_combine1(p_r, hs2_r, dinv_r, b1_r, w2_r, h2s2_r):
    seg_a = p_r[0] + hs2_r[0]
    seg_b = p_r[1] + hs2_r[1]
    seg = jnp.concatenate([seg_a, seg_b], axis=1)
    out1 = jnp.maximum(dinv_r[...] * seg + b1_r[...], 0.0)
    h2s = jnp.dot(out1, w2_r[...],
                  preferred_element_type=jnp.float32) * dinv_r[...]
    h2s2_r[0] = h2s[:, :FO]
    h2s2_r[1] = h2s[:, FO:]


_stage2 = pl.pallas_call(
    _tc_combine1,
    grid=(_NBLK,),
    in_specs=[
        pl.BlockSpec((NC, 1024, FH), lambda i: (0, i, 0)),
        pl.BlockSpec((NC, 1024, FH), lambda i: (0, i, 0)),
        pl.BlockSpec((1024, 1), lambda i: (i, 0)),
        pl.BlockSpec((1, H), lambda i: (0, 0)),
        pl.BlockSpec((H, O), lambda i: (0, 0)),
    ],
    out_specs=pl.BlockSpec((NC, 1024, FO), lambda i: (0, i, 0)),
    out_shape=jax.ShapeDtypeStruct((NC, NPAD, FO), jnp.float32),
)


def _tc_combine2(q_r, h2s2_r, dinv_r, b2_r, out_r):
    seg_a = q_r[0] + h2s2_r[0]
    seg_b = q_r[1] + h2s2_r[1]
    seg = jnp.concatenate([seg_a, seg_b], axis=1)
    out_r[...] = jnp.maximum(dinv_r[...] * seg + b2_r[...], 0.0)


_stage3 = pl.pallas_call(
    _tc_combine2,
    grid=(_NBLK,),
    in_specs=[
        pl.BlockSpec((NC, 1024, FO), lambda i: (0, i, 0)),
        pl.BlockSpec((NC, 1024, FO), lambda i: (0, i, 0)),
        pl.BlockSpec((1024, 1), lambda i: (i, 0)),
        pl.BlockSpec((1, O), lambda i: (0, 0)),
    ],
    out_specs=pl.BlockSpec((1024, O), lambda i: (i, 0)),
    out_shape=jax.ShapeDtypeStruct((NPAD, O), jnp.float32),
)


def _tc_mlp(q_r, wm1_r, bm1_r, wm2_r, bm2_r, out_r):
    z = jnp.maximum(jnp.dot(q_r[...], wm1_r[...],
                            preferred_element_type=jnp.float32) + bm1_r[...], 0.0)
    out_r[...] = jnp.dot(z, wm2_r[...],
                         preferred_element_type=jnp.float32) + bm2_r[...]


_mlp = pl.pallas_call(
    _tc_mlp,
    out_shape=jax.ShapeDtypeStruct((Q, 1), jnp.float32),
)


@jax.jit
def kernel(x, edge_index, query_node_indices, W1, b1, W2, b2, Wm1, bm1, Wm2, bm2):
    npad_e = EPAD - E
    pad_dst = N + jnp.arange(npad_e, dtype=jnp.int32) % (NPAD - N)
    src2 = jnp.concatenate(
        [edge_index[0], jnp.zeros((npad_e,), jnp.int32)]).reshape(NCHUNKS, CHUNK)
    dst2 = jnp.concatenate(
        [edge_index[1], pad_dst]).reshape(NCHUNKS, CHUNK)
    x_pad = jnp.zeros((NPAD, D), jnp.float32).at[:N].set(x)

    srcs3 = jnp.stack([src2, src2 + NPAD])
    degp = _degree(dst2)
    hs2, dinv = _stage1(x_pad, W1, degp.reshape(NC, NPAD, 1))
    p1 = _segsum_h(hs2.reshape(NC * NPAD, FH), srcs3, dst2)
    h2s2 = _stage2(p1, hs2, dinv, b1.reshape(1, H), W2)
    p2 = _segsum_o(h2s2.reshape(NC * NPAD, FO), srcs3, dst2)
    out2 = _stage3(p2, h2s2, dinv, b2.reshape(1, O))
    qrows = _gather_queries(out2, query_node_indices)
    logits = _mlp(qrows, Wm1, bm1.reshape(1, MLP_H), Wm2, bm2.reshape(1, 1))
    return logits[:, 0]

# --- scband reference (transcript-rebuilt; emitter-appended) ---
"""Pipeline reference for scband-gnnclassifier-64527588655724 (READ-ONLY COPY).

The authoritative reference and input builder live on the scoring server;
editing this copy changes nothing except your own understanding.
"""

import jax, jax.numpy as jnp
import numpy as np

N = 10000
E = 320000
D = 128
H = 128
O = 32
Q = 1024
MLP_H = 64


def setup_inputs(seed: int = 0) -> dict:
    key = jax.random.key(seed)
    ks = jax.random.split(key, 12)
    x = jax.random.normal(ks[0], (N, D), dtype=jnp.float32)
    edge_index = jax.random.randint(ks[1], (2, E), 0, N, dtype=jnp.int32)
    query_node_indices = jax.random.randint(ks[2], (Q,), 0, N, dtype=jnp.int32)
    # GCNConv 1: in=D, out=H
    W1 = jax.random.normal(ks[3], (D, H), dtype=jnp.float32) / np.sqrt(D)
    b1 = jnp.zeros((H,), dtype=jnp.float32)
    # GCNConv 2: in=H, out=O
    W2 = jax.random.normal(ks[4], (H, O), dtype=jnp.float32) / np.sqrt(H)
    b2 = jnp.zeros((O,), dtype=jnp.float32)
    # MLP: Linear(O, 64) -> ReLU -> Linear(64, 1)
    Wm1 = jax.random.normal(ks[5], (O, MLP_H), dtype=jnp.float32) / np.sqrt(O)
    bm1 = jnp.zeros((MLP_H,), dtype=jnp.float32)
    Wm2 = jax.random.normal(ks[6], (MLP_H, 1), dtype=jnp.float32) / np.sqrt(MLP_H)
    bm2 = jnp.zeros((1,), dtype=jnp.float32)
    return {"x": x, "edge_index": edge_index, "query_node_indices": query_node_indices,
            "W1": W1, "b1": b1, "W2": W2, "b2": b2,
            "Wm1": Wm1, "bm1": bm1, "Wm2": Wm2, "bm2": bm2}


def _gcn_conv(x, edge_index, W, b):
    # PyG GCNConv: add self-loops, symmetric normalization D^-1/2 (A+I) D^-1/2 X W + b
    n = x.shape[0]
    loop = jnp.arange(n, dtype=edge_index.dtype)
    src = jnp.concatenate([edge_index[0], loop])
    dst = jnp.concatenate([edge_index[1], loop])
    deg = jnp.zeros((n,), dtype=x.dtype).at[dst].add(1.0)
    dinv = jax.lax.rsqrt(jnp.maximum(deg, 1e-12))
    norm = dinv[src] * dinv[dst]
    h = x @ W
    msg = jnp.take(h, src, axis=0) * norm[:, None]
    out = jnp.zeros((n, W.shape[1]), dtype=x.dtype).at[dst].add(msg)
    return out + b


def reference(x, edge_index, query_node_indices, W1, b1, W2, b2, Wm1, bm1, Wm2, bm2):
    # _process_full_graph_batch path (only_active=False)
    h = _gcn_conv(x, edge_index, W1, b1)
    h = jax.nn.relu(h)
    h = _gcn_conv(h, edge_index, W2, b2)
    h = jax.nn.relu(h)
    q = jnp.take(h, query_node_indices, axis=0)
    z = jax.nn.relu(q @ Wm1 + bm1)
    logits = z @ Wm2 + bm2
    return jnp.squeeze(logits, axis=-1)

if __name__ == "__main__":
    import jax
    _d = setup_inputs()
    print(jax.jit(kernel)(*tuple(_d.values())))

</pallas_src>

<mosaic_0001>
#map = affine_map<(d0, d1) -> (0, 0)>
#map1 = affine_map<(d0, d1) -> (0, 0, 0)>
module attributes {stable_mosaic.version = 14 : i64} {
  func.func @segsum(%arg0: i32, %arg1: i32, %arg2: memref<20480x64xf32, #tpu.memory_space<hbm>>, %arg3: memref<2x2560x128xi32, #tpu.memory_space<hbm>>, %arg4: memref<2560x128xi32, #tpu.memory_space<hbm>>, %arg5: memref<2x10240x64xf32, #tpu.memory_space<hbm>>, %arg6: memref<10x128xi32, #tpu.memory_space<vmem>>, %arg7: memref<10x128xi32, #tpu.memory_space<vmem>>, %arg8: memref<128x64xf32, #tpu.memory_space<vmem>>, %arg9: memref<128x64xf32, #tpu.memory_space<vmem>>, %arg10: memref<128x64xf32, #tpu.memory_space<vmem>>, %arg11: memref<128x64xf32, #tpu.memory_space<vmem>>, %arg12: memref<128x64xf32, #tpu.memory_space<vmem>>, %arg13: memref<128x64xf32, #tpu.memory_space<vmem>>, %arg14: memref<128x64xf32, #tpu.memory_space<vmem>>, %arg15: memref<128x64xf32, #tpu.memory_space<vmem>>, %arg16: memref<128x64xf32, #tpu.memory_space<vmem>>, %arg17: memref<128x64xf32, #tpu.memory_space<vmem>>, %arg18: memref<10240x64xf32, #tpu.memory_space<vmem_shared>>, %arg19: memref<!tpu.dma_semaphore, #tpu.memory_space<semaphore_mem>>) attributes {dimension_semantics = [#tpu.dimension_semantics<core_parallel>, #tpu.dimension_semantics<subcore_parallel>], iteration_bounds = array<i64: 2, 16>, scalar_prefetch = 0 : i64, scratch_operands = 14 : i64, tpu.core_type = #tpu.core_type<sc_vector_subcore>, window_params = [{transform_indices = #map}, {transform_indices = #map1}, {transform_indices = #map}, {transform_indices = #map1}]} {
    %broadcast_in_dim3A = arith.constant 0.000000e+00 : f32
    %broadcast_in_dim3A_0 = vector.broadcast %broadcast_in_dim3A : f32 to vector<16xf32>
    %scan3A = arith.constant 0 : i32
    %scan3A_1 = arith.constant 0 : i32
    %scan3A_2 = arith.constant 128 : i32
    %scan3A_3 = arith.addi %scan3A_1, %scan3A_2 : i32
    %scan3A_4 = arith.constant 1 : i32
    %scan3A_5 = scf.for %scan3A_37 = %scan3A_1 to %scan3A_3 step %scan3A_4 iter_args(%scan3A_38 = %scan3A) -> (i32)  : i32 {
      %swap3A = arith.index_cast %scan3A_37 : i32 to index
      %swap3A_39 = arith.constant 0 : index
      %swap3A_40 = tpu.vector_load %arg8[%swap3A, %swap3A_39] {strides = array<i32>} : memref<128x64xf32, #tpu.memory_space<vmem>>, vector<1x16xf32>,
      %swap3A_41 = vector.shape_cast %swap3A_40 : vector<1x16xf32> to vector<16xf32>
      %swap3A_42 = vector.shape_cast %broadcast_in_dim3A_0 : vector<16xf32> to vector<1x16xf32>
      tpu.vector_store %arg8[%swap3A, %swap3A_39], %swap3A_42 {strides = array<i32>} : memref<128x64xf32, #tpu.memory_space<vmem>>, vector<1x16xf32>,
      %swap3A_43 = arith.index_cast %scan3A_37 : i32 to index
      %swap3A_44 = arith.constant 16 : index
      %swap3A_45 = tpu.vector_load %arg8[%swap3A_43, %swap3A_44] {strides = array<i32>} : memref<128x64xf32, #tpu.memory_space<vmem>>, vector<1x16xf32>,
      %swap3A_46 = vector.shape_cast %swap3A_45 : vector<1x16xf32> to vector<16xf32>
      %swap3A_47 = vector.shape_cast %broadcast_in_dim3A_0 : vector<16xf32> to vector<1x16xf32>
      tpu.vector_store %arg8[%swap3A_43, %swap3A_44], %swap3A_47 {strides = array<i32>} : memref<128x64xf32, #tpu.memory_space<vmem>>, vector<1x16xf32>,
      %swap3A_48 = arith.index_cast %scan3A_37 : i32 to index
      %swap3A_49 = arith.constant 32 : index
      %swap3A_50 = tpu.vector_load %arg8[%swap3A_48, %swap3A_49] {strides = array<i32>} : memref<128x64xf32, #tpu.memory_space<vmem>>, vector<1x16xf32>,
      %swap3A_51 = vector.shape_cast %swap3A_50 : vector<1x16xf32> to vector<16xf32>
      %swap3A_52 = vector.shape_cast %broadcast_in_dim3A_0 : vector<16xf32> to vector<1x16xf32>
      tpu.vector_store %arg8[%swap3A_48, %swap3A_49], %swap3A_52 {strides = array<i32>} : memref<128x64xf32, #tpu.memory_space<vmem>>, vector<1x16xf32>,
      %swap3A_53 = arith.index_cast %scan3A_37 : i32 to index
      %swap3A_54 = arith.constant 48 : index
      %swap3A_55 = tpu.vector_load %arg8[%swap3A_53, %swap3A_54] {strides = array<i32>} : memref<128x64xf32, #tpu.memory_space<vmem>>, vector<1x16xf32>,
      %swap3A_56 = vector.shape_cast %swap3A_55 : vector<1x16xf32> to vector<16xf32>
      %swap3A_57 = vector.shape_cast %broadcast_in_dim3A_0 : vector<16xf32> to vector<1x16xf32>
      tpu.vector_store %arg8[%swap3A_53, %swap3A_54], %swap3A_57 {strides = array<i32>} : memref<128x64xf32, #tpu.memory_space<vmem>>, vector<1x16xf32>,
      %scan3A_58 = arith.constant 0 : i32
      scf.yield %scan3A_58 : i32
    }
    %scan3A_6 = arith.constant 128 : i32
    %mul3A = arith.constant 640 : i32
    %mul3A_7 = arith.muli %arg1, %mul3A : i32
    %add3A = arith.constant 0 : i32
    %add3A_8 = arith.addi %mul3A_7, %add3A : i32
    "tpu.region"() ({
      %run_scoped3A = tpu.sem_alloc : memref<!tpu.dma_semaphore, #tpu.memory_space<semaphore_mem>>
      %dma_start3A = arith.constant 0 : i32
      %dma_start3A_37 = tpu.memref_slice %arg18[%add3A_8, %dma_start3A] : memref<10240x64xf32, #tpu.memory_space<vmem_shared>> -> memref<128x64xf32, #tpu.memory_space<vmem_shared>>
      %dma_start3A_38 = arith.constant 0 : i32
      %dma_start3A_39 = tpu.memref_slice %arg18[%add3A_8, %dma_start3A_38] : memref<10240x64xf32, #tpu.memory_space<vmem_shared>> -> memref<128x64xf32, #tpu.memory_space<vmem_shared>>
      tpu.enqueue_dma source(%arg8 : memref<128x64xf32, #tpu.memory_space<vmem>>) target(%dma_start3A_39 : memref<128x64xf32, #tpu.memory_space<vmem_shared>>) target_semaphore(%run_scoped3A : memref<!tpu.dma_semaphore, #tpu.memory_space<semaphore_mem>>)
      %dma_wait3A = arith.constant 0 : i32
      %dma_wait3A_40 = tpu.memref_slice %arg18[%add3A_8, %dma_wait3A] : memref<10240x64xf32, #tpu.memory_space<vmem_shared>> -> memref<128x64xf32, #tpu.memory_space<vmem_shared>>
      %dma_wait3A_41 = arith.constant 0 : i32
      %dma_wait3A_42 = tpu.memref_slice %arg18[%add3A_8, %dma_wait3A_41] : memref<10240x64xf32, #tpu.memory_space<vmem_shared>> -> memref<128x64xf32, #tpu.memory_space<vmem_shared>>
      tpu.wait_dma2 semaphore(%run_scoped3A : memref<!tpu.dma_semaphore, #tpu.memory_space<semaphore_mem>>) src(%arg8 : memref<128x64xf32, #tpu.memory_space<vmem>>) dst(%dma_wait3A_42 : memref<128x64xf32, #tpu.memory_space<vmem_shared>>)
      tpu.yield
    }) : () -> ()
    %mul3A_9 = arith.constant 640 : i32
    %mul3A_10 = arith.muli %arg1, %mul3A_9 : i32
    %add3A_11 = arith.constant 128 : i32
    %add3A_12 = arith.addi %mul3A_10, %add3A_11 : i32
    "tpu.region"() ({
      %run_scoped3A = tpu.sem_alloc : memref<!tpu.dma_semaphore, #tpu.memory_space<semaphore_mem>>
      %dma_start3A = arith.constant 0 : i32
      %dma_start3A_37 = tpu.memref_slice %arg18[%add3A_12, %dma_start3A] : memref<10240x64xf32, #tpu.memory_space<vmem_shared>> -> memref<128x64xf32, #tpu.memory_space<vmem_shared>>
      %dma_start3A_38 = arith.constant 0 : i32
      %dma_start3A_39 = tpu.memref_slice %arg18[%add3A_12, %dma_start3A_38] : memref<10240x64xf32, #tpu.memory_space<vmem_shared>> -> memref<128x64xf32, #tpu.memory_space<vmem_shared>>
      tpu.enqueue_dma source(%arg8 : memref<128x64xf32, #tpu.memory_space<vmem>>) target(%dma_start3A_39 : memref<128x64xf32, #tpu.memory_space<vmem_shared>>) target_semaphore(%run_scoped3A : memref<!tpu.dma_semaphore, #tpu.memory_space<semaphore_mem>>)
      %dma_wait3A = arith.constant 0 : i32
      %dma_wait3A_40 = tpu.memref_slice %arg18[%add3A_12, %dma_wait3A] : memref<10240x64xf32, #tpu.memory_space<vmem_shared>> -> memref<128x64xf32, #tpu.memory_space<vmem_shared>>
      %dma_wait3A_41 = arith.constant 0 : i32
      %dma_wait3A_42 = tpu.memref_slice %arg18[%add3A_12, %dma_wait3A_41] : memref<10240x64xf32, #tpu.memory_space<vmem_shared>> -> memref<128x64xf32, #tpu.memory_space<vmem_shared>>
      tpu.wait_dma2 semaphore(%run_scoped3A : memref<!tpu.dma_semaphore, #tpu.memory_space<semaphore_mem>>) src(%arg8 : memref<128x64xf32, #tpu.memory_space<vmem>>) dst(%dma_wait3A_42 : memref<128x64xf32, #tpu.memory_space<vmem_shared>>)
      tpu.yield
    }) : () -> ()
    %mul3A_13 = arith.constant 640 : i32
    %mul3A_14 = arith.muli %arg1, %mul3A_13 : i32
    %add3A_15 = arith.constant 256 : i32
    %add3A_16 = arith.addi %mul3A_14, %add3A_15 : i32
    "tpu.region"() ({
      %run_scoped3A = tpu.sem_alloc : memref<!tpu.dma_semaphore, #tpu.memory_space<semaphore_mem>>
      %dma_start3A = arith.constant 0 : i32
      %dma_start3A_37 = tpu.memref_slice %arg18[%add3A_16, %dma_start3A] : memref<10240x64xf32, #tpu.memory_space<vmem_shared>> -> memref<128x64xf32, #tpu.memory_space<vmem_shared>>
      %dma_start3A_38 = arith.constant 0 : i32
      %dma_start3A_39 = tpu.memref_slice %arg18[%add3A_16, %dma_start3A_38] : memref<10240x64xf32, #tpu.memory_space<vmem_shared>> -> memref<128x64xf32, #tpu.memory_space<vmem_shared>>
      tpu.enqueue_dma source(%arg8 : memref<128x64xf32, #tpu.memory_space<vmem>>) target(%dma_start3A_39 : memref<128x64xf32, #tpu.memory_space<vmem_shared>>) target_semaphore(%run_scoped3A : memref<!tpu.dma_semaphore, #tpu.memory_space<semaphore_mem>>)
      %dma_wait3A = arith.constant 0 : i32
      %dma_wait3A_40 = tpu.memref_slice %arg18[%add3A_16, %dma_wait3A] : memref<10240x64xf32, #tpu.memory_space<vmem_shared>> -> memref<128x64xf32, #tpu.memory_space<vmem_shared>>
      %dma_wait3A_41 = arith.constant 0 : i32
      %dma_wait3A_42 = tpu.memref_slice %arg18[%add3A_16, %dma_wait3A_41] : memref<10240x64xf32, #tpu.memory_space<vmem_shared>> -> memref<128x64xf32, #tpu.memory_space<vmem_shared>>
      tpu.wait_dma2 semaphore(%run_scoped3A : memref<!tpu.dma_semaphore, #tpu.memory_space<semaphore_mem>>) src(%arg8 : memref<128x64xf32, #tpu.memory_space<vmem>>) dst(%dma_wait3A_42 : memref<128x64xf32, #tpu.memory_space<vmem_shared>>)
      tpu.yield
    }) : () -> ()
    %mul3A_17 = arith.constant 640 : i32
    %mul3A_18 = arith.muli %arg1, %mul3A_17 : i32
    %add3A_19 = arith.constant 384 : i32
    %add3A_20 = arith.addi %mul3A_18, %add3A_19 : i32
    "tpu.region"() ({
      %run_scoped3A = tpu.sem_alloc : memref<!tpu.dma_semaphore, #tpu.memory_space<semaphore_mem>>
      %dma_start3A = arith.constant 0 : i32
      %dma_start3A_37 = tpu.memref_slice %arg18[%add3A_20, %dma_start3A] : memref<10240x64xf32, #tpu.memory_space<vmem_shared>> -> memref<128x64xf32, #tpu.memory_space<vmem_shared>>
      %dma_start3A_38 = arith.constant 0 : i32
      %dma_start3A_39 = tpu.memref_slice %arg18[%add3A_20, %dma_start3A_38] : memref<10240x64xf32, #tpu.memory_space<vmem_shared>> -> memref<128x64xf32, #tpu.memory_space<vmem_shared>>
      tpu.enqueue_dma source(%arg8 : memref<128x64xf32, #tpu.memory_space<vmem>>) target(%dma_start3A_39 : memref<128x64xf32, #tpu.memory_space<vmem_shared>>) target_semaphore(%run_scoped3A : memref<!tpu.dma_semaphore, #tpu.memory_space<semaphore_mem>>)
      %dma_wait3A = arith.constant 0 : i32
      %dma_wait3A_40 = tpu.memref_slice %arg18[%add3A_20, %dma_wait3A] : memref<10240x64xf32, #tpu.memory_space<vmem_shared>> -> memref<128x64xf32, #tpu.memory_space<vmem_shared>>
      %dma_wait3A_41 = arith.constant 0 : i32
      %dma_wait3A_42 = tpu.memref_slice %arg18[%add3A_20, %dma_wait3A_41] : memref<10240x64xf32, #tpu.memory_space<vmem_shared>> -> memref<128x64xf32, #tpu.memory_space<vmem_shared>>
      tpu.wait_dma2 semaphore(%run_scoped3A : memref<!tpu.dma_semaphore, #tpu.memory_space<semaphore_mem>>) src(%arg8 : memref<128x64xf32, #tpu.memory_space<vmem>>) dst(%dma_wait3A_42 : memref<128x64xf32, #tpu.memory_space<vmem_shared>>)
      tpu.yield
    }) : () -> ()
    %mul3A_21 = arith.constant 640 : i32
    %mul3A_22 = arith.muli %arg1, %mul3A_21 : i32
    %add3A_23 = arith.constant 512 : i32
    %add3A_24 = arith.addi %mul3A_22, %add3A_23 : i32
    "tpu.region"() ({
      %run_scoped3A = tpu.sem_alloc : memref<!tpu.dma_semaphore, #tpu.memory_space<semaphore_mem>>
      %dma_start3A = arith.constant 0 : i32
      %dma_start3A_37 = tpu.memref_slice %arg18[%add3A_24, %dma_start3A] : memref<10240x64xf32, #tpu.memory_space<vmem_shared>> -> memref<128x64xf32, #tpu.memory_space<vmem_shared>>
      %dma_start3A_38 = arith.constant 0 : i32
      %dma_start3A_39 = tpu.memref_slice %arg18[%add3A_24, %dma_start3A_38] : memref<10240x64xf32, #tpu.memory_space<vmem_shared>> -> memref<128x64xf32, #tpu.memory_space<vmem_shared>>
      tpu.enqueue_dma source(%arg8 : memref<128x64xf32, #tpu.memory_space<vmem>>) target(%dma_start3A_39 : memref<128x64xf32, #tpu.memory_space<vmem_shared>>) target_semaphore(%run_scoped3A : memref<!tpu.dma_semaphore, #tpu.memory_space<semaphore_mem>>)
      %dma_wait3A = arith.constant 0 : i32
      %dma_wait3A_40 = tpu.memref_slice %arg18[%add3A_24, %dma_wait3A] : memref<10240x64xf32, #tpu.memory_space<vmem_shared>> -> memref<128x64xf32, #tpu.memory_space<vmem_shared>>
      %dma_wait3A_41 = arith.constant 0 : i32
      %dma_wait3A_42 = tpu.memref_slice %arg18[%add3A_24, %dma_wait3A_41] : memref<10240x64xf32, #tpu.memory_space<vmem_shared>> -> memref<128x64xf32, #tpu.memory_space<vmem_shared>>
      tpu.wait_dma2 semaphore(%run_scoped3A : memref<!tpu.dma_semaphore, #tpu.memory_space<semaphore_mem>>) src(%arg8 : memref<128x64xf32, #tpu.memory_space<vmem>>) dst(%dma_wait3A_42 : memref<128x64xf32, #tpu.memory_space<vmem_shared>>)
      tpu.yield
    }) : () -> ()
    %barrier3A = arith.constant 0 : index
    tpu.barrier barrier_id(%barrier3A)
    %scan3A_25 = arith.constant 0 : i32
    %scan3A_26 = arith.constant 0 : i32
    %scan3A_27 = arith.constant 16 : i32
    %scan3A_28 = arith.addi %scan3A_26, %scan3A_27 : i32
    %scan3A_29 = arith.constant 1 : i32
    %scan3A_30 = scf.for %scan3A_37 = %scan3A_26 to %scan3A_28 step %scan3A_29 iter_args(%scan3A_38 = %scan3A_25) -> (i32)  : i32 {
      %mul3A_39 = arith.constant 16 : i32
      %mul3A_40 = arith.muli %scan3A_37, %mul3A_39 : i32
      %add3A_41 = arith.addi %mul3A_40, %arg1 : i32
      %mul3A_42 = arith.constant 10 : i32
      %mul3A_43 = arith.muli %add3A_41, %mul3A_42 : i32
      "tpu.region"() ({
        %run_scoped3A_192 = tpu.sem_alloc : memref<!tpu.dma_semaphore, #tpu.memory_space<semaphore_mem>>
        %dma_start3A_193 = arith.constant 0 : i32
        %dma_start3A_194 = tpu.memref_slice %arg3[%arg0, %mul3A_43, %dma_start3A_193] : memref<2x2560x128xi32, #tpu.memory_space<hbm>> -> memref<1x10x128xi32, #tpu.memory_space<hbm>>
        %dma_start3A_195 = tpu.memref_squeeze %dma_start3A_194 : memref<1x10x128xi32, #tpu.memory_space<hbm>> -> memref<10x128xi32, #tpu.memory_space<hbm>>
        %dma_start3A_196 = arith.constant 0 : i32
        %dma_start3A_197 = tpu.memref_slice %arg3[%arg0, %mul3A_43, %dma_start3A_196] : memref<2x2560x128xi32, #tpu.memory_space<hbm>> -> memref<1x10x128xi32, #tpu.memory_space<hbm>>
        %dma_start3A_198 = tpu.memref_squeeze %dma_start3A_197 : memref<1x10x128xi32, #tpu.memory_space<hbm>> -> memref<10x128xi32, #tpu.memory_space<hbm>>
        tpu.enqueue_dma source(%dma_start3A_198 : memref<10x128xi32, #tpu.memory_space<hbm>>) target(%arg6 : memref<10x128xi32, #tpu.memory_space<vmem>>) target_semaphore(%run_scoped3A_192 : memref<!tpu.dma_semaphore, #tpu.memory_space<semaphore_mem>>)
        %dma_wait3A_199 = arith.constant 0 : i32
        %dma_wait3A_200 = tpu.memref_slice %arg3[%arg0, %mul3A_43, %dma_wait3A_199] : memref<2x2560x128xi32, #tpu.memory_space<hbm>> -> memref<1x10x128xi32, #tpu.memory_space<hbm>>
        %dma_wait3A_201 = tpu.memref_squeeze %dma_wait3A_200 : memref<1x10x128xi32, #tpu.memory_space<hbm>> -> memref<10x128xi32, #tpu.memory_space<hbm>>
        %dma_wait3A_202 = arith.constant 0 : i32
        %dma_wait3A_203 = tpu.memref_slice %arg3[%arg0, %mul3A_43, %dma_wait3A_202] : memref<2x2560x128xi32, #tpu.memory_space<hbm>> -> memref<1x10x128xi32, #tpu.memory_space<hbm>>
        %dma_wait3A_204 = tpu.memref_squeeze %dma_wait3A_203 : memref<1x10x128xi32, #tpu.memory_space<hbm>> -> memref<10x128xi32, #tpu.memory_space<hbm>>
        tpu.wait_dma2 semaphore(%run_scoped3A_192 : memref<!tpu.dma_semaphore, #tpu.memory_space<semaphore_mem>>) src(%dma_wait3A_204 : memref<10x128xi32, #tpu.memory_space<hbm>>) dst(%arg6 : memref<10x128xi32, #tpu.memory_space<vmem>>)
        tpu.yield
      }) : () -> ()
      "tpu.region"() ({
        %run_scoped3A_192 = tpu.sem_alloc : memref<!tpu.dma_semaphore, #tpu.memory_space<semaphore_mem>>
        %dma_start3A_193 = arith.constant 0 : i32
        %dma_start3A_194 = tpu.memref_slice %arg4[%mul3A_43, %dma_start3A_193] : memref<2560x128xi32, #tpu.memory_space<hbm>> -> memref<10x128xi32, #tpu.memory_space<hbm>>
        %dma_start3A_195 = arith.constant 0 : i32
        %dma_start3A_196 = tpu.memref_slice %arg4[%mul3A_43, %dma_start3A_195] : memref<2560x128xi32, #tpu.memory_space<hbm>> -> memref<10x128xi32, #tpu.memory_space<hbm>>
        tpu.enqueue_dma source(%dma_start3A_196 : memref<10x128xi32, #tpu.memory_space<hbm>>) target(%arg7 : memref<10x128xi32, #tpu.memory_space<vmem>>) target_semaphore(%run_scoped3A_192 : memref<!tpu.dma_semaphore, #tpu.memory_space<semaphore_mem>>)
        %dma_wait3A_197 = arith.constant 0 : i32
        %dma_wait3A_198 = tpu.memref_slice %arg4[%mul3A_43, %dma_wait3A_197] : memref<2560x128xi32, #tpu.memory_space<hbm>> -> memref<10x128xi32, #tpu.memory_space<hbm>>
        %dma_wait3A_199 = arith.constant 0 : i32
        %dma_wait3A_200 = tpu.memref_slice %arg4[%mul3A_43, %dma_wait3A_199] : memref<2560x128xi32, #tpu.memory_space<hbm>> -> memref<10x128xi32, #tpu.memory_space<hbm>>
        tpu.wait_dma2 semaphore(%run_scoped3A_192 : memref<!tpu.dma_semaphore, #tpu.memory_space<semaphore_mem>>) src(%dma_wait3A_200 : memref<10x128xi32, #tpu.memory_space<hbm>>) dst(%arg7 : memref<10x128xi32, #tpu.memory_space<vmem>>)
        tpu.yield
      }) : () -> ()
      %dma_start3A = arith.constant 0 : i32
      %dma_start3A_44 = arith.constant 0 : i32
      %dma_start3A_45 = tpu.memref_slice %arg6[%dma_start3A, %dma_start3A_44] : memref<10x128xi32, #tpu.memory_space<vmem>> -> memref<1x128xi32, #tpu.memory_space<vmem>>
      %dma_start3A_46 = tpu.memref_squeeze %dma_start3A_45 : memref<1x128xi32, #tpu.memory_space<vmem>> -> memref<128xi32, #tpu.memory_space<vmem>>
      %dma_start3A_47 = arith.constant 0 : i32
      %dma_start3A_48 = arith.constant 0 : i32
      %dma_start3A_49 = tpu.memref_slice %arg2[%dma_start3A_47, %dma_start3A_48] : memref<20480x64xf32, #tpu.memory_space<hbm>> -> memref<20480x64xf32, #tpu.memory_space<hbm>>
      tpu.enqueue_indirect_dma source(%dma_start3A_49 : memref<20480x64xf32, #tpu.memory_space<hbm>>) target(%arg8 : memref<128x64xf32, #tpu.memory_space<vmem>>) offsets(%dma_start3A_46 : memref<128xi32, #tpu.memory_space<vmem>>) semaphore(%arg19 : memref<!tpu.dma_semaphore, #tpu.memory_space<semaphore_mem>>)
      %dma_start3A_50 = arith.constant 1 : i32
      %dma_start3A_51 = arith.constant 0 : i32
      %dma_start3A_52 = tpu.memref_slice %arg6[%dma_start3A_50, %dma_start3A_51] : memref<10x128xi32, #tpu.memory_space<vmem>> -> memref<1x128xi32, #tpu.memory_space<vmem>>
      %dma_start3A_53 = tpu.memref_squeeze %dma_start3A_52 : memref<1x128xi32, #tpu.memory_space<vmem>> -> memref<128xi32, #tpu.memory_space<vmem>>
      %dma_start3A_54 = arith.constant 0 : i32
      %dma_start3A_55 = arith.constant 0 : i32
      %dma_start3A_56 = tpu.memref_slice %arg2[%dma_start3A_54, %dma_start3A_55] : memref<20480x64xf32, #tpu.memory_space<hbm>> -> memref<20480x64xf32, #tpu.memory_space<hbm>>
      tpu.enqueue_indirect_dma source(%dma_start3A_56 : memref<20480x64xf32, #tpu.memory_space<hbm>>) target(%arg9 : memref<128x64xf32, #tpu.memory_space<vmem>>) offsets(%dma_start3A_53 : memref<128xi32, #tpu.memory_space<vmem>>) semaphore(%arg19 : memref<!tpu.dma_semaphore, #tpu.memory_space<semaphore_mem>>)
      %dma_start3A_57 = arith.constant 2 : i32
      %dma_start3A_58 = arith.constant 0 : i32
      %dma_start3A_59 = tpu.memref_slice %arg6[%dma_start3A_57, %dma_start3A_58] : memref<10x128xi32, #tpu.memory_space<vmem>> -> memref<1x128xi32, #tpu.memory_space<vmem>>
      %dma_start3A_60 = tpu.memref_squeeze %dma_start3A_59 : memref<1x128xi32, #tpu.memory_space<vmem>> -> memref<128xi32, #tpu.memory_space<vmem>>
      %dma_start3A_61 = arith.constant 0 : i32
      %dma_start3A_62 = arith.constant 0 : i32
      %dma_start3A_63 = tpu.memref_slice %arg2[%dma_start3A_61, %dma_start3A_62] : memref<20480x64xf32, #tpu.memory_space<hbm>> -> memref<20480x64xf32, #tpu.memory_space<hbm>>
      tpu.enqueue_indirect_dma source(%dma_start3A_63 : memref<20480x64xf32, #tpu.memory_space<hbm>>) target(%arg10 : memref<128x64xf32, #tpu.memory_space<vmem>>) offsets(%dma_start3A_60 : memref<128xi32, #tpu.memory_space<vmem>>) semaphore(%arg19 : memref<!tpu.dma_semaphore, #tpu.memory_space<semaphore_mem>>)
      %dma_start3A_64 = arith.constant 3 : i32
      %dma_start3A_65 = arith.constant 0 : i32
      %dma_start3A_66 = tpu.memref_slice %arg6[%dma_start3A_64, %dma_start3A_65] : memref<10x128xi32, #tpu.memory_space<vmem>> -> memref<1x128xi32, #tpu.memory_space<vmem>>
      %dma_start3A_67 = tpu.memref_squeeze %dma_start3A_66 : memref<1x128xi32, #tpu.memory_space<vmem>> -> memref<128xi32, #tpu.memory_space<vmem>>
      %dma_start3A_68 = arith.constant 0 : i32
      %dma_start3A_69 = arith.constant 0 : i32
      %dma_start3A_70 = tpu.memref_slice %arg2[%dma_start3A_68, %dma_start3A_69] : memref<20480x64xf32, #tpu.memory_space<hbm>> -> memref<20480x64xf32, #tpu.memory_space<hbm>>
      tpu.enqueue_indirect_dma source(%dma_start3A_70 : memref<20480x64xf32, #tpu.memory_space<hbm>>) target(%arg11 : memref<128x64xf32, #tpu.memory_space<vmem>>) offsets(%dma_start3A_67 : memref<128xi32, #tpu.memory_space<vmem>>) semaphore(%arg19 : memref<!tpu.dma_semaphore, #tpu.memory_space<semaphore_mem>>)
      %dma_start3A_71 = arith.constant 4 : i32
      %dma_start3A_72 = arith.constant 0 : i32
      %dma_start3A_73 = tpu.memref_slice %arg6[%dma_start3A_71, %dma_start3A_72] : memref<10x128xi32, #tpu.memory_space<vmem>> -> memref<1x128xi32, #tpu.memory_space<vmem>>
      %dma_start3A_74 = tpu.memref_squeeze %dma_start3A_73 : memref<1x128xi32, #tpu.memory_space<vmem>> -> memref<128xi32, #tpu.memory_space<vmem>>
      %dma_start3A_75 = arith.constant 0 : i32
      %dma_start3A_76 = arith.constant 0 : i32
      %dma_start3A_77 = tpu.memref_slice %arg2[%dma_start3A_75, %dma_start3A_76] : memref<20480x64xf32, #tpu.memory_space<hbm>> -> memref<20480x64xf32, #tpu.memory_space<hbm>>
      tpu.enqueue_indirect_dma source(%dma_start3A_77 : memref<20480x64xf32, #tpu.memory_space<hbm>>) target(%arg12 : memref<128x64xf32, #tpu.memory_space<vmem>>) offsets(%dma_start3A_74 : memref<128xi32, #tpu.memory_space<vmem>>) semaphore(%arg19 : memref<!tpu.dma_semaphore, #tpu.memory_space<semaphore_mem>>)
      %dma_start3A_78 = arith.constant 5 : i32
      %dma_start3A_79 = arith.constant 0 : i32
      %dma_start3A_80 = tpu.memref_slice %arg6[%dma_start3A_78, %dma_start3A_79] : memref<10x128xi32, #tpu.memory_space<vmem>> -> memref<1x128xi32, #tpu.memory_space<vmem>>
      %dma_start3A_81 = tpu.memref_squeeze %dma_start3A_80 : memref<1x128xi32, #tpu.memory_space<vmem>> -> memref<128xi32, #tpu.memory_space<vmem>>
      %dma_start3A_82 = arith.constant 0 : i32
      %dma_start3A_83 = arith.constant 0 : i32
      %dma_start3A_84 = tpu.memref_slice %arg2[%dma_start3A_82, %dma_start3A_83] : memref<20480x64xf32, #tpu.memory_space<hbm>> -> memref<20480x64xf32, #tpu.memory_space<hbm>>
      tpu.enqueue_indirect_dma source(%dma_start3A_84 : memref<20480x64xf32, #tpu.memory_space<hbm>>) target(%arg13 : memref<128x64xf32, #tpu.memory_space<vmem>>) offsets(%dma_start3A_81 : memref<128xi32, #tpu.memory_space<vmem>>) semaphore(%arg19 : memref<!tpu.dma_semaphore, #tpu.memory_space<semaphore_mem>>)
      %dma_start3A_85 = arith.constant 6 : i32
      %dma_start3A_86 = arith.constant 0 : i32
      %dma_start3A_87 = tpu.memref_slice %arg6[%dma_start3A_85, %dma_start3A_86] : memref<10x128xi32, #tpu.memory_space<vmem>> -> memref<1x128xi32, #tpu.memory_space<vmem>>
      %dma_start3A_88 = tpu.memref_squeeze %dma_start3A_87 : memref<1x128xi32, #tpu.memory_space<vmem>> -> memref<128xi32, #tpu.memory_space<vmem>>
      %dma_start3A_89 = arith.constant 0 : i32
      %dma_start3A_90 = arith.constant 0 : i32
      %dma_start3A_91 = tpu.memref_slice %arg2[%dma_start3A_89, %dma_start3A_90] : memref<20480x64xf32, #tpu.memory_space<hbm>> -> memref<20480x64xf32, #tpu.memory_space<hbm>>
      tpu.enqueue_indirect_dma source(%dma_start3A_91 : memref<20480x64xf32, #tpu.memory_space<hbm>>) target(%arg14 : memref<128x64xf32, #tpu.memory_space<vmem>>) offsets(%dma_start3A_88 : memref<128xi32, #tpu.memory_space<vmem>>) semaphore(%arg19 : memref<!tpu.dma_semaphore, #tpu.memory_space<semaphore_mem>>)
      %dma_start3A_92 = arith.constant 7 : i32
      %dma_start3A_93 = arith.constant 0 : i32
      %dma_start3A_94 = tpu.memref_slice %arg6[%dma_start3A_92, %dma_start3A_93] : memref<10x128xi32, #tpu.memory_space<vmem>> -> memref<1x128xi32, #tpu.memory_space<vmem>>
      %dma_start3A_95 = tpu.memref_squeeze %dma_start3A_94 : memref<1x128xi32, #tpu.memory_space<vmem>> -> memref<128xi32, #tpu.memory_space<vmem>>
      %dma_start3A_96 = arith.constant 0 : i32
      %dma_start3A_97 = arith.constant 0 : i32
      %dma_start3A_98 = tpu.memref_slice %arg2[%dma_start3A_96, %dma_start3A_97] : memref<20480x64xf32, #tpu.memory_space<hbm>> -> memref<20480x64xf32, #tpu.memory_space<hbm>>
      tpu.enqueue_indirect_dma source(%dma_start3A_98 : memref<20480x64xf32, #tpu.memory_space<hbm>>) target(%arg15 : memref<128x64xf32, #tpu.memory_space<vmem>>) offsets(%dma_start3A_95 : memref<128xi32, #tpu.memory_space<vmem>>) semaphore(%arg19 : memref<!tpu.dma_semaphore, #tpu.memory_space<semaphore_mem>>)
      %dma_start3A_99 = arith.constant 8 : i32
      %dma_start3A_100 = arith.constant 0 : i32
      %dma_start3A_101 = tpu.memref_slice %arg6[%dma_start3A_99, %dma_start3A_100] : memref<10x128xi32, #tpu.memory_space<vmem>> -> memref<1x128xi32, #tpu.memory_space<vmem>>
      %dma_start3A_102 = tpu.memref_squeeze %dma_start3A_101 : memref<1x128xi32, #tpu.memory_space<vmem>> -> memref<128xi32, #tpu.memory_space<vmem>>
      %dma_start3A_103 = arith.constant 0 : i32
      %dma_start3A_104 = arith.constant 0 : i32
      %dma_start3A_105 = tpu.memref_slice %arg2[%dma_start3A_103, %dma_start3A_104] : memref<20480x64xf32, #tpu.memory_space<hbm>> -> memref<20480x64xf32, #tpu.memory_space<hbm>>
      tpu.enqueue_indirect_dma source(%dma_start3A_105 : memref<20480x64xf32, #tpu.memory_space<hbm>>) target(%arg16 : memref<128x64xf32, #tpu.memory_space<vmem>>) offsets(%dma_start3A_102 : memref<128xi32, #tpu.memory_space<vmem>>) semaphore(%arg19 : memref<!tpu.dma_semaphore, #tpu.memory_space<semaphore_mem>>)
      %dma_start3A_106 = arith.constant 9 : i32
      %dma_start3A_107 = arith.constant 0 : i32
      %dma_start3A_108 = tpu.memref_slice %arg6[%dma_start3A_106, %dma_start3A_107] : memref<10x128xi32, #tpu.memory_space<vmem>> -> memref<1x128xi32, #tpu.memory_space<vmem>>
      %dma_start3A_109 = tpu.memref_squeeze %dma_start3A_108 : memref<1x128xi32, #tpu.memory_space<vmem>> -> memref<128xi32, #tpu.memory_space<vmem>>
      %dma_start3A_110 = arith.constant 0 : i32
      %dma_start3A_111 = arith.constant 0 : i32
      %dma_start3A_112 = tpu.memref_slice %arg2[%dma_start3A_110, %dma_start3A_111] : memref<20480x64xf32, #tpu.memory_space<hbm>> -> memref<20480x64xf32, #tpu.memory_space<hbm>>
      tpu.enqueue_indirect_dma source(%dma_start3A_112 : memref<20480x64xf32, #tpu.memory_space<hbm>>) target(%arg17 : memref<128x64xf32, #tpu.memory_space<vmem>>) offsets(%dma_start3A_109 : memref<128xi32, #tpu.memory_space<vmem>>) semaphore(%arg19 : memref<!tpu.dma_semaphore, #tpu.memory_space<semaphore_mem>>)
      %dma_wait3A = arith.constant 0 : i32
      %dma_wait3A_113 = arith.constant 0 : i32
      %dma_wait3A_114 = tpu.memref_slice %arg6[%dma_wait3A, %dma_wait3A_113] : memref<10x128xi32, #tpu.memory_space<vmem>> -> memref<1x128xi32, #tpu.memory_space<vmem>>
      %dma_wait3A_115 = tpu.memref_squeeze %dma_wait3A_114 : memref<1x128xi32, #tpu.memory_space<vmem>> -> memref<128xi32, #tpu.memory_space<vmem>>
      %dma_wait3A_116 = arith.constant 0 : i32
      %dma_wait3A_117 = arith.constant 0 : i32
      %dma_wait3A_118 = tpu.memref_slice %arg2[%dma_wait3A_116, %dma_wait3A_117] : memref<20480x64xf32, #tpu.memory_space<hbm>> -> memref<20480x64xf32, #tpu.memory_space<hbm>>
      tpu.wait_indirect_dma semaphore(%arg19 : memref<!tpu.dma_semaphore, #tpu.memory_space<semaphore_mem>>) src(%dma_wait3A_118 : memref<20480x64xf32, #tpu.memory_space<hbm>>) dst(%arg8 : memref<128x64xf32, #tpu.memory_space<vmem>>)
      %run_scoped3A = arith.constant 0 : i32
      "tpu.region"() ({
        %run_scoped3A_192 = tpu.sem_alloc : memref<!tpu.dma_semaphore, #tpu.memory_space<semaphore_mem>>
        %dma_start3A_193 = arith.constant 0 : i32
        %dma_start3A_194 = tpu.memref_slice %arg7[%run_scoped3A, %dma_start3A_193] : memref<10x128xi32, #tpu.memory_space<vmem>> -> memref<1x128xi32, #tpu.memory_space<vmem>>
        %dma_start3A_195 = tpu.memref_squeeze %dma_start3A_194 : memref<1x128xi32, #tpu.memory_space<vmem>> -> memref<128xi32, #tpu.memory_space<vmem>>
        %dma_start3A_196 = arith.constant 0 : i32
        %dma_start3A_197 = arith.constant 0 : i32
        %dma_start3A_198 = tpu.memref_slice %arg18[%dma_start3A_196, %dma_start3A_197] : memref<10240x64xf32, #tpu.memory_space<vmem_shared>> -> memref<10240x64xf32, #tpu.memory_space<vmem_shared>>
        tpu.enqueue_indirect_dma source(%arg8 : memref<128x64xf32, #tpu.memory_space<vmem>>) target(%dma_start3A_198 : memref<10240x64xf32, #tpu.memory_space<vmem_shared>>) offsets(%dma_start3A_195 : memref<128xi32, #tpu.memory_space<vmem>>) semaphore(%run_scoped3A_192 : memref<!tpu.dma_semaphore, #tpu.memory_space<semaphore_mem>>) {add = true}
        %dma_wait3A_199 = arith.constant 0 : i32
        %dma_wait3A_200 = tpu.memref_slice %arg7[%run_scoped3A, %dma_wait3A_199] : memref<10x128xi32, #tpu.memory_space<vmem>> -> memref<1x128xi32, #tpu.memory_space<vmem>>
        %dma_wait3A_201 = tpu.memref_squeeze %dma_wait3A_200 : memref<1x128xi32, #tpu.memory_space<vmem>> -> memref<128xi32, #tpu.memory_space<vmem>>
        %dma_wait3A_202 = arith.constant 0 : i32
        %dma_wait3A_203 = arith.constant 0 : i32
        %dma_wait3A_204 = tpu.memref_slice %arg18[%dma_wait3A_202, %dma_wait3A_203] : memref<10240x64xf32, #tpu.memory_space<vmem_shared>> -> memref<10240x64xf32, #tpu.memory_space<vmem_shared>>
        tpu.wait_indirect_dma semaphore(%run_scoped3A_192 : memref<!tpu.dma_semaphore, #tpu.memory_space<semaphore_mem>>) src(%arg8 : memref<128x64xf32, #tpu.memory_space<vmem>>) dst(%dma_wait3A_204 : memref<10240x64xf32, #tpu.memory_space<vmem_shared>>)
        tpu.yield
      }) : () -> ()
      %dma_wait3A_119 = arith.constant 1 : i32
      %dma_wait3A_120 = arith.constant 0 : i32
      %dma_wait3A_121 = tpu.memref_slice %arg6[%dma_wait3A_119, %dma_wait3A_120] : memref<10x128xi32, #tpu.memory_space<vmem>> -> memref<1x128xi32, #tpu.memory_space<vmem>>
      %dma_wait3A_122 = tpu.memref_squeeze %dma_wait3A_121 : memref<1x128xi32, #tpu.memory_space<vmem>> -> memref<128xi32, #tpu.memory_space<vmem>>
      %dma_wait3A_123 = arith.constant 0 : i32
      %dma_wait3A_124 = arith.constant 0 : i32
      %dma_wait3A_125 = tpu.memref_slice %arg2[%dma_wait3A_123, %dma_wait3A_124] : memref<20480x64xf32, #tpu.memory_space<hbm>> -> memref<20480x64xf32, #tpu.memory_space<hbm>>
      tpu.wait_indirect_dma semaphore(%arg19 : memref<!tpu.dma_semaphore, #tpu.memory_space<semaphore_mem>>) src(%dma_wait3A_125 : memref<20480x64xf32, #tpu.memory_space<hbm>>) dst(%arg9 : memref<128x64xf32, #tpu.memory_space<vmem>>)
      %run_scoped3A_126 = arith.constant 1 : i32
      "tpu.region"() ({
        %run_scoped3A_192 = tpu.sem_alloc : memref<!tpu.dma_semaphore, #tpu.memory_space<semaphore_mem>>
        %dma_start3A_193 = arith.constant 0 : i32
        %dma_start3A_194 = tpu.memref_slice %arg7[%run_scoped3A_126, %dma_start3A_193] : memref<10x128xi32, #tpu.memory_space<vmem>> -> memref<1x128xi32, #tpu.memory_space<vmem>>
        %dma_start3A_195 = tpu.memref_squeeze %dma_start3A_194 : memref<1x128xi32, #tpu.memory_space<vmem>> -> memref<128xi32, #tpu.memory_space<vmem>>
        %dma_start3A_196 = arith.constant 0 : i32
        %dma_start3A_197 = arith.constant 0 : i32
        %dma_start3A_198 = tpu.memref_slice %arg18[%dma_start3A_196, %dma_start3A_197] : memref<10240x64xf32, #tpu.memory_space<vmem_shared>> -> memref<10240x64xf32, #tpu.memory_space<vmem_shared>>
        tpu.enqueue_indirect_dma source(%arg9 : memref<128x64xf32, #tpu.memory_space<vmem>>) target(%dma_start3A_198 : memref<10240x64xf32, #tpu.memory_space<vmem_shared>>) offsets(%dma_start3A_195 : memref<128xi32, #tpu.memory_space<vmem>>) semaphore(%run_scoped3A_192 : memref<!tpu.dma_semaphore, #tpu.memory_space<semaphore_mem>>) {add = true}
        %dma_wait3A_199 = arith.constant 0 : i32
        %dma_wait3A_200 = tpu.memref_slice %arg7[%run_scoped3A_126, %dma_wait3A_199] : memref<10x128xi32, #tpu.memory_space<vmem>> -> memref<1x128xi32, #tpu.memory_space<vmem>>
        %dma_wait3A_201 = tpu.memref_squeeze %dma_wait3A_200 : memref<1x128xi32, #tpu.memory_space<vmem>> -> memref<128xi32, #tpu.memory_space<vmem>>
        %dma_wait3A_202 = arith.constant 0 : i32
        %dma_wait3A_203 = arith.constant 0 : i32
        %dma_wait3A_204 = tpu.memref_slice %arg18[%dma_wait3A_202, %dma_wait3A_203] : memref<10240x64xf32, #tpu.memory_space<vmem_shared>> -> memref<10240x64xf32, #tpu.memory_space<vmem_shared>>
        tpu.wait_indirect_dma semaphore(%run_scoped3A_192 : memref<!tpu.dma_semaphore, #tpu.memory_space<semaphore_mem>>) src(%arg9 : memref<128x64xf32, #tpu.memory_space<vmem>>) dst(%dma_wait3A_204 : memref<10240x64xf32, #tpu.memory_space<vmem_shared>>)
        tpu.yield
      }) : () -> ()
      %dma_wait3A_127 = arith.constant 2 : i32
      %dma_wait3A_128 = arith.constant 0 : i32
      %dma_wait3A_129 = tpu.memref_slice %arg6[%dma_wait3A_127, %dma_wait3A_128] : memref<10x128xi32, #tpu.memory_space<vmem>> -> memref<1x128xi32, #tpu.memory_space<vmem>>
      %dma_wait3A_130 = tpu.memref_squeeze %dma_wait3A_129 : memref<1x128xi32, #tpu.memory_space<vmem>> -> memref<128xi32, #tpu.memory_space<vmem>>
      %dma_wait3A_131 = arith.constant 0 : i32
      %dma_wait3A_132 = arith.constant 0 : i32
      %dma_wait3A_133 = tpu.memref_slice %arg2[%dma_wait3A_131, %dma_wait3A_132] : memref<20480x64xf32, #tpu.memory_space<hbm>> -> memref<20480x64xf32, #tpu.memory_space<hbm>>
      tpu.wait_indirect_dma semaphore(%arg19 : memref<!tpu.dma_semaphore, #tpu.memory_space<semaphore_mem>>) src(%dma_wait3A_133 : memref<20480x64xf32, #tpu.memory_space<hbm>>) dst(%arg10 : memref<128x64xf32, #tpu.memory_space<vmem>>)
      %run_scoped3A_134 = arith.constant 2 : i32
      "tpu.region"() ({
        %run_scoped3A_192 = tpu.sem_alloc : memref<!tpu.dma_semaphore, #tpu.memory_space<semaphore_mem>>
        %dma_start3A_193 = arith.constant 0 : i32
        %dma_start3A_194 = tpu.memref_slice %arg7[%run_scoped3A_134, %dma_start3A_193] : memref<10x128xi32, #tpu.memory_space<vmem>> -> memref<1x128xi32, #tpu.memory_space<vmem>>
        %dma_start3A_195 = tpu.memref_squeeze %dma_start3A_194 : memref<1x128xi32, #tpu.memory_space<vmem>> -> memref<128xi32, #tpu.memory_space<vmem>>
        %dma_start3A_196 = arith.constant 0 : i32
        %dma_start3A_197 = arith.constant 0 : i32
        %dma_start3A_198 = tpu.memref_slice %arg18[%dma_start3A_196, %dma_start3A_197] : memref<10240x64xf32, #tpu.memory_space<vmem_shared>> -> memref<10240x64xf32, #tpu.memory_space<vmem_shared>>
        tpu.enqueue_indirect_dma source(%arg10 : memref<128x64xf32, #tpu.memory_space<vmem>>) target(%dma_start3A_198 : memref<10240x64xf32, #tpu.memory_space<vmem_shared>>) offsets(%dma_start3A_195 : memref<128xi32, #tpu.memory_space<vmem>>) semaphore(%run_scoped3A_192 : memref<!tpu.dma_semaphore, #tpu.memory_space<semaphore_mem>>) {add = true}
        %dma_wait3A_199 = arith.constant 0 : i32
        %dma_wait3A_200 = tpu.memref_slice %arg7[%run_scoped3A_134, %dma_wait3A_199] : memref<10x128xi32, #tpu.memory_space<vmem>> -> memref<1x128xi32, #tpu.memory_space<vmem>>
        %dma_wait3A_201 = tpu.memref_squeeze %dma_wait3A_200 : memref<1x128xi32, #tpu.memory_space<vmem>> -> memref<128xi32, #tpu.memory_space<vmem>>
        %dma_wait3A_202 = arith.constant 0 : i32
        %dma_wait3A_203 = arith.constant 0 : i32
        %dma_wait3A_204 = tpu.memref_slice %arg18[%dma_wait3A_202, %dma_wait3A_203] : memref<10240x64xf32, #tpu.memory_space<vmem_shared>> -> memref<10240x64xf32, #tpu.memory_space<vmem_shared>>
        tpu.wait_indirect_dma semaphore(%run_scoped3A_192 : memref<!tpu.dma_semaphore, #tpu.memory_space<semaphore_mem>>) src(%arg10 : memref<128x64xf32, #tpu.memory_space<vmem>>) dst(%dma_wait3A_204 : memref<10240x64xf32, #tpu.memory_space<vmem_shared>>)
        tpu.yield
      }) : () -> ()
      %dma_wait3A_135 = arith.constant 3 : i32
      %dma_wait3A_136 = arith.constant 0 : i32
      %dma_wait3A_137 = tpu.memref_slice %arg6[%dma_wait3A_135, %dma_wait3A_136] : memref<10x128xi32, #tpu.memory_space<vmem>> -> memref<1x128xi32, #tpu.memory_space<vmem>>
      %dma_wait3A_138 = tpu.memref_squeeze %dma_wait3A_137 : memref<1x128xi32, #tpu.memory_space<vmem>> -> memref<128xi32, #tpu.memory_space<vmem>>
      %dma_wait3A_139 = arith.constant 0 : i32
      %dma_wait3A_140 = arith.constant 0 : i32
      %dma_wait3A_141 = tpu.memref_slice %arg2[%dma_wait3A_139, %dma_wait3A_140] : memref<20480x64xf32, #tpu.memory_space<hbm>> -> memref<20480x64xf32, #tpu.memory_space<hbm>>
      tpu.wait_indirect_dma semaphore(%arg19 : memref<!tpu.dma_semaphore, #tpu.memory_space<semaphore_mem>>) src(%dma_wait3A_141 : memref<20480x64xf32, #tpu.memory_space<hbm>>) dst(%arg11 : memref<128x64xf32, #tpu.memory_space<vmem>>)
      %run_scoped3A_142 = arith.constant 3 : i32
      "tpu.region"() ({
        %run_scoped3A_192 = tpu.sem_alloc : memref<!tpu.dma_semaphore, #tpu.memory_space<semaphore_mem>>
        %dma_start3A_193 = arith.constant 0 : i32
        %dma_start3A_194 = tpu.memref_slice %arg7[%run_scoped3A_142, %dma_start3A_193] : memref<10x128xi32, #tpu.memory_space<vmem>> -> memref<1x128xi32, #tpu.memory_space<vmem>>
        %dma_start3A_195 = tpu.memref_squeeze %dma_start3A_194 : memref<1x128xi32, #tpu.memory_space<vmem>> -> memref<128xi32, #tpu.memory_space<vmem>>
        %dma_start3A_196 = arith.constant 0 : i32
        %dma_start3A_197 = arith.constant 0 : i32
        %dma_start3A_198 = tpu.memref_slice %arg18[%dma_start3A_196, %dma_start3A_197] : memref<10240x64xf32, #tpu.memory_space<vmem_shared>> -> memref<10240x64xf32, #tpu.memory_space<vmem_shared>>
        tpu.enqueue_indirect_dma source(%arg11 : memref<128x64xf32, #tpu.memory_space<vmem>>) target(%dma_start3A_198 : memref<10240x64xf32, #tpu.memory_space<vmem_shared>>) offsets(%dma_start3A_195 : memref<128xi32, #tpu.memory_space<vmem>>) semaphore(%run_scoped3A_192 : memref<!tpu.dma_semaphore, #tpu.memory_space<semaphore_mem>>) {add = true}
        %dma_wait3A_199 = arith.constant 0 : i32
        %dma_wait3A_200 = tpu.memref_slice %arg7[%run_scoped3A_142, %dma_wait3A_199] : memref<10x128xi32, #tpu.memory_space<vmem>> -> memref<1x128xi32, #tpu.memory_space<vmem>>
        %dma_wait3A_201 = tpu.memref_squeeze %dma_wait3A_200 : memref<1x128xi32, #tpu.memory_space<vmem>> -> memref<128xi32, #tpu.memory_space<vmem>>
        %dma_wait3A_202 = arith.constant 0 : i32
        %dma_wait3A_203 = arith.constant 0 : i32
        %dma_wait3A_204 = tpu.memref_slice %arg18[%dma_wait3A_202, %dma_wait3A_203] : memref<10240x64xf32, #tpu.memory_space<vmem_shared>> -> memref<10240x64xf32, #tpu.memory_space<vmem_shared>>
        tpu.wait_indirect_dma semaphore(%run_scoped3A_192 : memref<!tpu.dma_semaphore, #tpu.memory_space<semaphore_mem>>) src(%arg11 : memref<128x64xf32, #tpu.memory_space<vmem>>) dst(%dma_wait3A_204 : memref<10240x64xf32, #tpu.memory_space<vmem_shared>>)
        tpu.yield
      }) : () -> ()
      %dma_wait3A_143 = arith.constant 4 : i32
      %dma_wait3A_144 = arith.constant 0 : i32
      %dma_wait3A_145 = tpu.memref_slice %arg6[%dma_wait3A_143, %dma_wait3A_144] : memref<10x128xi32, #tpu.memory_space<vmem>> -> memref<1x128xi32, #tpu.memory_space<vmem>>
      %dma_wait3A_146 = tpu.memref_squeeze %dma_wait3A_145 : memref<1x128xi32, #tpu.memory_space<vmem>> -> memref<128xi32, #tpu.memory_space<vmem>>
      %dma_wait3A_147 = arith.constant 0 : i32
      %dma_wait3A_148 = arith.constant 0 : i32
      %dma_wait3A_149 = tpu.memref_slice %arg2[%dma_wait3A_147, %dma_wait3A_148] : memref<20480x64xf32, #tpu.memory_space<hbm>> -> memref<20480x64xf32, #tpu.memory_space<hbm>>
      tpu.wait_indirect_dma semaphore(%arg19 : memref<!tpu.dma_semaphore, #tpu.memory_space<semaphore_mem>>) src(%dma_wait3A_149 : memref<20480x64xf32, #tpu.memory_space<hbm>>) dst(%arg12 : memref<128x64xf32, #tpu.memory_space<vmem>>)
      %run_scoped3A_150 = arith.constant 4 : i32
      "tpu.region"() ({
        %run_scoped3A_192 = tpu.sem_alloc : memref<!tpu.dma_semaphore, #tpu.memory_space<semaphore_mem>>
        %dma_start3A_193 = arith.constant 0 : i32
        %dma_start3A_194 = tpu.memref_slice %arg7[%run_scoped3A_150, %dma_start3A_193] : memref<10x128xi32, #tpu.memory_space<vmem>> -> memref<1x128xi32, #tpu.memory_space<vmem>>
        %dma_start3A_195 = tpu.memref_squeeze %dma_start3A_194 : memref<1x128xi32, #tpu.memory_space<vmem>> -> memref<128xi32, #tpu.memory_space<vmem>>
        %dma_start3A_196 = arith.constant 0 : i32
        %dma_start3A_197 = arith.constant 0 : i32
        %dma_start3A_198 = tpu.memref_slice %arg18[%dma_start3A_196, %dma_start3A_197] : memref<10240x64xf32, #tpu.memory_space<vmem_shared>> -> memref<10240x64xf32, #tpu.memory_space<vmem_shared>>
        tpu.enqueue_indirect_dma source(%arg12 : memref<128x64xf32, #tpu.memory_space<vmem>>) target(%dma_start3A_198 : memref<10240x64xf32, #tpu.memory_space<vmem_shared>>) offsets(%dma_start3A_195 : memref<128xi32, #tpu.memory_space<vmem>>) semaphore(%run_scoped3A_192 : memref<!tpu.dma_semaphore, #tpu.memory_space<semaphore_mem>>) {add = true}
        %dma_wait3A_199 = arith.constant 0 : i32
        %dma_wait3A_200 = tpu.memref_slice %arg7[%run_scoped3A_150, %dma_wait3A_199] : memref<10x128xi32, #tpu.memory_space<vmem>> -> memref<1x128xi32, #tpu.memory_space<vmem>>
        %dma_wait3A_201 = tpu.memref_squeeze %dma_wait3A_200 : memref<1x128xi32, #tpu.memory_space<vmem>> -> memref<128xi32, #tpu.memory_space<vmem>>
        %dma_wait3A_202 = arith.constant 0 : i32
        %dma_wait3A_203 = arith.constant 0 : i32
        %dma_wait3A_204 = tpu.memref_slice %arg18[%dma_wait3A_202, %dma_wait3A_203] : memref<10240x64xf32, #tpu.memory_space<vmem_shared>> -> memref<10240x64xf32, #tpu.memory_space<vmem_shared>>
        tpu.wait_indirect_dma semaphore(%run_scoped3A_192 : memref<!tpu.dma_semaphore, #tpu.memory_space<semaphore_mem>>) src(%arg12 : memref<128x64xf32, #tpu.memory_space<vmem>>) dst(%dma_wait3A_204 : memref<10240x64xf32, #tpu.memory_space<vmem_shared>>)
        tpu.yield
      }) : () -> ()
      %dma_wait3A_151 = arith.constant 5 : i32
      %dma_wait3A_152 = arith.constant 0 : i32
      %dma_wait3A_153 = tpu.memref_slice %arg6[%dma_wait3A_151, %dma_wait3A_152] : memref<10x128xi32, #tpu.memory_space<vmem>> -> memref<1x128xi32, #tpu.memory_space<vmem>>
      %dma_wait3A_154 = tpu.memref_squeeze %dma_wait3A_153 : memref<1x128xi32, #tpu.memory_space<vmem>> -> memref<128xi32, #tpu.memory_space<vmem>>
      %dma_wait3A_155 = arith.constant 0 : i32
      %dma_wait3A_156 = arith.constant 0 : i32
      %dma_wait3A_157 = tpu.memref_slice %arg2[%dma_wait3A_155, %dma_wait3A_156] : memref<20480x64xf32, #tpu.memory_space<hbm>> -> memref<20480x64xf32, #tpu.memory_space<hbm>>
      tpu.wait_indirect_dma semaphore(%arg19 : memref<!tpu.dma_semaphore, #tpu.memory_space<semaphore_mem>>) src(%dma_wait3A_157 : memref<20480x64xf32, #tpu.memory_space<hbm>>) dst(%arg13 : memref<128x64xf32, #tpu.memory_space<vmem>>)
      %run_scoped3A_158 = arith.constant 5 : i32
      "tpu.region"() ({
        %run_scoped3A_192 = tpu.sem_alloc : memref<!tpu.dma_semaphore, #tpu.memory_space<semaphore_mem>>
        %dma_start3A_193 = arith.constant 0 : i32
        %dma_start3A_194 = tpu.memref_slice %arg7[%run_scoped3A_158, %dma_start3A_193] : memref<10x128xi32, #tpu.memory_space<vmem>> -> memref<1x128xi32, #tpu.memory_space<vmem>>
        %dma_start3A_195 = tpu.memref_squeeze %dma_start3A_194 : memref<1x128xi32, #tpu.memory_space<vmem>> -> memref<128xi32, #tpu.memory_space<vmem>>
        %dma_start3A_196 = arith.constant 0 : i32
        %dma_start3A_197 = arith.constant 0 : i32
        %dma_start3A_198 = tpu.memref_slice %arg18[%dma_start3A_196, %dma_start3A_197] : memref<10240x64xf32, #tpu.memory_space<vmem_shared>> -> memref<10240x64xf32, #tpu.memory_space<vmem_shared>>
        tpu.enqueue_indirect_dma source(%arg13 : memref<128x64xf32, #tpu.memory_space<vmem>>) target(%dma_start3A_198 : memref<10240x64xf32, #tpu.memory_space<vmem_shared>>) offsets(%dma_start3A_195 : memref<128xi32, #tpu.memory_space<vmem>>) semaphore(%run_scoped3A_192 : memref<!tpu.dma_semaphore, #tpu.memory_space<semaphore_mem>>) {add = true}
        %dma_wait3A_199 = arith.constant 0 : i32
        %dma_wait3A_200 = tpu.memref_slice %arg7[%run_scoped3A_158, %dma_wait3A_199] : memref<10x128xi32, #tpu.memory_space<vmem>> -> memref<1x128xi32, #tpu.memory_space<vmem>>
        %dma_wait3A_201 = tpu.memref_squeeze %dma_wait3A_200 : memref<1x128xi32, #tpu.memory_space<vmem>> -> memref<128xi32, #tpu.memory_space<vmem>>
        %dma_wait3A_202 = arith.constant 0 : i32
        %dma_wait3A_203 = arith.constant 0 : i32
        %dma_wait3A_204 = tpu.memref_slice %arg18[%dma_wait3A_202, %dma_wait3A_203] : memref<10240x64xf32, #tpu.memory_space<vmem_shared>> -> memref<10240x64xf32, #tpu.memory_space<vmem_shared>>
        tpu.wait_indirect_dma semaphore(%run_scoped3A_192 : memref<!tpu.dma_semaphore, #tpu.memory_space<semaphore_mem>>) src(%arg13 : memref<128x64xf32, #tpu.memory_space<vmem>>) dst(%dma_wait3A_204 : memref<10240x64xf32, #tpu.memory_space<vmem_shared>>)
        tpu.yield
      }) : () -> ()
      %dma_wait3A_159 = arith.constant 6 : i32
      %dma_wait3A_160 = arith.constant 0 : i32
      %dma_wait3A_161 = tpu.memref_slice %arg6[%dma_wait3A_159, %dma_wait3A_160] : memref<10x128xi32, #tpu.memory_space<vmem>> -> memref<1x128xi32, #tpu.memory_space<vmem>>
      %dma_wait3A_162 = tpu.memref_squeeze %dma_wait3A_161 : memref<1x128xi32, #tpu.memory_space<vmem>> -> memref<128xi32, #tpu.memory_space<vmem>>
      %dma_wait3A_163 = arith.constant 0 : i32
      %dma_wait3A_164 = arith.constant 0 : i32
      %dma_wait3A_165 = tpu.memref_slice %arg2[%dma_wait3A_163, %dma_wait3A_164] : memref<20480x64xf32, #tpu.memory_space<hbm>> -> memref<20480x64xf32, #tpu.memory_space<hbm>>
      tpu.wait_indirect_dma semaphore(%arg19 : memref<!tpu.dma_semaphore, #tpu.memory_space<semaphore_mem>>) src(%dma_wait3A_165 : memref<20480x64xf32, #tpu.memory_space<hbm>>) dst(%arg14 : memref<128x64xf32, #tpu.memory_space<vmem>>)
      %run_scoped3A_166 = arith.constant 6 : i32
      "tpu.region"() ({
        %run_scoped3A_192 = tpu.sem_alloc : memref<!tpu.dma_semaphore, #tpu.memory_space<semaphore_mem>>
        %dma_start3A_193 = arith.constant 0 : i32
        %dma_start3A_194 = tpu.memref_slice %arg7[%run_scoped3A_166, %dma_start3A_193] : memref<10x128xi32, #tpu.memory_space<vmem>> -> memref<1x128xi32, #tpu.memory_space<vmem>>
        %dma_start3A_195 = tpu.memref_squeeze %dma_start3A_194 : memref<1x128xi32, #tpu.memory_space<vmem>> -> memref<128xi32, #tpu.memory_space<vmem>>
        %dma_start3A_196 = arith.constant 0 : i32
        %dma_start3A_197 = arith.constant 0 : i32
        %dma_start3A_198 = tpu.memref_slice %arg18[%dma_start3A_196, %dma_start3A_197] : memref<10240x64xf32, #tpu.memory_space<vmem_shared>> -> memref<10240x64xf32, #tpu.memory_space<vmem_shared>>
        tpu.enqueue_indirect_dma source(%arg14 : memref<128x64xf32, #tpu.memory_space<vmem>>) target(%dma_start3A_198 : memref<10240x64xf32, #tpu.memory_space<vmem_shared>>) offsets(%dma_start3A_195 : memref<128xi32, #tpu.memory_space<vmem>>) semaphore(%run_scoped3A_192 : memref<!tpu.dma_semaphore, #tpu.memory_space<semaphore_mem>>) {add = true}
        %dma_wait3A_199 = arith.constant 0 : i32
        %dma_wait3A_200 = tpu.memref_slice %arg7[%run_scoped3A_166, %dma_wait3A_199] : memref<10x128xi32, #tpu.memory_space<vmem>> -> memref<1x128xi32, #tpu.memory_space<vmem>>
        %dma_wait3A_201 = tpu.memref_squeeze %dma_wait3A_200 : memref<1x128xi32, #tpu.memory_space<vmem>> -> memref<128xi32, #tpu.memory_space<vmem>>
        %dma_wait3A_202 = arith.constant 0 : i32
        %dma_wait3A_203 = arith.constant 0 : i32
        %dma_wait3A_204 = tpu.memref_slice %arg18[%dma_wait3A_202, %dma_wait3A_203] : memref<10240x64xf32, #tpu.memory_space<vmem_shared>> -> memref<10240x64xf32, #tpu.memory_space<vmem_shared>>
        tpu.wait_indirect_dma semaphore(%run_scoped3A_192 : memref<!tpu.dma_semaphore, #tpu.memory_space<semaphore_mem>>) src(%arg14 : memref<128x64xf32, #tpu.memory_space<vmem>>) dst(%dma_wait3A_204 : memref<10240x64xf32, #tpu.memory_space<vmem_shared>>)
        tpu.yield
      }) : () -> ()
      %dma_wait3A_167 = arith.constant 7 : i32
      %dma_wait3A_168 = arith.constant 0 : i32
      %dma_wait3A_169 = tpu.memref_slice %arg6[%dma_wait3A_167, %dma_wait3A_168] : memref<10x128xi32, #tpu.memory_space<vmem>> -> memref<1x128xi32, #tpu.memory_space<vmem>>
      %dma_wait3A_170 = tpu.memref_squeeze %dma_wait3A_169 : memref<1x128xi32, #tpu.memory_space<vmem>> -> memref<128xi32, #tpu.memory_space<vmem>>
      %dma_wait3A_171 = arith.constant 0 : i32
      %dma_wait3A_172 = arith.constant 0 : i32
      %dma_wait3A_173 = tpu.memref_slice %arg2[%dma_wait3A_171, %dma_wait3A_172] : memref<20480x64xf32, #tpu.memory_space<hbm>> -> memref<20480x64xf32, #tpu.memory_space<hbm>>
      tpu.wait_indirect_dma semaphore(%arg19 : memref<!tpu.dma_semaphore, #tpu.memory_space<semaphore_mem>>) src(%dma_wait3A_173 : memref<20480x64xf32, #tpu.memory_space<hbm>>) dst(%arg15 : memref<128x64xf32, #tpu.memory_space<vmem>>)
      %run_scoped3A_174 = arith.constant 7 : i32
      "tpu.region"() ({
        %run_scoped3A_192 = tpu.sem_alloc : memref<!tpu.dma_semaphore, #tpu.memory_space<semaphore_mem>>
        %dma_start3A_193 = arith.constant 0 : i32
        %dma_start3A_194 = tpu.memref_slice %arg7[%run_scoped3A_174, %dma_start3A_193] : memref<10x128xi32, #tpu.memory_space<vmem>> -> memref<1x128xi32, #tpu.memory_space<vmem>>
        %dma_start3A_195 = tpu.memref_squeeze %dma_start3A_194 : memref<1x128xi32, #tpu.memory_space<vmem>> -> memref<128xi32, #tpu.memory_space<vmem>>
        %dma_start3A_196 = arith.constant 0 : i32
        %dma_start3A_197 = arith.constant 0 : i32
        %dma_start3A_198 = tpu.memref_slice %arg18[%dma_start3A_196, %dma_start3A_197] : memref<10240x64xf32, #tpu.memory_space<vmem_shared>> -> memref<10240x64xf32, #tpu.memory_space<vmem_shared>>
        tpu.enqueue_indirect_dma source(%arg15 : memref<128x64xf32, #tpu.memory_space<vmem>>) target(%dma_start3A_198 : memref<10240x64xf32, #tpu.memory_space<vmem_shared>>) offsets(%dma_start3A_195 : memref<128xi32, #tpu.memory_space<vmem>>) semaphore(%run_scoped3A_192 : memref<!tpu.dma_semaphore, #tpu.memory_space<semaphore_mem>>) {add = true}
        %dma_wait3A_199 = arith.constant 0 : i32
        %dma_wait3A_200 = tpu.memref_slice %arg7[%run_scoped3A_174, %dma_wait3A_199] : memref<10x128xi32, #tpu.memory_space<vmem>> -> memref<1x128xi32, #tpu.memory_space<vmem>>
        %dma_wait3A_201 = tpu.memref_squeeze %dma_wait3A_200 : memref<1x128xi32, #tpu.memory_space<vmem>> -> memref<128xi32, #tpu.memory_space<vmem>>
        %dma_wait3A_202 = arith.constant 0 : i32
        %dma_wait3A_203 = arith.constant 0 : i32
        %dma_wait3A_204 = tpu.memref_slice %arg18[%dma_wait3A_202, %dma_wait3A_203] : memref<10240x64xf32, #tpu.memory_space<vmem_shared>> -> memref<10240x64xf32, #tpu.memory_space<vmem_shared>>
        tpu.wait_indirect_dma semaphore(%run_scoped3A_192 : memref<!tpu.dma_semaphore, #tpu.memory_space<semaphore_mem>>) src(%arg15 : memref<128x64xf32, #tpu.memory_space<vmem>>) dst(%dma_wait3A_204 : memref<10240x64xf32, #tpu.memory_space<vmem_shared>>)
        tpu.yield
      }) : () -> ()
      %dma_wait3A_175 = arith.constant 8 : i32
      %dma_wait3A_176 = arith.constant 0 : i32
      %dma_wait3A_177 = tpu.memref_slice %arg6[%dma_wait3A_175, %dma_wait3A_176] : memref<10x128xi32, #tpu.memory_space<vmem>> -> memref<1x128xi32, #tpu.memory_space<vmem>>
      %dma_wait3A_178 = tpu.memref_squeeze %dma_wait3A_177 : memref<1x128xi32, #tpu.memory_space<vmem>> -> memref<128xi32, #tpu.memory_space<vmem>>
      %dma_wait3A_179 = arith.constant 0 : i32
      %dma_wait3A_180 = arith.constant 0 : i32
      %dma_wait3A_181 = tpu.memref_slice %arg2[%dma_wait3A_179, %dma_wait3A_180] : memref<20480x64xf32, #tpu.memory_space<hbm>> -> memref<20480x64xf32, #tpu.memory_space<hbm>>
      tpu.wait_indirect_dma semaphore(%arg19 : memref<!tpu.dma_semaphore, #tpu.memory_space<semaphore_mem>>) src(%dma_wait3A_181 : memref<20480x64xf32, #tpu.memory_space<hbm>>) dst(%arg16 : memref<128x64xf32, #tpu.memory_space<vmem>>)
      %run_scoped3A_182 = arith.constant 8 : i32
      "tpu.region"() ({
        %run_scoped3A_192 = tpu.sem_alloc : memref<!tpu.dma_semaphore, #tpu.memory_space<semaphore_mem>>
        %dma_start3A_193 = arith.constant 0 : i32
        %dma_start3A_194 = tpu.memref_slice %arg7[%run_scoped3A_182, %dma_start3A_193] : memref<10x128xi32, #tpu.memory_space<vmem>> -> memref<1x128xi32, #tpu.memory_space<vmem>>
        %dma_start3A_195 = tpu.memref_squeeze %dma_start3A_194 : memref<1x128xi32, #tpu.memory_space<vmem>> -> memref<128xi32, #tpu.memory_space<vmem>>
        %dma_start3A_196 = arith.constant 0 : i32
        %dma_start3A_197 = arith.constant 0 : i32
        %dma_start3A_198 = tpu.memref_slice %arg18[%dma_start3A_196, %dma_start3A_197] : memref<10240x64xf32, #tpu.memory_space<vmem_shared>> -> memref<10240x64xf32, #tpu.memory_space<vmem_shared>>
        tpu.enqueue_indirect_dma source(%arg16 : memref<128x64xf32, #tpu.memory_space<vmem>>) target(%dma_start3A_198 : memref<10240x64xf32, #tpu.memory_space<vmem_shared>>) offsets(%dma_start3A_195 : memref<128xi32, #tpu.memory_space<vmem>>) semaphore(%run_scoped3A_192 : memref<!tpu.dma_semaphore, #tpu.memory_space<semaphore_mem>>) {add = true}
        %dma_wait3A_199 = arith.constant 0 : i32
        %dma_wait3A_200 = tpu.memref_slice %arg7[%run_scoped3A_182, %dma_wait3A_199] : memref<10x128xi32, #tpu.memory_space<vmem>> -> memref<1x128xi32, #tpu.memory_space<vmem>>
        %dma_wait3A_201 = tpu.memref_squeeze %dma_wait3A_200 : memref<1x128xi32, #tpu.memory_space<vmem>> -> memref<128xi32, #tpu.memory_space<vmem>>
        %dma_wait3A_202 = arith.constant 0 : i32
        %dma_wait3A_203 = arith.constant 0 : i32
        %dma_wait3A_204 = tpu.memref_slice %arg18[%dma_wait3A_202, %dma_wait3A_203] : memref<10240x64xf32, #tpu.memory_space<vmem_shared>> -> memref<10240x64xf32, #tpu.memory_space<vmem_shared>>
        tpu.wait_indirect_dma semaphore(%run_scoped3A_192 : memref<!tpu.dma_semaphore, #tpu.memory_space<semaphore_mem>>) src(%arg16 : memref<128x64xf32, #tpu.memory_space<vmem>>) dst(%dma_wait3A_204 : memref<10240x64xf32, #tpu.memory_space<vmem_shared>>)
        tpu.yield
      }) : () -> ()
      %dma_wait3A_183 = arith.constant 9 : i32
      %dma_wait3A_184 = arith.constant 0 : i32
      %dma_wait3A_185 = tpu.memref_slice %arg6[%dma_wait3A_183, %dma_wait3A_184] : memref<10x128xi32, #tpu.memory_space<vmem>> -> memref<1x128xi32, #tpu.memory_space<vmem>>
      %dma_wait3A_186 = tpu.memref_squeeze %dma_wait3A_185 : memref<1x128xi32, #tpu.memory_space<vmem>> -> memref<128xi32, #tpu.memory_space<vmem>>
      %dma_wait3A_187 = arith.constant 0 : i32
      %dma_wait3A_188 = arith.constant 0 : i32
      %dma_wait3A_189 = tpu.memref_slice %arg2[%dma_wait3A_187, %dma_wait3A_188] : memref<20480x64xf32, #tpu.memory_space<hbm>> -> memref<20480x64xf32, #tpu.memory_space<hbm>>
      tpu.wait_indirect_dma semaphore(%arg19 : memref<!tpu.dma_semaphore, #tpu.memory_space<semaphore_mem>>) src(%dma_wait3A_189 : memref<20480x64xf32, #tpu.memory_space<hbm>>) dst(%arg17 : memref<128x64xf32, #tpu.memory_space<vmem>>)
      %run_scoped3A_190 = arith.constant 9 : i32
      "tpu.region"() ({
        %run_scoped3A_192 = tpu.sem_alloc : memref<!tpu.dma_semaphore, #tpu.memory_space<semaphore_mem>>
        %dma_start3A_193 = arith.constant 0 : i32
        %dma_start3A_194 = tpu.memref_slice %arg7[%run_scoped3A_190, %dma_start3A_193] : memref<10x128xi32, #tpu.memory_space<vmem>> -> memref<1x128xi32, #tpu.memory_space<vmem>>
        %dma_start3A_195 = tpu.memref_squeeze %dma_start3A_194 : memref<1x128xi32, #tpu.memory_space<vmem>> -> memref<128xi32, #tpu.memory_space<vmem>>
        %dma_start3A_196 = arith.constant 0 : i32
        %dma_start3A_197 = arith.constant 0 : i32
        %dma_start3A_198 = tpu.memref_slice %arg18[%dma_start3A_196, %dma_start3A_197] : memref<10240x64xf32, #tpu.memory_space<vmem_shared>> -> memref<10240x64xf32, #tpu.memory_space<vmem_shared>>
        tpu.enqueue_indirect_dma source(%arg17 : memref<128x64xf32, #tpu.memory_space<vmem>>) target(%dma_start3A_198 : memref<10240x64xf32, #tpu.memory_space<vmem_shared>>) offsets(%dma_start3A_195 : memref<128xi32, #tpu.memory_space<vmem>>) semaphore(%run_scoped3A_192 : memref<!tpu.dma_semaphore, #tpu.memory_space<semaphore_mem>>) {add = true}
        %dma_wait3A_199 = arith.constant 0 : i32
        %dma_wait3A_200 = tpu.memref_slice %arg7[%run_scoped3A_190, %dma_wait3A_199] : memref<10x128xi32, #tpu.memory_space<vmem>> -> memref<1x128xi32, #tpu.memory_space<vmem>>
        %dma_wait3A_201 = tpu.memref_squeeze %dma_wait3A_200 : memref<1x128xi32, #tpu.memory_space<vmem>> -> memref<128xi32, #tpu.memory_space<vmem>>
        %dma_wait3A_202 = arith.constant 0 : i32
        %dma_wait3A_203 = arith.constant 0 : i32
        %dma_wait3A_204 = tpu.memref_slice %arg18[%dma_wait3A_202, %dma_wait3A_203] : memref<10240x64xf32, #tpu.memory_space<vmem_shared>> -> memref<10240x64xf32, #tpu.memory_space<vmem_shared>>
        tpu.wait_indirect_dma semaphore(%run_scoped3A_192 : memref<!tpu.dma_semaphore, #tpu.memory_space<semaphore_mem>>) src(%arg17 : memref<128x64xf32, #tpu.memory_space<vmem>>) dst(%dma_wait3A_204 : memref<10240x64xf32, #tpu.memory_space<vmem_shared>>)
        tpu.yield
      }) : () -> ()
      %scan3A_191 = arith.constant 0 : i32
      scf.yield %scan3A_191 : i32
    }
    %scan3A_31 = arith.constant 16 : i32
    %barrier3A_32 = arith.constant 0 : index
    tpu.barrier barrier_id(%barrier3A_32)
    %mul3A_33 = arith.constant 640 : i32
    %mul3A_34 = arith.muli %arg1, %mul3A_33 : i32
    %mul3A_35 = arith.constant 640 : i32
    %mul3A_36 = arith.muli %arg1, %mul3A_35 : i32
    "tpu.region"() ({
      %run_scoped3A = tpu.sem_alloc : memref<!tpu.dma_semaphore, #tpu.memory_space<semaphore_mem>>
      %dma_start3A = arith.constant 0 : i32
      %dma_start3A_37 = tpu.memref_slice %arg5[%arg0, %mul3A_36, %dma_start3A] : memref<2x10240x64xf32, #tpu.memory_space<hbm>> -> memref<1x640x64xf32, #tpu.memory_space<hbm>>
      %dma_start3A_38 = tpu.memref_squeeze %dma_start3A_37 : memref<1x640x64xf32, #tpu.memory_space<hbm>> -> memref<640x64xf32, #tpu.memory_space<hbm>>
      %dma_start3A_39 = arith.constant 0 : i32
      %dma_start3A_40 = tpu.memref_slice %arg18[%mul3A_34, %dma_start3A_39] : memref<10240x64xf32, #tpu.memory_space<vmem_shared>> -> memref<640x64xf32, #tpu.memory_space<vmem_shared>>
      tpu.enqueue_dma source(%dma_start3A_40 : memref<640x64xf32, #tpu.memory_space<vmem_shared>>) target(%dma_start3A_38 : memref<640x64xf32, #tpu.memory_space<hbm>>) target_semaphore(%run_scoped3A : memref<!tpu.dma_semaphore, #tpu.memory_space<semaphore_mem>>)
      %dma_wait3A = arith.constant 0 : i32
      %dma_wait3A_41 = tpu.memref_slice %arg5[%arg0, %mul3A_36, %dma_wait3A] : memref<2x10240x64xf32, #tpu.memory_space<hbm>> -> memref<1x640x64xf32, #tpu.memory_space<hbm>>
      %dma_wait3A_42 = tpu.memref_squeeze %dma_wait3A_41 : memref<1x640x64xf32, #tpu.memory_space<hbm>> -> memref<640x64xf32, #tpu.memory_space<hbm>>
      %dma_wait3A_43 = arith.constant 0 : i32
      %dma_wait3A_44 = tpu.memref_slice %arg18[%mul3A_34, %dma_wait3A_43] : memref<10240x64xf32, #tpu.memory_space<vmem_shared>> -> memref<640x64xf32, #tpu.memory_space<vmem_shared>>
      tpu.wait_dma2 semaphore(%run_scoped3A : memref<!tpu.dma_semaphore, #tpu.memory_space<semaphore_mem>>) src(%dma_wait3A_44 : memref<640x64xf32, #tpu.memory_space<vmem_shared>>) dst(%dma_wait3A_42 : memref<640x64xf32, #tpu.memory_space<hbm>>)
      tpu.yield
    }) : () -> ()
    return
  }
}

#map = affine_map<(d0, d1) -> (0, 0)>
#map1 = affine_map<(d0, d1) -> (0, 0, 0)>
module attributes {stable_mosaic.version = 14 : i64} {
  func.func @segsum(%arg0: i32, %arg1: i32, %arg2: memref<20480x16xf32, #tpu.memory_space<hbm>>, %arg3: memref<2x2560x128xi32, #tpu.memory_space<hbm>>, %arg4: memref<2560x128xi32, #tpu.memory_space<hbm>>, %arg5: memref<2x10240x16xf32, #tpu.memory_space<hbm>>, %arg6: memref<16x128xi32, #tpu.memory_space<vmem>>, %arg7: memref<16x128xi32, #tpu.memory_space<vmem>>, %arg8: memref<128x16xf32, #tpu.memory_space<vmem>>, %arg9: memref<128x16xf32, #tpu.memory_space<vmem>>, %arg10: memref<128x16xf32, #tpu.memory_space<vmem>>, %arg11: memref<128x16xf32, #tpu.memory_space<vmem>>, %arg12: memref<128x16xf32, #tpu.memory_space<vmem>>, %arg13: memref<128x16xf32, #tpu.memory_space<vmem>>, %arg14: memref<128x16xf32, #tpu.memory_space<vmem>>, %arg15: memref<128x16xf32, #tpu.memory_space<vmem>>, %arg16: memref<128x16xf32, #tpu.memory_space<vmem>>, %arg17: memref<128x16xf32, #tpu.memory_space<vmem>>, %arg18: memref<128x16xf32, #tpu.memory_space<vmem>>, %arg19: memref<128x16xf32, #tpu.memory_space<vmem>>, %arg20: memref<128x16xf32, #tpu.memory_space<vmem>>, %arg21: memref<128x16xf32, #tpu.memory_space<vmem>>, %arg22: memref<128x16xf32, #tpu.memory_space<vmem>>, %arg23: memref<128x16xf32, #tpu.memory_space<vmem>>, %arg24: memref<10240x16xf32, #tpu.memory_space<vmem_shared>>, %arg25: memref<!tpu.dma_semaphore, #tpu.memory_space<semaphore_mem>>) attributes {dimension_semantics = [#tpu.dimension_semantics<core_parallel>, #tpu.dimension_semantics<subcore_parallel>], iteration_bounds = array<i64: 2, 16>, scalar_prefetch = 0 : i64, scratch_operands = 20 : i64, tpu.core_type = #tpu.core_type<sc_vector_subcore>, window_params = [{transform_indices = #map}, {transform_indices = #map1}, {transform_indices = #map}, {transform_indices = #map1}]} {
    %broadcast_in_dim3A = arith.constant 0.000000e+00 : f32
    %broadcast_in_dim3A_0 = vector.broadcast %broadcast_in_dim3A : f32 to vector<16xf32>
    %scan3A = arith.constant 0 : i32
    %scan3A_1 = arith.constant 0 : i32
    %scan3A_2 = arith.constant 128 : i32
    %scan3A_3 = arith.addi %scan3A_1, %scan3A_2 : i32
    %scan3A_4 = arith.constant 1 : i32
    %scan3A_5 = scf.for %scan3A_37 = %scan3A_1 to %scan3A_3 step %scan3A_4 iter_args(%scan3A_38 = %scan3A) -> (i32)  : i32 {
      %swap3A = arith.index_cast %scan3A_37 : i32 to index
      %swap3A_39 = arith.constant 0 : index
      %swap3A_40 = tpu.vector_load %arg8[%swap3A, %swap3A_39] {strides = array<i32>} : memref<128x16xf32, #tpu.memory_space<vmem>>, vector<1x16xf32>,
      %swap3A_41 = vector.shape_cast %swap3A_40 : vector<1x16xf32> to vector<16xf32>
      %swap3A_42 = vector.shape_cast %broadcast_in_dim3A_0 : vector<16xf32> to vector<1x16xf32>
      tpu.vector_store %arg8[%swap3A, %swap3A_39], %swap3A_42 {strides = array<i32>} : memref<128x16xf32, #tpu.memory_space<vmem>>, vector<1x16xf32>,
      %scan3A_43 = arith.constant 0 : i32
      scf.yield %scan3A_43 : i32
    }
    %scan3A_6 = arith.constant 128 : i32
    %mul3A = arith.constant 640 : i32
    %mul3A_7 = arith.muli %arg1, %mul3A : i32
    %add3A = arith.constant 0 : i32
    %add3A_8 = arith.addi %mul3A_7, %add3A : i32
    "tpu.region"() ({
      %run_scoped3A = tpu.sem_alloc : memref<!tpu.dma_semaphore, #tpu.memory_space<semaphore_mem>>
      %dma_start3A = arith.constant 0 : i32
      %dma_start3A_37 = tpu.memref_slice %arg24[%add3A_8, %dma_start3A] : memref<10240x16xf32, #tpu.memory_space<vmem_shared>> -> memref<128x16xf32, #tpu.memory_space<vmem_shared>>
      %dma_start3A_38 = arith.constant 0 : i32
      %dma_start3A_39 = tpu.memref_slice %arg24[%add3A_8, %dma_start3A_38] : memref<10240x16xf32, #tpu.memory_space<vmem_shared>> -> memref<128x16xf32, #tpu.memory_space<vmem_shared>>
      tpu.enqueue_dma source(%arg8 : memref<128x16xf32, #tpu.memory_space<vmem>>) target(%dma_start3A_39 : memref<128x16xf32, #tpu.memory_space<vmem_shared>>) target_semaphore(%run_scoped3A : memref<!tpu.dma_semaphore, #tpu.memory_space<semaphore_mem>>)
      %dma_wait3A = arith.constant 0 : i32
      %dma_wait3A_40 = tpu.memref_slice %arg24[%add3A_8, %dma_wait3A] : memref<10240x16xf32, #tpu.memory_space<vmem_shared>> -> memref<128x16xf32, #tpu.memory_space<vmem_shared>>
      %dma_wait3A_41 = arith.constant 0 : i32
      %dma_wait3A_42 = tpu.memref_slice %arg24[%add3A_8, %dma_wait3A_41] : memref<10240x16xf32, #tpu.memory_space<vmem_shared>> -> memref<128x16xf32, #tpu.memory_space<vmem_shared>>
      tpu.wait_dma2 semaphore(%run_scoped3A : memref<!tpu.dma_semaphore, #tpu.memory_space<semaphore_mem>>) src(%arg8 : memref<128x16xf32, #tpu.memory_space<vmem>>) dst(%dma_wait3A_42 : memref<128x16xf32, #tpu.memory_space<vmem_shared>>)
      tpu.yield
    }) : () -> ()
    %mul3A_9 = arith.constant 640 : i32
    %mul3A_10 = arith.muli %arg1, %mul3A_9 : i32
    %add3A_11 = arith.constant 128 : i32
    %add3A_12 = arith.addi %mul3A_10, %add3A_11 : i32
    "tpu.region"() ({
      %run_scoped3A = tpu.sem_alloc : memref<!tpu.dma_semaphore, #tpu.memory_space<semaphore_mem>>
      %dma_start3A = arith.constant 0 : i32
      %dma_start3A_37 = tpu.memref_slice %arg24[%add3A_12, %dma_start3A] : memref<10240x16xf32, #tpu.memory_space<vmem_shared>> -> memref<128x16xf32, #tpu.memory_space<vmem_shared>>
      %dma_start3A_38 = arith.constant 0 : i32
      %dma_start3A_39 = tpu.memref_slice %arg24[%add3A_12, %dma_start3A_38] : memref<10240x16xf32, #tpu.memory_space<vmem_shared>> -> memref<128x16xf32, #tpu.memory_space<vmem_shared>>
      tpu.enqueue_dma source(%arg8 : memref<128x16xf32, #tpu.memory_space<vmem>>) target(%dma_start3A_39 : memref<128x16xf32, #tpu.memory_space<vmem_shared>>) target_semaphore(%run_scoped3A : memref<!tpu.dma_semaphore, #tpu.memory_space<semaphore_mem>>)
      %dma_wait3A = arith.constant 0 : i32
      %dma_wait3A_40 = tpu.memref_slice %arg24[%add3A_12, %dma_wait3A] : memref<10240x16xf32, #tpu.memory_space<vmem_shared>> -> memref<128x16xf32, #tpu.memory_space<vmem_shared>>
      %dma_wait3A_41 = arith.constant 0 : i32
      %dma_wait3A_42 = tpu.memref_slice %arg24[%add3A_12, %dma_wait3A_41] : memref<10240x16xf32, #tpu.memory_space<vmem_shared>> -> memref<128x16xf32, #tpu.memory_space<vmem_shared>>
      tpu.wait_dma2 semaphore(%run_scoped3A : memref<!tpu.dma_semaphore, #tpu.memory_space<semaphore_mem>>) src(%arg8 : memref<128x16xf32, #tpu.memory_space<vmem>>) dst(%dma_wait3A_42 : memref<128x16xf32, #tpu.memory_space<vmem_shared>>)
      tpu.yield
    }) : () -> ()
    %mul3A_13 = arith.constant 640 : i32
    %mul3A_14 = arith.muli %arg1, %mul3A_13 : i32
    %add3A_15 = arith.constant 256 : i32
    %add3A_16 = arith.addi %mul3A_14, %add3A_15 : i32
    "tpu.region"() ({
      %run_scoped3A = tpu.sem_alloc : memref<!tpu.dma_semaphore, #tpu.memory_space<semaphore_mem>>
      %dma_start3A = arith.constant 0 : i32
      %dma_start3A_37 = tpu.memref_slice %arg24[%add3A_16, %dma_start3A] : memref<10240x16xf32, #tpu.memory_space<vmem_shared>> -> memref<128x16xf32, #tpu.memory_space<vmem_shared>>
      %dma_start3A_38 = arith.constant 0 : i32
      %dma_start3A_39 = tpu.memref_slice %arg24[%add3A_16, %dma_start3A_38] : memref<10240x16xf32, #tpu.memory_space<vmem_shared>> -> memref<128x16xf32, #tpu.memory_space<vmem_shared>>
      tpu.enqueue_dma source(%arg8 : memref<128x16xf32, #tpu.memory_space<vmem>>) target(%dma_start3A_39 : memref<128x16xf32, #tpu.memory_space<vmem_shared>>) target_semaphore(%run_scoped3A : memref<!tpu.dma_semaphore, #tpu.memory_space<semaphore_mem>>)
      %dma_wait3A = arith.constant 0 : i32
      %dma_wait3A_40 = tpu.memref_slice %arg24[%add3A_16, %dma_wait3A] : memref<10240x16xf32, #tpu.memory_space<vmem_shared>> -> memref<128x16xf32, #tpu.memory_space<vmem_shared>>
      %dma_wait3A_41 = arith.constant 0 : i32
      %dma_wait3A_42 = tpu.memref_slice %arg24[%add3A_16, %dma_wait3A_41] : memref<10240x16xf32, #tpu.memory_space<vmem_shared>> -> memref<128x16xf32, #tpu.memory_space<vmem_shared>>
      tpu.wait_dma2 semaphore(%run_scoped3A : memref<!tpu.dma_semaphore, #tpu.memory_space<semaphore_mem>>) src(%arg8 : memref<128x16xf32, #tpu.memory_space<vmem>>) dst(%dma_wait3A_42 : memref<128x16xf32, #tpu.memory_space<vmem_shared>>)
      tpu.yield
    }) : () -> ()
    %mul3A_17 = arith.constant 640 : i32
    %mul3A_18 = arith.muli %arg1, %mul3A_17 : i32
    %add3A_19 = arith.constant 384 : i32
    %add3A_20 = arith.addi %mul3A_18, %add3A_19 : i32
    "tpu.region"() ({
      %run_scoped3A = tpu.sem_alloc : memref<!tpu.dma_semaphore, #tpu.memory_space<semaphore_mem>>
      %dma_start3A = arith.constant 0 : i32
      %dma_start3A_37 = tpu.memref_slice %arg24[%add3A_20, %dma_start3A] : memref<10240x16xf32, #tpu.memory_space<vmem_shared>> -> memref<128x16xf32, #tpu.memory_space<vmem_shared>>
      %dma_start3A_38 = arith.constant 0 : i32
      %dma_start3A_39 = tpu.memref_slice %arg24[%add3A_20, %dma_start3A_38] : memref<10240x16xf32, #tpu.memory_space<vmem_shared>> -> memref<128x16xf32, #tpu.memory_space<vmem_shared>>
      tpu.enqueue_dma source(%arg8 : memref<128x16xf32, #tpu.memory_space<vmem>>) target(%dma_start3A_39 : memref<128x16xf32, #tpu.memory_space<vmem_shared>>) target_semaphore(%run_scoped3A : memref<!tpu.dma_semaphore, #tpu.memory_space<semaphore_mem>>)
      %dma_wait3A = arith.constant 0 : i32
      %dma_wait3A_40 = tpu.memref_slice %arg24[%add3A_20, %dma_wait3A] : memref<10240x16xf32, #tpu.memory_space<vmem_shared>> -> memref<128x16xf32, #tpu.memory_space<vmem_shared>>
      %dma_wait3A_41 = arith.constant 0 : i32
      %dma_wait3A_42 = tpu.memref_slice %arg24[%add3A_20, %dma_wait3A_41] : memref<10240x16xf32, #tpu.memory_space<vmem_shared>> -> memref<128x16xf32, #tpu.memory_space<vmem_shared>>
      tpu.wait_dma2 semaphore(%run_scoped3A : memref<!tpu.dma_semaphore, #tpu.memory_space<semaphore_mem>>) src(%arg8 : memref<128x16xf32, #tpu.memory_space<vmem>>) dst(%dma_wait3A_42 : memref<128x16xf32, #tpu.memory_space<vmem_shared>>)
      tpu.yield
    }) : () -> ()
    %mul3A_21 = arith.constant 640 : i32
    %mul3A_22 = arith.muli %arg1, %mul3A_21 : i32
    %add3A_23 = arith.constant 512 : i32
    %add3A_24 = arith.addi %mul3A_22, %add3A_23 : i32
    "tpu.region"() ({
      %run_scoped3A = tpu.sem_alloc : memref<!tpu.dma_semaphore, #tpu.memory_space<semaphore_mem>>
      %dma_start3A = arith.constant 0 : i32
      %dma_start3A_37 = tpu.memref_slice %arg24[%add3A_24, %dma_start3A] : memref<10240x16xf32, #tpu.memory_space<vmem_shared>> -> memref<128x16xf32, #tpu.memory_space<vmem_shared>>
      %dma_start3A_38 = arith.constant 0 : i32
      %dma_start3A_39 = tpu.memref_slice %arg24[%add3A_24, %dma_start3A_38] : memref<10240x16xf32, #tpu.memory_space<vmem_shared>> -> memref<128x16xf32, #tpu.memory_space<vmem_shared>>
      tpu.enqueue_dma source(%arg8 : memref<128x16xf32, #tpu.memory_space<vmem>>) target(%dma_start3A_39 : memref<128x16xf32, #tpu.memory_space<vmem_shared>>) target_semaphore(%run_scoped3A : memref<!tpu.dma_semaphore, #tpu.memory_space<semaphore_mem>>)
      %dma_wait3A = arith.constant 0 : i32
      %dma_wait3A_40 = tpu.memref_slice %arg24[%add3A_24, %dma_wait3A] : memref<10240x16xf32, #tpu.memory_space<vmem_shared>> -> memref<128x16xf32, #tpu.memory_space<vmem_shared>>
      %dma_wait3A_41 = arith.constant 0 : i32
      %dma_wait3A_42 = tpu.memref_slice %arg24[%add3A_24, %dma_wait3A_41] : memref<10240x16xf32, #tpu.memory_space<vmem_shared>> -> memref<128x16xf32, #tpu.memory_space<vmem_shared>>
      tpu.wait_dma2 semaphore(%run_scoped3A : memref<!tpu.dma_semaphore, #tpu.memory_space<semaphore_mem>>) src(%arg8 : memref<128x16xf32, #tpu.memory_space<vmem>>) dst(%dma_wait3A_42 : memref<128x16xf32, #tpu.memory_space<vmem_shared>>)
      tpu.yield
    }) : () -> ()
    %barrier3A = arith.constant 0 : index
    tpu.barrier barrier_id(%barrier3A)
    %scan3A_25 = arith.constant 0 : i32
    %scan3A_26 = arith.constant 0 : i32
    %scan3A_27 = arith.constant 10 : i32
    %scan3A_28 = arith.addi %scan3A_26, %scan3A_27 : i32
    %scan3A_29 = arith.constant 1 : i32
    %scan3A_30 = scf.for %scan3A_37 = %scan3A_26 to %scan3A_28 step %scan3A_29 iter_args(%scan3A_38 = %scan3A_25) -> (i32)  : i32 {
      %mul3A_39 = arith.constant 16 : i32
      %mul3A_40 = arith.muli %scan3A_37, %mul3A_39 : i32
      %add3A_41 = arith.addi %mul3A_40, %arg1 : i32
      %mul3A_42 = arith.constant 16 : i32
      %mul3A_43 = arith.muli %add3A_41, %mul3A_42 : i32
      "tpu.region"() ({
        %run_scoped3A_282 = tpu.sem_alloc : memref<!tpu.dma_semaphore, #tpu.memory_space<semaphore_mem>>
        %dma_start3A_283 = arith.constant 0 : i32
        %dma_start3A_284 = tpu.memref_slice %arg3[%arg0, %mul3A_43, %dma_start3A_283] : memref<2x2560x128xi32, #tpu.memory_space<hbm>> -> memref<1x16x128xi32, #tpu.memory_space<hbm>>
        %dma_start3A_285 = tpu.memref_squeeze %dma_start3A_284 : memref<1x16x128xi32, #tpu.memory_space<hbm>> -> memref<16x128xi32, #tpu.memory_space<hbm>>
        %dma_start3A_286 = arith.constant 0 : i32
        %dma_start3A_287 = tpu.memref_slice %arg3[%arg0, %mul3A_43, %dma_start3A_286] : memref<2x2560x128xi32, #tpu.memory_space<hbm>> -> memref<1x16x128xi32, #tpu.memory_space<hbm>>
        %dma_start3A_288 = tpu.memref_squeeze %dma_start3A_287 : memref<1x16x128xi32, #tpu.memory_space<hbm>> -> memref<16x128xi32, #tpu.memory_space<hbm>>
        tpu.enqueue_dma source(%dma_start3A_288 : memref<16x128xi32, #tpu.memory_space<hbm>>) target(%arg6 : memref<16x128xi32, #tpu.memory_space<vmem>>) target_semaphore(%run_scoped3A_282 : memref<!tpu.dma_semaphore, #tpu.memory_space<semaphore_mem>>)
        %dma_wait3A_289 = arith.constant 0 : i32
        %dma_wait3A_290 = tpu.memref_slice %arg3[%arg0, %mul3A_43, %dma_wait3A_289] : memref<2x2560x128xi32, #tpu.memory_space<hbm>> -> memref<1x16x128xi32, #tpu.memory_space<hbm>>
        %dma_wait3A_291 = tpu.memref_squeeze %dma_wait3A_290 : memref<1x16x128xi32, #tpu.memory_space<hbm>> -> memref<16x128xi32, #tpu.memory_space<hbm>>
        %dma_wait3A_292 = arith.constant 0 : i32
        %dma_wait3A_293 = tpu.memref_slice %arg3[%arg0, %mul3A_43, %dma_wait3A_292] : memref<2x2560x128xi32, #tpu.memory_space<hbm>> -> memref<1x16x128xi32, #tpu.memory_space<hbm>>
        %dma_wait3A_294 = tpu.memref_squeeze %dma_wait3A_293 : memref<1x16x128xi32, #tpu.memory_space<hbm>> -> memref<16x128xi32, #tpu.memory_space<hbm>>
        tpu.wait_dma2 semaphore(%run_scoped3A_282 : memref<!tpu.dma_semaphore, #tpu.memory_space<semaphore_mem>>) src(%dma_wait3A_294 : memref<16x128xi32, #tpu.memory_space<hbm>>) dst(%arg6 : memref<16x128xi32, #tpu.memory_space<vmem>>)
        tpu.yield
      }) : () -> ()
      "tpu.region"() ({
        %run_scoped3A_282 = tpu.sem_alloc : memref<!tpu.dma_semaphore, #tpu.memory_space<semaphore_mem>>
        %dma_start3A_283 = arith.constant 0 : i32
        %dma_start3A_284 = tpu.memref_slice %arg4[%mul3A_43, %dma_start3A_283] : memref<2560x128xi32, #tpu.memory_space<hbm>> -> memref<16x128xi32, #tpu.memory_space<hbm>>
        %dma_start3A_285 = arith.constant 0 : i32
        %dma_start3A_286 = tpu.memref_slice %arg4[%mul3A_43, %dma_start3A_285] : memref<2560x128xi32, #tpu.memory_space<hbm>> -> memref<16x128xi32, #tpu.memory_space<hbm>>
        tpu.enqueue_dma source(%dma_start3A_286 : memref<16x128xi32, #tpu.memory_space<hbm>>) target(%arg7 : memref<16x128xi32, #tpu.memory_space<vmem>>) target_semaphore(%run_scoped3A_282 : memref<!tpu.dma_semaphore, #tpu.memory_space<semaphore_mem>>)
        %dma_wait3A_287 = arith.constant 0 : i32
        %dma_wait3A_288 = tpu.memref_slice %arg4[%mul3A_43, %dma_wait3A_287] : memref<2560x128xi32, #tpu.memory_space<hbm>> -> memref<16x128xi32, #tpu.memory_space<hbm>>
        %dma_wait3A_289 = arith.constant 0 : i32
        %dma_wait3A_290 = tpu.memref_slice %arg4[%mul3A_43, %dma_wait3A_289] : memref<2560x128xi32, #tpu.memory_space<hbm>> -> memref<16x128xi32, #tpu.memory_space<hbm>>
        tpu.wait_dma2 semaphore(%run_scoped3A_282 : memref<!tpu.dma_semaphore, #tpu.memory_space<semaphore_mem>>) src(%dma_wait3A_290 : memref<16x128xi32, #tpu.memory_space<hbm>>) dst(%arg7 : memref<16x128xi32, #tpu.memory_space<vmem>>)
        tpu.yield
      }) : () -> ()
      %dma_start3A = arith.constant 0 : i32
      %dma_start3A_44 = arith.constant 0 : i32
      %dma_start3A_45 = tpu.memref_slice %arg6[%dma_start3A, %dma_start3A_44] : memref<16x128xi32, #tpu.memory_space<vmem>> -> memref<1x128xi32, #tpu.memory_space<vmem>>
      %dma_start3A_46 = tpu.memref_squeeze %dma_start3A_45 : memref<1x128xi32, #tpu.memory_space<vmem>> -> memref<128xi32, #tpu.memory_space<vmem>>
      %dma_start3A_47 = arith.constant 0 : i32
      %dma_start3A_48 = arith.constant 0 : i32
      %dma_start3A_49 = tpu.memref_slice %arg2[%dma_start3A_47, %dma_start3A_48] : memref<20480x16xf32, #tpu.memory_space<hbm>> -> memref<20480x16xf32, #tpu.memory_space<hbm>>
      tpu.enqueue_indirect_dma source(%dma_start3A_49 : memref<20480x16xf32, #tpu.memory_space<hbm>>) target(%arg8 : memref<128x16xf32, #tpu.memory_space<vmem>>) offsets(%dma_start3A_46 : memref<128xi32, #tpu.memory_space<vmem>>) semaphore(%arg25 : memref<!tpu.dma_semaphore, #tpu.memory_space<semaphore_mem>>)
      %dma_start3A_50 = arith.constant 1 : i32
      %dma_start3A_51 = arith.constant 0 : i32
      %dma_start3A_52 = tpu.memref_slice %arg6[%dma_start3A_50, %dma_start3A_51] : memref<16x128xi32, #tpu.memory_space<vmem>> -> memref<1x128xi32, #tpu.memory_space<vmem>>
      %dma_start3A_53 = tpu.memref_squeeze %dma_start3A_52 : memref<1x128xi32, #tpu.memory_space<vmem>> -> memref<128xi32, #tpu.memory_space<vmem>>
      %dma_start3A_54 = arith.constant 0 : i32
      %dma_start3A_55 = arith.constant 0 : i32
      %dma_start3A_56 = tpu.memref_slice %arg2[%dma_start3A_54, %dma_start3A_55] : memref<20480x16xf32, #tpu.memory_space<hbm>> -> memref<20480x16xf32, #tpu.memory_space<hbm>>
      tpu.enqueue_indirect_dma source(%dma_start3A_56 : memref<20480x16xf32, #tpu.memory_space<hbm>>) target(%arg9 : memref<128x16xf32, #tpu.memory_space<vmem>>) offsets(%dma_start3A_53 : memref<128xi32, #tpu.memory_space<vmem>>) semaphore(%arg25 : memref<!tpu.dma_semaphore, #tpu.memory_space<semaphore_mem>>)
      %dma_start3A_57 = arith.constant 2 : i32
      %dma_start3A_58 = arith.constant 0 : i32
      %dma_start3A_59 = tpu.memref_slice %arg6[%dma_start3A_57, %dma_start3A_58] : memref<16x128xi32, #tpu.memory_space<vmem>> -> memref<1x128xi32, #tpu.memory_space<vmem>>
      %dma_start3A_60 = tpu.memref_squeeze %dma_start3A_59 : memref<1x128xi32, #tpu.memory_space<vmem>> -> memref<128xi32, #tpu.memory_space<vmem>>
      %dma_start3A_61 = arith.constant 0 : i32
      %dma_start3A_62 = arith.constant 0 : i32
      %dma_start3A_63 = tpu.memref_slice %arg2[%dma_start3A_61, %dma_start3A_62] : memref<20480x16xf32, #tpu.memory_space<hbm>> -> memref<20480x16xf32, #tpu.memory_space<hbm>>
      tpu.enqueue_indirect_dma source(%dma_start3A_63 : memref<20480x16xf32, #tpu.memory_space<hbm>>) target(%arg10 : memref<128x16xf32, #tpu.memory_space<vmem>>) offsets(%dma_start3A_60 : memref<128xi32, #tpu.memory_space<vmem>>) semaphore(%arg25 : memref<!tpu.dma_semaphore, #tpu.memory_space<semaphore_mem>>)
      %dma_start3A_64 = arith.constant 3 : i32
      %dma_start3A_65 = arith.constant 0 : i32
      %dma_start3A_66 = tpu.memref_slice %arg6[%dma_start3A_64, %dma_start3A_65] : memref<16x128xi32, #tpu.memory_space<vmem>> -> memref<1x128xi32, #tpu.memory_space<vmem>>
      %dma_start3A_67 = tpu.memref_squeeze %dma_start3A_66 : memref<1x128xi32, #tpu.memory_space<vmem>> -> memref<128xi32, #tpu.memory_space<vmem>>
      %dma_start3A_68 = arith.constant 0 : i32
      %dma_start3A_69 = arith.constant 0 : i32
      %dma_start3A_70 = tpu.memref_slice %arg2[%dma_start3A_68, %dma_start3A_69] : memref<20480x16xf32, #tpu.memory_space<hbm>> -> memref<20480x16xf32, #tpu.memory_space<hbm>>
      tpu.enqueue_indirect_dma source(%dma_start3A_70 : memref<20480x16xf32, #tpu.memory_space<hbm>>) target(%arg11 : memref<128x16xf32, #tpu.memory_space<vmem>>) offsets(%dma_start3A_67 : memref<128xi32, #tpu.memory_space<vmem>>) semaphore(%arg25 : memref<!tpu.dma_semaphore, #tpu.memory_space<semaphore_mem>>)
      %dma_start3A_71 = arith.constant 4 : i32
      %dma_start3A_72 = arith.constant 0 : i32
      %dma_start3A_73 = tpu.memref_slice %arg6[%dma_start3A_71, %dma_start3A_72] : memref<16x128xi32, #tpu.memory_space<vmem>> -> memref<1x128xi32, #tpu.memory_space<vmem>>
      %dma_start3A_74 = tpu.memref_squeeze %dma_start3A_73 : memref<1x128xi32, #tpu.memory_space<vmem>> -> memref<128xi32, #tpu.memory_space<vmem>>
      %dma_start3A_75 = arith.constant 0 : i32
      %dma_start3A_76 = arith.constant 0 : i32
      %dma_start3A_77 = tpu.memref_slice %arg2[%dma_start3A_75, %dma_start3A_76] : memref<20480x16xf32, #tpu.memory_space<hbm>> -> memref<20480x16xf32, #tpu.memory_space<hbm>>
      tpu.enqueue_indirect_dma source(%dma_start3A_77 : memref<20480x16xf32, #tpu.memory_space<hbm>>) target(%arg12 : memref<128x16xf32, #tpu.memory_space<vmem>>) offsets(%dma_start3A_74 : memref<128xi32, #tpu.memory_space<vmem>>) semaphore(%arg25 : memref<!tpu.dma_semaphore, #tpu.memory_space<semaphore_mem>>)
      %dma_start3A_78 = arith.constant 5 : i32
      %dma_start3A_79 = arith.constant 0 : i32
      %dma_start3A_80 = tpu.memref_slice %arg6[%dma_start3A_78, %dma_start3A_79] : memref<16x128xi32, #tpu.memory_space<vmem>> -> memref<1x128xi32, #tpu.memory_space<vmem>>
      %dma_start3A_81 = tpu.memref_squeeze %dma_start3A_80 : memref<1x128xi32, #tpu.memory_space<vmem>> -> memref<128xi32, #tpu.memory_space<vmem>>
      %dma_start3A_82 = arith.constant 0 : i32
      %dma_start3A_83 = arith.constant 0 : i32
      %dma_start3A_84 = tpu.memref_slice %arg2[%dma_start3A_82, %dma_start3A_83] : memref<20480x16xf32, #tpu.memory_space<hbm>> -> memref<20480x16xf32, #tpu.memory_space<hbm>>
      tpu.enqueue_indirect_dma source(%dma_start3A_84 : memref<20480x16xf32, #tpu.memory_space<hbm>>) target(%arg13 : memref<128x16xf32, #tpu.memory_space<vmem>>) offsets(%dma_start3A_81 : memref<128xi32, #tpu.memory_space<vmem>>) semaphore(%arg25 : memref<!tpu.dma_semaphore, #tpu.memory_space<semaphore_mem>>)
      %dma_start3A_85 = arith.constant 6 : i32
      %dma_start3A_86 = arith.constant 0 : i32
      %dma_start3A_87 = tpu.memref_slice %arg6[%dma_start3A_85, %dma_start3A_86] : memref<16x128xi32, #tpu.memory_space<vmem>> -> memref<1x128xi32, #tpu.memory_space<vmem>>
      %dma_start3A_88 = tpu.memref_squeeze %dma_start3A_87 : memref<1x128xi32, #tpu.memory_space<vmem>> -> memref<128xi32, #tpu.memory_space<vmem>>
      %dma_start3A_89 = arith.constant 0 : i32
      %dma_start3A_90 = arith.constant 0 : i32
      %dma_start3A_91 = tpu.memref_slice %arg2[%dma_start3A_89, %dma_start3A_90] : memref<20480x16xf32, #tpu.memory_space<hbm>> -> memref<20480x16xf32, #tpu.memory_space<hbm>>
      tpu.enqueue_indirect_dma source(%dma_start3A_91 : memref<20480x16xf32, #tpu.memory_space<hbm>>) target(%arg14 : memref<128x16xf32, #tpu.memory_space<vmem>>) offsets(%dma_start3A_88 : memref<128xi32, #tpu.memory_space<vmem>>) semaphore(%arg25 : memref<!tpu.dma_semaphore, #tpu.memory_space<semaphore_mem>>)
      %dma_start3A_92 = arith.constant 7 : i32
      %dma_start3A_93 = arith.constant 0 : i32
      %dma_start3A_94 = tpu.memref_slice %arg6[%dma_start3A_92, %dma_start3A_93] : memref<16x128xi32, #tpu.memory_space<vmem>> -> memref<1x128xi32, #tpu.memory_space<vmem>>
      %dma_start3A_95 = tpu.memref_squeeze %dma_start3A_94 : memref<1x128xi32, #tpu.memory_space<vmem>> -> memref<128xi32, #tpu.memory_space<vmem>>
      %dma_start3A_96 = arith.constant 0 : i32
      %dma_start3A_97 = arith.constant 0 : i32
      %dma_start3A_98 = tpu.memref_slice %arg2[%dma_start3A_96, %dma_start3A_97] : memref<20480x16xf32, #tpu.memory_space<hbm>> -> memref<20480x16xf32, #tpu.memory_space<hbm>>
      tpu.enqueue_indirect_dma source(%dma_start3A_98 : memref<20480x16xf32, #tpu.memory_space<hbm>>) target(%arg15 : memref<128x16xf32, #tpu.memory_space<vmem>>) offsets(%dma_start3A_95 : memref<128xi32, #tpu.memory_space<vmem>>) semaphore(%arg25 : memref<!tpu.dma_semaphore, #tpu.memory_space<semaphore_mem>>)
      %dma_start3A_99 = arith.constant 8 : i32
      %dma_start3A_100 = arith.constant 0 : i32
      %dma_start3A_101 = tpu.memref_slice %arg6[%dma_start3A_99, %dma_start3A_100] : memref<16x128xi32, #tpu.memory_space<vmem>> -> memref<1x128xi32, #tpu.memory_space<vmem>>
      %dma_start3A_102 = tpu.memref_squeeze %dma_start3A_101 : memref<1x128xi32, #tpu.memory_space<vmem>> -> memref<128xi32, #tpu.memory_space<vmem>>
      %dma_start3A_103 = arith.constant 0 : i32
      %dma_start3A_104 = arith.constant 0 : i32
      %dma_start3A_105 = tpu.memref_slice %arg2[%dma_start3A_103, %dma_start3A_104] : memref<20480x16xf32, #tpu.memory_space<hbm>> -> memref<20480x16xf32, #tpu.memory_space<hbm>>
      tpu.enqueue_indirect_dma source(%dma_start3A_105 : memref<20480x16xf32, #tpu.memory_space<hbm>>) target(%arg16 : memref<128x16xf32, #tpu.memory_space<vmem>>) offsets(%dma_start3A_102 : memref<128xi32, #tpu.memory_space<vmem>>) semaphore(%arg25 : memref<!tpu.dma_semaphore, #tpu.memory_space<semaphore_mem>>)
      %dma_start3A_106 = arith.constant 9 : i32
      %dma_start3A_107 = arith.constant 0 : i32
      %dma_start3A_108 = tpu.memref_slice %arg6[%dma_start3A_106, %dma_start3A_107] : memref<16x128xi32, #tpu.memory_space<vmem>> -> memref<1x128xi32, #tpu.memory_space<vmem>>
      %dma_start3A_109 = tpu.memref_squeeze %dma_start3A_108 : memref<1x128xi32, #tpu.memory_space<vmem>> -> memref<128xi32, #tpu.memory_space<vmem>>
      %dma_start3A_110 = arith.constant 0 : i32
      %dma_start3A_111 = arith.constant 0 : i32
      %dma_start3A_112 = tpu.memref_slice %arg2[%dma_start3A_110, %dma_start3A_111] : memref<20480x16xf32, #tpu.memory_space<hbm>> -> memref<20480x16xf32, #tpu.memory_space<hbm>>
      tpu.enqueue_indirect_dma source(%dma_start3A_112 : memref<20480x16xf32, #tpu.memory_space<hbm>>) target(%arg17 : memref<128x16xf32, #tpu.memory_space<vmem>>) offsets(%dma_start3A_109 : memref<128xi32, #tpu.memory_space<vmem>>) semaphore(%arg25 : memref<!tpu.dma_semaphore, #tpu.memory_space<semaphore_mem>>)
      %dma_start3A_113 = arith.constant 10 : i32
      %dma_start3A_114 = arith.constant 0 : i32
      %dma_start3A_115 = tpu.memref_slice %arg6[%dma_start3A_113, %dma_start3A_114] : memref<16x128xi32, #tpu.memory_space<vmem>> -> memref<1x128xi32, #tpu.memory_space<vmem>>
      %dma_start3A_116 = tpu.memref_squeeze %dma_start3A_115 : memref<1x128xi32, #tpu.memory_space<vmem>> -> memref<128xi32, #tpu.memory_space<vmem>>
      %dma_start3A_117 = arith.constant 0 : i32
      %dma_start3A_118 = arith.constant 0 : i32
      %dma_start3A_119 = tpu.memref_slice %arg2[%dma_start3A_117, %dma_start3A_118] : memref<20480x16xf32, #tpu.memory_space<hbm>> -> memref<20480x16xf32, #tpu.memory_space<hbm>>
      tpu.enqueue_indirect_dma source(%dma_start3A_119 : memref<20480x16xf32, #tpu.memory_space<hbm>>) target(%arg18 : memref<128x16xf32, #tpu.memory_space<vmem>>) offsets(%dma_start3A_116 : memref<128xi32, #tpu.memory_space<vmem>>) semaphore(%arg25 : memref<!tpu.dma_semaphore, #tpu.memory_space<semaphore_mem>>)
      %dma_start3A_120 = arith.constant 11 : i32
      %dma_start3A_121 = arith.constant 0 : i32
      %dma_start3A_122 = tpu.memref_slice %arg6[%dma_start3A_120, %dma_start3A_121] : memref<16x128xi32, #tpu.memory_space<vmem>> -> memref<1x128xi32, #tpu.memory_space<vmem>>
      %dma_start3A_123 = tpu.memref_squeeze %dma_start3A_122 : memref<1x128xi32, #tpu.memory_space<vmem>> -> memref<128xi32, #tpu.memory_space<vmem>>
      %dma_start3A_124 = arith.constant 0 : i32
      %dma_start3A_125 = arith.constant 0 : i32
      %dma_start3A_126 = tpu.memref_slice %arg2[%dma_start3A_124, %dma_start3A_125] : memref<20480x16xf32, #tpu.memory_space<hbm>> -> memref<20480x16xf32, #tpu.memory_space<hbm>>
      tpu.enqueue_indirect_dma source(%dma_start3A_126 : memref<20480x16xf32, #tpu.memory_space<hbm>>) target(%arg19 : memref<128x16xf32, #tpu.memory_space<vmem>>) offsets(%dma_start3A_123 : memref<128xi32, #tpu.memory_space<vmem>>) semaphore(%arg25 : memref<!tpu.dma_semaphore, #tpu.memory_space<semaphore_mem>>)
      %dma_start3A_127 = arith.constant 12 : i32
      %dma_start3A_128 = arith.constant 0 : i32
      %dma_start3A_129 = tpu.memref_slice %arg6[%dma_start3A_127, %dma_start3A_128] : memref<16x128xi32, #tpu.memory_space<vmem>> -> memref<1x128xi32, #tpu.memory_space<vmem>>
      %dma_start3A_130 = tpu.memref_squeeze %dma_start3A_129 : memref<1x128xi32, #tpu.memory_space<vmem>> -> memref<128xi32, #tpu.memory_space<vmem>>
      %dma_start3A_131 = arith.constant 0 : i32
      %dma_start3A_132 = arith.constant 0 : i32
      %dma_start3A_133 = tpu.memref_slice %arg2[%dma_start3A_131, %dma_start3A_132] : memref<20480x16xf32, #tpu.memory_space<hbm>> -> memref<20480x16xf32, #tpu.memory_space<hbm>>
      tpu.enqueue_indirect_dma source(%dma_start3A_133 : memref<20480x16xf32, #tpu.memory_space<hbm>>) target(%arg20 : memref<128x16xf32, #tpu.memory_space<vmem>>) offsets(%dma_start3A_130 : memref<128xi32, #tpu.memory_space<vmem>>) semaphore(%arg25 : memref<!tpu.dma_semaphore, #tpu.memory_space<semaphore_mem>>)
      %dma_start3A_134 = arith.constant 13 : i32
      %dma_start3A_135 = arith.constant 0 : i32
      %dma_start3A_136 = tpu.memref_slice %arg6[%dma_start3A_134, %dma_start3A_135] : memref<16x128xi32, #tpu.memory_space<vmem>> -> memref<1x128xi32, #tpu.memory_space<vmem>>
      %dma_start3A_137 = tpu.memref_squeeze %dma_start3A_136 : memref<1x128xi32, #tpu.memory_space<vmem>> -> memref<128xi32, #tpu.memory_space<vmem>>
      %dma_start3A_138 = arith.constant 0 : i32
      %dma_start3A_139 = arith.constant 0 : i32
      %dma_start3A_140 = tpu.memref_slice %arg2[%dma_start3A_138, %dma_start3A_139] : memref<20480x16xf32, #tpu.memory_space<hbm>> -> memref<20480x16xf32, #tpu.memory_space<hbm>>
      tpu.enqueue_indirect_dma source(%dma_start3A_140 : memref<20480x16xf32, #tpu.memory_space<hbm>>) target(%arg21 : memref<128x16xf32, #tpu.memory_space<vmem>>) offsets(%dma_start3A_137 : memref<128xi32, #tpu.memory_space<vmem>>) semaphore(%arg25 : memref<!tpu.dma_semaphore, #tpu.memory_space<semaphore_mem>>)
      %dma_start3A_141 = arith.constant 14 : i32
      %dma_start3A_142 = arith.constant 0 : i32
      %dma_start3A_143 = tpu.memref_slice %arg6[%dma_start3A_141, %dma_start3A_142] : memref<16x128xi32, #tpu.memory_space<vmem>> -> memref<1x128xi32, #tpu.memory_space<vmem>>
      %dma_start3A_144 = tpu.memref_squeeze %dma_start3A_143 : memref<1x128xi32, #tpu.memory_space<vmem>> -> memref<128xi32, #tpu.memory_space<vmem>>
      %dma_start3A_145 = arith.constant 0 : i32
      %dma_start3A_146 = arith.constant 0 : i32
      %dma_start3A_147 = tpu.memref_slice %arg2[%dma_start3A_145, %dma_start3A_146] : memref<20480x16xf32, #tpu.memory_space<hbm>> -> memref<20480x16xf32, #tpu.memory_space<hbm>>
      tpu.enqueue_indirect_dma source(%dma_start3A_147 : memref<20480x16xf32, #tpu.memory_space<hbm>>) target(%arg22 : memref<128x16xf32, #tpu.memory_space<vmem>>) offsets(%dma_start3A_144 : memref<128xi32, #tpu.memory_space<vmem>>) semaphore(%arg25 : memref<!tpu.dma_semaphore, #tpu.memory_space<semaphore_mem>>)
      %dma_start3A_148 = arith.constant 15 : i32
      %dma_start3A_149 = arith.constant 0 : i32
      %dma_start3A_150 = tpu.memref_slice %arg6[%dma_start3A_148, %dma_start3A_149] : memref<16x128xi32, #tpu.memory_space<vmem>> -> memref<1x128xi32, #tpu.memory_space<vmem>>
      %dma_start3A_151 = tpu.memref_squeeze %dma_start3A_150 : memref<1x128xi32, #tpu.memory_space<vmem>> -> memref<128xi32, #tpu.memory_space<vmem>>
      %dma_start3A_152 = arith.constant 0 : i32
      %dma_start3A_153 = arith.constant 0 : i32
      %dma_start3A_154 = tpu.memref_slice %arg2[%dma_start3A_152, %dma_start3A_153] : memref<20480x16xf32, #tpu.memory_space<hbm>> -> memref<20480x16xf32, #tpu.memory_space<hbm>>
      tpu.enqueue_indirect_dma source(%dma_start3A_154 : memref<20480x16xf32, #tpu.memory_space<hbm>>) target(%arg23 : memref<128x16xf32, #tpu.memory_space<vmem>>) offsets(%dma_start3A_151 : memref<128xi32, #tpu.memory_space<vmem>>) semaphore(%arg25 : memref<!tpu.dma_semaphore, #tpu.memory_space<semaphore_mem>>)
      %dma_wait3A = arith.constant 0 : i32
      %dma_wait3A_155 = arith.constant 0 : i32
      %dma_wait3A_156 = tpu.memref_slice %arg6[%dma_wait3A, %dma_wait3A_155] : memref<16x128xi32, #tpu.memory_space<vmem>> -> memref<1x128xi32, #tpu.memory_space<vmem>>
      %dma_wait3A_157 = tpu.memref_squeeze %dma_wait3A_156 : memref<1x128xi32, #tpu.memory_space<vmem>> -> memref<128xi32, #tpu.memory_space<vmem>>
      %dma_wait3A_158 = arith.constant 0 : i32
      %dma_wait3A_159 = arith.constant 0 : i32
      %dma_wait3A_160 = tpu.memref_slice %arg2[%dma_wait3A_158, %dma_wait3A_159] : memref<20480x16xf32, #tpu.memory_space<hbm>> -> memref<20480x16xf32, #tpu.memory_space<hbm>>
      tpu.wait_indirect_dma semaphore(%arg25 : memref<!tpu.dma_semaphore, #tpu.memory_space<semaphore_mem>>) src(%dma_wait3A_160 : memref<20480x16xf32, #tpu.memory_space<hbm>>) dst(%arg8 : memref<128x16xf32, #tpu.memory_space<vmem>>)
      %run_scoped3A = arith.constant 0 : i32
      "tpu.region"() ({
        %run_scoped3A_282 = tpu.sem_alloc : memref<!tpu.dma_semaphore, #tpu.memory_space<semaphore_mem>>
        %dma_start3A_283 = arith.constant 0 : i32
        %dma_start3A_284 = tpu.memref_slice %arg7[%run_scoped3A, %dma_start3A_283] : memref<16x128xi32, #tpu.memory_space<vmem>> -> memref<1x128xi32, #tpu.memory_space<vmem>>
        %dma_start3A_285 = tpu.memref_squeeze %dma_start3A_284 : memref<1x128xi32, #tpu.memory_space<vmem>> -> memref<128xi32, #tpu.memory_space<vmem>>
        %dma_start3A_286 = arith.constant 0 : i32
        %dma_start3A_287 = arith.constant 0 : i32
        %dma_start3A_288 = tpu.memref_slice %arg24[%dma_start3A_286, %dma_start3A_287] : memref<10240x16xf32, #tpu.memory_space<vmem_shared>> -> memref<10240x16xf32, #tpu.memory_space<vmem_shared>>
        tpu.enqueue_indirect_dma source(%arg8 : memref<128x16xf32, #tpu.memory_space<vmem>>) target(%dma_start3A_288 : memref<10240x16xf32, #tpu.memory_space<vmem_shared>>) offsets(%dma_start3A_285 : memref<128xi32, #tpu.memory_space<vmem>>) semaphore(%run_scoped3A_282 : memref<!tpu.dma_semaphore, #tpu.memory_space<semaphore_mem>>) {add = true}
        %dma_wait3A_289 = arith.constant 0 : i32
        %dma_wait3A_290 = tpu.memref_slice %arg7[%run_scoped3A, %dma_wait3A_289] : memref<16x128xi32, #tpu.memory_space<vmem>> -> memref<1x128xi32, #tpu.memory_space<vmem>>
        %dma_wait3A_291 = tpu.memref_squeeze %dma_wait3A_290 : memref<1x128xi32, #tpu.memory_space<vmem>> -> memref<128xi32, #tpu.memory_space<vmem>>
        %dma_wait3A_292 = arith.constant 0 : i32
        %dma_wait3A_293 = arith.constant 0 : i32
        %dma_wait3A_294 = tpu.memref_slice %arg24[%dma_wait3A_292, %dma_wait3A_293] : memref<10240x16xf32, #tpu.memory_space<vmem_shared>> -> memref<10240x16xf32, #tpu.memory_space<vmem_shared>>
        tpu.wait_indirect_dma semaphore(%run_scoped3A_282 : memref<!tpu.dma_semaphore, #tpu.memory_space<semaphore_mem>>) src(%arg8 : memref<128x16xf32, #tpu.memory_space<vmem>>) dst(%dma_wait3A_294 : memref<10240x16xf32, #tpu.memory_space<vmem_shared>>)
        tpu.yield
      }) : () -> ()
      %dma_wait3A_161 = arith.constant 1 : i32
      %dma_wait3A_162 = arith.constant 0 : i32
      %dma_wait3A_163 = tpu.memref_slice %arg6[%dma_wait3A_161, %dma_wait3A_162] : memref<16x128xi32, #tpu.memory_space<vmem>> -> memref<1x128xi32, #tpu.memory_space<vmem>>
      %dma_wait3A_164 = tpu.memref_squeeze %dma_wait3A_163 : memref<1x128xi32, #tpu.memory_space<vmem>> -> memref<128xi32, #tpu.memory_space<vmem>>
      %dma_wait3A_165 = arith.constant 0 : i32
      %dma_wait3A_166 = arith.constant 0 : i32
      %dma_wait3A_167 = tpu.memref_slice %arg2[%dma_wait3A_165, %dma_wait3A_166] : memref<20480x16xf32, #tpu.memory_space<hbm>> -> memref<20480x16xf32, #tpu.memory_space<hbm>>
      tpu.wait_indirect_dma semaphore(%arg25 : memref<!tpu.dma_semaphore, #tpu.memory_space<semaphore_mem>>) src(%dma_wait3A_167 : memref<20480x16xf32, #tpu.memory_space<hbm>>) dst(%arg9 : memref<128x16xf32, #tpu.memory_space<vmem>>)
      %run_scoped3A_168 = arith.constant 1 : i32
      "tpu.region"() ({
        %run_scoped3A_282 = tpu.sem_alloc : memref<!tpu.dma_semaphore, #tpu.memory_space<semaphore_mem>>
        %dma_start3A_283 = arith.constant 0 : i32
        %dma_start3A_284 = tpu.memref_slice %arg7[%run_scoped3A_168, %dma_start3A_283] : memref<16x128xi32, #tpu.memory_space<vmem>> -> memref<1x128xi32, #tpu.memory_space<vmem>>
        %dma_start3A_285 = tpu.memref_squeeze %dma_start3A_284 : memref<1x128xi32, #tpu.memory_space<vmem>> -> memref<128xi32, #tpu.memory_space<vmem>>
        %dma_start3A_286 = arith.constant 0 : i32
        %dma_start3A_287 = arith.constant 0 : i32
        %dma_start3A_288 = tpu.memref_slice %arg24[%dma_start3A_286, %dma_start3A_287] : memref<10240x16xf32, #tpu.memory_space<vmem_shared>> -> memref<10240x16xf32, #tpu.memory_space<vmem_shared>>
        tpu.enqueue_indirect_dma source(%arg9 : memref<128x16xf32, #tpu.memory_space<vmem>>) target(%dma_start3A_288 : memref<10240x16xf32, #tpu.memory_space<vmem_shared>>) offsets(%dma_start3A_285 : memref<128xi32, #tpu.memory_space<vmem>>) semaphore(%run_scoped3A_282 : memref<!tpu.dma_semaphore, #tpu.memory_space<semaphore_mem>>) {add = true}
        %dma_wait3A_289 = arith.constant 0 : i32
        %dma_wait3A_290 = tpu.memref_slice %arg7[%run_scoped3A_168, %dma_wait3A_289] : memref<16x128xi32, #tpu.memory_space<vmem>> -> memref<1x128xi32, #tpu.memory_space<vmem>>
        %dma_wait3A_291 = tpu.memref_squeeze %dma_wait3A_290 : memref<1x128xi32, #tpu.memory_space<vmem>> -> memref<128xi32, #tpu.memory_space<vmem>>
        %dma_wait3A_292 = arith.constant 0 : i32
        %dma_wait3A_293 = arith.constant 0 : i32
        %dma_wait3A_294 = tpu.memref_slice %arg24[%dma_wait3A_292, %dma_wait3A_293] : memref<10240x16xf32, #tpu.memory_space<vmem_shared>> -> memref<10240x16xf32, #tpu.memory_space<vmem_shared>>
        tpu.wait_indirect_dma semaphore(%run_scoped3A_282 : memref<!tpu.dma_semaphore, #tpu.memory_space<semaphore_mem>>) src(%arg9 : memref<128x16xf32, #tpu.memory_space<vmem>>) dst(%dma_wait3A_294 : memref<10240x16xf32, #tpu.memory_space<vmem_shared>>)
        tpu.yield
      }) : () -> ()
      %dma_wait3A_169 = arith.constant 2 : i32
      %dma_wait3A_170 = arith.constant 0 : i32
      %dma_wait3A_171 = tpu.memref_slice %arg6[%dma_wait3A_169, %dma_wait3A_170] : memref<16x128xi32, #tpu.memory_space<vmem>> -> memref<1x128xi32, #tpu.memory_space<vmem>>
      %dma_wait3A_172 = tpu.memref_squeeze %dma_wait3A_171 : memref<1x128xi32, #tpu.memory_space<vmem>> -> memref<128xi32, #tpu.memory_space<vmem>>
      %dma_wait3A_173 = arith.constant 0 : i32
      %dma_wait3A_174 = arith.constant 0 : i32
      %dma_wait3A_175 = tpu.memref_slice %arg2[%dma_wait3A_173, %dma_wait3A_174] : memref<20480x16xf32, #tpu.memory_space<hbm>> -> memref<20480x16xf32, #tpu.memory_space<hbm>>
      tpu.wait_indirect_dma semaphore(%arg25 : memref<!tpu.dma_semaphore, #tpu.memory_space<semaphore_mem>>) src(%dma_wait3A_175 : memref<20480x16xf32, #tpu.memory_space<hbm>>) dst(%arg10 : memref<128x16xf32, #tpu.memory_space<vmem>>)
      %run_scoped3A_176 = arith.constant 2 : i32
      "tpu.region"() ({
        %run_scoped3A_282 = tpu.sem_alloc : memref<!tpu.dma_semaphore, #tpu.memory_space<semaphore_mem>>
        %dma_start3A_283 = arith.constant 0 : i32
        %dma_start3A_284 = tpu.memref_slice %arg7[%run_scoped3A_176, %dma_start3A_283] : memref<16x128xi32, #tpu.memory_space<vmem>> -> memref<1x128xi32, #tpu.memory_space<vmem>>
        %dma_start3A_285 = tpu.memref_squeeze %dma_start3A_284 : memref<1x128xi32, #tpu.memory_space<vmem>> -> memref<128xi32, #tpu.memory_space<vmem>>
        %dma_start3A_286 = arith.constant 0 : i32
        %dma_start3A_287 = arith.constant 0 : i32
        %dma_start3A_288 = tpu.memref_slice %arg24[%dma_start3A_286, %dma_start3A_287] : memref<10240x16xf32, #tpu.memory_space<vmem_shared>> -> memref<10240x16xf32, #tpu.memory_space<vmem_shared>>
        tpu.enqueue_indirect_dma source(%arg10 : memref<128x16xf32, #tpu.memory_space<vmem>>) target(%dma_start3A_288 : memref<10240x16xf32, #tpu.memory_space<vmem_shared>>) offsets(%dma_start3A_285 : memref<128xi32, #tpu.memory_space<vmem>>) semaphore(%run_scoped3A_282 : memref<!tpu.dma_semaphore, #tpu.memory_space<semaphore_mem>>) {add = true}
        %dma_wait3A_289 = arith.constant 0 : i32
        %dma_wait3A_290 = tpu.memref_slice %arg7[%run_scoped3A_176, %dma_wait3A_289] : memref<16x128xi32, #tpu.memory_space<vmem>> -> memref<1x128xi32, #tpu.memory_space<vmem>>
        %dma_wait3A_291 = tpu.memref_squeeze %dma_wait3A_290 : memref<1x128xi32, #tpu.memory_space<vmem>> -> memref<128xi32, #tpu.memory_space<vmem>>
        %dma_wait3A_292 = arith.constant 0 : i32
        %dma_wait3A_293 = arith.constant 0 : i32
        %dma_wait3A_294 = tpu.memref_slice %arg24[%dma_wait3A_292, %dma_wait3A_293] : memref<10240x16xf32, #tpu.memory_space<vmem_shared>> -> memref<10240x16xf32, #tpu.memory_space<vmem_shared>>
        tpu.wait_indirect_dma semaphore(%run_scoped3A_282 : memref<!tpu.dma_semaphore, #tpu.memory_space<semaphore_mem>>) src(%arg10 : memref<128x16xf32, #tpu.memory_space<vmem>>) dst(%dma_wait3A_294 : memref<10240x16xf32, #tpu.memory_space<vmem_shared>>)
        tpu.yield
      }) : () -> ()
      %dma_wait3A_177 = arith.constant 3 : i32
      %dma_wait3A_178 = arith.constant 0 : i32
      %dma_wait3A_179 = tpu.memref_slice %arg6[%dma_wait3A_177, %dma_wait3A_178] : memref<16x128xi32, #tpu.memory_space<vmem>> -> memref<1x128xi32, #tpu.memory_space<vmem>>
      %dma_wait3A_180 = tpu.memref_squeeze %dma_wait3A_179 : memref<1x128xi32, #tpu.memory_space<vmem>> -> memref<128xi32, #tpu.memory_space<vmem>>
      %dma_wait3A_181 = arith.constant 0 : i32
      %dma_wait3A_182 = arith.constant 0 : i32
      %dma_wait3A_183 = tpu.memref_slice %arg2[%dma_wait3A_181, %dma_wait3A_182] : memref<20480x16xf32, #tpu.memory_space<hbm>> -> memref<20480x16xf32, #tpu.memory_space<hbm>>
      tpu.wait_indirect_dma semaphore(%arg25 : memref<!tpu.dma_semaphore, #tpu.memory_space<semaphore_mem>>) src(%dma_wait3A_183 : memref<20480x16xf32, #tpu.memory_space<hbm>>) dst(%arg11 : memref<128x16xf32, #tpu.memory_space<vmem>>)
      %run_scoped3A_184 = arith.constant 3 : i32
      "tpu.region"() ({
        %run_scoped3A_282 = tpu.sem_alloc : memref<!tpu.dma_semaphore, #tpu.memory_space<semaphore_mem>>
        %dma_start3A_283 = arith.constant 0 : i32
        %dma_start3A_284 = tpu.memref_slice %arg7[%run_scoped3A_184, %dma_start3A_283] : memref<16x128xi32, #tpu.memory_space<vmem>> -> memref<1x128xi32, #tpu.memory_space<vmem>>
        %dma_start3A_285 = tpu.memref_squeeze %dma_start3A_284 : memref<1x128xi32, #tpu.memory_space<vmem>> -> memref<128xi32, #tpu.memory_space<vmem>>
        %dma_start3A_286 = arith.constant 0 : i32
        %dma_start3A_287 = arith.constant 0 : i32
        %dma_start3A_288 = tpu.memref_slice %arg24[%dma_start3A_286, %dma_start3A_287] : memref<10240x16xf32, #tpu.memory_space<vmem_shared>> -> memref<10240x16xf32, #tpu.memory_space<vmem_shared>>
        tpu.enqueue_indirect_dma source(%arg11 : memref<128x16xf32, #tpu.memory_space<vmem>>) target(%dma_start3A_288 : memref<10240x16xf32, #tpu.memory_space<vmem_shared>>) offsets(%dma_start3A_285 : memref<128xi32, #tpu.memory_space<vmem>>) semaphore(%run_scoped3A_282 : memref<!tpu.dma_semaphore, #tpu.memory_space<semaphore_mem>>) {add = true}
        %dma_wait3A_289 = arith.constant 0 : i32
        %dma_wait3A_290 = tpu.memref_slice %arg7[%run_scoped3A_184, %dma_wait3A_289] : memref<16x128xi32, #tpu.memory_space<vmem>> -> memref<1x128xi32, #tpu.memory_space<vmem>>
        %dma_wait3A_291 = tpu.memref_squeeze %dma_wait3A_290 : memref<1x128xi32, #tpu.memory_space<vmem>> -> memref<128xi32, #tpu.memory_space<vmem>>
        %dma_wait3A_292 = arith.constant 0 : i32
        %dma_wait3A_293 = arith.constant 0 : i32
        %dma_wait3A_294 = tpu.memref_slice %arg24[%dma_wait3A_292, %dma_wait3A_293] : memref<10240x16xf32, #tpu.memory_space<vmem_shared>> -> memref<10240x16xf32, #tpu.memory_space<vmem_shared>>
        tpu.wait_indirect_dma semaphore(%run_scoped3A_282 : memref<!tpu.dma_semaphore, #tpu.memory_space<semaphore_mem>>) src(%arg11 : memref<128x16xf32, #tpu.memory_space<vmem>>) dst(%dma_wait3A_294 : memref<10240x16xf32, #tpu.memory_space<vmem_shared>>)
        tpu.yield
      }) : () -> ()
      %dma_wait3A_185 = arith.constant 4 : i32
      %dma_wait3A_186 = arith.constant 0 : i32
      %dma_wait3A_187 = tpu.memref_slice %arg6[%dma_wait3A_185, %dma_wait3A_186] : memref<16x128xi32, #tpu.memory_space<vmem>> -> memref<1x128xi32, #tpu.memory_space<vmem>>
      %dma_wait3A_188 = tpu.memref_squeeze %dma_wait3A_187 : memref<1x128xi32, #tpu.memory_space<vmem>> -> memref<128xi32, #tpu.memory_space<vmem>>
      %dma_wait3A_189 = arith.constant 0 : i32
      %dma_wait3A_190 = arith.constant 0 : i32
      %dma_wait3A_191 = tpu.memref_slice %arg2[%dma_wait3A_189, %dma_wait3A_190] : memref<20480x16xf32, #tpu.memory_space<hbm>> -> memref<20480x16xf32, #tpu.memory_space<hbm>>
      tpu.wait_indirect_dma semaphore(%arg25 : memref<!tpu.dma_semaphore, #tpu.memory_space<semaphore_mem>>) src(%dma_wait3A_191 : memref<20480x16xf32, #tpu.memory_space<hbm>>) dst(%arg12 : memref<128x16xf32, #tpu.memory_space<vmem>>)
      %run_scoped3A_192 = arith.constant 4 : i32
      "tpu.region"() ({
        %run_scoped3A_282 = tpu.sem_alloc : memref<!tpu.dma_semaphore, #tpu.memory_space<semaphore_mem>>
        %dma_start3A_283 = arith.constant 0 : i32
        %dma_start3A_284 = tpu.memref_slice %arg7[%run_scoped3A_192, %dma_start3A_283] : memref<16x128xi32, #tpu.memory_space<vmem>> -> memref<1x128xi32, #tpu.memory_space<vmem>>
        %dma_start3A_285 = tpu.memref_squeeze %dma_start3A_284 : memref<1x128xi32, #tpu.memory_space<vmem>> -> memref<128xi32, #tpu.memory_space<vmem>>
        %dma_start3A_286 = arith.constant 0 : i32
        %dma_start3A_287 = arith.constant 0 : i32
        %dma_start3A_288 = tpu.memref_slice %arg24[%dma_start3A_286, %dma_start3A_287] : memref<10240x16xf32, #tpu.memory_space<vmem_shared>> -> memref<10240x16xf32, #tpu.memory_space<vmem_shared>>
        tpu.enqueue_indirect_dma source(%arg12 : memref<128x16xf32, #tpu.memory_space<vmem>>) target(%dma_start3A_288 : memref<10240x16xf32, #tpu.memory_space<vmem_shared>>) offsets(%dma_start3A_285 : memref<128xi32, #tpu.memory_space<vmem>>) semaphore(%run_scoped3A_282 : memref<!tpu.dma_semaphore, #tpu.memory_space<semaphore_mem>>) {add = true}
        %dma_wait3A_289 = arith.constant 0 : i32
        %dma_wait3A_290 = tpu.memref_slice %arg7[%run_scoped3A_192, %dma_wait3A_289] : memref<16x128xi32, #tpu.memory_space<vmem>> -> memref<1x128xi32, #tpu.memory_space<vmem>>
        %dma_wait3A_291 = tpu.memref_squeeze %dma_wait3A_290 : memref<1x128xi32, #tpu.memory_space<vmem>> -> memref<128xi32, #tpu.memory_space<vmem>>
        %dma_wait3A_292 = arith.constant 0 : i32
        %dma_wait3A_293 = arith.constant 0 : i32
        %dma_wait3A_294 = tpu.memref_slice %arg24[%dma_wait3A_292, %dma_wait3A_293] : memref<10240x16xf32, #tpu.memory_space<vmem_shared>> -> memref<10240x16xf32, #tpu.memory_space<vmem_shared>>
        tpu.wait_indirect_dma semaphore(%run_scoped3A_282 : memref<!tpu.dma_semaphore, #tpu.memory_space<semaphore_mem>>) src(%arg12 : memref<128x16xf32, #tpu.memory_space<vmem>>) dst(%dma_wait3A_294 : memref<10240x16xf32, #tpu.memory_space<vmem_shared>>)
        tpu.yield
      }) : () -> ()
      %dma_wait3A_193 = arith.constant 5 : i32
      %dma_wait3A_194 = arith.constant 0 : i32
      %dma_wait3A_195 = tpu.memref_slice %arg6[%dma_wait3A_193, %dma_wait3A_194] : memref<16x128xi32, #tpu.memory_space<vmem>> -> memref<1x128xi32, #tpu.memory_space<vmem>>
      %dma_wait3A_196 = tpu.memref_squeeze %dma_wait3A_195 : memref<1x128xi32, #tpu.memory_space<vmem>> -> memref<128xi32, #tpu.memory_space<vmem>>
      %dma_wait3A_197 = arith.constant 0 : i32
      %dma_wait3A_198 = arith.constant 0 : i32
      %dma_wait3A_199 = tpu.memref_slice %arg2[%dma_wait3A_197, %dma_wait3A_198] : memref<20480x16xf32, #tpu.memory_space<hbm>> -> memref<20480x16xf32, #tpu.memory_space<hbm>>
      tpu.wait_indirect_dma semaphore(%arg25 : memref<!tpu.dma_semaphore, #tpu.memory_space<semaphore_mem>>) src(%dma_wait3A_199 : memref<20480x16xf32, #tpu.memory_space<hbm>>) dst(%arg13 : memref<128x16xf32, #tpu.memory_space<vmem>>)
      %run_scoped3A_200 = arith.constant 5 : i32
      "tpu.region"() ({
        %run_scoped3A_282 = tpu.sem_alloc : memref<!tpu.dma_semaphore, #tpu.memory_space<semaphore_mem>>
        %dma_start3A_283 = arith.constant 0 : i32
        %dma_start3A_284 = tpu.memref_slice %arg7[%run_scoped3A_200, %dma_start3A_283] : memref<16x128xi32, #tpu.memory_space<vmem>> -> memref<1x128xi32, #tpu.memory_space<vmem>>
        %dma_start3A_285 = tpu.memref_squeeze %dma_start3A_284 : memref<1x128xi32, #tpu.memory_space<vmem>> -> memref<128xi32, #tpu.memory_space<vmem>>
        %dma_start3A_286 = arith.constant 0 : i32
        %dma_start3A_287 = arith.constant 0 : i32
        %dma_start3A_288 = tpu.memref_slice %arg24[%dma_start3A_286, %dma_start3A_287] : memref<10240x16xf32, #tpu.memory_space<vmem_shared>> -> memref<10240x16xf32, #tpu.memory_space<vmem_shared>>
        tpu.enqueue_indirect_dma source(%arg13 : memref<128x16xf32, #tpu.memory_space<vmem>>) target(%dma_start3A_288 : memref<10240x16xf32, #tpu.memory_space<vmem_shared>>) offsets(%dma_start3A_285 : memref<128xi32, #tpu.memory_space<vmem>>) semaphore(%run_scoped3A_282 : memref<!tpu.dma_semaphore, #tpu.memory_space<semaphore_mem>>) {add = true}
        %dma_wait3A_289 = arith.constant 0 : i32
        %dma_wait3A_290 = tpu.memref_slice %arg7[%run_scoped3A_200, %dma_wait3A_289] : memref<16x128xi32, #tpu.memory_space<vmem>> -> memref<1x128xi32, #tpu.memory_space<vmem>>
        %dma_wait3A_291 = tpu.memref_squeeze %dma_wait3A_290 : memref<1x128xi32, #tpu.memory_space<vmem>> -> memref<128xi32, #tpu.memory_space<vmem>>
        %dma_wait3A_292 = arith.constant 0 : i32
        %dma_wait3A_293 = arith.constant 0 : i32
        %dma_wait3A_294 = tpu.memref_slice %arg24[%dma_wait3A_292, %dma_wait3A_293] : memref<10240x16xf32, #tpu.memory_space<vmem_shared>> -> memref<10240x16xf32, #tpu.memory_space<vmem_shared>>
        tpu.wait_indirect_dma semaphore(%run_scoped3A_282 : memref<!tpu.dma_semaphore, #tpu.memory_space<semaphore_mem>>) src(%arg13 : memref<128x16xf32, #tpu.memory_space<vmem>>) dst(%dma_wait3A_294 : memref<10240x16xf32, #tpu.memory_space<vmem_shared>>)
        tpu.yield
      }) : () -> ()
      %dma_wait3A_201 = arith.constant 6 : i32
      %dma_wait3A_202 = arith.constant 0 : i32
      %dma_wait3A_203 = tpu.memref_slice %arg6[%dma_wait3A_201, %dma_wait3A_202] : memref<16x128xi32, #tpu.memory_space<vmem>> -> memref<1x128xi32, #tpu.memory_space<vmem>>
      %dma_wait3A_204 = tpu.memref_squeeze %dma_wait3A_203 : memref<1x128xi32, #tpu.memory_space<vmem>> -> memref<128xi32, #tpu.memory_space<vmem>>
      %dma_wait3A_205 = arith.constant 0 : i32
      %dma_wait3A_206 = arith.constant 0 : i32
      %dma_wait3A_207 = tpu.memref_slice %arg2[%dma_wait3A_205, %dma_wait3A_206] : memref<20480x16xf32, #tpu.memory_space<hbm>> -> memref<20480x16xf32, #tpu.memory_space<hbm>>
      tpu.wait_indirect_dma semaphore(%arg25 : memref<!tpu.dma_semaphore, #tpu.memory_space<semaphore_mem>>) src(%dma_wait3A_207 : memref<20480x16xf32, #tpu.memory_space<hbm>>) dst(%arg14 : memref<128x16xf32, #tpu.memory_space<vmem>>)
      %run_scoped3A_208 = arith.constant 6 : i32
      "tpu.region"() ({
        %run_scoped3A_282 = tpu.sem_alloc : memref<!tpu.dma_semaphore, #tpu.memory_space<semaphore_mem>>
        %dma_start3A_283 = arith.constant 0 : i32
        %dma_start3A_284 = tpu.memref_slice %arg7[%run_scoped3A_208, %dma_start3A_283] : memref<16x128xi32, #tpu.memory_space<vmem>> -> memref<1x128xi32, #tpu.memory_space<vmem>>
        %dma_start3A_285 = tpu.memref_squeeze %dma_start3A_284 : memref<1x128xi32, #tpu.memory_space<vmem>> -> memref<128xi32, #tpu.memory_space<vmem>>
        %dma_start3A_286 = arith.constant 0 : i32
        %dma_start3A_287 = arith.constant 0 : i32
        %dma_start3A_288 = tpu.memref_slice %arg24[%dma_start3A_286, %dma_start3A_287] : memref<10240x16xf32, #tpu.memory_space<vmem_shared>> -> memref<10240x16xf32, #tpu.memory_space<vmem_shared>>
        tpu.enqueue_indirect_dma source(%arg14 : memref<128x16xf32, #tpu.memory_space<vmem>>) target(%dma_start3A_288 : memref<10240x16xf32, #tpu.memory_space<vmem_shared>>) offsets(%dma_start3A_285 : memref<128xi32, #tpu.memory_space<vmem>>) semaphore(%run_scoped3A_282 : memref<!tpu.dma_semaphore, #tpu.memory_space<semaphore_mem>>) {add = true}
        %dma_wait3A_289 = arith.constant 0 : i32
        %dma_wait3A_290 = tpu.memref_slice %arg7[%run_scoped3A_208, %dma_wait3A_289] : memref<16x128xi32, #tpu.memory_space<vmem>> -> memref<1x128xi32, #tpu.memory_space<vmem>>
        %dma_wait3A_291 = tpu.memref_squeeze %dma_wait3A_290 : memref<1x128xi32, #tpu.memory_space<vmem>> -> memref<128xi32, #tpu.memory_space<vmem>>
        %dma_wait3A_292 = arith.constant 0 : i32
        %dma_wait3A_293 = arith.constant 0 : i32
        %dma_wait3A_294 = tpu.memref_slice %arg24[%dma_wait3A_292, %dma_wait3A_293] : memref<10240x16xf32, #tpu.memory_space<vmem_shared>> -> memref<10240x16xf32, #tpu.memory_space<vmem_shared>>
        tpu.wait_indirect_dma semaphore(%run_scoped3A_282 : memref<!tpu.dma_semaphore, #tpu.memory_space<semaphore_mem>>) src(%arg14 : memref<128x16xf32, #tpu.memory_space<vmem>>) dst(%dma_wait3A_294 : memref<10240x16xf32, #tpu.memory_space<vmem_shared>>)
        tpu.yield
      }) : () -> ()
      %dma_wait3A_209 = arith.constant 7 : i32
      %dma_wait3A_210 = arith.constant 0 : i32
      %dma_wait3A_211 = tpu.memref_slice %arg6[%dma_wait3A_209, %dma_wait3A_210] : memref<16x128xi32, #tpu.memory_space<vmem>> -> memref<1x128xi32, #tpu.memory_space<vmem>>
      %dma_wait3A_212 = tpu.memref_squeeze %dma_wait3A_211 : memref<1x128xi32, #tpu.memory_space<vmem>> -> memref<128xi32, #tpu.memory_space<vmem>>
      %dma_wait3A_213 = arith.constant 0 : i32
      %dma_wait3A_214 = arith.constant 0 : i32
      %dma_wait3A_215 = tpu.memref_slice %arg2[%dma_wait3A_213, %dma_wait3A_214] : memref<20480x16xf32, #tpu.memory_space<hbm>> -> memref<20480x16xf32, #tpu.memory_space<hbm>>
      tpu.wait_indirect_dma semaphore(%arg25 : memref<!tpu.dma_semaphore, #tpu.memory_space<semaphore_mem>>) src(%dma_wait3A_215 : memref<20480x16xf32, #tpu.memory_space<hbm>>) dst(%arg15 : memref<128x16xf32, #tpu.memory_space<vmem>>)
      %run_scoped3A_216 = arith.constant 7 : i32
      "tpu.region"() ({
        %run_scoped3A_282 = tpu.sem_alloc : memref<!tpu.dma_semaphore, #tpu.memory_space<semaphore_mem>>
        %dma_start3A_283 = arith.constant 0 : i32
        %dma_start3A_284 = tpu.memref_slice %arg7[%run_scoped3A_216, %dma_start3A_283] : memref<16x128xi32, #tpu.memory_space<vmem>> -> memref<1x128xi32, #tpu.memory_space<vmem>>
        %dma_start3A_285 = tpu.memref_squeeze %dma_start3A_284 : memref<1x128xi32, #tpu.memory_space<vmem>> -> memref<128xi32, #tpu.memory_space<vmem>>
        %dma_start3A_286 = arith.constant 0 : i32
        %dma_start3A_287 = arith.constant 0 : i32
        %dma_start3A_288 = tpu.memref_slice %arg24[%dma_start3A_286, %dma_start3A_287] : memref<10240x16xf32, #tpu.memory_space<vmem_shared>> -> memref<10240x16xf32, #tpu.memory_space<vmem_shared>>
        tpu.enqueue_indirect_dma source(%arg15 : memref<128x16xf32, #tpu.memory_space<vmem>>) target(%dma_start3A_288 : memref<10240x16xf32, #tpu.memory_space<vmem_shared>>) offsets(%dma_start3A_285 : memref<128xi32, #tpu.memory_space<vmem>>) semaphore(%run_scoped3A_282 : memref<!tpu.dma_semaphore, #tpu.memory_space<semaphore_mem>>) {add = true}
        %dma_wait3A_289 = arith.constant 0 : i32
        %dma_wait3A_290 = tpu.memref_slice %arg7[%run_scoped3A_216, %dma_wait3A_289] : memref<16x128xi32, #tpu.memory_space<vmem>> -> memref<1x128xi32, #tpu.memory_space<vmem>>
        %dma_wait3A_291 = tpu.memref_squeeze %dma_wait3A_290 : memref<1x128xi32, #tpu.memory_space<vmem>> -> memref<128xi32, #tpu.memory_space<vmem>>
        %dma_wait3A_292 = arith.constant 0 : i32
        %dma_wait3A_293 = arith.constant 0 : i32
        %dma_wait3A_294 = tpu.memref_slice %arg24[%dma_wait3A_292, %dma_wait3A_293] : memref<10240x16xf32, #tpu.memory_space<vmem_shared>> -> memref<10240x16xf32, #tpu.memory_space<vmem_shared>>
        tpu.wait_indirect_dma semaphore(%run_scoped3A_282 : memref<!tpu.dma_semaphore, #tpu.memory_space<semaphore_mem>>) src(%arg15 : memref<128x16xf32, #tpu.memory_space<vmem>>) dst(%dma_wait3A_294 : memref<10240x16xf32, #tpu.memory_space<vmem_shared>>)
        tpu.yield
      }) : () -> ()
      %dma_wait3A_217 = arith.constant 8 : i32
      %dma_wait3A_218 = arith.constant 0 : i32
      %dma_wait3A_219 = tpu.memref_slice %arg6[%dma_wait3A_217, %dma_wait3A_218] : memref<16x128xi32, #tpu.memory_space<vmem>> -> memref<1x128xi32, #tpu.memory_space<vmem>>
      %dma_wait3A_220 = tpu.memref_squeeze %dma_wait3A_219 : memref<1x128xi32, #tpu.memory_space<vmem>> -> memref<128xi32, #tpu.memory_space<vmem>>
      %dma_wait3A_221 = arith.constant 0 : i32
      %dma_wait3A_222 = arith.constant 0 : i32
      %dma_wait3A_223 = tpu.memref_slice %arg2[%dma_wait3A_221, %dma_wait3A_222] : memref<20480x16xf32, #tpu.memory_space<hbm>> -> memref<20480x16xf32, #tpu.memory_space<hbm>>
      tpu.wait_indirect_dma semaphore(%arg25 : memref<!tpu.dma_semaphore, #tpu.memory_space<semaphore_mem>>) src(%dma_wait3A_223 : memref<20480x16xf32, #tpu.memory_space<hbm>>) dst(%arg16 : memref<128x16xf32, #tpu.memory_space<vmem>>)
      %run_scoped3A_224 = arith.constant 8 : i32
      "tpu.region"() ({
        %run_scoped3A_282 = tpu.sem_alloc : memref<!tpu.dma_semaphore, #tpu.memory_space<semaphore_mem>>
        %dma_start3A_283 = arith.constant 0 : i32
        %dma_start3A_284 = tpu.memref_slice %arg7[%run_scoped3A_224, %dma_start3A_283] : memref<16x128xi32, #tpu.memory_space<vmem>> -> memref<1x128xi32, #tpu.memory_space<vmem>>
        %dma_start3A_285 = tpu.memref_squeeze %dma_start3A_284 : memref<1x128xi32, #tpu.memory_space<vmem>> -> memref<128xi32, #tpu.memory_space<vmem>>
        %dma_start3A_286 = arith.constant 0 : i32
        %dma_start3A_287 = arith.constant 0 : i32
        %dma_start3A_288 = tpu.memref_slice %arg24[%dma_start3A_286, %dma_start3A_287] : memref<10240x16xf32, #tpu.memory_space<vmem_shared>> -> memref<10240x16xf32, #tpu.memory_space<vmem_shared>>
        tpu.enqueue_indirect_dma source(%arg16 : memref<128x16xf32, #tpu.memory_space<vmem>>) target(%dma_start3A_288 : memref<10240x16xf32, #tpu.memory_space<vmem_shared>>) offsets(%dma_start3A_285 : memref<128xi32, #tpu.memory_space<vmem>>) semaphore(%run_scoped3A_282 : memref<!tpu.dma_semaphore, #tpu.memory_space<semaphore_mem>>) {add = true}
        %dma_wait3A_289 = arith.constant 0 : i32
        %dma_wait3A_290 = tpu.memref_slice %arg7[%run_scoped3A_224, %dma_wait3A_289] : memref<16x128xi32, #tpu.memory_space<vmem>> -> memref<1x128xi32, #tpu.memory_space<vmem>>
        %dma_wait3A_291 = tpu.memref_squeeze %dma_wait3A_290 : memref<1x128xi32, #tpu.memory_space<vmem>> -> memref<128xi32, #tpu.memory_space<vmem>>
        %dma_wait3A_292 = arith.constant 0 : i32
        %dma_wait3A_293 = arith.constant 0 : i32
        %dma_wait3A_294 = tpu.memref_slice %arg24[%dma_wait3A_292, %dma_wait3A_293] : memref<10240x16xf32, #tpu.memory_space<vmem_shared>> -> memref<10240x16xf32, #tpu.memory_space<vmem_shared>>
        tpu.wait_indirect_dma semaphore(%run_scoped3A_282 : memref<!tpu.dma_semaphore, #tpu.memory_space<semaphore_mem>>) src(%arg16 : memref<128x16xf32, #tpu.memory_space<vmem>>) dst(%dma_wait3A_294 : memref<10240x16xf32, #tpu.memory_space<vmem_shared>>)
        tpu.yield
      }) : () -> ()
      %dma_wait3A_225 = arith.constant 9 : i32
      %dma_wait3A_226 = arith.constant 0 : i32
      %dma_wait3A_227 = tpu.memref_slice %arg6[%dma_wait3A_225, %dma_wait3A_226] : memref<16x128xi32, #tpu.memory_space<vmem>> -> memref<1x128xi32, #tpu.memory_space<vmem>>
      %dma_wait3A_228 = tpu.memref_squeeze %dma_wait3A_227 : memref<1x128xi32, #tpu.memory_space<vmem>> -> memref<128xi32, #tpu.memory_space<vmem>>
      %dma_wait3A_229 = arith.constant 0 : i32
      %dma_wait3A_230 = arith.constant 0 : i32
      %dma_wait3A_231 = tpu.memref_slice %arg2[%dma_wait3A_229, %dma_wait3A_230] : memref<20480x16xf32, #tpu.memory_space<hbm>> -> memref<20480x16xf32, #tpu.memory_space<hbm>>
      tpu.wait_indirect_dma semaphore(%arg25 : memref<!tpu.dma_semaphore, #tpu.memory_space<semaphore_mem>>) src(%dma_wait3A_231 : memref<20480x16xf32, #tpu.memory_space<hbm>>) dst(%arg17 : memref<128x16xf32, #tpu.memory_space<vmem>>)
      %run_scoped3A_232 = arith.constant 9 : i32
      "tpu.region"() ({
        %run_scoped3A_282 = tpu.sem_alloc : memref<!tpu.dma_semaphore, #tpu.memory_space<semaphore_mem>>
        %dma_start3A_283 = arith.constant 0 : i32
        %dma_start3A_284 = tpu.memref_slice %arg7[%run_scoped3A_232, %dma_start3A_283] : memref<16x128xi32, #tpu.memory_space<vmem>> -> memref<1x128xi32, #tpu.memory_space<vmem>>
        %dma_start3A_285 = tpu.memref_squeeze %dma_start3A_284 : memref<1x128xi32, #tpu.memory_space<vmem>> -> memref<128xi32, #tpu.memory_space<vmem>>
        %dma_start3A_286 = arith.constant 0 : i32
        %dma_start3A_287 = arith.constant 0 : i32
        %dma_start3A_288 = tpu.memref_slice %arg24[%dma_start3A_286, %dma_start3A_287] : memref<10240x16xf32, #tpu.memory_space<vmem_shared>> -> memref<10240x16xf32, #tpu.memory_space<vmem_shared>>
        tpu.enqueue_indirect_dma source(%arg17 : memref<128x16xf32, #tpu.memory_space<vmem>>) target(%dma_start3A_288 : memref<10240x16xf32, #tpu.memory_space<vmem_shared>>) offsets(%dma_start3A_285 : memref<128xi32, #tpu.memory_space<vmem>>) semaphore(%run_scoped3A_282 : memref<!tpu.dma_semaphore, #tpu.memory_space<semaphore_mem>>) {add = true}
        %dma_wait3A_289 = arith.constant 0 : i32
        %dma_wait3A_290 = tpu.memref_slice %arg7[%run_scoped3A_232, %dma_wait3A_289] : memref<16x128xi32, #tpu.memory_space<vmem>> -> memref<1x128xi32, #tpu.memory_space<vmem>>
        %dma_wait3A_291 = tpu.memref_squeeze %dma_wait3A_290 : memref<1x128xi32, #tpu.memory_space<vmem>> -> memref<128xi32, #tpu.memory_space<vmem>>
        %dma_wait3A_292 = arith.constant 0 : i32
        %dma_wait3A_293 = arith.constant 0 : i32
        %dma_wait3A_294 = tpu.memref_slice %arg24[%dma_wait3A_292, %dma_wait3A_293] : memref<10240x16xf32, #tpu.memory_space<vmem_shared>> -> memref<10240x16xf32, #tpu.memory_space<vmem_shared>>
        tpu.wait_indirect_dma semaphore(%run_scoped3A_282 : memref<!tpu.dma_semaphore, #tpu.memory_space<semaphore_mem>>) src(%arg17 : memref<128x16xf32, #tpu.memory_space<vmem>>) dst(%dma_wait3A_294 : memref<10240x16xf32, #tpu.memory_space<vmem_shared>>)
        tpu.yield
      }) : () -> ()
      %dma_wait3A_233 = arith.constant 10 : i32
      %dma_wait3A_234 = arith.constant 0 : i32
      %dma_wait3A_235 = tpu.memref_slice %arg6[%dma_wait3A_233, %dma_wait3A_234] : memref<16x128xi32, #tpu.memory_space<vmem>> -> memref<1x128xi32, #tpu.memory_space<vmem>>
      %dma_wait3A_236 = tpu.memref_squeeze %dma_wait3A_235 : memref<1x128xi32, #tpu.memory_space<vmem>> -> memref<128xi32, #tpu.memory_space<vmem>>
      %dma_wait3A_237 = arith.constant 0 : i32
      %dma_wait3A_238 = arith.constant 0 : i32
      %dma_wait3A_239 = tpu.memref_slice %arg2[%dma_wait3A_237, %dma_wait3A_238] : memref<20480x16xf32, #tpu.memory_space<hbm>> -> memref<20480x16xf32, #tpu.memory_space<hbm>>
      tpu.wait_indirect_dma semaphore(%arg25 : memref<!tpu.dma_semaphore, #tpu.memory_space<semaphore_mem>>) src(%dma_wait3A_239 : memref<20480x16xf32, #tpu.memory_space<hbm>>) dst(%arg18 : memref<128x16xf32, #tpu.memory_space<vmem>>)
      %run_scoped3A_240 = arith.constant 10 : i32
      "tpu.region"() ({
        %run_scoped3A_282 = tpu.sem_alloc : memref<!tpu.dma_semaphore, #tpu.memory_space<semaphore_mem>>
        %dma_start3A_283 = arith.constant 0 : i32
        %dma_start3A_284 = tpu.memref_slice %arg7[%run_scoped3A_240, %dma_start3A_283] : memref<16x128xi32, #tpu.memory_space<vmem>> -> memref<1x128xi32, #tpu.memory_space<vmem>>
        %dma_start3A_285 = tpu.memref_squeeze %dma_start3A_284 : memref<1x128xi32, #tpu.memory_space<vmem>> -> memref<128xi32, #tpu.memory_space<vmem>>
        %dma_start3A_286 = arith.constant 0 : i32
        %dma_start3A_287 = arith.constant 0 : i32
        %dma_start3A_288 = tpu.memref_slice %arg24[%dma_start3A_286, %dma_start3A_287] : memref<10240x16xf32, #tpu.memory_space<vmem_shared>> -> memref<10240x16xf32, #tpu.memory_space<vmem_shared>>
        tpu.enqueue_indirect_dma source(%arg18 : memref<128x16xf32, #tpu.memory_space<vmem>>) target(%dma_start3A_288 : memref<10240x16xf32, #tpu.memory_space<vmem_shared>>) offsets(%dma_start3A_285 : memref<128xi32, #tpu.memory_space<vmem>>) semaphore(%run_scoped3A_282 : memref<!tpu.dma_semaphore, #tpu.memory_space<semaphore_mem>>) {add = true}
        %dma_wait3A_289 = arith.constant 0 : i32
        %dma_wait3A_290 = tpu.memref_slice %arg7[%run_scoped3A_240, %dma_wait3A_289] : memref<16x128xi32, #tpu.memory_space<vmem>> -> memref<1x128xi32, #tpu.memory_space<vmem>>
        %dma_wait3A_291 = tpu.memref_squeeze %dma_wait3A_290 : memref<1x128xi32, #tpu.memory_space<vmem>> -> memref<128xi32, #tpu.memory_space<vmem>>
        %dma_wait3A_292 = arith.constant 0 : i32
        %dma_wait3A_293 = arith.constant 0 : i32
        %dma_wait3A_294 = tpu.memref_slice %arg24[%dma_wait3A_292, %dma_wait3A_293] : memref<10240x16xf32, #tpu.memory_space<vmem_shared>> -> memref<10240x16xf32, #tpu.memory_space<vmem_shared>>
        tpu.wait_indirect_dma semaphore(%run_scoped3A_282 : memref<!tpu.dma_semaphore, #tpu.memory_space<semaphore_mem>>) src(%arg18 : memref<128x16xf32, #tpu.memory_space<vmem>>) dst(%dma_wait3A_294 : memref<10240x16xf32, #tpu.memory_space<vmem_shared>>)
        tpu.yield
      }) : () -> ()
      %dma_wait3A_241 = arith.constant 11 : i32
      %dma_wait3A_242 = arith.constant 0 : i32
      %dma_wait3A_243 = tpu.memref_slice %arg6[%dma_wait3A_241, %dma_wait3A_242] : memref<16x128xi32, #tpu.memory_space<vmem>> -> memref<1x128xi32, #tpu.memory_space<vmem>>
      %dma_wait3A_244 = tpu.memref_squeeze %dma_wait3A_243 : memref<1x128xi32, #tpu.memory_space<vmem>> -> memref<128xi32, #tpu.memory_space<vmem>>
      %dma_wait3A_245 = arith.constant 0 : i32
      %dma_wait3A_246 = arith.constant 0 : i32
      %dma_wait3A_247 = tpu.memref_slice %arg2[%dma_wait3A_245, %dma_wait3A_246] : memref<20480x16xf32, #tpu.memory_space<hbm>> -> memref<20480x16xf32, #tpu.memory_space<hbm>>
      tpu.wait_indirect_dma semaphore(%arg25 : memref<!tpu.dma_semaphore, #tpu.memory_space<semaphore_mem>>) src(%dma_wait3A_247 : memref<20480x16xf32, #tpu.memory_space<hbm>>) dst(%arg19 : memref<128x16xf32, #tpu.memory_space<vmem>>)
      %run_scoped3A_248 = arith.constant 11 : i32
      "tpu.region"() ({
        %run_scoped3A_282 = tpu.sem_alloc : memref<!tpu.dma_semaphore, #tpu.memory_space<semaphore_mem>>
        %dma_start3A_283 = arith.constant 0 : i32
        %dma_start3A_284 = tpu.memref_slice %arg7[%run_scoped3A_248, %dma_start3A_283] : memref<16x128xi32, #tpu.memory_space<vmem>> -> memref<1x128xi32, #tpu.memory_space<vmem>>
        %dma_start3A_285 = tpu.memref_squeeze %dma_start3A_284 : memref<1x128xi32, #tpu.memory_space<vmem>> -> memref<128xi32, #tpu.memory_space<vmem>>
        %dma_start3A_286 = arith.constant 0 : i32
        %dma_start3A_287 = arith.constant 0 : i32
        %dma_start3A_288 = tpu.memref_slice %arg24[%dma_start3A_286, %dma_start3A_287] : memref<10240x16xf32, #tpu.memory_space<vmem_shared>> -> memref<10240x16xf32, #tpu.memory_space<vmem_shared>>
        tpu.enqueue_indirect_dma source(%arg19 : memref<128x16xf32, #tpu.memory_space<vmem>>) target(%dma_start3A_288 : memref<10240x16xf32, #tpu.memory_space<vmem_shared>>) offsets(%dma_start3A_285 : memref<128xi32, #tpu.memory_space<vmem>>) semaphore(%run_scoped3A_282 : memref<!tpu.dma_semaphore, #tpu.memory_space<semaphore_mem>>) {add = true}
        %dma_wait3A_289 = arith.constant 0 : i32
        %dma_wait3A_290 = tpu.memref_slice %arg7[%run_scoped3A_248, %dma_wait3A_289] : memref<16x128xi32, #tpu.memory_space<vmem>> -> memref<1x128xi32, #tpu.memory_space<vmem>>
        %dma_wait3A_291 = tpu.memref_squeeze %dma_wait3A_290 : memref<1x128xi32, #tpu.memory_space<vmem>> -> memref<128xi32, #tpu.memory_space<vmem>>
        %dma_wait3A_292 = arith.constant 0 : i32
        %dma_wait3A_293 = arith.constant 0 : i32
        %dma_wait3A_294 = tpu.memref_slice %arg24[%dma_wait3A_292, %dma_wait3A_293] : memref<10240x16xf32, #tpu.memory_space<vmem_shared>> -> memref<10240x16xf32, #tpu.memory_space<vmem_shared>>
        tpu.wait_indirect_dma semaphore(%run_scoped3A_282 : memref<!tpu.dma_semaphore, #tpu.memory_space<semaphore_mem>>) src(%arg19 : memref<128x16xf32, #tpu.memory_space<vmem>>) dst(%dma_wait3A_294 : memref<10240x16xf32, #tpu.memory_space<vmem_shared>>)
        tpu.yield
      }) : () -> ()
      %dma_wait3A_249 = arith.constant 12 : i32
      %dma_wait3A_250 = arith.constant 0 : i32
      %dma_wait3A_251 = tpu.memref_slice %arg6[%dma_wait3A_249, %dma_wait3A_250] : memref<16x128xi32, #tpu.memory_space<vmem>> -> memref<1x128xi32, #tpu.memory_space<vmem>>
      %dma_wait3A_252 = tpu.memref_squeeze %dma_wait3A_251 : memref<1x128xi32, #tpu.memory_space<vmem>> -> memref<128xi32, #tpu.memory_space<vmem>>
      %dma_wait3A_253 = arith.constant 0 : i32
      %dma_wait3A_254 = arith.constant 0 : i32
      %dma_wait3A_255 = tpu.memref_slice %arg2[%dma_wait3A_253, %dma_wait3A_254] : memref<20480x16xf32, #tpu.memory_space<hbm>> -> memref<20480x16xf32, #tpu.memory_space<hbm>>
      tpu.wait_indirect_dma semaphore(%arg25 : memref<!tpu.dma_semaphore, #tpu.memory_space<semaphore_mem>>) src(%dma_wait3A_255 : memref<20480x16xf32, #tpu.memory_space<hbm>>) dst(%arg20 : memref<128x16xf32, #tpu.memory_space<vmem>>)
      %run_scoped3A_256 = arith.constant 12 : i32
      "tpu.region"() ({
        %run_scoped3A_282 = tpu.sem_alloc : memref<!tpu.dma_semaphore, #tpu.memory_space<semaphore_mem>>
        %dma_start3A_283 = arith.constant 0 : i32
        %dma_start3A_284 = tpu.memref_slice %arg7[%run_scoped3A_256, %dma_start3A_283] : memref<16x128xi32, #tpu.memory_space<vmem>> -> memref<1x128xi32, #tpu.memory_space<vmem>>
        %dma_start3A_285 = tpu.memref_squeeze %dma_start3A_284 : memref<1x128xi32, #tpu.memory_space<vmem>> -> memref<128xi32, #tpu.memory_space<vmem>>
        %dma_start3A_286 = arith.constant 0 : i32
        %dma_start3A_287 = arith.constant 0 : i32
        %dma_start3A_288 = tpu.memref_slice %arg24[%dma_start3A_286, %dma_start3A_287] : memref<10240x16xf32, #tpu.memory_space<vmem_shared>> -> memref<10240x16xf32, #tpu.memory_space<vmem_shared>>
        tpu.enqueue_indirect_dma source(%arg20 : memref<128x16xf32, #tpu.memory_space<vmem>>) target(%dma_start3A_288 : memref<10240x16xf32, #tpu.memory_space<vmem_shared>>) offsets(%dma_start3A_285 : memref<128xi32, #tpu.memory_space<vmem>>) semaphore(%run_scoped3A_282 : memref<!tpu.dma_semaphore, #tpu.memory_space<semaphore_mem>>) {add = true}
        %dma_wait3A_289 = arith.constant 0 : i32
        %dma_wait3A_290 = tpu.memref_slice %arg7[%run_scoped3A_256, %dma_wait3A_289] : memref<16x128xi32, #tpu.memory_space<vmem>> -> memref<1x128xi32, #tpu.memory_space<vmem>>
        %dma_wait3A_291 = tpu.memref_squeeze %dma_wait3A_290 : memref<1x128xi32, #tpu.memory_space<vmem>> -> memref<128xi32, #tpu.memory_space<vmem>>
        %dma_wait3A_292 = arith.constant 0 : i32
        %dma_wait3A_293 = arith.constant 0 : i32
        %dma_wait3A_294 = tpu.memref_slice %arg24[%dma_wait3A_292, %dma_wait3A_293] : memref<10240x16xf32, #tpu.memory_space<vmem_shared>> -> memref<10240x16xf32, #tpu.memory_space<vmem_shared>>
        tpu.wait_indirect_dma semaphore(%run_scoped3A_282 : memref<!tpu.dma_semaphore, #tpu.memory_space<semaphore_mem>>) src(%arg20 : memref<128x16xf32, #tpu.memory_space<vmem>>) dst(%dma_wait3A_294 : memref<10240x16xf32, #tpu.memory_space<vmem_shared>>)
        tpu.yield
      }) : () -> ()
      %dma_wait3A_257 = arith.constant 13 : i32
      %dma_wait3A_258 = arith.constant 0 : i32
      %dma_wait3A_259 = tpu.memref_slice %arg6[%dma_wait3A_257, %dma_wait3A_258] : memref<16x128xi32, #tpu.memory_space<vmem>> -> memref<1x128xi32, #tpu.memory_space<vmem>>
      %dma_wait3A_260 = tpu.memref_squeeze %dma_wait3A_259 : memref<1x128xi32, #tpu.memory_space<vmem>> -> memref<128xi32, #tpu.memory_space<vmem>>
      %dma_wait3A_261 = arith.constant 0 : i32
      %dma_wait3A_262 = arith.constant 0 : i32
      %dma_wait3A_263 = tpu.memref_slice %arg2[%dma_wait3A_261, %dma_wait3A_262] : memref<20480x16xf32, #tpu.memory_space<hbm>> -> memref<20480x16xf32, #tpu.memory_space<hbm>>
      tpu.wait_indirect_dma semaphore(%arg25 : memref<!tpu.dma_semaphore, #tpu.memory_space<semaphore_mem>>) src(%dma_wait3A_263 : memref<20480x16xf32, #tpu.memory_space<hbm>>) dst(%arg21 : memref<128x16xf32, #tpu.memory_space<vmem>>)
      %run_scoped3A_264 = arith.constant 13 : i32
      "tpu.region"() ({
        %run_scoped3A_282 = tpu.sem_alloc : memref<!tpu.dma_semaphore, #tpu.memory_space<semaphore_mem>>
        %dma_start3A_283 = arith.constant 0 : i32
        %dma_start3A_284 = tpu.memref_slice %arg7[%run_scoped3A_264, %dma_start3A_283] : memref<16x128xi32, #tpu.memory_space<vmem>> -> memref<1x128xi32, #tpu.memory_space<vmem>>
        %dma_start3A_285 = tpu.memref_squeeze %dma_start3A_284 : memref<1x128xi32, #tpu.memory_space<vmem>> -> memref<128xi32, #tpu.memory_space<vmem>>
        %dma_start3A_286 = arith.constant 0 : i32
        %dma_start3A_287 = arith.constant 0 : i32
        %dma_start3A_288 = tpu.memref_slice %arg24[%dma_start3A_286, %dma_start3A_287] : memref<10240x16xf32, #tpu.memory_space<vmem_shared>> -> memref<10240x16xf32, #tpu.memory_space<vmem_shared>>
        tpu.enqueue_indirect_dma source(%arg21 : memref<128x16xf32, #tpu.memory_space<vmem>>) target(%dma_start3A_288 : memref<10240x16xf32, #tpu.memory_space<vmem_shared>>) offsets(%dma_start3A_285 : memref<128xi32, #tpu.memory_space<vmem>>) semaphore(%run_scoped3A_282 : memref<!tpu.dma_semaphore, #tpu.memory_space<semaphore_mem>>) {add = true}
        %dma_wait3A_289 = arith.constant 0 : i32
        %dma_wait3A_290 = tpu.memref_slice %arg7[%run_scoped3A_264, %dma_wait3A_289] : memref<16x128xi32, #tpu.memory_space<vmem>> -> memref<1x128xi32, #tpu.memory_space<vmem>>
        %dma_wait3A_291 = tpu.memref_squeeze %dma_wait3A_290 : memref<1x128xi32, #tpu.memory_space<vmem>> -> memref<128xi32, #tpu.memory_space<vmem>>
        %dma_wait3A_292 = arith.constant 0 : i32
        %dma_wait3A_293 = arith.constant 0 : i32
        %dma_wait3A_294 = tpu.memref_slice %arg24[%dma_wait3A_292, %dma_wait3A_293] : memref<10240x16xf32, #tpu.memory_space<vmem_shared>> -> memref<10240x16xf32, #tpu.memory_space<vmem_shared>>
        tpu.wait_indirect_dma semaphore(%run_scoped3A_282 : memref<!tpu.dma_semaphore, #tpu.memory_space<semaphore_mem>>) src(%arg21 : memref<128x16xf32, #tpu.memory_space<vmem>>) dst(%dma_wait3A_294 : memref<10240x16xf32, #tpu.memory_space<vmem_shared>>)
        tpu.yield
      }) : () -> ()
      %dma_wait3A_265 = arith.constant 14 : i32
      %dma_wait3A_266 = arith.constant 0 : i32
      %dma_wait3A_267 = tpu.memref_slice %arg6[%dma_wait3A_265, %dma_wait3A_266] : memref<16x128xi32, #tpu.memory_space<vmem>> -> memref<1x128xi32, #tpu.memory_space<vmem>>
      %dma_wait3A_268 = tpu.memref_squeeze %dma_wait3A_267 : memref<1x128xi32, #tpu.memory_space<vmem>> -> memref<128xi32, #tpu.memory_space<vmem>>
      %dma_wait3A_269 = arith.constant 0 : i32
      %dma_wait3A_270 = arith.constant 0 : i32
      %dma_wait3A_271 = tpu.memref_slice %arg2[%dma_wait3A_269, %dma_wait3A_270] : memref<20480x16xf32, #tpu.memory_space<hbm>> -> memref<20480x16xf32, #tpu.memory_space<hbm>>
      tpu.wait_indirect_dma semaphore(%arg25 : memref<!tpu.dma_semaphore, #tpu.memory_space<semaphore_mem>>) src(%dma_wait3A_271 : memref<20480x16xf32, #tpu.memory_space<hbm>>) dst(%arg22 : memref<128x16xf32, #tpu.memory_space<vmem>>)
      %run_scoped3A_272 = arith.constant 14 : i32
      "tpu.region"() ({
        %run_scoped3A_282 = tpu.sem_alloc : memref<!tpu.dma_semaphore, #tpu.memory_space<semaphore_mem>>
        %dma_start3A_283 = arith.constant 0 : i32
        %dma_start3A_284 = tpu.memref_slice %arg7[%run_scoped3A_272, %dma_start3A_283] : memref<16x128xi32, #tpu.memory_space<vmem>> -> memref<1x128xi32, #tpu.memory_space<vmem>>
        %dma_start3A_285 = tpu.memref_squeeze %dma_start3A_284 : memref<1x128xi32, #tpu.memory_space<vmem>> -> memref<128xi32, #tpu.memory_space<vmem>>
        %dma_start3A_286 = arith.constant 0 : i32
        %dma_start3A_287 = arith.constant 0 : i32
        %dma_start3A_288 = tpu.memref_slice %arg24[%dma_start3A_286, %dma_start3A_287] : memref<10240x16xf32, #tpu.memory_space<vmem_shared>> -> memref<10240x16xf32, #tpu.memory_space<vmem_shared>>
        tpu.enqueue_indirect_dma source(%arg22 : memref<128x16xf32, #tpu.memory_space<vmem>>) target(%dma_start3A_288 : memref<10240x16xf32, #tpu.memory_space<vmem_shared>>) offsets(%dma_start3A_285 : memref<128xi32, #tpu.memory_space<vmem>>) semaphore(%run_scoped3A_282 : memref<!tpu.dma_semaphore, #tpu.memory_space<semaphore_mem>>) {add = true}
        %dma_wait3A_289 = arith.constant 0 : i32
        %dma_wait3A_290 = tpu.memref_slice %arg7[%run_scoped3A_272, %dma_wait3A_289] : memref<16x128xi32, #tpu.memory_space<vmem>> -> memref<1x128xi32, #tpu.memory_space<vmem>>
        %dma_wait3A_291 = tpu.memref_squeeze %dma_wait3A_290 : memref<1x128xi32, #tpu.memory_space<vmem>> -> memref<128xi32, #tpu.memory_space<vmem>>
        %dma_wait3A_292 = arith.constant 0 : i32
        %dma_wait3A_293 = arith.constant 0 : i32
        %dma_wait3A_294 = tpu.memref_slice %arg24[%dma_wait3A_292, %dma_wait3A_293] : memref<10240x16xf32, #tpu.memory_space<vmem_shared>> -> memref<10240x16xf32, #tpu.memory_space<vmem_shared>>
        tpu.wait_indirect_dma semaphore(%run_scoped3A_282 : memref<!tpu.dma_semaphore, #tpu.memory_space<semaphore_mem>>) src(%arg22 : memref<128x16xf32, #tpu.memory_space<vmem>>) dst(%dma_wait3A_294 : memref<10240x16xf32, #tpu.memory_space<vmem_shared>>)
        tpu.yield
      }) : () -> ()
      %dma_wait3A_273 = arith.constant 15 : i32
      %dma_wait3A_274 = arith.constant 0 : i32
      %dma_wait3A_275 = tpu.memref_slice %arg6[%dma_wait3A_273, %dma_wait3A_274] : memref<16x128xi32, #tpu.memory_space<vmem>> -> memref<1x128xi32, #tpu.memory_space<vmem>>
      %dma_wait3A_276 = tpu.memref_squeeze %dma_wait3A_275 : memref<1x128xi32, #tpu.memory_space<vmem>> -> memref<128xi32, #tpu.memory_space<vmem>>
      %dma_wait3A_277 = arith.constant 0 : i32
      %dma_wait3A_278 = arith.constant 0 : i32
      %dma_wait3A_279 = tpu.memref_slice %arg2[%dma_wait3A_277, %dma_wait3A_278] : memref<20480x16xf32, #tpu.memory_space<hbm>> -> memref<20480x16xf32, #tpu.memory_space<hbm>>
      tpu.wait_indirect_dma semaphore(%arg25 : memref<!tpu.dma_semaphore, #tpu.memory_space<semaphore_mem>>) src(%dma_wait3A_279 : memref<20480x16xf32, #tpu.memory_space<hbm>>) dst(%arg23 : memref<128x16xf32, #tpu.memory_space<vmem>>)
      %run_scoped3A_280 = arith.constant 15 : i32
      "tpu.region"() ({
        %run_scoped3A_282 = tpu.sem_alloc : memref<!tpu.dma_semaphore, #tpu.memory_space<semaphore_mem>>
        %dma_start3A_283 = arith.constant 0 : i32
        %dma_start3A_284 = tpu.memref_slice %arg7[%run_scoped3A_280, %dma_start3A_283] : memref<16x128xi32, #tpu.memory_space<vmem>> -> memref<1x128xi32, #tpu.memory_space<vmem>>
        %dma_start3A_285 = tpu.memref_squeeze %dma_start3A_284 : memref<1x128xi32, #tpu.memory_space<vmem>> -> memref<128xi32, #tpu.memory_space<vmem>>
        %dma_start3A_286 = arith.constant 0 : i32
        %dma_start3A_287 = arith.constant 0 : i32
        %dma_start3A_288 = tpu.memref_slice %arg24[%dma_start3A_286, %dma_start3A_287] : memref<10240x16xf32, #tpu.memory_space<vmem_shared>> -> memref<10240x16xf32, #tpu.memory_space<vmem_shared>>
        tpu.enqueue_indirect_dma source(%arg23 : memref<128x16xf32, #tpu.memory_space<vmem>>) target(%dma_start3A_288 : memref<10240x16xf32, #tpu.memory_space<vmem_shared>>) offsets(%dma_start3A_285 : memref<128xi32, #tpu.memory_space<vmem>>) semaphore(%run_scoped3A_282 : memref<!tpu.dma_semaphore, #tpu.memory_space<semaphore_mem>>) {add = true}
        %dma_wait3A_289 = arith.constant 0 : i32
        %dma_wait3A_290 = tpu.memref_slice %arg7[%run_scoped3A_280, %dma_wait3A_289] : memref<16x128xi32, #tpu.memory_space<vmem>> -> memref<1x128xi32, #tpu.memory_space<vmem>>
        %dma_wait3A_291 = tpu.memref_squeeze %dma_wait3A_290 : memref<1x128xi32, #tpu.memory_space<vmem>> -> memref<128xi32, #tpu.memory_space<vmem>>
        %dma_wait3A_292 = arith.constant 0 : i32
        %dma_wait3A_293 = arith.constant 0 : i32
        %dma_wait3A_294 = tpu.memref_slice %arg24[%dma_wait3A_292, %dma_wait3A_293] : memref<10240x16xf32, #tpu.memory_space<vmem_shared>> -> memref<10240x16xf32, #tpu.memory_space<vmem_shared>>
        tpu.wait_indirect_dma semaphore(%run_scoped3A_282 : memref<!tpu.dma_semaphore, #tpu.memory_space<semaphore_mem>>) src(%arg23 : memref<128x16xf32, #tpu.memory_space<vmem>>) dst(%dma_wait3A_294 : memref<10240x16xf32, #tpu.memory_space<vmem_shared>>)
        tpu.yield
      }) : () -> ()
      %scan3A_281 = arith.constant 0 : i32
      scf.yield %scan3A_281 : i32
    }
    %scan3A_31 = arith.constant 10 : i32
    %barrier3A_32 = arith.constant 0 : index
    tpu.barrier barrier_id(%barrier3A_32)
    %mul3A_33 = arith.constant 640 : i32
    %mul3A_34 = arith.muli %arg1, %mul3A_33 : i32
    %mul3A_35 = arith.constant 640 : i32
    %mul3A_36 = arith.muli %arg1, %mul3A_35 : i32
    "tpu.region"() ({
      %run_scoped3A = tpu.sem_alloc : memref<!tpu.dma_semaphore, #tpu.memory_space<semaphore_mem>>
      %dma_start3A = arith.constant 0 : i32
      %dma_start3A_37 = tpu.memref_slice %arg5[%arg0, %mul3A_36, %dma_start3A] : memref<2x10240x16xf32, #tpu.memory_space<hbm>> -> memref<1x640x16xf32, #tpu.memory_space<hbm>>
      %dma_start3A_38 = tpu.memref_squeeze %dma_start3A_37 : memref<1x640x16xf32, #tpu.memory_space<hbm>> -> memref<640x16xf32, #tpu.memory_space<hbm>>
      %dma_start3A_39 = arith.constant 0 : i32
      %dma_start3A_40 = tpu.memref_slice %arg24[%mul3A_34, %dma_start3A_39] : memref<10240x16xf32, #tpu.memory_space<vmem_shared>> -> memref<640x16xf32, #tpu.memory_space<vmem_shared>>
      tpu.enqueue_dma source(%dma_start3A_40 : memref<640x16xf32, #tpu.memory_space<vmem_shared>>) target(%dma_start3A_38 : memref<640x16xf32, #tpu.memory_space<hbm>>) target_semaphore(%run_scoped3A : memref<!tpu.dma_semaphore, #tpu.memory_space<semaphore_mem>>)
      %dma_wait3A = arith.constant 0 : i32
      %dma_wait3A_41 = tpu.memref_slice %arg5[%arg0, %mul3A_36, %dma_wait3A] : memref<2x10240x16xf32, #tpu.memory_space<hbm>> -> memref<1x640x16xf32, #tpu.memory_space<hbm>>
      %dma_wait3A_42 = tpu.memref_squeeze %dma_wait3A_41 : memref<1x640x16xf32, #tpu.memory_space<hbm>> -> memref<640x16xf32, #tpu.memory_space<hbm>>
      %dma_wait3A_43 = arith.constant 0 : i32
      %dma_wait3A_44 = tpu.memref_slice %arg24[%mul3A_34, %dma_wait3A_43] : memref<10240x16xf32, #tpu.memory_space<vmem_shared>> -> memref<640x16xf32, #tpu.memory_space<vmem_shared>>
      tpu.wait_dma2 semaphore(%run_scoped3A : memref<!tpu.dma_semaphore, #tpu.memory_space<semaphore_mem>>) src(%dma_wait3A_44 : memref<640x16xf32, #tpu.memory_space<vmem_shared>>) dst(%dma_wait3A_42 : memref<640x16xf32, #tpu.memory_space<hbm>>)
      tpu.yield
    }) : () -> ()
    return
  }
}

#map = affine_map<(d0, d1) -> (0, 0)>
module attributes {stable_mosaic.version = 14 : i64} {
  func.func @_degree(%arg0: i32, %arg1: i32, %arg2: memref<2560x128xi32, #tpu.memory_space<hbm>>, %arg3: memref<2x10240xf32, #tpu.memory_space<hbm>>, %arg4: memref<16x128xi32, #tpu.memory_space<vmem>>, %arg5: memref<128xf32, #tpu.memory_space<vmem>>, %arg6: memref<640xf32, #tpu.memory_space<vmem>>, %arg7: memref<10240xf32, #tpu.memory_space<vmem_shared>>) attributes {dimension_semantics = [#tpu.dimension_semantics<core_parallel>, #tpu.dimension_semantics<subcore_parallel>], iteration_bounds = array<i64: 2, 16>, scalar_prefetch = 0 : i64, scratch_operands = 4 : i64, tpu.core_type = #tpu.core_type<sc_vector_subcore>, window_params = [{transform_indices = #map}, {transform_indices = #map}]} {
    %mul3A = arith.constant 16 : i32
    %mul3A_0 = arith.muli %arg0, %mul3A : i32
    %add3A = arith.addi %mul3A_0, %arg1 : i32
    %broadcast_in_dim3A = arith.constant 1.000000e+00 : f32
    %broadcast_in_dim3A_1 = vector.broadcast %broadcast_in_dim3A : f32 to vector<16xf32>
    %broadcast_in_dim3A_2 = arith.constant 0.000000e+00 : f32
    %broadcast_in_dim3A_3 = vector.broadcast %broadcast_in_dim3A_2 : f32 to vector<16xf32>
    %swap3A = arith.constant 0 : index
    %swap3A_4 = tpu.vector_load %arg5[%swap3A] {strides = array<i32>} : memref<128xf32, #tpu.memory_space<vmem>>, vector<16xf32>,
    %swap3A_5 = vector.shape_cast %swap3A_4 : vector<16xf32> to vector<16xf32>
    %swap3A_6 = vector.shape_cast %broadcast_in_dim3A_1 : vector<16xf32> to vector<16xf32>
    tpu.vector_store %arg5[%swap3A], %swap3A_6 {strides = array<i32>} : memref<128xf32, #tpu.memory_space<vmem>>, vector<16xf32>,
    %swap3A_7 = arith.constant 16 : index
    %swap3A_8 = tpu.vector_load %arg5[%swap3A_7] {strides = array<i32>} : memref<128xf32, #tpu.memory_space<vmem>>, vector<16xf32>,
    %swap3A_9 = vector.shape_cast %swap3A_8 : vector<16xf32> to vector<16xf32>
    %swap3A_10 = vector.shape_cast %broadcast_in_dim3A_1 : vector<16xf32> to vector<16xf32>
    tpu.vector_store %arg5[%swap3A_7], %swap3A_10 {strides = array<i32>} : memref<128xf32, #tpu.memory_space<vmem>>, vector<16xf32>,
    %swap3A_11 = arith.constant 32 : index
    %swap3A_12 = tpu.vector_load %arg5[%swap3A_11] {strides = array<i32>} : memref<128xf32, #tpu.memory_space<vmem>>, vector<16xf32>,
    %swap3A_13 = vector.shape_cast %swap3A_12 : vector<16xf32> to vector<16xf32>
    %swap3A_14 = vector.shape_cast %broadcast_in_dim3A_1 : vector<16xf32> to vector<16xf32>
    tpu.vector_store %arg5[%swap3A_11], %swap3A_14 {strides = array<i32>} : memref<128xf32, #tpu.memory_space<vmem>>, vector<16xf32>,
    %swap3A_15 = arith.constant 48 : index
    %swap3A_16 = tpu.vector_load %arg5[%swap3A_15] {strides = array<i32>} : memref<128xf32, #tpu.memory_space<vmem>>, vector<16xf32>,
    %swap3A_17 = vector.shape_cast %swap3A_16 : vector<16xf32> to vector<16xf32>
    %swap3A_18 = vector.shape_cast %broadcast_in_dim3A_1 : vector<16xf32> to vector<16xf32>
    tpu.vector_store %arg5[%swap3A_15], %swap3A_18 {strides = array<i32>} : memref<128xf32, #tpu.memory_space<vmem>>, vector<16xf32>,
    %swap3A_19 = arith.constant 64 : index
    %swap3A_20 = tpu.vector_load %arg5[%swap3A_19] {strides = array<i32>} : memref<128xf32, #tpu.memory_space<vmem>>, vector<16xf32>,
    %swap3A_21 = vector.shape_cast %swap3A_20 : vector<16xf32> to vector<16xf32>
    %swap3A_22 = vector.shape_cast %broadcast_in_dim3A_1 : vector<16xf32> to vector<16xf32>
    tpu.vector_store %arg5[%swap3A_19], %swap3A_22 {strides = array<i32>} : memref<128xf32, #tpu.memory_space<vmem>>, vector<16xf32>,
    %swap3A_23 = arith.constant 80 : index
    %swap3A_24 = tpu.vector_load %arg5[%swap3A_23] {strides = array<i32>} : memref<128xf32, #tpu.memory_space<vmem>>, vector<16xf32>,
    %swap3A_25 = vector.shape_cast %swap3A_24 : vector<16xf32> to vector<16xf32>
    %swap3A_26 = vector.shape_cast %broadcast_in_dim3A_1 : vector<16xf32> to vector<16xf32>
    tpu.vector_store %arg5[%swap3A_23], %swap3A_26 {strides = array<i32>} : memref<128xf32, #tpu.memory_space<vmem>>, vector<16xf32>,
    %swap3A_27 = arith.constant 96 : index
    %swap3A_28 = tpu.vector_load %arg5[%swap3A_27] {strides = array<i32>} : memref<128xf32, #tpu.memory_space<vmem>>, vector<16xf32>,
    %swap3A_29 = vector.shape_cast %swap3A_28 : vector<16xf32> to vector<16xf32>
    %swap3A_30 = vector.shape_cast %broadcast_in_dim3A_1 : vector<16xf32> to vector<16xf32>
    tpu.vector_store %arg5[%swap3A_27], %swap3A_30 {strides = array<i32>} : memref<128xf32, #tpu.memory_space<vmem>>, vector<16xf32>,
    %swap3A_31 = arith.constant 112 : index
    %swap3A_32 = tpu.vector_load %arg5[%swap3A_31] {strides = array<i32>} : memref<128xf32, #tpu.memory_space<vmem>>, vector<16xf32>,
    %swap3A_33 = vector.shape_cast %swap3A_32 : vector<16xf32> to vector<16xf32>
    %swap3A_34 = vector.shape_cast %broadcast_in_dim3A_1 : vector<16xf32> to vector<16xf32>
    tpu.vector_store %arg5[%swap3A_31], %swap3A_34 {strides = array<i32>} : memref<128xf32, #tpu.memory_space<vmem>>, vector<16xf32>,
    %scan3A = arith.constant 0 : i32
    %scan3A_35 = arith.constant 0 : i32
    %scan3A_36 = arith.constant 40 : i32
    %scan3A_37 = arith.addi %scan3A_35, %scan3A_36 : i32
    %scan3A_38 = arith.constant 1 : i32
    %scan3A_39 = scf.for %scan3A_55 = %scan3A_35 to %scan3A_37 step %scan3A_38 iter_args(%scan3A_56 = %scan3A) -> (i32)  : i32 {
      %mul3A_57 = arith.constant 16 : i32
      %mul3A_58 = arith.muli %scan3A_55, %mul3A_57 : i32
      %swap3A_59 = arith.index_cast %mul3A_58 : i32 to index
      %swap3A_60 = tpu.vector_load %arg6[%swap3A_59] {strides = array<i32>} : memref<640xf32, #tpu.memory_space<vmem>>, vector<16xf32>,
      %swap3A_61 = vector.shape_cast %swap3A_60 : vector<16xf32> to vector<16xf32>
      %swap3A_62 = vector.shape_cast %broadcast_in_dim3A_3 : vector<16xf32> to vector<16xf32>
      tpu.vector_store %arg6[%swap3A_59], %swap3A_62 {strides = array<i32>} : memref<640xf32, #tpu.memory_space<vmem>>, vector<16xf32>,
      %scan3A_63 = arith.constant 0 : i32
      scf.yield %scan3A_63 : i32
    }
    %scan3A_40 = arith.constant 40 : i32
    %mul3A_41 = arith.constant 640 : i32
    %mul3A_42 = arith.muli %arg1, %mul3A_41 : i32
    "tpu.region"() ({
      %run_scoped3A = tpu.sem_alloc : memref<!tpu.dma_semaphore, #tpu.memory_space<semaphore_mem>>
      %dma_start3A = tpu.memref_slice %arg7[%mul3A_42] : memref<10240xf32, #tpu.memory_space<vmem_shared>> -> memref<640xf32, #tpu.memory_space<vmem_shared>>
      %dma_start3A_55 = tpu.memref_slice %arg7[%mul3A_42] : memref<10240xf32, #tpu.memory_space<vmem_shared>> -> memref<640xf32, #tpu.memory_space<vmem_shared>>
      tpu.enqueue_dma source(%arg6 : memref<640xf32, #tpu.memory_space<vmem>>) target(%dma_start3A_55 : memref<640xf32, #tpu.memory_space<vmem_shared>>) target_semaphore(%run_scoped3A : memref<!tpu.dma_semaphore, #tpu.memory_space<semaphore_mem>>)
      %dma_wait3A = tpu.memref_slice %arg7[%mul3A_42] : memref<10240xf32, #tpu.memory_space<vmem_shared>> -> memref<640xf32, #tpu.memory_space<vmem_shared>>
      %dma_wait3A_56 = tpu.memref_slice %arg7[%mul3A_42] : memref<10240xf32, #tpu.memory_space<vmem_shared>> -> memref<640xf32, #tpu.memory_space<vmem_shared>>
      tpu.wait_dma2 semaphore(%run_scoped3A : memref<!tpu.dma_semaphore, #tpu.memory_space<semaphore_mem>>) src(%arg6 : memref<640xf32, #tpu.memory_space<vmem>>) dst(%dma_wait3A_56 : memref<640xf32, #tpu.memory_space<vmem_shared>>)
      tpu.yield
    }) : () -> ()
    %barrier3A = arith.constant 0 : index
    tpu.barrier barrier_id(%barrier3A)
    %scan3A_43 = arith.constant 0 : i32
    %scan3A_44 = arith.constant 0 : i32
    %scan3A_45 = arith.constant 5 : i32
    %scan3A_46 = arith.addi %scan3A_44, %scan3A_45 : i32
    %scan3A_47 = arith.constant 1 : i32
    %scan3A_48 = scf.for %scan3A_55 = %scan3A_44 to %scan3A_46 step %scan3A_47 iter_args(%scan3A_56 = %scan3A_43) -> (i32)  : i32 {
      %mul3A_57 = arith.constant 80 : i32
      %mul3A_58 = arith.muli %add3A, %mul3A_57 : i32
      %mul3A_59 = arith.constant 16 : i32
      %mul3A_60 = arith.muli %scan3A_55, %mul3A_59 : i32
      %add3A_61 = arith.addi %mul3A_58, %mul3A_60 : i32
      "tpu.region"() ({
        %run_scoped3A_78 = tpu.sem_alloc : memref<!tpu.dma_semaphore, #tpu.memory_space<semaphore_mem>>
        %dma_start3A = arith.constant 0 : i32
        %dma_start3A_79 = tpu.memref_slice %arg2[%add3A_61, %dma_start3A] : memref<2560x128xi32, #tpu.memory_space<hbm>> -> memref<16x128xi32, #tpu.memory_space<hbm>>
        %dma_start3A_80 = arith.constant 0 : i32
        %dma_start3A_81 = tpu.memref_slice %arg2[%add3A_61, %dma_start3A_80] : memref<2560x128xi32, #tpu.memory_space<hbm>> -> memref<16x128xi32, #tpu.memory_space<hbm>>
        tpu.enqueue_dma source(%dma_start3A_81 : memref<16x128xi32, #tpu.memory_space<hbm>>) target(%arg4 : memref<16x128xi32, #tpu.memory_space<vmem>>) target_semaphore(%run_scoped3A_78 : memref<!tpu.dma_semaphore, #tpu.memory_space<semaphore_mem>>)
        %dma_wait3A = arith.constant 0 : i32
        %dma_wait3A_82 = tpu.memref_slice %arg2[%add3A_61, %dma_wait3A] : memref<2560x128xi32, #tpu.memory_space<hbm>> -> memref<16x128xi32, #tpu.memory_space<hbm>>
        %dma_wait3A_83 = arith.constant 0 : i32
        %dma_wait3A_84 = tpu.memref_slice %arg2[%add3A_61, %dma_wait3A_83] : memref<2560x128xi32, #tpu.memory_space<hbm>> -> memref<16x128xi32, #tpu.memory_space<hbm>>
        tpu.wait_dma2 semaphore(%run_scoped3A_78 : memref<!tpu.dma_semaphore, #tpu.memory_space<semaphore_mem>>) src(%dma_wait3A_84 : memref<16x128xi32, #tpu.memory_space<hbm>>) dst(%arg4 : memref<16x128xi32, #tpu.memory_space<vmem>>)
        tpu.yield
      }) : () -> ()
      %run_scoped3A = arith.constant 0 : i32
      "tpu.region"() ({
        %run_scoped3A_78 = tpu.sem_alloc : memref<!tpu.dma_semaphore, #tpu.memory_space<semaphore_mem>>
        %dma_start3A = arith.constant 0 : i32
        %dma_start3A_79 = tpu.memref_slice %arg4[%run_scoped3A, %dma_start3A] : memref<16x128xi32, #tpu.memory_space<vmem>> -> memref<1x128xi32, #tpu.memory_space<vmem>>
        %dma_start3A_80 = tpu.memref_squeeze %dma_start3A_79 : memref<1x128xi32, #tpu.memory_space<vmem>> -> memref<128xi32, #tpu.memory_space<vmem>>
        %dma_start3A_81 = arith.constant 0 : i32
        %dma_start3A_82 = tpu.memref_slice %arg7[%dma_start3A_81] : memref<10240xf32, #tpu.memory_space<vmem_shared>> -> memref<10240xf32, #tpu.memory_space<vmem_shared>>
        tpu.enqueue_indirect_dma source(%arg5 : memref<128xf32, #tpu.memory_space<vmem>>) target(%dma_start3A_82 : memref<10240xf32, #tpu.memory_space<vmem_shared>>) offsets(%dma_start3A_80 : memref<128xi32, #tpu.memory_space<vmem>>) semaphore(%run_scoped3A_78 : memref<!tpu.dma_semaphore, #tpu.memory_space<semaphore_mem>>) {add = true}
        %dma_wait3A = arith.constant 0 : i32
        %dma_wait3A_83 = tpu.memref_slice %arg4[%run_scoped3A, %dma_wait3A] : memref<16x128xi32, #tpu.memory_space<vmem>> -> memref<1x128xi32, #tpu.memory_space<vmem>>
        %dma_wait3A_84 = tpu.memref_squeeze %dma_wait3A_83 : memref<1x128xi32, #tpu.memory_space<vmem>> -> memref<128xi32, #tpu.memory_space<vmem>>
        %dma_wait3A_85 = arith.constant 0 : i32
        %dma_wait3A_86 = tpu.memref_slice %arg7[%dma_wait3A_85] : memref<10240xf32, #tpu.memory_space<vmem_shared>> -> memref<10240xf32, #tpu.memory_space<vmem_shared>>
        tpu.wait_indirect_dma semaphore(%run_scoped3A_78 : memref<!tpu.dma_semaphore, #tpu.memory_space<semaphore_mem>>) src(%arg5 : memref<128xf32, #tpu.memory_space<vmem>>) dst(%dma_wait3A_86 : memref<10240xf32, #tpu.memory_space<vmem_shared>>)
        tpu.yield
      }) : () -> ()
      %run_scoped3A_62 = arith.constant 1 : i32
      "tpu.region"() ({
        %run_scoped3A_78 = tpu.sem_alloc : memref<!tpu.dma_semaphore, #tpu.memory_space<semaphore_mem>>
        %dma_start3A = arith.constant 0 : i32
        %dma_start3A_79 = tpu.memref_slice %arg4[%run_scoped3A_62, %dma_start3A] : memref<16x128xi32, #tpu.memory_space<vmem>> -> memref<1x128xi32, #tpu.memory_space<vmem>>
        %dma_start3A_80 = tpu.memref_squeeze %dma_start3A_79 : memref<1x128xi32, #tpu.memory_space<vmem>> -> memref<128xi32, #tpu.memory_space<vmem>>
        %dma_start3A_81 = arith.constant 0 : i32
        %dma_start3A_82 = tpu.memref_slice %arg7[%dma_start3A_81] : memref<10240xf32, #tpu.memory_space<vmem_shared>> -> memref<10240xf32, #tpu.memory_space<vmem_shared>>
        tpu.enqueue_indirect_dma source(%arg5 : memref<128xf32, #tpu.memory_space<vmem>>) target(%dma_start3A_82 : memref<10240xf32, #tpu.memory_space<vmem_shared>>) offsets(%dma_start3A_80 : memref<128xi32, #tpu.memory_space<vmem>>) semaphore(%run_scoped3A_78 : memref<!tpu.dma_semaphore, #tpu.memory_space<semaphore_mem>>) {add = true}
        %dma_wait3A = arith.constant 0 : i32
        %dma_wait3A_83 = tpu.memref_slice %arg4[%run_scoped3A_62, %dma_wait3A] : memref<16x128xi32, #tpu.memory_space<vmem>> -> memref<1x128xi32, #tpu.memory_space<vmem>>
        %dma_wait3A_84 = tpu.memref_squeeze %dma_wait3A_83 : memref<1x128xi32, #tpu.memory_space<vmem>> -> memref<128xi32, #tpu.memory_space<vmem>>
        %dma_wait3A_85 = arith.constant 0 : i32
        %dma_wait3A_86 = tpu.memref_slice %arg7[%dma_wait3A_85] : memref<10240xf32, #tpu.memory_space<vmem_shared>> -> memref<10240xf32, #tpu.memory_space<vmem_shared>>
        tpu.wait_indirect_dma semaphore(%run_scoped3A_78 : memref<!tpu.dma_semaphore, #tpu.memory_space<semaphore_mem>>) src(%arg5 : memref<128xf32, #tpu.memory_space<vmem>>) dst(%dma_wait3A_86 : memref<10240xf32, #tpu.memory_space<vmem_shared>>)
        tpu.yield
      }) : () -> ()
      %run_scoped3A_63 = arith.constant 2 : i32
      "tpu.region"() ({
        %run_scoped3A_78 = tpu.sem_alloc : memref<!tpu.dma_semaphore, #tpu.memory_space<semaphore_mem>>
        %dma_start3A = arith.constant 0 : i32
        %dma_start3A_79 = tpu.memref_slice %arg4[%run_scoped3A_63, %dma_start3A] : memref<16x128xi32, #tpu.memory_space<vmem>> -> memref<1x128xi32, #tpu.memory_space<vmem>>
        %dma_start3A_80 = tpu.memref_squeeze %dma_start3A_79 : memref<1x128xi32, #tpu.memory_space<vmem>> -> memref<128xi32, #tpu.memory_space<vmem>>
        %dma_start3A_81 = arith.constant 0 : i32
        %dma_start3A_82 = tpu.memref_slice %arg7[%dma_start3A_81] : memref<10240xf32, #tpu.memory_space<vmem_shared>> -> memref<10240xf32, #tpu.memory_space<vmem_shared>>
        tpu.enqueue_indirect_dma source(%arg5 : memref<128xf32, #tpu.memory_space<vmem>>) target(%dma_start3A_82 : memref<10240xf32, #tpu.memory_space<vmem_shared>>) offsets(%dma_start3A_80 : memref<128xi32, #tpu.memory_space<vmem>>) semaphore(%run_scoped3A_78 : memref<!tpu.dma_semaphore, #tpu.memory_space<semaphore_mem>>) {add = true}
        %dma_wait3A = arith.constant 0 : i32
        %dma_wait3A_83 = tpu.memref_slice %arg4[%run_scoped3A_63, %dma_wait3A] : memref<16x128xi32, #tpu.memory_space<vmem>> -> memref<1x128xi32, #tpu.memory_space<vmem>>
        %dma_wait3A_84 = tpu.memref_squeeze %dma_wait3A_83 : memref<1x128xi32, #tpu.memory_space<vmem>> -> memref<128xi32, #tpu.memory_space<vmem>>
        %dma_wait3A_85 = arith.constant 0 : i32
        %dma_wait3A_86 = tpu.memref_slice %arg7[%dma_wait3A_85] : memref<10240xf32, #tpu.memory_space<vmem_shared>> -> memref<10240xf32, #tpu.memory_space<vmem_shared>>
        tpu.wait_indirect_dma semaphore(%run_scoped3A_78 : memref<!tpu.dma_semaphore, #tpu.memory_space<semaphore_mem>>) src(%arg5 : memref<128xf32, #tpu.memory_space<vmem>>) dst(%dma_wait3A_86 : memref<10240xf32, #tpu.memory_space<vmem_shared>>)
        tpu.yield
      }) : () -> ()
      %run_scoped3A_64 = arith.constant 3 : i32
      "tpu.region"() ({
        %run_scoped3A_78 = tpu.sem_alloc : memref<!tpu.dma_semaphore, #tpu.memory_space<semaphore_mem>>
        %dma_start3A = arith.constant 0 : i32
        %dma_start3A_79 = tpu.memref_slice %arg4[%run_scoped3A_64, %dma_start3A] : memref<16x128xi32, #tpu.memory_space<vmem>> -> memref<1x128xi32, #tpu.memory_space<vmem>>
        %dma_start3A_80 = tpu.memref_squeeze %dma_start3A_79 : memref<1x128xi32, #tpu.memory_space<vmem>> -> memref<128xi32, #tpu.memory_space<vmem>>
        %dma_start3A_81 = arith.constant 0 : i32
        %dma_start3A_82 = tpu.memref_slice %arg7[%dma_start3A_81] : memref<10240xf32, #tpu.memory_space<vmem_shared>> -> memref<10240xf32, #tpu.memory_space<vmem_shared>>
        tpu.enqueue_indirect_dma source(%arg5 : memref<128xf32, #tpu.memory_space<vmem>>) target(%dma_start3A_82 : memref<10240xf32, #tpu.memory_space<vmem_shared>>) offsets(%dma_start3A_80 : memref<128xi32, #tpu.memory_space<vmem>>) semaphore(%run_scoped3A_78 : memref<!tpu.dma_semaphore, #tpu.memory_space<semaphore_mem>>) {add = true}
        %dma_wait3A = arith.constant 0 : i32
        %dma_wait3A_83 = tpu.memref_slice %arg4[%run_scoped3A_64, %dma_wait3A] : memref<16x128xi32, #tpu.memory_space<vmem>> -> memref<1x128xi32, #tpu.memory_space<vmem>>
        %dma_wait3A_84 = tpu.memref_squeeze %dma_wait3A_83 : memref<1x128xi32, #tpu.memory_space<vmem>> -> memref<128xi32, #tpu.memory_space<vmem>>
        %dma_wait3A_85 = arith.constant 0 : i32
        %dma_wait3A_86 = tpu.memref_slice %arg7[%dma_wait3A_85] : memref<10240xf32, #tpu.memory_space<vmem_shared>> -> memref<10240xf32, #tpu.memory_space<vmem_shared>>
        tpu.wait_indirect_dma semaphore(%run_scoped3A_78 : memref<!tpu.dma_semaphore, #tpu.memory_space<semaphore_mem>>) src(%arg5 : memref<128xf32, #tpu.memory_space<vmem>>) dst(%dma_wait3A_86 : memref<10240xf32, #tpu.memory_space<vmem_shared>>)
        tpu.yield
      }) : () -> ()
      %run_scoped3A_65 = arith.constant 4 : i32
      "tpu.region"() ({
        %run_scoped3A_78 = tpu.sem_alloc : memref<!tpu.dma_semaphore, #tpu.memory_space<semaphore_mem>>
        %dma_start3A = arith.constant 0 : i32
        %dma_start3A_79 = tpu.memref_slice %arg4[%run_scoped3A_65, %dma_start3A] : memref<16x128xi32, #tpu.memory_space<vmem>> -> memref<1x128xi32, #tpu.memory_space<vmem>>
        %dma_start3A_80 = tpu.memref_squeeze %dma_start3A_79 : memref<1x128xi32, #tpu.memory_space<vmem>> -> memref<128xi32, #tpu.memory_space<vmem>>
        %dma_start3A_81 = arith.constant 0 : i32
        %dma_start3A_82 = tpu.memref_slice %arg7[%dma_start3A_81] : memref<10240xf32, #tpu.memory_space<vmem_shared>> -> memref<10240xf32, #tpu.memory_space<vmem_shared>>
        tpu.enqueue_indirect_dma source(%arg5 : memref<128xf32, #tpu.memory_space<vmem>>) target(%dma_start3A_82 : memref<10240xf32, #tpu.memory_space<vmem_shared>>) offsets(%dma_start3A_80 : memref<128xi32, #tpu.memory_space<vmem>>) semaphore(%run_scoped3A_78 : memref<!tpu.dma_semaphore, #tpu.memory_space<semaphore_mem>>) {add = true}
        %dma_wait3A = arith.constant 0 : i32
        %dma_wait3A_83 = tpu.memref_slice %arg4[%run_scoped3A_65, %dma_wait3A] : memref<16x128xi32, #tpu.memory_space<vmem>> -> memref<1x128xi32, #tpu.memory_space<vmem>>
        %dma_wait3A_84 = tpu.memref_squeeze %dma_wait3A_83 : memref<1x128xi32, #tpu.memory_space<vmem>> -> memref<128xi32, #tpu.memory_space<vmem>>
        %dma_wait3A_85 = arith.constant 0 : i32
        %dma_wait3A_86 = tpu.memref_slice %arg7[%dma_wait3A_85] : memref<10240xf32, #tpu.memory_space<vmem_shared>> -> memref<10240xf32, #tpu.memory_space<vmem_shared>>
        tpu.wait_indirect_dma semaphore(%run_scoped3A_78 : memref<!tpu.dma_semaphore, #tpu.memory_space<semaphore_mem>>) src(%arg5 : memref<128xf32, #tpu.memory_space<vmem>>) dst(%dma_wait3A_86 : memref<10240xf32, #tpu.memory_space<vmem_shared>>)
        tpu.yield
      }) : () -> ()
      %run_scoped3A_66 = arith.constant 5 : i32
      "tpu.region"() ({
        %run_scoped3A_78 = tpu.sem_alloc : memref<!tpu.dma_semaphore, #tpu.memory_space<semaphore_mem>>
        %dma_start3A = arith.constant 0 : i32
        %dma_start3A_79 = tpu.memref_slice %arg4[%run_scoped3A_66, %dma_start3A] : memref<16x128xi32, #tpu.memory_space<vmem>> -> memref<1x128xi32, #tpu.memory_space<vmem>>
        %dma_start3A_80 = tpu.memref_squeeze %dma_start3A_79 : memref<1x128xi32, #tpu.memory_space<vmem>> -> memref<128xi32, #tpu.memory_space<vmem>>
        %dma_start3A_81 = arith.constant 0 : i32
        %dma_start3A_82 = tpu.memref_slice %arg7[%dma_start3A_81] : memref<10240xf32, #tpu.memory_space<vmem_shared>> -> memref<10240xf32, #tpu.memory_space<vmem_shared>>
        tpu.enqueue_indirect_dma source(%arg5 : memref<128xf32, #tpu.memory_space<vmem>>) target(%dma_start3A_82 : memref<10240xf32, #tpu.memory_space<vmem_shared>>) offsets(%dma_start3A_80 : memref<128xi32, #tpu.memory_space<vmem>>) semaphore(%run_scoped3A_78 : memref<!tpu.dma_semaphore, #tpu.memory_space<semaphore_mem>>) {add = true}
        %dma_wait3A = arith.constant 0 : i32
        %dma_wait3A_83 = tpu.memref_slice %arg4[%run_scoped3A_66, %dma_wait3A] : memref<16x128xi32, #tpu.memory_space<vmem>> -> memref<1x128xi32, #tpu.memory_space<vmem>>
        %dma_wait3A_84 = tpu.memref_squeeze %dma_wait3A_83 : memref<1x128xi32, #tpu.memory_space<vmem>> -> memref<128xi32, #tpu.memory_space<vmem>>
        %dma_wait3A_85 = arith.constant 0 : i32
        %dma_wait3A_86 = tpu.memref_slice %arg7[%dma_wait3A_85] : memref<10240xf32, #tpu.memory_space<vmem_shared>> -> memref<10240xf32, #tpu.memory_space<vmem_shared>>
        tpu.wait_indirect_dma semaphore(%run_scoped3A_78 : memref<!tpu.dma_semaphore, #tpu.memory_space<semaphore_mem>>) src(%arg5 : memref<128xf32, #tpu.memory_space<vmem>>) dst(%dma_wait3A_86 : memref<10240xf32, #tpu.memory_space<vmem_shared>>)
        tpu.yield
      }) : () -> ()
      %run_scoped3A_67 = arith.constant 6 : i32
      "tpu.region"() ({
        %run_scoped3A_78 = tpu.sem_alloc : memref<!tpu.dma_semaphore, #tpu.memory_space<semaphore_mem>>
        %dma_start3A = arith.constant 0 : i32
        %dma_start3A_79 = tpu.memref_slice %arg4[%run_scoped3A_67, %dma_start3A] : memref<16x128xi32, #tpu.memory_space<vmem>> -> memref<1x128xi32, #tpu.memory_space<vmem>>
        %dma_start3A_80 = tpu.memref_squeeze %dma_start3A_79 : memref<1x128xi32, #tpu.memory_space<vmem>> -> memref<128xi32, #tpu.memory_space<vmem>>
        %dma_start3A_81 = arith.constant 0 : i32
        %dma_start3A_82 = tpu.memref_slice %arg7[%dma_start3A_81] : memref<10240xf32, #tpu.memory_space<vmem_shared>> -> memref<10240xf32, #tpu.memory_space<vmem_shared>>
        tpu.enqueue_indirect_dma source(%arg5 : memref<128xf32, #tpu.memory_space<vmem>>) target(%dma_start3A_82 : memref<10240xf32, #tpu.memory_space<vmem_shared>>) offsets(%dma_start3A_80 : memref<128xi32, #tpu.memory_space<vmem>>) semaphore(%run_scoped3A_78 : memref<!tpu.dma_semaphore, #tpu.memory_space<semaphore_mem>>) {add = true}
        %dma_wait3A = arith.constant 0 : i32
        %dma_wait3A_83 = tpu.memref_slice %arg4[%run_scoped3A_67, %dma_wait3A] : memref<16x128xi32, #tpu.memory_space<vmem>> -> memref<1x128xi32, #tpu.memory_space<vmem>>
        %dma_wait3A_84 = tpu.memref_squeeze %dma_wait3A_83 : memref<1x128xi32, #tpu.memory_space<vmem>> -> memref<128xi32, #tpu.memory_space<vmem>>
        %dma_wait3A_85 = arith.constant 0 : i32
        %dma_wait3A_86 = tpu.memref_slice %arg7[%dma_wait3A_85] : memref<10240xf32, #tpu.memory_space<vmem_shared>> -> memref<10240xf32, #tpu.memory_space<vmem_shared>>
        tpu.wait_indirect_dma semaphore(%run_scoped3A_78 : memref<!tpu.dma_semaphore, #tpu.memory_space<semaphore_mem>>) src(%arg5 : memref<128xf32, #tpu.memory_space<vmem>>) dst(%dma_wait3A_86 : memref<10240xf32, #tpu.memory_space<vmem_shared>>)
        tpu.yield
      }) : () -> ()
      %run_scoped3A_68 = arith.constant 7 : i32
      "tpu.region"() ({
        %run_scoped3A_78 = tpu.sem_alloc : memref<!tpu.dma_semaphore, #tpu.memory_space<semaphore_mem>>
        %dma_start3A = arith.constant 0 : i32
        %dma_start3A_79 = tpu.memref_slice %arg4[%run_scoped3A_68, %dma_start3A] : memref<16x128xi32, #tpu.memory_space<vmem>> -> memref<1x128xi32, #tpu.memory_space<vmem>>
        %dma_start3A_80 = tpu.memref_squeeze %dma_start3A_79 : memref<1x128xi32, #tpu.memory_space<vmem>> -> memref<128xi32, #tpu.memory_space<vmem>>
        %dma_start3A_81 = arith.constant 0 : i32
        %dma_start3A_82 = tpu.memref_slice %arg7[%dma_start3A_81] : memref<10240xf32, #tpu.memory_space<vmem_shared>> -> memref<10240xf32, #tpu.memory_space<vmem_shared>>
        tpu.enqueue_indirect_dma source(%arg5 : memref<128xf32, #tpu.memory_space<vmem>>) target(%dma_start3A_82 : memref<10240xf32, #tpu.memory_space<vmem_shared>>) offsets(%dma_start3A_80 : memref<128xi32, #tpu.memory_space<vmem>>) semaphore(%run_scoped3A_78 : memref<!tpu.dma_semaphore, #tpu.memory_space<semaphore_mem>>) {add = true}
        %dma_wait3A = arith.constant 0 : i32
        %dma_wait3A_83 = tpu.memref_slice %arg4[%run_scoped3A_68, %dma_wait3A] : memref<16x128xi32, #tpu.memory_space<vmem>> -> memref<1x128xi32, #tpu.memory_space<vmem>>
        %dma_wait3A_84 = tpu.memref_squeeze %dma_wait3A_83 : memref<1x128xi32, #tpu.memory_space<vmem>> -> memref<128xi32, #tpu.memory_space<vmem>>
        %dma_wait3A_85 = arith.constant 0 : i32
        %dma_wait3A_86 = tpu.memref_slice %arg7[%dma_wait3A_85] : memref<10240xf32, #tpu.memory_space<vmem_shared>> -> memref<10240xf32, #tpu.memory_space<vmem_shared>>
        tpu.wait_indirect_dma semaphore(%run_scoped3A_78 : memref<!tpu.dma_semaphore, #tpu.memory_space<semaphore_mem>>) src(%arg5 : memref<128xf32, #tpu.memory_space<vmem>>) dst(%dma_wait3A_86 : memref<10240xf32, #tpu.memory_space<vmem_shared>>)
        tpu.yield
      }) : () -> ()
      %run_scoped3A_69 = arith.constant 8 : i32
      "tpu.region"() ({
        %run_scoped3A_78 = tpu.sem_alloc : memref<!tpu.dma_semaphore, #tpu.memory_space<semaphore_mem>>
        %dma_start3A = arith.constant 0 : i32
        %dma_start3A_79 = tpu.memref_slice %arg4[%run_scoped3A_69, %dma_start3A] : memref<16x128xi32, #tpu.memory_space<vmem>> -> memref<1x128xi32, #tpu.memory_space<vmem>>
        %dma_start3A_80 = tpu.memref_squeeze %dma_start3A_79 : memref<1x128xi32, #tpu.memory_space<vmem>> -> memref<128xi32, #tpu.memory_space<vmem>>
        %dma_start3A_81 = arith.constant 0 : i32
        %dma_start3A_82 = tpu.memref_slice %arg7[%dma_start3A_81] : memref<10240xf32, #tpu.memory_space<vmem_shared>> -> memref<10240xf32, #tpu.memory_space<vmem_shared>>
        tpu.enqueue_indirect_dma source(%arg5 : memref<128xf32, #tpu.memory_space<vmem>>) target(%dma_start3A_82 : memref<10240xf32, #tpu.memory_space<vmem_shared>>) offsets(%dma_start3A_80 : memref<128xi32, #tpu.memory_space<vmem>>) semaphore(%run_scoped3A_78 : memref<!tpu.dma_semaphore, #tpu.memory_space<semaphore_mem>>) {add = true}
        %dma_wait3A = arith.constant 0 : i32
        %dma_wait3A_83 = tpu.memref_slice %arg4[%run_scoped3A_69, %dma_wait3A] : memref<16x128xi32, #tpu.memory_space<vmem>> -> memref<1x128xi32, #tpu.memory_space<vmem>>
        %dma_wait3A_84 = tpu.memref_squeeze %dma_wait3A_83 : memref<1x128xi32, #tpu.memory_space<vmem>> -> memref<128xi32, #tpu.memory_space<vmem>>
        %dma_wait3A_85 = arith.constant 0 : i32
        %dma_wait3A_86 = tpu.memref_slice %arg7[%dma_wait3A_85] : memref<10240xf32, #tpu.memory_space<vmem_shared>> -> memref<10240xf32, #tpu.memory_space<vmem_shared>>
        tpu.wait_indirect_dma semaphore(%run_scoped3A_78 : memref<!tpu.dma_semaphore, #tpu.memory_space<semaphore_mem>>) src(%arg5 : memref<128xf32, #tpu.memory_space<vmem>>) dst(%dma_wait3A_86 : memref<10240xf32, #tpu.memory_space<vmem_shared>>)
        tpu.yield
      }) : () -> ()
      %run_scoped3A_70 = arith.constant 9 : i32
      "tpu.region"() ({
        %run_scoped3A_78 = tpu.sem_alloc : memref<!tpu.dma_semaphore, #tpu.memory_space<semaphore_mem>>
        %dma_start3A = arith.constant 0 : i32
        %dma_start3A_79 = tpu.memref_slice %arg4[%run_scoped3A_70, %dma_start3A] : memref<16x128xi32, #tpu.memory_space<vmem>> -> memref<1x128xi32, #tpu.memory_space<vmem>>
        %dma_start3A_80 = tpu.memref_squeeze %dma_start3A_79 : memref<1x128xi32, #tpu.memory_space<vmem>> -> memref<128xi32, #tpu.memory_space<vmem>>
        %dma_start3A_81 = arith.constant 0 : i32
        %dma_start3A_82 = tpu.memref_slice %arg7[%dma_start3A_81] : memref<10240xf32, #tpu.memory_space<vmem_shared>> -> memref<10240xf32, #tpu.memory_space<vmem_shared>>
        tpu.enqueue_indirect_dma source(%arg5 : memref<128xf32, #tpu.memory_space<vmem>>) target(%dma_start3A_82 : memref<10240xf32, #tpu.memory_space<vmem_shared>>) offsets(%dma_start3A_80 : memref<128xi32, #tpu.memory_space<vmem>>) semaphore(%run_scoped3A_78 : memref<!tpu.dma_semaphore, #tpu.memory_space<semaphore_mem>>) {add = true}
        %dma_wait3A = arith.constant 0 : i32
        %dma_wait3A_83 = tpu.memref_slice %arg4[%run_scoped3A_70, %dma_wait3A] : memref<16x128xi32, #tpu.memory_space<vmem>> -> memref<1x128xi32, #tpu.memory_space<vmem>>
        %dma_wait3A_84 = tpu.memref_squeeze %dma_wait3A_83 : memref<1x128xi32, #tpu.memory_space<vmem>> -> memref<128xi32, #tpu.memory_space<vmem>>
        %dma_wait3A_85 = arith.constant 0 : i32
        %dma_wait3A_86 = tpu.memref_slice %arg7[%dma_wait3A_85] : memref<10240xf32, #tpu.memory_space<vmem_shared>> -> memref<10240xf32, #tpu.memory_space<vmem_shared>>
        tpu.wait_indirect_dma semaphore(%run_scoped3A_78 : memref<!tpu.dma_semaphore, #tpu.memory_space<semaphore_mem>>) src(%arg5 : memref<128xf32, #tpu.memory_space<vmem>>) dst(%dma_wait3A_86 : memref<10240xf32, #tpu.memory_space<vmem_shared>>)
        tpu.yield
      }) : () -> ()
      %run_scoped3A_71 = arith.constant 10 : i32
      "tpu.region"() ({
        %run_scoped3A_78 = tpu.sem_alloc : memref<!tpu.dma_semaphore, #tpu.memory_space<semaphore_mem>>
        %dma_start3A = arith.constant 0 : i32
        %dma_start3A_79 = tpu.memref_slice %arg4[%run_scoped3A_71, %dma_start3A] : memref<16x128xi32, #tpu.memory_space<vmem>> -> memref<1x128xi32, #tpu.memory_space<vmem>>
        %dma_start3A_80 = tpu.memref_squeeze %dma_start3A_79 : memref<1x128xi32, #tpu.memory_space<vmem>> -> memref<128xi32, #tpu.memory_space<vmem>>
        %dma_start3A_81 = arith.constant 0 : i32
        %dma_start3A_82 = tpu.memref_slice %arg7[%dma_start3A_81] : memref<10240xf32, #tpu.memory_space<vmem_shared>> -> memref<10240xf32, #tpu.memory_space<vmem_shared>>
        tpu.enqueue_indirect_dma source(%arg5 : memref<128xf32, #tpu.memory_space<vmem>>) target(%dma_start3A_82 : memref<10240xf32, #tpu.memory_space<vmem_shared>>) offsets(%dma_start3A_80 : memref<128xi32, #tpu.memory_space<vmem>>) semaphore(%run_scoped3A_78 : memref<!tpu.dma_semaphore, #tpu.memory_space<semaphore_mem>>) {add = true}
        %dma_wait3A = arith.constant 0 : i32
        %dma_wait3A_83 = tpu.memref_slice %arg4[%run_scoped3A_71, %dma_wait3A] : memref<16x128xi32, #tpu.memory_space<vmem>> -> memref<1x128xi32, #tpu.memory_space<vmem>>
        %dma_wait3A_84 = tpu.memref_squeeze %dma_wait3A_83 : memref<1x128xi32, #tpu.memory_space<vmem>> -> memref<128xi32, #tpu.memory_space<vmem>>
        %dma_wait3A_85 = arith.constant 0 : i32
        %dma_wait3A_86 = tpu.memref_slice %arg7[%dma_wait3A_85] : memref<10240xf32, #tpu.memory_space<vmem_shared>> -> memref<10240xf32, #tpu.memory_space<vmem_shared>>
        tpu.wait_indirect_dma semaphore(%run_scoped3A_78 : memref<!tpu.dma_semaphore, #tpu.memory_space<semaphore_mem>>) src(%arg5 : memref<128xf32, #tpu.memory_space<vmem>>) dst(%dma_wait3A_86 : memref<10240xf32, #tpu.memory_space<vmem_shared>>)
        tpu.yield
      }) : () -> ()
      %run_scoped3A_72 = arith.constant 11 : i32
      "tpu.region"() ({
        %run_scoped3A_78 = tpu.sem_alloc : memref<!tpu.dma_semaphore, #tpu.memory_space<semaphore_mem>>
        %dma_start3A = arith.constant 0 : i32
        %dma_start3A_79 = tpu.memref_slice %arg4[%run_scoped3A_72, %dma_start3A] : memref<16x128xi32, #tpu.memory_space<vmem>> -> memref<1x128xi32, #tpu.memory_space<vmem>>
        %dma_start3A_80 = tpu.memref_squeeze %dma_start3A_79 : memref<1x128xi32, #tpu.memory_space<vmem>> -> memref<128xi32, #tpu.memory_space<vmem>>
        %dma_start3A_81 = arith.constant 0 : i32
        %dma_start3A_82 = tpu.memref_slice %arg7[%dma_start3A_81] : memref<10240xf32, #tpu.memory_space<vmem_shared>> -> memref<10240xf32, #tpu.memory_space<vmem_shared>>
        tpu.enqueue_indirect_dma source(%arg5 : memref<128xf32, #tpu.memory_space<vmem>>) target(%dma_start3A_82 : memref<10240xf32, #tpu.memory_space<vmem_shared>>) offsets(%dma_start3A_80 : memref<128xi32, #tpu.memory_space<vmem>>) semaphore(%run_scoped3A_78 : memref<!tpu.dma_semaphore, #tpu.memory_space<semaphore_mem>>) {add = true}
        %dma_wait3A = arith.constant 0 : i32
        %dma_wait3A_83 = tpu.memref_slice %arg4[%run_scoped3A_72, %dma_wait3A] : memref<16x128xi32, #tpu.memory_space<vmem>> -> memref<1x128xi32, #tpu.memory_space<vmem>>
        %dma_wait3A_84 = tpu.memref_squeeze %dma_wait3A_83 : memref<1x128xi32, #tpu.memory_space<vmem>> -> memref<128xi32, #tpu.memory_space<vmem>>
        %dma_wait3A_85 = arith.constant 0 : i32
        %dma_wait3A_86 = tpu.memref_slice %arg7[%dma_wait3A_85] : memref<10240xf32, #tpu.memory_space<vmem_shared>> -> memref<10240xf32, #tpu.memory_space<vmem_shared>>
        tpu.wait_indirect_dma semaphore(%run_scoped3A_78 : memref<!tpu.dma_semaphore, #tpu.memory_space<semaphore_mem>>) src(%arg5 : memref<128xf32, #tpu.memory_space<vmem>>) dst(%dma_wait3A_86 : memref<10240xf32, #tpu.memory_space<vmem_shared>>)
        tpu.yield
      }) : () -> ()
      %run_scoped3A_73 = arith.constant 12 : i32
      "tpu.region"() ({
        %run_scoped3A_78 = tpu.sem_alloc : memref<!tpu.dma_semaphore, #tpu.memory_space<semaphore_mem>>
        %dma_start3A = arith.constant 0 : i32
        %dma_start3A_79 = tpu.memref_slice %arg4[%run_scoped3A_73, %dma_start3A] : memref<16x128xi32, #tpu.memory_space<vmem>> -> memref<1x128xi32, #tpu.memory_space<vmem>>
        %dma_start3A_80 = tpu.memref_squeeze %dma_start3A_79 : memref<1x128xi32, #tpu.memory_space<vmem>> -> memref<128xi32, #tpu.memory_space<vmem>>
        %dma_start3A_81 = arith.constant 0 : i32
        %dma_start3A_82 = tpu.memref_slice %arg7[%dma_start3A_81] : memref<10240xf32, #tpu.memory_space<vmem_shared>> -> memref<10240xf32, #tpu.memory_space<vmem_shared>>
        tpu.enqueue_indirect_dma source(%arg5 : memref<128xf32, #tpu.memory_space<vmem>>) target(%dma_start3A_82 : memref<10240xf32, #tpu.memory_space<vmem_shared>>) offsets(%dma_start3A_80 : memref<128xi32, #tpu.memory_space<vmem>>) semaphore(%run_scoped3A_78 : memref<!tpu.dma_semaphore, #tpu.memory_space<semaphore_mem>>) {add = true}
        %dma_wait3A = arith.constant 0 : i32
        %dma_wait3A_83 = tpu.memref_slice %arg4[%run_scoped3A_73, %dma_wait3A] : memref<16x128xi32, #tpu.memory_space<vmem>> -> memref<1x128xi32, #tpu.memory_space<vmem>>
        %dma_wait3A_84 = tpu.memref_squeeze %dma_wait3A_83 : memref<1x128xi32, #tpu.memory_space<vmem>> -> memref<128xi32, #tpu.memory_space<vmem>>
        %dma_wait3A_85 = arith.constant 0 : i32
        %dma_wait3A_86 = tpu.memref_slice %arg7[%dma_wait3A_85] : memref<10240xf32, #tpu.memory_space<vmem_shared>> -> memref<10240xf32, #tpu.memory_space<vmem_shared>>
        tpu.wait_indirect_dma semaphore(%run_scoped3A_78 : memref<!tpu.dma_semaphore, #tpu.memory_space<semaphore_mem>>) src(%arg5 : memref<128xf32, #tpu.memory_space<vmem>>) dst(%dma_wait3A_86 : memref<10240xf32, #tpu.memory_space<vmem_shared>>)
        tpu.yield
      }) : () -> ()
      %run_scoped3A_74 = arith.constant 13 : i32
      "tpu.region"() ({
        %run_scoped3A_78 = tpu.sem_alloc : memref<!tpu.dma_semaphore, #tpu.memory_space<semaphore_mem>>
        %dma_start3A = arith.constant 0 : i32
        %dma_start3A_79 = tpu.memref_slice %arg4[%run_scoped3A_74, %dma_start3A] : memref<16x128xi32, #tpu.memory_space<vmem>> -> memref<1x128xi32, #tpu.memory_space<vmem>>
        %dma_start3A_80 = tpu.memref_squeeze %dma_start3A_79 : memref<1x128xi32, #tpu.memory_space<vmem>> -> memref<128xi32, #tpu.memory_space<vmem>>
        %dma_start3A_81 = arith.constant 0 : i32
        %dma_start3A_82 = tpu.memref_slice %arg7[%dma_start3A_81] : memref<10240xf32, #tpu.memory_space<vmem_shared>> -> memref<10240xf32, #tpu.memory_space<vmem_shared>>
        tpu.enqueue_indirect_dma source(%arg5 : memref<128xf32, #tpu.memory_space<vmem>>) target(%dma_start3A_82 : memref<10240xf32, #tpu.memory_space<vmem_shared>>) offsets(%dma_start3A_80 : memref<128xi32, #tpu.memory_space<vmem>>) semaphore(%run_scoped3A_78 : memref<!tpu.dma_semaphore, #tpu.memory_space<semaphore_mem>>) {add = true}
        %dma_wait3A = arith.constant 0 : i32
        %dma_wait3A_83 = tpu.memref_slice %arg4[%run_scoped3A_74, %dma_wait3A] : memref<16x128xi32, #tpu.memory_space<vmem>> -> memref<1x128xi32, #tpu.memory_space<vmem>>
        %dma_wait3A_84 = tpu.memref_squeeze %dma_wait3A_83 : memref<1x128xi32, #tpu.memory_space<vmem>> -> memref<128xi32, #tpu.memory_space<vmem>>
        %dma_wait3A_85 = arith.constant 0 : i32
        %dma_wait3A_86 = tpu.memref_slice %arg7[%dma_wait3A_85] : memref<10240xf32, #tpu.memory_space<vmem_shared>> -> memref<10240xf32, #tpu.memory_space<vmem_shared>>
        tpu.wait_indirect_dma semaphore(%run_scoped3A_78 : memref<!tpu.dma_semaphore, #tpu.memory_space<semaphore_mem>>) src(%arg5 : memref<128xf32, #tpu.memory_space<vmem>>) dst(%dma_wait3A_86 : memref<10240xf32, #tpu.memory_space<vmem_shared>>)
        tpu.yield
      }) : () -> ()
      %run_scoped3A_75 = arith.constant 14 : i32
      "tpu.region"() ({
        %run_scoped3A_78 = tpu.sem_alloc : memref<!tpu.dma_semaphore, #tpu.memory_space<semaphore_mem>>
        %dma_start3A = arith.constant 0 : i32
        %dma_start3A_79 = tpu.memref_slice %arg4[%run_scoped3A_75, %dma_start3A] : memref<16x128xi32, #tpu.memory_space<vmem>> -> memref<1x128xi32, #tpu.memory_space<vmem>>
        %dma_start3A_80 = tpu.memref_squeeze %dma_start3A_79 : memref<1x128xi32, #tpu.memory_space<vmem>> -> memref<128xi32, #tpu.memory_space<vmem>>
        %dma_start3A_81 = arith.constant 0 : i32
        %dma_start3A_82 = tpu.memref_slice %arg7[%dma_start3A_81] : memref<10240xf32, #tpu.memory_space<vmem_shared>> -> memref<10240xf32, #tpu.memory_space<vmem_shared>>
        tpu.enqueue_indirect_dma source(%arg5 : memref<128xf32, #tpu.memory_space<vmem>>) target(%dma_start3A_82 : memref<10240xf32, #tpu.memory_space<vmem_shared>>) offsets(%dma_start3A_80 : memref<128xi32, #tpu.memory_space<vmem>>) semaphore(%run_scoped3A_78 : memref<!tpu.dma_semaphore, #tpu.memory_space<semaphore_mem>>) {add = true}
        %dma_wait3A = arith.constant 0 : i32
        %dma_wait3A_83 = tpu.memref_slice %arg4[%run_scoped3A_75, %dma_wait3A] : memref<16x128xi32, #tpu.memory_space<vmem>> -> memref<1x128xi32, #tpu.memory_space<vmem>>
        %dma_wait3A_84 = tpu.memref_squeeze %dma_wait3A_83 : memref<1x128xi32, #tpu.memory_space<vmem>> -> memref<128xi32, #tpu.memory_space<vmem>>
        %dma_wait3A_85 = arith.constant 0 : i32
        %dma_wait3A_86 = tpu.memref_slice %arg7[%dma_wait3A_85] : memref<10240xf32, #tpu.memory_space<vmem_shared>> -> memref<10240xf32, #tpu.memory_space<vmem_shared>>
        tpu.wait_indirect_dma semaphore(%run_scoped3A_78 : memref<!tpu.dma_semaphore, #tpu.memory_space<semaphore_mem>>) src(%arg5 : memref<128xf32, #tpu.memory_space<vmem>>) dst(%dma_wait3A_86 : memref<10240xf32, #tpu.memory_space<vmem_shared>>)
        tpu.yield
      }) : () -> ()
      %run_scoped3A_76 = arith.constant 15 : i32
      "tpu.region"() ({
        %run_scoped3A_78 = tpu.sem_alloc : memref<!tpu.dma_semaphore, #tpu.memory_space<semaphore_mem>>
        %dma_start3A = arith.constant 0 : i32
        %dma_start3A_79 = tpu.memref_slice %arg4[%run_scoped3A_76, %dma_start3A] : memref<16x128xi32, #tpu.memory_space<vmem>> -> memref<1x128xi32, #tpu.memory_space<vmem>>
        %dma_start3A_80 = tpu.memref_squeeze %dma_start3A_79 : memref<1x128xi32, #tpu.memory_space<vmem>> -> memref<128xi32, #tpu.memory_space<vmem>>
        %dma_start3A_81 = arith.constant 0 : i32
        %dma_start3A_82 = tpu.memref_slice %arg7[%dma_start3A_81] : memref<10240xf32, #tpu.memory_space<vmem_shared>> -> memref<10240xf32, #tpu.memory_space<vmem_shared>>
        tpu.enqueue_indirect_dma source(%arg5 : memref<128xf32, #tpu.memory_space<vmem>>) target(%dma_start3A_82 : memref<10240xf32, #tpu.memory_space<vmem_shared>>) offsets(%dma_start3A_80 : memref<128xi32, #tpu.memory_space<vmem>>) semaphore(%run_scoped3A_78 : memref<!tpu.dma_semaphore, #tpu.memory_space<semaphore_mem>>) {add = true}
        %dma_wait3A = arith.constant 0 : i32
        %dma_wait3A_83 = tpu.memref_slice %arg4[%run_scoped3A_76, %dma_wait3A] : memref<16x128xi32, #tpu.memory_space<vmem>> -> memref<1x128xi32, #tpu.memory_space<vmem>>
        %dma_wait3A_84 = tpu.memref_squeeze %dma_wait3A_83 : memref<1x128xi32, #tpu.memory_space<vmem>> -> memref<128xi32, #tpu.memory_space<vmem>>
        %dma_wait3A_85 = arith.constant 0 : i32
        %dma_wait3A_86 = tpu.memref_slice %arg7[%dma_wait3A_85] : memref<10240xf32, #tpu.memory_space<vmem_shared>> -> memref<10240xf32, #tpu.memory_space<vmem_shared>>
        tpu.wait_indirect_dma semaphore(%run_scoped3A_78 : memref<!tpu.dma_semaphore, #tpu.memory_space<semaphore_mem>>) src(%arg5 : memref<128xf32, #tpu.memory_space<vmem>>) dst(%dma_wait3A_86 : memref<10240xf32, #tpu.memory_space<vmem_shared>>)
        tpu.yield
      }) : () -> ()
      %scan3A_77 = arith.constant 0 : i32
      scf.yield %scan3A_77 : i32
    }
    %scan3A_49 = arith.constant 5 : i32
    %barrier3A_50 = arith.constant 0 : index
    tpu.barrier barrier_id(%barrier3A_50)
    %mul3A_51 = arith.constant 640 : i32
    %mul3A_52 = arith.muli %arg1, %mul3A_51 : i32
    %mul3A_53 = arith.constant 640 : i32
    %mul3A_54 = arith.muli %arg1, %mul3A_53 : i32
    "tpu.region"() ({
      %run_scoped3A = tpu.sem_alloc : memref<!tpu.dma_semaphore, #tpu.memory_space<semaphore_mem>>
      %dma_start3A = tpu.memref_slice %arg3[%arg0, %mul3A_54] : memref<2x10240xf32, #tpu.memory_space<hbm>> -> memref<1x640xf32, #tpu.memory_space<hbm>>
      %dma_start3A_55 = tpu.memref_squeeze %dma_start3A : memref<1x640xf32, #tpu.memory_space<hbm>> -> memref<640xf32, #tpu.memory_space<hbm>>
      %dma_start3A_56 = tpu.memref_slice %arg7[%mul3A_52] : memref<10240xf32, #tpu.memory_space<vmem_shared>> -> memref<640xf32, #tpu.memory_space<vmem_shared>>
      tpu.enqueue_dma source(%dma_start3A_56 : memref<640xf32, #tpu.memory_space<vmem_shared>>) target(%dma_start3A_55 : memref<640xf32, #tpu.memory_space<hbm>>) target_semaphore(%run_scoped3A : memref<!tpu.dma_semaphore, #tpu.memory_space<semaphore_mem>>)
      %dma_wait3A = tpu.memref_slice %arg3[%arg0, %mul3A_54] : memref<2x10240xf32, #tpu.memory_space<hbm>> -> memref<1x640xf32, #tpu.memory_space<hbm>>
      %dma_wait3A_57 = tpu.memref_squeeze %dma_wait3A : memref<1x640xf32, #tpu.memory_space<hbm>> -> memref<640xf32, #tpu.memory_space<hbm>>
      %dma_wait3A_58 = tpu.memref_slice %arg7[%mul3A_52] : memref<10240xf32, #tpu.memory_space<vmem_shared>> -> memref<640xf32, #tpu.memory_space<vmem_shared>>
      tpu.wait_dma2 semaphore(%run_scoped3A : memref<!tpu.dma_semaphore, #tpu.memory_space<semaphore_mem>>) src(%dma_wait3A_58 : memref<640xf32, #tpu.memory_space<vmem_shared>>) dst(%dma_wait3A_57 : memref<640xf32, #tpu.memory_space<hbm>>)
      tpu.yield
    }) : () -> ()
    return
  }
}

#map = affine_map<(d0, d1) -> (0, 0)>
#map1 = affine_map<(d0, d1) -> (0)>
module attributes {stable_mosaic.version = 14 : i64} {
  func.func @_gather_queries(%arg0: i32, %arg1: i32, %arg2: memref<10240x32xf32, #tpu.memory_space<hbm>>, %arg3: memref<1024xi32, #tpu.memory_space<hbm>>, %arg4: memref<1024x32xf32, #tpu.memory_space<hbm>>, %arg5: memref<32xi32, #tpu.memory_space<vmem>>, %arg6: memref<32x32xf32, #tpu.memory_space<vmem>>, %arg7: memref<!tpu.dma_semaphore, #tpu.memory_space<semaphore_mem>>) attributes {dimension_semantics = [#tpu.dimension_semantics<core_parallel>, #tpu.dimension_semantics<subcore_parallel>], iteration_bounds = array<i64: 2, 16>, scalar_prefetch = 0 : i64, scratch_operands = 3 : i64, tpu.core_type = #tpu.core_type<sc_vector_subcore>, window_params = [{transform_indices = #map}, {transform_indices = #map1}, {transform_indices = #map}]} {
    %mul3A = arith.constant 2 : i32
    %mul3A_0 = arith.muli %arg1, %mul3A : i32
    %add3A = arith.addi %mul3A_0, %arg0 : i32
    %mul3A_1 = arith.constant 32 : i32
    %mul3A_2 = arith.muli %add3A, %mul3A_1 : i32
    "tpu.region"() ({
      %run_scoped3A = tpu.sem_alloc : memref<!tpu.dma_semaphore, #tpu.memory_space<semaphore_mem>>
      %dma_start3A_7 = tpu.memref_slice %arg3[%mul3A_2] : memref<1024xi32, #tpu.memory_space<hbm>> -> memref<32xi32, #tpu.memory_space<hbm>>
      %dma_start3A_8 = tpu.memref_slice %arg3[%mul3A_2] : memref<1024xi32, #tpu.memory_space<hbm>> -> memref<32xi32, #tpu.memory_space<hbm>>
      tpu.enqueue_dma source(%dma_start3A_8 : memref<32xi32, #tpu.memory_space<hbm>>) target(%arg5 : memref<32xi32, #tpu.memory_space<vmem>>) target_semaphore(%run_scoped3A : memref<!tpu.dma_semaphore, #tpu.memory_space<semaphore_mem>>)
      %dma_wait3A_9 = tpu.memref_slice %arg3[%mul3A_2] : memref<1024xi32, #tpu.memory_space<hbm>> -> memref<32xi32, #tpu.memory_space<hbm>>
      %dma_wait3A_10 = tpu.memref_slice %arg3[%mul3A_2] : memref<1024xi32, #tpu.memory_space<hbm>> -> memref<32xi32, #tpu.memory_space<hbm>>
      tpu.wait_dma2 semaphore(%run_scoped3A : memref<!tpu.dma_semaphore, #tpu.memory_space<semaphore_mem>>) src(%dma_wait3A_10 : memref<32xi32, #tpu.memory_space<hbm>>) dst(%arg5 : memref<32xi32, #tpu.memory_space<vmem>>)
      tpu.yield
    }) : () -> ()
    %dma_start3A = arith.constant 0 : i32
    %dma_start3A_3 = arith.constant 0 : i32
    %dma_start3A_4 = tpu.memref_slice %arg2[%dma_start3A, %dma_start3A_3] : memref<10240x32xf32, #tpu.memory_space<hbm>> -> memref<10240x32xf32, #tpu.memory_space<hbm>>
    tpu.enqueue_indirect_dma source(%dma_start3A_4 : memref<10240x32xf32, #tpu.memory_space<hbm>>) target(%arg6 : memref<32x32xf32, #tpu.memory_space<vmem>>) offsets(%arg5 : memref<32xi32, #tpu.memory_space<vmem>>) semaphore(%arg7 : memref<!tpu.dma_semaphore, #tpu.memory_space<semaphore_mem>>)
    %dma_wait3A = arith.constant 0 : i32
    %dma_wait3A_5 = arith.constant 0 : i32
    %dma_wait3A_6 = tpu.memref_slice %arg2[%dma_wait3A, %dma_wait3A_5] : memref<10240x32xf32, #tpu.memory_space<hbm>> -> memref<10240x32xf32, #tpu.memory_space<hbm>>
    tpu.wait_indirect_dma semaphore(%arg7 : memref<!tpu.dma_semaphore, #tpu.memory_space<semaphore_mem>>) src(%dma_wait3A_6 : memref<10240x32xf32, #tpu.memory_space<hbm>>) dst(%arg6 : memref<32x32xf32, #tpu.memory_space<vmem>>)
    "tpu.region"() ({
      %run_scoped3A = tpu.sem_alloc : memref<!tpu.dma_semaphore, #tpu.memory_space<semaphore_mem>>
      %dma_start3A_7 = arith.constant 0 : i32
      %dma_start3A_8 = tpu.memref_slice %arg4[%mul3A_2, %dma_start3A_7] : memref<1024x32xf32, #tpu.memory_space<hbm>> -> memref<32x32xf32, #tpu.memory_space<hbm>>
      %dma_start3A_9 = arith.constant 0 : i32
      %dma_start3A_10 = tpu.memref_slice %arg4[%mul3A_2, %dma_start3A_9] : memref<1024x32xf32, #tpu.memory_space<hbm>> -> memref<32x32xf32, #tpu.memory_space<hbm>>
      tpu.enqueue_dma source(%arg6 : memref<32x32xf32, #tpu.memory_space<vmem>>) target(%dma_start3A_10 : memref<32x32xf32, #tpu.memory_space<hbm>>) target_semaphore(%run_scoped3A : memref<!tpu.dma_semaphore, #tpu.memory_space<semaphore_mem>>)
      %dma_wait3A_11 = arith.constant 0 : i32
      %dma_wait3A_12 = tpu.memref_slice %arg4[%mul3A_2, %dma_wait3A_11] : memref<1024x32xf32, #tpu.memory_space<hbm>> -> memref<32x32xf32, #tpu.memory_space<hbm>>
      %dma_wait3A_13 = arith.constant 0 : i32
      %dma_wait3A_14 = tpu.memref_slice %arg4[%mul3A_2, %dma_wait3A_13] : memref<1024x32xf32, #tpu.memory_space<hbm>> -> memref<32x32xf32, #tpu.memory_space<hbm>>
      tpu.wait_dma2 semaphore(%run_scoped3A : memref<!tpu.dma_semaphore, #tpu.memory_space<semaphore_mem>>) src(%arg6 : memref<32x32xf32, #tpu.memory_space<vmem>>) dst(%dma_wait3A_14 : memref<32x32xf32, #tpu.memory_space<hbm>>)
      tpu.yield
    }) : () -> ()
    return
  }
}

module attributes {stable_mosaic.version = 14 : i64} {
  func.func @_tc_scale1(%arg0: i32, %arg1: memref<1024x128xf32, #tpu.memory_space<vmem>>, %arg2: memref<128x128xf32, #tpu.memory_space<vmem>>, %arg3: memref<2x1024x1xf32, #tpu.memory_space<vmem>>, %arg4: memref<2x1024x64xf32, #tpu.memory_space<vmem>>, %arg5: memref<1024x1xf32, #tpu.memory_space<vmem>>) attributes {dimension_semantics = [#tpu.dimension_semantics<arbitrary>], iteration_bounds = array<i64: 10>, scalar_prefetch = 0 : i64, scratch_operands = 0 : i64, tpu.core_type = #tpu.core_type<tc>, window_params = [{transform_indices = @transform_0, window_bounds = array<i64: 1024, 128>}, {pipeline_mode = #tpu.pipeline_mode<synchronous>, transform_indices = @transform_1, window_bounds = array<i64: 128, 128>}, {transform_indices = @transform_2, window_bounds = array<i64: 2, 1024, 1>}, {transform_indices = @transform_3, window_bounds = array<i64: 2, 1024, 64>}, {transform_indices = @transform_4, window_bounds = array<i64: 1024, 1>}]} {
    %get3A = arith.constant 0 : index
    %get3A_0 = arith.constant 0 : index
    %get3A_1 = arith.constant 0 : index
    %get3A_2 = vector.load %arg3[%get3A, %get3A_0, %get3A_1] : memref<2x1024x1xf32, #tpu.memory_space<vmem>>, vector<1x1024x1xf32>
    %get3A_3 = vector.shape_cast %get3A_2 : vector<1x1024x1xf32> to vector<1024x1xf32>
    %get3A_4 = arith.constant 1 : index
    %get3A_5 = arith.constant 0 : index
    %get3A_6 = arith.constant 0 : index
    %get3A_7 = vector.load %arg3[%get3A_4, %get3A_5, %get3A_6] : memref<2x1024x1xf32, #tpu.memory_space<vmem>>, vector<1x1024x1xf32>
    %get3A_8 = vector.shape_cast %get3A_7 : vector<1x1024x1xf32> to vector<1024x1xf32>
    %add3A = arith.addf %get3A_3, %get3A_8 : vector<1024x1xf32>
    %add3A_9 = arith.constant 1.000000e+00 : f32
    %add3A_10 = vector.broadcast %add3A_9 : f32 to vector<1024x1xf32>
    %add3A_11 = arith.addf %add3A, %add3A_10 : vector<1024x1xf32>
    %max3A = arith.constant 9.99999996E-13 : f32
    %max3A_12 = vector.broadcast %max3A : f32 to vector<1024x1xf32>
    %max3A_13 = arith.maximumf %add3A_11, %max3A_12 : vector<1024x1xf32>
    %rsqrt3A = math.rsqrt %max3A_13 : vector<1024x1xf32>
    %get3A_14 = arith.constant 0 : index
    %get3A_15 = arith.constant 0 : index
    %get3A_16 = vector.load %arg1[%get3A_14, %get3A_15] : memref<1024x128xf32, #tpu.memory_space<vmem>>, vector<1024x128xf32>
    %get3A_17 = arith.constant 0 : index
    %get3A_18 = arith.constant 0 : index
    %get3A_19 = vector.load %arg2[%get3A_17, %get3A_18] : memref<128x128xf32, #tpu.memory_space<vmem>>, vector<128x128xf32>
    %dot_general3A = arith.constant dense<0.000000e+00> : vector<1024x128xf32>
    %dot_general3A_20 = tpu.matmul %get3A_16, %get3A_19, %dot_general3A {dimension_numbers = #tpu.dot_dimension_numbers<[1], [0], [0], [1], [0, 0, 1, 1], [], []>, transpose_lhs_hint = false} : vector<1024x128xf32>, vector<128x128xf32>, vector<1024x128xf32> -> vector<1024x128xf32>
    %mul3A = vector.broadcast %rsqrt3A : vector<1024x1xf32> to vector<1024x128xf32>
    %mul3A_21 = arith.mulf %dot_general3A_20, %mul3A : vector<1024x128xf32>
    %slice3A = vector.extract_strided_slice %mul3A_21 {offsets = [0, 0], sizes = [1024, 64], strides = [1, 1]} : vector<1024x128xf32> to vector<1024x64xf32>
    %swap3A = arith.constant 0 : index
    %swap3A_22 = arith.constant 0 : index
    %swap3A_23 = arith.constant 0 : index
    %swap3A_24 = vector.load %arg4[%swap3A, %swap3A_22, %swap3A_23] : memref<2x1024x64xf32, #tpu.memory_space<vmem>>, vector<1x1024x64xf32>
    %swap3A_25 = vector.shape_cast %swap3A_24 : vector<1x1024x64xf32> to vector<1024x64xf32>
    %swap3A_26 = vector.shape_cast %slice3A : vector<1024x64xf32> to vector<1x1024x64xf32>
    tpu.vector_store %arg4[%swap3A, %swap3A_22, %swap3A_23], %swap3A_26 {strides = array<i32>} : memref<2x1024x64xf32, #tpu.memory_space<vmem>>, vector<1x1024x64xf32>,
    %slice3A_27 = vector.extract_strided_slice %mul3A_21 {offsets = [0, 64], sizes = [1024, 64], strides = [1, 1]} : vector<1024x128xf32> to vector<1024x64xf32>
    %swap3A_28 = arith.constant 1 : index
    %swap3A_29 = arith.constant 0 : index
    %swap3A_30 = arith.constant 0 : index
    %swap3A_31 = vector.load %arg4[%swap3A_28, %swap3A_29, %swap3A_30] : memref<2x1024x64xf32, #tpu.memory_space<vmem>>, vector<1x1024x64xf32>
    %swap3A_32 = vector.shape_cast %swap3A_31 : vector<1x1024x64xf32> to vector<1024x64xf32>
    %swap3A_33 = vector.shape_cast %slice3A_27 : vector<1024x64xf32> to vector<1x1024x64xf32>
    tpu.vector_store %arg4[%swap3A_28, %swap3A_29, %swap3A_30], %swap3A_33 {strides = array<i32>} : memref<2x1024x64xf32, #tpu.memory_space<vmem>>, vector<1x1024x64xf32>,
    %swap3A_34 = arith.constant 0 : index
    %swap3A_35 = arith.constant 0 : index
    %swap3A_36 = vector.load %arg5[%swap3A_34, %swap3A_35] : memref<1024x1xf32, #tpu.memory_space<vmem>>, vector<1024x1xf32>
    tpu.vector_store %arg5[%swap3A_34, %swap3A_35], %rsqrt3A {strides = array<i32>} : memref<1024x1xf32, #tpu.memory_space<vmem>>, vector<1024x1xf32>,
    return
  }
  func.func @transform_0(%arg0: i32) -> (i32, i32) {
    %c0_i32 = arith.constant 0 : i32
    %c0_i32_0 = arith.constant 0 : i32
    return %arg0, %c0_i32 : i32, i32
  }
  func.func @transform_1(%arg0: i32) -> (i32, i32) {
    %c0_i32 = arith.constant 0 : i32
    %c0_i32_0 = arith.constant 0 : i32
    %c0_i32_1 = arith.constant 0 : i32
    return %c0_i32, %c0_i32_0 : i32, i32
  }
  func.func @transform_2(%arg0: i32) -> (i32, i32, i32) {
    %c0_i32 = arith.constant 0 : i32
    %c0_i32_0 = arith.constant 0 : i32
    %c0_i32_1 = arith.constant 0 : i32
    return %c0_i32, %arg0, %c0_i32_0 : i32, i32, i32
  }
  func.func @transform_3(%arg0: i32) -> (i32, i32, i32) {
    %c0_i32 = arith.constant 0 : i32
    %c0_i32_0 = arith.constant 0 : i32
    %c0_i32_1 = arith.constant 0 : i32
    return %c0_i32, %arg0, %c0_i32_0 : i32, i32, i32
  }
  func.func @transform_4(%arg0: i32) -> (i32, i32) {
    %c0_i32 = arith.constant 0 : i32
    %c0_i32_0 = arith.constant 0 : i32
    return %arg0, %c0_i32 : i32, i32
  }
}

module attributes {stable_mosaic.version = 14 : i64} {
  func.func @_tc_combine1(%arg0: i32, %arg1: memref<2x1024x64xf32, #tpu.memory_space<vmem>>, %arg2: memref<2x1024x64xf32, #tpu.memory_space<vmem>>, %arg3: memref<1024x1xf32, #tpu.memory_space<vmem>>, %arg4: memref<1x128xf32, #tpu.memory_space<vmem>>, %arg5: memref<128x32xf32, #tpu.memory_space<vmem>>, %arg6: memref<2x1024x16xf32, #tpu.memory_space<vmem>>) attributes {dimension_semantics = [#tpu.dimension_semantics<arbitrary>], iteration_bounds = array<i64: 10>, scalar_prefetch = 0 : i64, scratch_operands = 0 : i64, tpu.core_type = #tpu.core_type<tc>, window_params = [{transform_indices = @transform_0, window_bounds = array<i64: 2, 1024, 64>}, {transform_indices = @transform_1, window_bounds = array<i64: 2, 1024, 64>}, {transform_indices = @transform_2, window_bounds = array<i64: 1024, 1>}, {pipeline_mode = #tpu.pipeline_mode<synchronous>, transform_indices = @transform_3, window_bounds = array<i64: 1, 128>}, {pipeline_mode = #tpu.pipeline_mode<synchronous>, transform_indices = @transform_4, window_bounds = array<i64: 128, 32>}, {transform_indices = @transform_5, window_bounds = array<i64: 2, 1024, 16>}]} {
    %get3A = arith.constant 0 : index
    %get3A_0 = arith.constant 0 : index
    %get3A_1 = arith.constant 0 : index
    %get3A_2 = vector.load %arg1[%get3A, %get3A_0, %get3A_1] : memref<2x1024x64xf32, #tpu.memory_space<vmem>>, vector<1x1024x64xf32>
    %get3A_3 = vector.shape_cast %get3A_2 : vector<1x1024x64xf32> to vector<1024x64xf32>
    %get3A_4 = arith.constant 0 : index
    %get3A_5 = arith.constant 0 : index
    %get3A_6 = arith.constant 0 : index
    %get3A_7 = vector.load %arg2[%get3A_4, %get3A_5, %get3A_6] : memref<2x1024x64xf32, #tpu.memory_space<vmem>>, vector<1x1024x64xf32>
    %get3A_8 = vector.shape_cast %get3A_7 : vector<1x1024x64xf32> to vector<1024x64xf32>
    %add3A = arith.addf %get3A_3, %get3A_8 : vector<1024x64xf32>
    %get3A_9 = arith.constant 1 : index
    %get3A_10 = arith.constant 0 : index
    %get3A_11 = arith.constant 0 : index
    %get3A_12 = vector.load %arg1[%get3A_9, %get3A_10, %get3A_11] : memref<2x1024x64xf32, #tpu.memory_space<vmem>>, vector<1x1024x64xf32>
    %get3A_13 = vector.shape_cast %get3A_12 : vector<1x1024x64xf32> to vector<1024x64xf32>
    %get3A_14 = arith.constant 1 : index
    %get3A_15 = arith.constant 0 : index
    %get3A_16 = arith.constant 0 : index
    %get3A_17 = vector.load %arg2[%get3A_14, %get3A_15, %get3A_16] : memref<2x1024x64xf32, #tpu.memory_space<vmem>>, vector<1x1024x64xf32>
    %get3A_18 = vector.shape_cast %get3A_17 : vector<1x1024x64xf32> to vector<1024x64xf32>
    %add3A_19 = arith.addf %get3A_13, %get3A_18 : vector<1024x64xf32>
    %concatenate3A = tpu.concatenate %add3A, %add3A_19 in 1 : vector<1024x64xf32>, vector<1024x64xf32> -> vector<1024x128xf32>
    %get3A_20 = arith.constant 0 : index
    %get3A_21 = arith.constant 0 : index
    %get3A_22 = vector.load %arg3[%get3A_20, %get3A_21] : memref<1024x1xf32, #tpu.memory_space<vmem>>, vector<1024x1xf32>
    %mul3A = vector.broadcast %get3A_22 : vector<1024x1xf32> to vector<1024x128xf32>
    %mul3A_23 = arith.mulf %mul3A, %concatenate3A : vector<1024x128xf32>
    %get3A_24 = arith.constant 0 : index
    %get3A_25 = arith.constant 0 : index
    %get3A_26 = vector.load %arg4[%get3A_24, %get3A_25] : memref<1x128xf32, #tpu.memory_space<vmem>>, vector<1x128xf32>
    %add3A_27 = vector.broadcast %get3A_26 : vector<1x128xf32> to vector<1024x128xf32>
    %add3A_28 = arith.addf %mul3A_23, %add3A_27 : vector<1024x128xf32>
    %max3A = arith.constant 0.000000e+00 : f32
    %max3A_29 = vector.broadcast %max3A : f32 to vector<1024x128xf32>
    %max3A_30 = arith.maximumf %add3A_28, %max3A_29 : vector<1024x128xf32>
    %get3A_31 = arith.constant 0 : index
    %get3A_32 = arith.constant 0 : index
    %get3A_33 = vector.load %arg5[%get3A_31, %get3A_32] : memref<128x32xf32, #tpu.memory_space<vmem>>, vector<128x32xf32>
    %dot_general3A = arith.constant dense<0.000000e+00> : vector<1024x32xf32>
    %dot_general3A_34 = tpu.matmul %max3A_30, %get3A_33, %dot_general3A {dimension_numbers = #tpu.dot_dimension_numbers<[1], [0], [0], [1], [0, 0, 1, 1], [], []>, transpose_lhs_hint = false} : vector<1024x128xf32>, vector<128x32xf32>, vector<1024x32xf32> -> vector<1024x32xf32>
    %get3A_35 = arith.constant 0 : index
    %get3A_36 = arith.constant 0 : index
    %get3A_37 = vector.load %arg3[%get3A_35, %get3A_36] : memref<1024x1xf32, #tpu.memory_space<vmem>>, vector<1024x1xf32>
    %mul3A_38 = vector.broadcast %get3A_37 : vector<1024x1xf32> to vector<1024x32xf32>
    %mul3A_39 = arith.mulf %dot_general3A_34, %mul3A_38 : vector<1024x32xf32>
    %slice3A = vector.extract_strided_slice %mul3A_39 {offsets = [0, 0], sizes = [1024, 16], strides = [1, 1]} : vector<1024x32xf32> to vector<1024x16xf32>
    %swap3A = arith.constant 0 : index
    %swap3A_40 = arith.constant 0 : index
    %swap3A_41 = arith.constant 0 : index
    %swap3A_42 = vector.load %arg6[%swap3A, %swap3A_40, %swap3A_41] : memref<2x1024x16xf32, #tpu.memory_space<vmem>>, vector<1x1024x16xf32>
    %swap3A_43 = vector.shape_cast %swap3A_42 : vector<1x1024x16xf32> to vector<1024x16xf32>
    %swap3A_44 = vector.shape_cast %slice3A : vector<1024x16xf32> to vector<1x1024x16xf32>
    tpu.vector_store %arg6[%swap3A, %swap3A_40, %swap3A_41], %swap3A_44 {strides = array<i32>} : memref<2x1024x16xf32, #tpu.memory_space<vmem>>, vector<1x1024x16xf32>,
    %slice3A_45 = vector.extract_strided_slice %mul3A_39 {offsets = [0, 16], sizes = [1024, 16], strides = [1, 1]} : vector<1024x32xf32> to vector<1024x16xf32>
    %swap3A_46 = arith.constant 1 : index
    %swap3A_47 = arith.constant 0 : index
    %swap3A_48 = arith.constant 0 : index
    %swap3A_49 = vector.load %arg6[%swap3A_46, %swap3A_47, %swap3A_48] : memref<2x1024x16xf32, #tpu.memory_space<vmem>>, vector<1x1024x16xf32>
    %swap3A_50 = vector.shape_cast %swap3A_49 : vector<1x1024x16xf32> to vector<1024x16xf32>
    %swap3A_51 = vector.shape_cast %slice3A_45 : vector<1024x16xf32> to vector<1x1024x16xf32>
    tpu.vector_store %arg6[%swap3A_46, %swap3A_47, %swap3A_48], %swap3A_51 {strides = array<i32>} : memref<2x1024x16xf32, #tpu.memory_space<vmem>>, vector<1x1024x16xf32>,
    return
  }
  func.func @transform_0(%arg0: i32) -> (i32, i32, i32) {
    %c0_i32 = arith.constant 0 : i32
    %c0_i32_0 = arith.constant 0 : i32
    %c0_i32_1 = arith.constant 0 : i32
    return %c0_i32, %arg0, %c0_i32_0 : i32, i32, i32
  }
  func.func @transform_1(%arg0: i32) -> (i32, i32, i32) {
    %c0_i32 = arith.constant 0 : i32
    %c0_i32_0 = arith.constant 0 : i32
    %c0_i32_1 = arith.constant 0 : i32
    return %c0_i32, %arg0, %c0_i32_0 : i32, i32, i32
  }
  func.func @transform_2(%arg0: i32) -> (i32, i32) {
    %c0_i32 = arith.constant 0 : i32
    %c0_i32_0 = arith.constant 0 : i32
    return %arg0, %c0_i32 : i32, i32
  }
  func.func @transform_3(%arg0: i32) -> (i32, i32) {
    %c0_i32 = arith.constant 0 : i32
    %c0_i32_0 = arith.constant 0 : i32
    %c0_i32_1 = arith.constant 0 : i32
    return %c0_i32, %c0_i32_0 : i32, i32
  }
  func.func @transform_4(%arg0: i32) -> (i32, i32) {
    %c0_i32 = arith.constant 0 : i32
    %c0_i32_0 = arith.constant 0 : i32
    %c0_i32_1 = arith.constant 0 : i32
    return %c0_i32, %c0_i32_0 : i32, i32
  }
  func.func @transform_5(%arg0: i32) -> (i32, i32, i32) {
    %c0_i32 = arith.constant 0 : i32
    %c0_i32_0 = arith.constant 0 : i32
    %c0_i32_1 = arith.constant 0 : i32
    return %c0_i32, %arg0, %c0_i32_0 : i32, i32, i32
  }
}

module attributes {stable_mosaic.version = 14 : i64} {
  func.func @_tc_combine2(%arg0: i32, %arg1: memref<2x1024x16xf32, #tpu.memory_space<vmem>>, %arg2: memref<2x1024x16xf32, #tpu.memory_space<vmem>>, %arg3: memref<1024x1xf32, #tpu.memory_space<vmem>>, %arg4: memref<1x32xf32, #tpu.memory_space<vmem>>, %arg5: memref<1024x32xf32, #tpu.memory_space<vmem>>) attributes {dimension_semantics = [#tpu.dimension_semantics<arbitrary>], iteration_bounds = array<i64: 10>, scalar_prefetch = 0 : i64, scratch_operands = 0 : i64, tpu.core_type = #tpu.core_type<tc>, window_params = [{transform_indices = @transform_0, window_bounds = array<i64: 2, 1024, 16>}, {transform_indices = @transform_1, window_bounds = array<i64: 2, 1024, 16>}, {transform_indices = @transform_2, window_bounds = array<i64: 1024, 1>}, {pipeline_mode = #tpu.pipeline_mode<synchronous>, transform_indices = @transform_3, window_bounds = array<i64: 1, 32>}, {transform_indices = @transform_4, window_bounds = array<i64: 1024, 32>}]} {
    %get3A = arith.constant 0 : index
    %get3A_0 = arith.constant 0 : index
    %get3A_1 = arith.constant 0 : index
    %get3A_2 = vector.load %arg1[%get3A, %get3A_0, %get3A_1] : memref<2x1024x16xf32, #tpu.memory_space<vmem>>, vector<1x1024x16xf32>
    %get3A_3 = vector.shape_cast %get3A_2 : vector<1x1024x16xf32> to vector<1024x16xf32>
    %get3A_4 = arith.constant 0 : index
    %get3A_5 = arith.constant 0 : index
    %get3A_6 = arith.constant 0 : index
    %get3A_7 = vector.load %arg2[%get3A_4, %get3A_5, %get3A_6] : memref<2x1024x16xf32, #tpu.memory_space<vmem>>, vector<1x1024x16xf32>
    %get3A_8 = vector.shape_cast %get3A_7 : vector<1x1024x16xf32> to vector<1024x16xf32>
    %add3A = arith.addf %get3A_3, %get3A_8 : vector<1024x16xf32>
    %get3A_9 = arith.constant 1 : index
    %get3A_10 = arith.constant 0 : index
    %get3A_11 = arith.constant 0 : index
    %get3A_12 = vector.load %arg1[%get3A_9, %get3A_10, %get3A_11] : memref<2x1024x16xf32, #tpu.memory_space<vmem>>, vector<1x1024x16xf32>
    %get3A_13 = vector.shape_cast %get3A_12 : vector<1x1024x16xf32> to vector<1024x16xf32>
    %get3A_14 = arith.constant 1 : index
    %get3A_15 = arith.constant 0 : index
    %get3A_16 = arith.constant 0 : index
    %get3A_17 = vector.load %arg2[%get3A_14, %get3A_15, %get3A_16] : memref<2x1024x16xf32, #tpu.memory_space<vmem>>, vector<1x1024x16xf32>
    %get3A_18 = vector.shape_cast %get3A_17 : vector<1x1024x16xf32> to vector<1024x16xf32>
    %add3A_19 = arith.addf %get3A_13, %get3A_18 : vector<1024x16xf32>
    %concatenate3A = tpu.concatenate %add3A, %add3A_19 in 1 : vector<1024x16xf32>, vector<1024x16xf32> -> vector<1024x32xf32>
    %get3A_20 = arith.constant 0 : index
    %get3A_21 = arith.constant 0 : index
    %get3A_22 = vector.load %arg3[%get3A_20, %get3A_21] : memref<1024x1xf32, #tpu.memory_space<vmem>>, vector<1024x1xf32>
    %mul3A = vector.broadcast %get3A_22 : vector<1024x1xf32> to vector<1024x32xf32>
    %mul3A_23 = arith.mulf %mul3A, %concatenate3A : vector<1024x32xf32>
    %get3A_24 = arith.constant 0 : index
    %get3A_25 = arith.constant 0 : index
    %get3A_26 = vector.load %arg4[%get3A_24, %get3A_25] : memref<1x32xf32, #tpu.memory_space<vmem>>, vector<1x32xf32>
    %add3A_27 = vector.broadcast %get3A_26 : vector<1x32xf32> to vector<1024x32xf32>
    %add3A_28 = arith.addf %mul3A_23, %add3A_27 : vector<1024x32xf32>
    %max3A = arith.constant 0.000000e+00 : f32
    %max3A_29 = vector.broadcast %max3A : f32 to vector<1024x32xf32>
    %max3A_30 = arith.maximumf %add3A_28, %max3A_29 : vector<1024x32xf32>
    %swap3A = arith.constant 0 : index
    %swap3A_31 = arith.constant 0 : index
    %swap3A_32 = vector.load %arg5[%swap3A, %swap3A_31] : memref<1024x32xf32, #tpu.memory_space<vmem>>, vector<1024x32xf32>
    tpu.vector_store %arg5[%swap3A, %swap3A_31], %max3A_30 {strides = array<i32>} : memref<1024x32xf32, #tpu.memory_space<vmem>>, vector<1024x32xf32>,
    return
  }
  func.func @transform_0(%arg0: i32) -> (i32, i32, i32) {
    %c0_i32 = arith.constant 0 : i32
    %c0_i32_0 = arith.constant 0 : i32
    %c0_i32_1 = arith.constant 0 : i32
    return %c0_i32, %arg0, %c0_i32_0 : i32, i32, i32
  }
  func.func @transform_1(%arg0: i32) -> (i32, i32, i32) {
    %c0_i32 = arith.constant 0 : i32
    %c0_i32_0 = arith.constant 0 : i32
    %c0_i32_1 = arith.constant 0 : i32
    return %c0_i32, %arg0, %c0_i32_0 : i32, i32, i32
  }
  func.func @transform_2(%arg0: i32) -> (i32, i32) {
    %c0_i32 = arith.constant 0 : i32
    %c0_i32_0 = arith.constant 0 : i32
    return %arg0, %c0_i32 : i32, i32
  }
  func.func @transform_3(%arg0: i32) -> (i32, i32) {
    %c0_i32 = arith.constant 0 : i32
    %c0_i32_0 = arith.constant 0 : i32
    %c0_i32_1 = arith.constant 0 : i32
    return %c0_i32, %c0_i32_0 : i32, i32
  }
  func.func @transform_4(%arg0: i32) -> (i32, i32) {
    %c0_i32 = arith.constant 0 : i32
    %c0_i32_0 = arith.constant 0 : i32
    return %arg0, %c0_i32 : i32, i32
  }
}

module attributes {stable_mosaic.version = 14 : i64} {
  func.func @_tc_mlp(%arg0: memref<1024x32xf32, #tpu.memory_space<vmem>>, %arg1: memref<32x64xf32, #tpu.memory_space<vmem>>, %arg2: memref<1x64xf32, #tpu.memory_space<vmem>>, %arg3: memref<64x1xf32, #tpu.memory_space<vmem>>, %arg4: memref<1x1xf32, #tpu.memory_space<vmem>>, %arg5: memref<1024x1xf32, #tpu.memory_space<vmem>>) attributes {dimension_semantics = [], scalar_prefetch = 0 : i64, scratch_operands = 0 : i64, tpu.core_type = #tpu.core_type<tc>} {
    %get3A = arith.constant 0 : index
    %get3A_0 = arith.constant 0 : index
    %get3A_1 = vector.load %arg0[%get3A, %get3A_0] : memref<1024x32xf32, #tpu.memory_space<vmem>>, vector<1024x32xf32>
    %get3A_2 = arith.constant 0 : index
    %get3A_3 = arith.constant 0 : index
    %get3A_4 = vector.load %arg1[%get3A_2, %get3A_3] : memref<32x64xf32, #tpu.memory_space<vmem>>, vector<32x64xf32>
    %dot_general3A = arith.constant dense<0.000000e+00> : vector<1024x64xf32>
    %dot_general3A_5 = tpu.matmul %get3A_1, %get3A_4, %dot_general3A {dimension_numbers = #tpu.dot_dimension_numbers<[1], [0], [0], [1], [0, 0, 1, 1], [], []>, transpose_lhs_hint = false} : vector<1024x32xf32>, vector<32x64xf32>, vector<1024x64xf32> -> vector<1024x64xf32>
    %get3A_6 = arith.constant 0 : index
    %get3A_7 = arith.constant 0 : index
    %get3A_8 = vector.load %arg2[%get3A_6, %get3A_7] : memref<1x64xf32, #tpu.memory_space<vmem>>, vector<1x64xf32>
    %add3A = vector.broadcast %get3A_8 : vector<1x64xf32> to vector<1024x64xf32>
    %add3A_9 = arith.addf %dot_general3A_5, %add3A : vector<1024x64xf32>
    %max3A = arith.constant 0.000000e+00 : f32
    %max3A_10 = vector.broadcast %max3A : f32 to vector<1024x64xf32>
    %max3A_11 = arith.maximumf %add3A_9, %max3A_10 : vector<1024x64xf32>
    %get3A_12 = arith.constant 0 : index
    %get3A_13 = arith.constant 0 : index
    %get3A_14 = vector.load %arg3[%get3A_12, %get3A_13] : memref<64x1xf32, #tpu.memory_space<vmem>>, vector<64x1xf32>
    %dot_general3A_15 = arith.constant dense<0.000000e+00> : vector<1024x1xf32>
    %dot_general3A_16 = tpu.matmul %max3A_11, %get3A_14, %dot_general3A_15 {dimension_numbers = #tpu.dot_dimension_numbers<[1], [0], [0], [1], [0, 0, 1, 1], [], []>, transpose_lhs_hint = false} : vector<1024x64xf32>, vector<64x1xf32>, vector<1024x1xf32> -> vector<1024x1xf32>
    %get3A_17 = arith.constant 0 : index
    %get3A_18 = arith.constant 0 : index
    %get3A_19 = vector.load %arg4[%get3A_17, %get3A_18] : memref<1x1xf32, #tpu.memory_space<vmem>>, vector<1x1xf32>
    %add3A_20 = vector.broadcast %get3A_19 : vector<1x1xf32> to vector<1024x1xf32>
    %add3A_21 = arith.addf %dot_general3A_16, %add3A_20 : vector<1024x1xf32>
    %swap3A = arith.constant 0 : index
    %swap3A_22 = arith.constant 0 : index
    %swap3A_23 = vector.load %arg5[%swap3A, %swap3A_22] : memref<1024x1xf32, #tpu.memory_space<vmem>>, vector<1024x1xf32>
    tpu.vector_store %arg5[%swap3A, %swap3A_22], %add3A_21 {strides = array<i32>} : memref<1024x1xf32, #tpu.memory_space<vmem>>, vector<1024x1xf32>,
    return
  }
}

</mosaic_0001>

<sc_bundles>
// kernel: kernel.10.cloned.1.call-start
scs
__scs_entry_jumppad:
0x0: {  	(pc) =	sbr.rel $0x88, $3  }
0x1: {  	(tag) =	ssettag $0x0;
	lr =	simm.s32 $0x1  }
0x2: {  	[smem:$0x3F96] =	sst lr;
	_ =	strace $0xD0000000  }
0x3: {  	_ = 	snop  }
0x4: {  	_ = 	snop  }
0x5: {  	_ = 	snop  }
0x6: {  	_ = 	snop  }
0x7: {  	_ = 	snop  }
__scs_overlays_trampoline_lowered:
0x8: {  	[smem:$0x3FA5] =	sst s0  }
0x9: {  	[smem:$0x3FA6] =	sst s1  }
0xa: {  	[smem:$0x3FA7] =	sst s2  }
0xb: {  	[smem:$0x3FA8] =	sst s3  }
0xc: {  	[smem:$0x3FA9] =	sst s4  }
0xd: {  	[smem:$0x3FAA] =	sst s5  }
0xe: {  	[smem:$0x3FAB] =	sst s6  }
0xf: {  	[smem:$0x3FAC] =	sst s7  }
0x10: {  	[smem:$0x3FAD] =	sst s8  }
0x11: {  	[smem:$0x3FAE] =	sst s9;
	s0 =	simm.s32 @!p0 $0x0  }
0x12: {  	s1 =	sld [smem:$0x3F94];
	s0 =	simm.s32 @p0 $0x1  }
0x13: {  	[smem:$0x3FAF] =	sst s0;
	s0 =	simm.s32 @!p1 $0x0  }
0x14: {  	s2 =	sld [smem:$0x3F93];
	s0 =	simm.s32 @p1 $0x1  }
0x15: {  	[smem:$0x3FB0] =	sst s0;
	s0 =	simm.s32 @!p2 $0x0  }
0x16: {  	s3 =	sld [smem:$0x3FDB];
	s0 =	simm.s32 @p2 $0x1  }
0x17: {  	s4 =	simm.s32 $0x1BF5;
	[smem:$0x3FB2] =	sst s0  }
0x18: {  	s0 =	sld [smem:$0x3F95];
	_ =	swait.ge [sflag:s4], $0x0  }
0x19: {  	s7 =	sld [smem:$0x3F96]  }
0x1a: {  	s8 =	sadd.s32 $0xFFFFE003, lr  }
0x1b: {  	s9 =	sadd.s32 $0xFFFFFEF7, lr;
	s5 =	simm.s32 $0xFFFFFFFF;
	p2 =	slt.u32 s8, $0xFFFFF086  }
0x1c: {  	p1 =	slt.u32 s9, $0xF7A;
	s5 =	simm.s32 @!p2 $0x0  }
0x1d: {  	s5 =	simm.s32 @p1 $0x1;
	p0 =	seq.s32 s7, s2  }
0x1e: {  	s7 =	smul.u32 @!p0 $0xF7A, s2;
	p2 =	seq.s32 @!p0 s5, $0x0  }
0x1f: {  	s9 =	smul.u32 $0xF7A, s1;
	s8 =	simm.s32 @!p0 $0x1BF5;
	p2 =	por !p2, p0  }
0x20: {  	[sflag:s8] =	ssyncset.s32 @!p0 $0xFFFFF086;
	s6 =	sadd.s32 @!p0 s3, s7;
	s7 =	simm.s32 @!p0 $0x108  }
0x21: {  	s3 =	sadd.s32 s3, s9;
	s6 =	sadd.s32 @!p0 $0x88, s6;
	s7 =	simm.s32 @p2 $0x1082  }
0x22: {  	[simem:s7], [sflag:s8] =	dma.local @!p0 [hbm:s6], $0xF7A  }
0x23: {  	s9 =	sor.u32 $0xD0000000, s2;
	s6 =	simm.s32 $0x108;
	_ =	swait.ge @!p0 [sflag:s8], $0x0  }
0x24: {  	s3 =	sadd.s32 $0x88, s3;
	s6 =	simm.s32 @!p1 $0x1082;
	[sflag:s4] =	ssyncset.s32 $0xFFFFF086  }
0x25: {  	[simem:s6], [sflag:s4] =	dma.local [hbm:s3], $0xF7A  }
0x26: {  	[smem:$0x3F96] =	sst s1;
	(tag) =	ssettag s2;
	_ =	strace s9  }
0x27: {  	s1 =	sld [smem:$0x3FA6]  }
0x28: {  	s2 =	sld [smem:$0x3FA7]  }
0x29: {  	s4 =	sld [smem:$0x3FA9]  }
0x2a: {  	p0 =	seq.s32 s5, $0x0;
	s5 =	sld [smem:$0x3FAA]  }
0x2b: {  	s6 =	sld [smem:$0x3FAB]  }
0x2c: {  	s7 =	sld [smem:$0x3FAC]  }
0x2d: {  	s3 =	simm.s32 $0x108;
	s8 =	sld [smem:$0x3FAD]  }
0x2e: {  	s3 =	simm.s32 @!p0 $0x1082;
	s9 =	sld [smem:$0x3FAE]  }
0x2f: {  	lr =	sadd.s32 s0, s3;
	s0 =	sld [smem:$0x3FA5]  }
0x30: {  	s3 =	sld [smem:$0x3FA8]  }
0x31: {  	[smem:$0x3FB1] =	sst s10  }
0x32: {  	s10 =	sld [smem:$0x3FAF];
	_ =	sdelay $0x3  }
0x33: {  	p0 =	seq.s32 s10, $0x1;
	s10 =	sld [smem:$0x3FB1];
	_ =	sdelay $0x3  }
0x34: {  	[smem:$0x3FB1] =	sst s10  }
0x35: {  	s10 =	sld [smem:$0x3FB0];
	_ =	sdelay $0x3  }
0x36: {  	p1 =	seq.s32 s10, $0x1;
	s10 =	sld [smem:$0x3FB1];
	_ =	sdelay $0x3  }
0x37: {  	[smem:$0x3FB1] =	sst s10  }
0x38: {  	s10 =	sld [smem:$0x3FB2]  }
0x39: {  	_ = 	snop;
	(pc) =	sbr.ind lr, $3  }
0x3a: {  	_ = 	snop  }
0x3b: {  	_ = 	snop  }
0x3c: {  	p2 =	seq.s32 s10, $0x1;
	s10 =	sld [smem:$0x3FB1]  }
0x3d: {  	_ =	shalt  }
0x3e: {  	_ =	shalt  }
0x3f: {  	_ =	shalt  }
0x40: {  	_ =	shalt  }
0x41: {  	_ =	shalt  }
0x42: {  	_ =	shalt  }
0x43: {  	_ =	shalt  }
0x44: {  	_ =	shalt  }
0x45: {  	_ =	shalt  }
0x46: {  	_ =	shalt  }
0x47: {  	_ =	shalt  }
0x48: {  	_ =	shalt  }
0x49: {  	_ =	shalt  }
0x4a: {  	_ =	shalt  }
0x4b: {  	_ =	shalt  }
0x4c: {  	_ =	shalt  }
0x4d: {  	_ =	shalt  }
0x4e: {  	_ =	shalt  }
0x4f: {  	_ =	shalt  }
0x50: {  	_ =	shalt  }
0x51: {  	_ =	shalt  }
0x52: {  	_ =	shalt  }
0x53: {  	_ =	shalt  }
0x54: {  	_ =	shalt  }
0x55: {  	_ =	shalt  }
0x56: {  	_ =	shalt  }
0x57: {  	_ =	shalt  }
0x58: {  	_ =	shalt  }
0x59: {  	_ =	shalt  }
0x5a: {  	_ =	shalt  }
0x5b: {  	_ =	shalt  }
0x5c: {  	_ =	shalt  }
0x5d: {  	_ =	shalt  }
0x5e: {  	_ =	shalt  }
0x5f: {  	_ =	shalt  }
0x60: {  	_ =	shalt  }
0x61: {  	_ =	shalt  }
0x62: {  	_ =	shalt  }
0x63: {  	_ =	shalt  }
0x64: {  	_ =	shalt  }
0x65: {  	_ =	shalt  }
0x66: {  	_ =	shalt  }
0x67: {  	_ =	shalt  }
0x68: {  	_ =	shalt  }
0x69: {  	_ =	shalt  }
0x6a: {  	_ =	shalt  }
0x6b: {  	_ =	shalt  }
0x6c: {  	_ =	shalt  }
0x6d: {  	_ =	shalt  }
0x6e: {  	_ =	shalt  }
0x6f: {  	_ =	shalt  }
0x70: {  	_ =	shalt  }
0x71: {  	_ =	shalt  }
0x72: {  	_ =	shalt  }
0x73: {  	_ =	shalt  }
0x74: {  	_ =	shalt  }
0x75: {  	_ =	shalt  }
0x76: {  	_ =	shalt  }
0x77: {  	_ =	shalt  }
0x78: {  	_ =	shalt  }
0x79: {  	_ =	shalt  }
0x7a: {  	_ =	shalt  }
0x7b: {  	_ =	shalt  }
0x7c: {  	_ =	shalt  }
0x7d: {  	_ =	shalt  }
0x7e: {  	_ =	shalt  }
0x7f: {  	_ =	shalt  }
0x80: {  	_ =	shalt  }
0x81: {  	_ =	shalt  }
0x82: {  	_ =	shalt  }
0x83: {  	_ =	shalt  }
0x84: {  	_ =	shalt  }
0x85: {  	_ =	shalt  }
0x86: {  	_ =	shalt  }
0x87: {  	_ =	shalt  }
.Lfunc_end0:
.L_simem_size_0:
called_computation_lowered:
.L_overlay_start_0:
0x88: {  	s2 =	sld [smem:$0x3FD9]  }
0x89: {  	s3 =	sld [smem:$0x3FFE];
	_ =	sdelay $0x1  }
0x8a: {  	s1 =	srdreg.scid  }
0x8b: {  	s0 =	sand.u32 $0x1, s1  }
0x8c: {  	s16 =	sshll.u32 s0, $0xA;
	s2 =	sadd.s32 s3, s2  }
0x8d: {  	s2 =	sadd.s32 s2, s16  }
0x8e: {  	[smem:$0x3FBD] =	sst s2  }
0x8f: {  	_ = 	snop  }
0x90: {  	(tm) =	ssettm $0x1  }
0x91: {  	s17 =	sld [smem:$0x3FFB];
	_ =	sdelay $0x3  }
0x92: {  	_ =	strace s17  }
0x93: {  	s2 =	sld [smem:$0x3FFC];
	_ =	sdelay $0x3  }
0x94: {  	_ =	strace s2  }
0x95: {  	s2 =	sld [smem:$0x3FFD];
	_ =	sdelay $0x3  }
0x96: {  	_ =	strace s2  }
0x97: {  	_ =	strace $0x8FFFFFFF  }
0x98: {  	s18 =	sld [smem:$0x3FDB];
	_ =	sdelay $0x1  }
0x99: {  	s19 =	simm.s32 $_scs_section_size  }
0x9a: {  	s4 =	simm.s32 $_size__tile_overlayer_lowered;
	s5 =	simm.s32 $_tile_overlayer_lowered  }
0x9b: {  	s22 =	simm.s32 $0x1BFF;
	s21 =	sshll.u32 s5, $0x1;
	s2 =	sadd.s32 s19, s18  }
0x9c: {  	s6 =	simm.s32 $0x0;
	s20 =	sshll.u32 s4, $0x1;
	s4 =	sadd.s32 s21, s2  }
0x9d: {  	[timem:s6], [sflag:s22] =	dma.local [hbm:s4], s20  }
0x9e: {  	_ =	swait.ge [sflag:s22], s20  }
0x9f: {  	s3 =	ssub.s32 $0x0, s20;
	[sflag:s22] =	ssyncset.done $0x0  }
0xa0: {  	[sflag:s22] =	ssyncadd.s32 s3;
	_ =	sdelay $0x1  }
0xa1: {  	s23 =	simm.s32 $0x1B8B  }
0xa2: {  	_ =	swait.ge [sflag:s23], $0x1  }
0xa3: {  	[sflag:s23] =	ssyncset.done $0x0  }
0xa4: {  	s25 =	simm.s32 $0x1B8E;
	s24 =	sld [smem:$0x3FFE];
	[sflag:s23] =	ssyncadd.s32 $0xFFFFFFFF  }
0xa5: {  	s26 =	simm.s32 $execute0_lowered;
	[smem:$0x3FD2] =	sst s25  }
0xa6: {  	s4 =	sshll.u32 s26, $0x1;
	_ =	strace $0x80000046;
	[dreg:$0x1] =	wrdreg $0xFFFFFFFF  }
0xa7: {  	s28 =	simm.s32 $_size_execute0_lowered;
	s2 =	sadd.s32 s2, s4;
	[dreg:$0x0] =	wrdreg $0x0  }
0xa8: {  	s4 =	sshll.u32 s28, $0x1;
	[dreg:$0x2] =	wrdreg s2  }
0xa9: {  	[dreg:$0x3] =	wrdreg s4  }
0xaa: {  	[dreg:$0x4] =	wrdreg $0xC0  }
0xab: {  	_ =	task [dreg:s6], $0x5FFFF  }
0xac: {  	[dreg:$0x1] =	wrdreg $0xFFFFFFFF  }
0xad: {  	[dreg:$0x0] =	wrdreg $0x60  }
0xae: {  	[dreg:$0x2] =	wrdreg s24  }
0xaf: {  	[dreg:$0x3] =	wrdreg $0xB000  }
0xb0: {  	[dreg:$0x4] =	wrdreg $0x9  }
0xb1: {  	_ =	task.clear_ibuf [dreg:s6], $0x5FFFF;
	_ =	strace $0x90000046  }
0xb2: {  	s29 =	simm.s32 $0x9;
	_ =	strace $0x80000048  }
0xb3: {  	_ =	swait.ge [sflag:s29], $0x1  }
0xb4: {  	[sflag:s29] =	ssyncadd.s32 $0xFFFFFFFF  }
0xb5: {  	_ =	strace $0x90000048  }
0xb6: {  	_ =	sfence  }
0xb7: {  	s30 =	sld [smem:$0x0];
	_ =	sdelay $0x2  }
0xb8: {  	s31 =	sshll.u32 s1, $0xD;
	s1 =	sshrl.u32 s1, $0x2  }
0xb9: {  	s3 =	sand.u32 $0x4000, s31;
	s1 =	sadd.s32 s1, s30  }
0xba: {  	s0 =	sor.u32 s3, s0;
	s1 =	sshll.u32 s1, $0x11  }
0xbb: {  	s0 =	sor.u32 s1, s0  }
0xbc: {  	s0 =	sadd.s32 $0x8F2B, s0  }
0xbd: {  	[sflag:s0] =	ssyncadd.remote.s32 $0x1  }
0xbe: {  	_ =	sfence.sel $0xFFFF  }
0xbf: {  	[dreg:$0x0] =	wrdreg $0xFFFFFFFF;
	(pc) =	sbr.abs _section_cstart, $3  }
0xc0: {  	[dreg:$0x1] =	wrdreg $0xFFFFFFFF  }
0xc1: {  	_ =	task.clear_ibuf [dreg:s6], $0x2FFFF;
	_ =	strace $0x9FFFFFFF  }
0xc2: {  	(tm) =	ssettm $0x7FFFFFFF  }
0xc3: {  	_ =	shalt  }
tec
execute0_lowered:
.L_overlay_start_1:
0x0: {  	(tag) =	ssettag $0x1  }
0x1: {  	s6 =	rddreg [dreg:$0x0]  }
0x2: {  	s0 =	srdreg.scid;
	s2 =	rddreg [dreg:$0x1]  }
0x3: {  	s1 =	rddreg [dreg:$0x2];
	s3 =	simm.s32 $0x0;
	s10 =	simm.s32 $0x80  }
0x4: {  	s11 =	simm.s32 $0x800;
	s12 =	simm.s32 $0x100;
	s13 =	simm.s32 $0x180  }
0x5: {  	s14 =	simm.s32 $0x200;
	s15 =	simm.s32 $0x280;
	s16 =	simm.s32 $0x300  }
0x6: {  	s17 =	simm.s32 $0x380;
	s18 =	simm.s32 $0x400;
	s4 =	sand.u32 $0x1, s0  }
0x7: {  	s19 =	simm.s32 $0x480;
	s0 =	stileid.u32;
	s5 =	smul.u32 $0x28000, s4  }
0x8: {  	s20 =	simm.s32 $0x500;
	s21 =	simm.s32 $0x580;
	s7 =	smul.u32 $0x2800, s0  }
0x9: {  	s22 =	simm.s32 $0x600;
	s23 =	simm.s32 $0x680;
	s8 =	smul.u32 $0x280, s0  }
0xa: {  	s24 =	simm.s32 $0x700;
	[smem:$0x7FF] =	sst s3;
	s9 =	smul.u32 $0x2800, s4  }
0xb: {  	s25 =	simm.s32 $0x780;
	s26 =	simm.s32 $0x0;
	_ =	strace $0x80000047  }
0xc: {  	s4 =	ssub.s32 $0x2, s4;
	s5 =	sadd.s32 s7, s5;
	s28 =	sadd.s32 s8, s9  }
0xd: {  	s31 =	sshrl.u32 s4, $0x1;
	s5 =	sshrl.u32 s5, $0x3;
	s7 =	sshrl.u32 s28, $0x3  }
0xe: {  	s9 =	simm.s32 $0x1;
	s29 =	sadd.s32 s5, s6;
	s30 =	sadd.s32 s7, s6  }
0xf: {  	s6 =	ssub.s32 s4, s31;
	s4 =	sadd.s32 s8, s2;
	s8 =	simm.s32 $0x880  }
0x10: {  	v0 =	vimm.f32 $1.000000000e+00;
	v1 =	vimm.f32 $0.0e+00;
	s5 =	sadd.s32 $0xC200, s30;
	s6 =	smax.u32 s6, $0x1;
	s7 =	sadd.s32 $0x2200, s29  }
.LBB2_1:
0x11: {  	[tilespmem:$0x800] =	vst v0  }
0x12: {  	[tilespmem:$0x810] =	vst v0  }
0x13: {  	[tilespmem:$0x820] =	vst v0  }
0x14: {  	[tilespmem:$0x830] =	vst v0  }
0x15: {  	[tilespmem:$0x840] =	vst v0  }
0x16: {  	[tilespmem:$0x850] =	vst v0  }
0x17: {  	[tilespmem:$0x860] =	vst v0  }
0x18: {  	[tilespmem:$0x870] =	vst v0  }
0x19: {  	[tilespmem:$0x880] =	vst v1  }
0x1a: {  	[tilespmem:$0x890] =	vst v1  }
0x1b: {  	[tilespmem:$0x8A0] =	vst v1  }
0x1c: {  	[tilespmem:$0x8B0] =	vst v1  }
0x1d: {  	[tilespmem:$0x8C0] =	vst v1  }
0x1e: {  	[tilespmem:$0x8D0] =	vst v1  }
0x1f: {  	[tilespmem:$0x8E0] =	vst v1  }
0x20: {  	[tilespmem:$0x8F0] =	vst v1  }
0x21: {  	[tilespmem:$0x900] =	vst v1  }
0x22: {  	[tilespmem:$0x910] =	vst v1  }
0x23: {  	[tilespmem:$0x920] =	vst v1  }
0x24: {  	[tilespmem:$0x930] =	vst v1  }
0x25: {  	[tilespmem:$0x940] =	vst v1  }
0x26: {  	[tilespmem:$0x950] =	vst v1  }
0x27: {  	[tilespmem:$0x960] =	vst v1  }
0x28: {  	[tilespmem:$0x970] =	vst v1  }
0x29: {  	[tilespmem:$0x980] =	vst v1  }
0x2a: {  	[tilespmem:$0x990] =	vst v1  }
0x2b: {  	[tilespmem:$0x9A0] =	vst v1  }
0x2c: {  	[tilespmem:$0x9B0] =	vst v1  }
0x2d: {  	[tilespmem:$0x9C0] =	vst v1  }
0x2e: {  	[tilespmem:$0x9D0] =	vst v1  }
0x2f: {  	[tilespmem:$0x9E0] =	vst v1  }
0x30: {  	[tilespmem:$0x9F0] =	vst v1  }
0x31: {  	[tilespmem:$0xA00] =	vst v1  }
0x32: {  	[tilespmem:$0xA10] =	vst v1  }
0x33: {  	[tilespmem:$0xA20] =	vst v1  }
0x34: {  	[tilespmem:$0xA30] =	vst v1  }
0x35: {  	[tilespmem:$0xA40] =	vst v1  }
0x36: {  	[tilespmem:$0xA50] =	vst v1  }
0x37: {  	[tilespmem:$0xA60] =	vst v1  }
0x38: {  	[tilespmem:$0xA70] =	vst v1  }
0x39: {  	[tilespmem:$0xA80] =	vst v1  }
0x3a: {  	[tilespmem:$0xA90] =	vst v1  }
0x3b: {  	[tilespmem:$0xAA0] =	vst v1  }
0x3c: {  	[tilespmem:$0xAB0] =	vst v1  }
0x3d: {  	[tilespmem:$0xAC0] =	vst v1  }
0x3e: {  	[tilespmem:$0xAD0] =	vst v1  }
0x3f: {  	[tilespmem:$0xAE0] =	vst v1  }
0x40: {  	[tilespmem:$0xAF0] =	vst v1  }
0x41: {  	[spmem:s4] =	stream.linear.scatter [tilespmem:s8], [sflag:$0x1], $0x280, $0x38;
	[tilespmem:$0xD80] =	vst v63  }
0x42: {  	_ =	swait.ge [sflag:s9], $0x280  }
0x43: {  	[sflag:s9] =	ssyncset.done $0x0  }
0x44: {  	[sflag:s9] =	ssyncadd.s32 $0xFFFFFD80  }
0x45: {  	s28 =	sadd.s32 $0x0, s7;
	[bflag:$0x0] =	sbarrier.arrive $0xFFFF  }
0x46: {  	[tilespmem:s3], [sflag:$0x1] =	stream.linear.gather [hbm4b:s28+s3], $0x800, $0x38;
	[tilespmem:$0xD80] =	vst v63  }
0x47: {  	_ =	swait.ge [sflag:s9], $0x800  }
0x48: {  	[sflag:s9] =	ssyncset.done $0x0  }
0x49: {  	[sflag:s9] =	ssyncadd.s32 $0xFFFFF800  }
0x4a: {  	[spmem:s2] =	stream.indirect.scatter.add.f32 [tilespmem:s11], [sflag:$0x1], $0x1, s3, s10, $0xb8;
	[tilespmem:$0xD80] =	vst v63  }
0x4b: {  	_ =	swait.ge [sflag:s9], $0x80  }
0x4c: {  	[sflag:s9] =	ssyncset.done $0x0  }
0x4d: {  	[sflag:s9] =	ssyncadd.s32 $0xFFFFFF80  }
0x4e: {  	[spmem:s2] =	stream.indirect.scatter.add.f32 [tilespmem:s11], [sflag:$0x1], $0x1, s10, s10, $0xb8;
	[tilespmem:$0xD80] =	vst v63  }
0x4f: {  	_ =	swait.ge [sflag:s9], $0x80  }
0x50: {  	[sflag:s9] =	ssyncset.done $0x0  }
0x51: {  	[sflag:s9] =	ssyncadd.s32 $0xFFFFFF80  }
0x52: {  	[spmem:s2] =	stream.indirect.scatter.add.f32 [tilespmem:s11], [sflag:$0x1], $0x1, s12, s10, $0xb8;
	[tilespmem:$0xD80] =	vst v63  }
0x53: {  	_ =	swait.ge [sflag:s9], $0x80  }
0x54: {  	[sflag:s9] =	ssyncset.done $0x0  }
0x55: {  	[sflag:s9] =	ssyncadd.s32 $0xFFFFFF80  }
0x56: {  	[spmem:s2] =	stream.indirect.scatter.add.f32 [tilespmem:s11], [sflag:$0x1], $0x1, s13, s10, $0xb8;
	[tilespmem:$0xD80] =	vst v63  }
0x57: {  	_ =	swait.ge [sflag:s9], $0x80  }
0x58: {  	[sflag:s9] =	ssyncset.done $0x0  }
0x59: {  	[sflag:s9] =	ssyncadd.s32 $0xFFFFFF80  }
0x5a: {  	[spmem:s2] =	stream.indirect.scatter.add.f32 [tilespmem:s11], [sflag:$0x1], $0x1, s14, s10, $0xb8;
	[tilespmem:$0xD80] =	vst v63  }
0x5b: {  	_ =	swait.ge [sflag:s9], $0x80  }
0x5c: {  	[sflag:s9] =	ssyncset.done $0x0  }
0x5d: {  	[sflag:s9] =	ssyncadd.s32 $0xFFFFFF80  }
0x5e: {  	[spmem:s2] =	stream.indirect.scatter.add.f32 [tilespmem:s11], [sflag:$0x1], $0x1, s15, s10, $0xb8;
	[tilespmem:$0xD80] =	vst v63  }
0x5f: {  	_ =	swait.ge [sflag:s9], $0x80  }
0x60: {  	[sflag:s9] =	ssyncset.done $0x0  }
0x61: {  	[sflag:s9] =	ssyncadd.s32 $0xFFFFFF80  }
0x62: {  	[spmem:s2] =	stream.indirect.scatter.add.f32 [tilespmem:s11], [sflag:$0x1], $0x1, s16, s10, $0xb8;
	[tilespmem:$0xD80] =	vst v63  }
0x63: {  	_ =	swait.ge [sflag:s9], $0x80  }
0x64: {  	[sflag:s9] =	ssyncset.done $0x0  }
0x65: {  	[sflag:s9] =	ssyncadd.s32 $0xFFFFFF80  }
0x66: {  	[spmem:s2] =	stream.indirect.scatter.add.f32 [tilespmem:s11], [sflag:$0x1], $0x1, s17, s10, $0xb8;
	[tilespmem:$0xD80] =	vst v63  }
0x67: {  	_ =	swait.ge [sflag:s9], $0x80  }
0x68: {  	[sflag:s9] =	ssyncset.done $0x0  }
0x69: {  	[sflag:s9] =	ssyncadd.s32 $0xFFFFFF80  }
0x6a: {  	[spmem:s2] =	stream.indirect.scatter.add.f32 [tilespmem:s11], [sflag:$0x1], $0x1, s18, s10, $0xb8;
	[tilespmem:$0xD80] =	vst v63  }
0x6b: {  	_ =	swait.ge [sflag:s9], $0x80  }
0x6c: {  	[sflag:s9] =	ssyncset.done $0x0  }
0x6d: {  	[sflag:s9] =	ssyncadd.s32 $0xFFFFFF80  }
0x6e: {  	[spmem:s2] =	stream.indirect.scatter.add.f32 [tilespmem:s11], [sflag:$0x1], $0x1, s19, s10, $0xb8;
	[tilespmem:$0xD80] =	vst v63  }
0x6f: {  	_ =	swait.ge [sflag:s9], $0x80  }
0x70: {  	[sflag:s9] =	ssyncset.done $0x0  }
0x71: {  	[sflag:s9] =	ssyncadd.s32 $0xFFFFFF80  }
0x72: {  	[spmem:s2] =	stream.indirect.scatter.add.f32 [tilespmem:s11], [sflag:$0x1], $0x1, s20, s10, $0xb8;
	[tilespmem:$0xD80] =	vst v63  }
0x73: {  	_ =	swait.ge [sflag:s9], $0x80  }
0x74: {  	[sflag:s9] =	ssyncset.done $0x0  }
0x75: {  	[sflag:s9] =	ssyncadd.s32 $0xFFFFFF80  }
0x76: {  	[spmem:s2] =	stream.indirect.scatter.add.f32 [tilespmem:s11], [sflag:$0x1], $0x1, s21, s10, $0xb8;
	[tilespmem:$0xD80] =	vst v63  }
0x77: {  	_ =	swait.ge [sflag:s9], $0x80  }
0x78: {  	[sflag:s9] =	ssyncset.done $0x0  }
0x79: {  	[sflag:s9] =	ssyncadd.s32 $0xFFFFFF80  }
0x7a: {  	[spmem:s2] =	stream.indirect.scatter.add.f32 [tilespmem:s11], [sflag:$0x1], $0x1, s22, s10, $0xb8;
	[tilespmem:$0xD80] =	vst v63  }
0x7b: {  	_ =	swait.ge [sflag:s9], $0x80  }
0x7c: {  	[sflag:s9] =	ssyncset.done $0x0  }
0x7d: {  	[sflag:s9] =	ssyncadd.s32 $0xFFFFFF80  }
0x7e: {  	[spmem:s2] =	stream.indirect.scatter.add.f32 [tilespmem:s11], [sflag:$0x1], $0x1, s23, s10, $0xb8;
	[tilespmem:$0xD80] =	vst v63  }
0x7f: {  	_ =	swait.ge [sflag:s9], $0x80  }
0x80: {  	[sflag:s9] =	ssyncset.done $0x0  }
0x81: {  	[sflag:s9] =	ssyncadd.s32 $0xFFFFFF80  }
0x82: {  	[spmem:s2] =	stream.indirect.scatter.add.f32 [tilespmem:s11], [sflag:$0x1], $0x1, s24, s10, $0xb8;
	[tilespmem:$0xD80] =	vst v63  }
0x83: {  	_ =	swait.ge [sflag:s9], $0x80  }
0x84: {  	[sflag:s9] =	ssyncset.done $0x0  }
0x85: {  	[sflag:s9] =	ssyncadd.s32 $0xFFFFFF80  }
0x86: {  	[spmem:s2] =	stream.indirect.scatter.add.f32 [tilespmem:s11], [sflag:$0x1], $0x1, s25, s10, $0xb8;
	[tilespmem:$0xD80] =	vst v63  }
0x87: {  	_ =	swait.ge [sflag:s9], $0x80  }
0x88: {  	s30 =	simm.s32 $0x200;
	s28 =	simm.s32 $0x100;
	[sflag:s9] =	ssyncset.done $0x0  }
.LBB2_2:
0x89: {  	s31 =	sadd.s32 s28, s7  }
0x8a: {  	[sflag:s9] =	ssyncadd.s32 $0xFFFFFF80;
	s28 =	smov.u32 s30;
	s29 =	sadd.s32 $0x100, s30  }
0x8b: {  	[tilespmem:s3], [sflag:$0x1] =	stream.linear.gather [hbm4b:s31+s3], $0x800, $0x38;
	[tilespmem:$0xD80] =	vst v63  }
0x8c: {  	p0 =	sne.s32 s30, $0x400;
	_ =	swait.ge [sflag:s9], $0x800  }
0x8d: {  	[sflag:s9] =	ssyncset.done $0x0  }
0x8e: {  	[sflag:s9] =	ssyncadd.s32 $0xFFFFF800  }
0x8f: {  	[spmem:s2] =	stream.indirect.scatter.add.f32 [tilespmem:s11], [sflag:$0x1], $0x1, s3, s10, $0xb8;
	[tilespmem:$0xD80] =	vst v63  }
0x90: {  	_ =	swait.ge [sflag:s9], $0x80  }
0x91: {  	[sflag:s9] =	ssyncset.done $0x0  }
0x92: {  	[sflag:s9] =	ssyncadd.s32 $0xFFFFFF80  }
0x93: {  	[spmem:s2] =	stream.indirect.scatter.add.f32 [tilespmem:s11], [sflag:$0x1], $0x1, s10, s10, $0xb8;
	[tilespmem:$0xD80] =	vst v63  }
0x94: {  	_ =	swait.ge [sflag:s9], $0x80  }
0x95: {  	[sflag:s9] =	ssyncset.done $0x0  }
0x96: {  	[sflag:s9] =	ssyncadd.s32 $0xFFFFFF80  }
0x97: {  	[spmem:s2] =	stream.indirect.scatter.add.f32 [tilespmem:s11], [sflag:$0x1], $0x1, s12, s10, $0xb8;
	[tilespmem:$0xD80] =	vst v63  }
0x98: {  	_ =	swait.ge [sflag:s9], $0x80  }
0x99: {  	[sflag:s9] =	ssyncset.done $0x0  }
0x9a: {  	[sflag:s9] =	ssyncadd.s32 $0xFFFFFF80  }
0x9b: {  	[spmem:s2] =	stream.indirect.scatter.add.f32 [tilespmem:s11], [sflag:$0x1], $0x1, s13, s10, $0xb8;
	[tilespmem:$0xD80] =	vst v63  }
0x9c: {  	_ =	swait.ge [sflag:s9], $0x80  }
0x9d: {  	[sflag:s9] =	ssyncset.done $0x0  }
0x9e: {  	[sflag:s9] =	ssyncadd.s32 $0xFFFFFF80  }
0x9f: {  	[spmem:s2] =	stream.indirect.scatter.add.f32 [tilespmem:s11], [sflag:$0x1], $0x1, s14, s10, $0xb8;
	[tilespmem:$0xD80] =	vst v63  }
0xa0: {  	_ =	swait.ge [sflag:s9], $0x80  }
0xa1: {  	[sflag:s9] =	ssyncset.done $0x0  }
0xa2: {  	[sflag:s9] =	ssyncadd.s32 $0xFFFFFF80  }
0xa3: {  	[spmem:s2] =	stream.indirect.scatter.add.f32 [tilespmem:s11], [sflag:$0x1], $0x1, s15, s10, $0xb8;
	[tilespmem:$0xD80] =	vst v63  }
0xa4: {  	_ =	swait.ge [sflag:s9], $0x80  }
0xa5: {  	[sflag:s9] =	ssyncset.done $0x0  }
0xa6: {  	[sflag:s9] =	ssyncadd.s32 $0xFFFFFF80  }
0xa7: {  	[spmem:s2] =	stream.indirect.scatter.add.f32 [tilespmem:s11], [sflag:$0x1], $0x1, s16, s10, $0xb8;
	[tilespmem:$0xD80] =	vst v63  }
0xa8: {  	_ =	swait.ge [sflag:s9], $0x80  }
0xa9: {  	[sflag:s9] =	ssyncset.done $0x0  }
0xaa: {  	[sflag:s9] =	ssyncadd.s32 $0xFFFFFF80  }
0xab: {  	[spmem:s2] =	stream.indirect.scatter.add.f32 [tilespmem:s11], [sflag:$0x1], $0x1, s17, s10, $0xb8;
	[tilespmem:$0xD80] =	vst v63  }
0xac: {  	_ =	swait.ge [sflag:s9], $0x80  }
0xad: {  	[sflag:s9] =	ssyncset.done $0x0  }
0xae: {  	[sflag:s9] =	ssyncadd.s32 $0xFFFFFF80  }
0xaf: {  	[spmem:s2] =	stream.indirect.scatter.add.f32 [tilespmem:s11], [sflag:$0x1], $0x1, s18, s10, $0xb8;
	[tilespmem:$0xD80] =	vst v63  }
0xb0: {  	_ =	swait.ge [sflag:s9], $0x80  }
0xb1: {  	[sflag:s9] =	ssyncset.done $0x0  }
0xb2: {  	[sflag:s9] =	ssyncadd.s32 $0xFFFFFF80  }
0xb3: {  	[spmem:s2] =	stream.indirect.scatter.add.f32 [tilespmem:s11], [sflag:$0x1], $0x1, s19, s10, $0xb8;
	[tilespmem:$0xD80] =	vst v63  }
0xb4: {  	_ =	swait.ge [sflag:s9], $0x80  }
0xb5: {  	[sflag:s9] =	ssyncset.done $0x0  }
0xb6: {  	[sflag:s9] =	ssyncadd.s32 $0xFFFFFF80  }
0xb7: {  	[spmem:s2] =	stream.indirect.scatter.add.f32 [tilespmem:s11], [sflag:$0x1], $0x1, s20, s10, $0xb8;
	[tilespmem:$0xD80] =	vst v63  }
0xb8: {  	_ =	swait.ge [sflag:s9], $0x80  }
0xb9: {  	[sflag:s9] =	ssyncset.done $0x0  }
0xba: {  	[sflag:s9] =	ssyncadd.s32 $0xFFFFFF80  }
0xbb: {  	[spmem:s2] =	stream.indirect.scatter.add.f32 [tilespmem:s11], [sflag:$0x1], $0x1, s21, s10, $0xb8;
	[tilespmem:$0xD80] =	vst v63  }
0xbc: {  	_ =	swait.ge [sflag:s9], $0x80  }
0xbd: {  	[sflag:s9] =	ssyncset.done $0x0  }
0xbe: {  	[sflag:s9] =	ssyncadd.s32 $0xFFFFFF80  }
0xbf: {  	[spmem:s2] =	stream.indirect.scatter.add.f32 [tilespmem:s11], [sflag:$0x1], $0x1, s22, s10, $0xb8;
	[tilespmem:$0xD80] =	vst v63  }
0xc0: {  	_ =	swait.ge [sflag:s9], $0x80  }
0xc1: {  	[sflag:s9] =	ssyncset.done $0x0  }
0xc2: {  	[sflag:s9] =	ssyncadd.s32 $0xFFFFFF80  }
0xc3: {  	[spmem:s2] =	stream.indirect.scatter.add.f32 [tilespmem:s11], [sflag:$0x1], $0x1, s23, s10, $0xb8;
	[tilespmem:$0xD80] =	vst v63  }
0xc4: {  	_ =	swait.ge [sflag:s9], $0x80  }
0xc5: {  	[sflag:s9] =	ssyncset.done $0x0  }
0xc6: {  	[sflag:s9] =	ssyncadd.s32 $0xFFFFFF80  }
0xc7: {  	[spmem:s2] =	stream.indirect.scatter.add.f32 [tilespmem:s11], [sflag:$0x1], $0x1, s24, s10, $0xb8;
	[tilespmem:$0xD80] =	vst v63  }
0xc8: {  	_ =	swait.ge [sflag:s9], $0x80  }
.Ltmp0:
0xc9: {  	[sflag:s9] =	ssyncset.done $0x0;
	(pc) =	sbr.rel @p0 .LBB2_2-.Ltmp0, $4  }
0xca: {  	[sflag:s9] =	ssyncadd.s32 $0xFFFFFF80  }
0xcb: {  	[spmem:s2] =	stream.indirect.scatter.add.f32 [tilespmem:s11], [sflag:$0x1], $0x1, s25, s10, $0xb8;
	[tilespmem:$0xD80] =	vst v63  }
0xcc: {  	_ =	swait.ge [sflag:s9], $0x80  }
0xcd: {  	s30 =	smov.u32 s29;
	[sflag:s9] =	ssyncset.done $0x0  }
0xce: {  	s28 =	sadd.s32 s28, s7;
	[sflag:s9] =	ssyncadd.s32 $0xFFFFFF80  }
0xcf: {  	[tilespmem:s3], [sflag:$0x1] =	stream.linear.gather [hbm4b:s28+s3], $0x800, $0x38;
	[tilespmem:$0xD80] =	vst v63  }
0xd0: {  	_ =	swait.ge [sflag:s9], $0x800  }
0xd1: {  	[sflag:s9] =	ssyncset.done $0x0  }
0xd2: {  	[sflag:s9] =	ssyncadd.s32 $0xFFFFF800  }
0xd3: {  	[spmem:s2] =	stream.indirect.scatter.add.f32 [tilespmem:s11], [sflag:$0x1], $0x1, s3, s10, $0xb8;
	[tilespmem:$0xD80] =	vst v63  }
0xd4: {  	_ =	swait.ge [sflag:s9], $0x80  }
0xd5: {  	[sflag:s9] =	ssyncset.done $0x0  }
0xd6: {  	[sflag:s9] =	ssyncadd.s32 $0xFFFFFF80  }
0xd7: {  	[spmem:s2] =	stream.indirect.scatter.add.f32 [tilespmem:s11], [sflag:$0x1], $0x1, s10, s10, $0xb8;
	[tilespmem:$0xD80] =	vst v63  }
0xd8: {  	_ =	swait.ge [sflag:s9], $0x80  }
0xd9: {  	[sflag:s9] =	ssyncset.done $0x0  }
0xda: {  	[sflag:s9] =	ssyncadd.s32 $0xFFFFFF80  }
0xdb: {  	[spmem:s2] =	stream.indirect.scatter.add.f32 [tilespmem:s11], [sflag:$0x1], $0x1, s12, s10, $0xb8;
	[tilespmem:$0xD80] =	vst v63  }
0xdc: {  	_ =	swait.ge [sflag:s9], $0x80  }
0xdd: {  	[sflag:s9] =	ssyncset.done $0x0  }
0xde: {  	[sflag:s9] =	ssyncadd.s32 $0xFFFFFF80  }
0xdf: {  	[spmem:s2] =	stream.indirect.scatter.add.f32 [tilespmem:s11], [sflag:$0x1], $0x1, s13, s10, $0xb8;
	[tilespmem:$0xD80] =	vst v63  }
0xe0: {  	_ =	swait.ge [sflag:s9], $0x80  }
0xe1: {  	[sflag:s9] =	ssyncset.done $0x0  }
0xe2: {  	[sflag:s9] =	ssyncadd.s32 $0xFFFFFF80  }
0xe3: {  	[spmem:s2] =	stream.indirect.scatter.add.f32 [tilespmem:s11], [sflag:$0x1], $0x1, s14, s10, $0xb8;
	[tilespmem:$0xD80] =	vst v63  }
0xe4: {  	_ =	swait.ge [sflag:s9], $0x80  }
0xe5: {  	[sflag:s9] =	ssyncset.done $0x0  }
0xe6: {  	[sflag:s9] =	ssyncadd.s32 $0xFFFFFF80  }
0xe7: {  	[spmem:s2] =	stream.indirect.scatter.add.f32 [tilespmem:s11], [sflag:$0x1], $0x1, s15, s10, $0xb8;
	[tilespmem:$0xD80] =	vst v63  }
0xe8: {  	_ =	swait.ge [sflag:s9], $0x80  }
0xe9: {  	[sflag:s9] =	ssyncset.done $0x0  }
0xea: {  	[sflag:s9] =	ssyncadd.s32 $0xFFFFFF80  }
0xeb: {  	[spmem:s2] =	stream.indirect.scatter.add.f32 [tilespmem:s11], [sflag:$0x1], $0x1, s16, s10, $0xb8;
	[tilespmem:$0xD80] =	vst v63  }
0xec: {  	_ =	swait.ge [sflag:s9], $0x80  }
0xed: {  	[sflag:s9] =	ssyncset.done $0x0  }
0xee: {  	[sflag:s9] =	ssyncadd.s32 $0xFFFFFF80  }
0xef: {  	[spmem:s2] =	stream.indirect.scatter.add.f32 [tilespmem:s11], [sflag:$0x1], $0x1, s17, s10, $0xb8;
	[tilespmem:$0xD80] =	vst v63  }
0xf0: {  	_ =	swait.ge [sflag:s9], $0x80  }
0xf1: {  	[sflag:s9] =	ssyncset.done $0x0  }
0xf2: {  	[sflag:s9] =	ssyncadd.s32 $0xFFFFFF80  }
0xf3: {  	[spmem:s2] =	stream.indirect.scatter.add.f32 [tilespmem:s11], [sflag:$0x1], $0x1, s18, s10, $0xb8;
	[tilespmem:$0xD80] =	vst v63  }
0xf4: {  	_ =	swait.ge [sflag:s9], $0x80  }
0xf5: {  	[sflag:s9] =	ssyncset.done $0x0  }
0xf6: {  	[sflag:s9] =	ssyncadd.s32 $0xFFFFFF80  }
0xf7: {  	[spmem:s2] =	stream.indirect.scatter.add.f32 [tilespmem:s11], [sflag:$0x1], $0x1, s19, s10, $0xb8;
	[tilespmem:$0xD80] =	vst v63  }
0xf8: {  	_ =	swait.ge [sflag:s9], $0x80  }
0xf9: {  	[sflag:s9] =	ssyncset.done $0x0  }
0xfa: {  	[sflag:s9] =	ssyncadd.s32 $0xFFFFFF80  }
0xfb: {  	[spmem:s2] =	stream.indirect.scatter.add.f32 [tilespmem:s11], [sflag:$0x1], $0x1, s20, s10, $0xb8;
	[tilespmem:$0xD80] =	vst v63  }
0xfc: {  	_ =	swait.ge [sflag:s9], $0x80  }
0xfd: {  	[sflag:s9] =	ssyncset.done $0x0  }
0xfe: {  	[sflag:s9] =	ssyncadd.s32 $0xFFFFFF80  }
0xff: {  	[spmem:s2] =	stream.indirect.scatter.add.f32 [tilespmem:s11], [sflag:$0x1], $0x1, s21, s10, $0xb8;
	[tilespmem:$0xD80] =	vst v63  }
0x100: {  	_ =	swait.ge [sflag:s9], $0x80  }
0x101: {  	[sflag:s9] =	ssyncset.done $0x0  }
0x102: {  	[sflag:s9] =	ssyncadd.s32 $0xFFFFFF80  }
0x103: {  	[spmem:s2] =	stream.indirect.scatter.add.f32 [tilespmem:s11], [sflag:$0x1], $0x1, s22, s10, $0xb8;
	[tilespmem:$0xD80] =	vst v63  }
0x104: {  	_ =	swait.ge [sflag:s9], $0x80  }
0x105: {  	[sflag:s9] =	ssyncset.done $0x0  }
0x106: {  	[sflag:s9] =	ssyncadd.s32 $0xFFFFFF80  }
0x107: {  	[spmem:s2] =	stream.indirect.scatter.add.f32 [tilespmem:s11], [sflag:$0x1], $0x1, s23, s10, $0xb8;
	[tilespmem:$0xD80] =	vst v63  }
0x108: {  	_ =	swait.ge [sflag:s9], $0x80  }
0x109: {  	[sflag:s9] =	ssyncset.done $0x0  }
0x10a: {  	[sflag:s9] =	ssyncadd.s32 $0xFFFFFF80  }
0x10b: {  	[spmem:s2] =	stream.indirect.scatter.add.f32 [tilespmem:s11], [sflag:$0x1], $0x1, s24, s10, $0xb8;
	[tilespmem:$0xD80] =	vst v63  }
0x10c: {  	_ =	swait.ge [sflag:s9], $0x80  }
0x10d: {  	[sflag:s9] =	ssyncset.done $0x0  }
0x10e: {  	[sflag:s9] =	ssyncadd.s32 $0xFFFFFF80  }
0x10f: {  	[spmem:s2] =	stream.indirect.scatter.add.f32 [tilespmem:s11], [sflag:$0x1], $0x1, s25, s10, $0xb8;
	[tilespmem:$0xD80] =	vst v63  }
0x110: {  	_ =	swait.ge [sflag:s9], $0x80  }
0x111: {  	s31 =	sshll.u32 s0, $0x6;
	s26 =	sadd.s32 $0x1, s26;
	[sflag:s9] =	ssyncset.done $0x0  }
0x112: {  	s29 =	sshrl.u32 s4, $0x3;
	p0 =	sne.s32 s26, s6;
	[sflag:s9] =	ssyncadd.s32 $0xFFFFFF80  }
.Ltmp1:
0x113: {  	s28 =	sor.u32 $0x1C01, s31;
	[bflag:$0x0] =	sbarrier.arrive $0xFFFF;
	(pc) =	sbr.rel @p0 .LBB2_1-.Ltmp1, $4  }
0x114: {  	[hbm:s5], [sflag:s28] =	dma.local [spmem:s29], $0x50  }
0x115: {  	_ =	swait.ge [sflag:s9], $0x50  }
0x116: {  	[sflag:s9] =	ssyncset.done $0x0  }
0x117: {  	[sflag:s9] =	ssyncadd.s32 $0xFFFFFFB0  }
0x118: {  	_ =	sfence.sel $0x180000  }
0x119: {  	[bflag:$0x0] =	sbarrier.arrive $0xFFFF  }
0x11a: {  	p0 =	sne.s32 s0, $0x0;
	_ =	strace $0x90000047  }
0x11b: {  	s0 =	sadd.s32 @!p0 $0x100000, s1;
	[bflag:$0x2] =	sbarrier.arrive $0xFFFF  }
0x11c: {  	[sflag:s0] =	ssyncadd.tile.s32 @!p0 $0x1;
	_ =	shalt  }
.Lfunc_end2:
_tile_overlayer_lowered:
.L_overlay_start_2:
0x11d: {  	(tag) =	ssettag $0x2  }
0x11e: {  	s0 =	rddreg [dreg:$0x0];
	s2 =	stileid.u32  }
0x11f: {  	s1 =	rddreg [dreg:$0x1];
	p0 =	sne.s32 s2, $0x0  }
0x120: {  	s3 =	rddreg [dreg:$0x2];
	[bflag:$0x3] =	sbarrier.arrive $0xFFFF;
	s2 =	simm.s32 @!p0 $0x1C01  }
0x121: {  	[timem:s3], [sflag:s2] =	dma.local @!p0 [hbm:s0], s1  }
0x122: {  	s0 =	simm.s32 @!p0 $0x1  }
0x123: {  	_ =	swait.ge @!p0 [sflag:s0], s1  }
0x124: {  	s1 =	ssub.s32 @!p0 $0x0, s1;
	[sflag:s0] =	ssyncset.done @!p0 $0x0  }
0x125: {  	[sflag:s0] =	ssyncadd.s32 @!p0 s1  }
0x126: {  	[bflag:$0x3] =	sbarrier.arrive $0xFFFF  }
0x127: {  	_ =	shalt  }

// kernel: kernel.13.cloned.1.call-start
scs
__scs_entry_jumppad:
0x0: {  	(pc) =	sbr.rel $0x88, $3  }
0x1: {  	(tag) =	ssettag $0x0;
	lr =	simm.s32 $0x1  }
0x2: {  	[smem:$0x3F96] =	sst lr;
	_ =	strace $0xD0000000  }
0x3: {  	_ = 	snop  }
0x4: {  	_ = 	snop  }
0x5: {  	_ = 	snop  }
0x6: {  	_ = 	snop  }
0x7: {  	_ = 	snop  }
__scs_overlays_trampoline_lowered:
0x8: {  	[smem:$0x3FA5] =	sst s0  }
0x9: {  	[smem:$0x3FA6] =	sst s1  }
0xa: {  	[smem:$0x3FA7] =	sst s2  }
0xb: {  	[smem:$0x3FA8] =	sst s3  }
0xc: {  	[smem:$0x3FA9] =	sst s4  }
0xd: {  	[smem:$0x3FAA] =	sst s5  }
0xe: {  	[smem:$0x3FAB] =	sst s6  }
0xf: {  	[smem:$0x3FAC] =	sst s7  }
0x10: {  	[smem:$0x3FAD] =	sst s8  }
0x11: {  	[smem:$0x3FAE] =	sst s9;
	s0 =	simm.s32 @!p0 $0x0  }
0x12: {  	s1 =	sld [smem:$0x3F94];
	s0 =	simm.s32 @p0 $0x1  }
0x13: {  	[smem:$0x3FAF] =	sst s0;
	s0 =	simm.s32 @!p1 $0x0  }
0x14: {  	s2 =	sld [smem:$0x3F93];
	s0 =	simm.s32 @p1 $0x1  }
0x15: {  	[smem:$0x3FB0] =	sst s0;
	s0 =	simm.s32 @!p2 $0x0  }
0x16: {  	s3 =	sld [smem:$0x3FDB];
	s0 =	simm.s32 @p2 $0x1  }
0x17: {  	s4 =	simm.s32 $0x1BF5;
	[smem:$0x3FB2] =	sst s0  }
0x18: {  	s0 =	sld [smem:$0x3F95];
	_ =	swait.ge [sflag:s4], $0x0  }
0x19: {  	s7 =	sld [smem:$0x3F96]  }
0x1a: {  	s8 =	sadd.s32 $0xFFFFE003, lr  }
0x1b: {  	s9 =	sadd.s32 $0xFFFFFEF7, lr;
	s5 =	simm.s32 $0xFFFFFFFF;
	p2 =	slt.u32 s8, $0xFFFFF086  }
0x1c: {  	p1 =	slt.u32 s9, $0xF7A;
	s5 =	simm.s32 @!p2 $0x0  }
0x1d: {  	s5 =	simm.s32 @p1 $0x1;
	p0 =	seq.s32 s7, s2  }
0x1e: {  	s7 =	smul.u32 @!p0 $0xF7A, s2;
	p2 =	seq.s32 @!p0 s5, $0x0  }
0x1f: {  	s9 =	smul.u32 $0xF7A, s1;
	s8 =	simm.s32 @!p0 $0x1BF5;
	p2 =	por !p2, p0  }
0x20: {  	[sflag:s8] =	ssyncset.s32 @!p0 $0xFFFFF086;
	s6 =	sadd.s32 @!p0 s3, s7;
	s7 =	simm.s32 @!p0 $0x108  }
0x21: {  	s3 =	sadd.s32 s3, s9;
	s6 =	sadd.s32 @!p0 $0x88, s6;
	s7 =	simm.s32 @p2 $0x1082  }
0x22: {  	[simem:s7], [sflag:s8] =	dma.local @!p0 [hbm:s6], $0xF7A  }
0x23: {  	s9 =	sor.u32 $0xD0000000, s2;
	s6 =	simm.s32 $0x108;
	_ =	swait.ge @!p0 [sflag:s8], $0x0  }
0x24: {  	s3 =	sadd.s32 $0x88, s3;
	s6 =	simm.s32 @!p1 $0x1082;
	[sflag:s4] =	ssyncset.s32 $0xFFFFF086  }
0x25: {  	[simem:s6], [sflag:s4] =	dma.local [hbm:s3], $0xF7A  }
0x26: {  	[smem:$0x3F96] =	sst s1;
	(tag) =	ssettag s2;
	_ =	strace s9  }
0x27: {  	s1 =	sld [smem:$0x3FA6]  }
0x28: {  	s2 =	sld [smem:$0x3FA7]  }
0x29: {  	s4 =	sld [smem:$0x3FA9]  }
0x2a: {  	p0 =	seq.s32 s5, $0x0;
	s5 =	sld [smem:$0x3FAA]  }
0x2b: {  	s6 =	sld [smem:$0x3FAB]  }
0x2c: {  	s7 =	sld [smem:$0x3FAC]  }
0x2d: {  	s3 =	simm.s32 $0x108;
	s8 =	sld [smem:$0x3FAD]  }
0x2e: {  	s3 =	simm.s32 @!p0 $0x1082;
	s9 =	sld [smem:$0x3FAE]  }
0x2f: {  	lr =	sadd.s32 s0, s3;
	s0 =	sld [smem:$0x3FA5]  }
0x30: {  	s3 =	sld [smem:$0x3FA8]  }
0x31: {  	[smem:$0x3FB1] =	sst s10  }
0x32: {  	s10 =	sld [smem:$0x3FAF];
	_ =	sdelay $0x3  }
0x33: {  	p0 =	seq.s32 s10, $0x1;
	s10 =	sld [smem:$0x3FB1];
	_ =	sdelay $0x3  }
0x34: {  	[smem:$0x3FB1] =	sst s10  }
0x35: {  	s10 =	sld [smem:$0x3FB0];
	_ =	sdelay $0x3  }
0x36: {  	p1 =	seq.s32 s10, $0x1;
	s10 =	sld [smem:$0x3FB1];
	_ =	sdelay $0x3  }
0x37: {  	[smem:$0x3FB1] =	sst s10  }
0x38: {  	s10 =	sld [smem:$0x3FB2]  }
0x39: {  	_ = 	snop;
	(pc) =	sbr.ind lr, $3  }
0x3a: {  	_ = 	snop  }
0x3b: {  	_ = 	snop  }
0x3c: {  	p2 =	seq.s32 s10, $0x1;
	s10 =	sld [smem:$0x3FB1]  }
0x3d: {  	_ =	shalt  }
0x3e: {  	_ =	shalt  }
0x3f: {  	_ =	shalt  }
0x40: {  	_ =	shalt  }
0x41: {  	_ =	shalt  }
0x42: {  	_ =	shalt  }
0x43: {  	_ =	shalt  }
0x44: {  	_ =	shalt  }
0x45: {  	_ =	shalt  }
0x46: {  	_ =	shalt  }
0x47: {  	_ =	shalt  }
0x48: {  	_ =	shalt  }
0x49: {  	_ =	shalt  }
0x4a: {  	_ =	shalt  }
0x4b: {  	_ =	shalt  }
0x4c: {  	_ =	shalt  }
0x4d: {  	_ =	shalt  }
0x4e: {  	_ =	shalt  }
0x4f: {  	_ =	shalt  }
0x50: {  	_ =	shalt  }
0x51: {  	_ =	shalt  }
0x52: {  	_ =	shalt  }
0x53: {  	_ =	shalt  }
0x54: {  	_ =	shalt  }
0x55: {  	_ =	shalt  }
0x56: {  	_ =	shalt  }
0x57: {  	_ =	shalt  }
0x58: {  	_ =	shalt  }
0x59: {  	_ =	shalt  }
0x5a: {  	_ =	shalt  }
0x5b: {  	_ =	shalt  }
0x5c: {  	_ =	shalt  }
0x5d: {  	_ =	shalt  }
0x5e: {  	_ =	shalt  }
0x5f: {  	_ =	shalt  }
0x60: {  	_ =	shalt  }
0x61: {  	_ =	shalt  }
0x62: {  	_ =	shalt  }
0x63: {  	_ =	shalt  }
0x64: {  	_ =	shalt  }
0x65: {  	_ =	shalt  }
0x66: {  	_ =	shalt  }
0x67: {  	_ =	shalt  }
0x68: {  	_ =	shalt  }
0x69: {  	_ =	shalt  }
0x6a: {  	_ =	shalt  }
0x6b: {  	_ =	shalt  }
0x6c: {  	_ =	shalt  }
0x6d: {  	_ =	shalt  }
0x6e: {  	_ =	shalt  }
0x6f: {  	_ =	shalt  }
0x70: {  	_ =	shalt  }
0x71: {  	_ =	shalt  }
0x72: {  	_ =	shalt  }
0x73: {  	_ =	shalt  }
0x74: {  	_ =	shalt  }
0x75: {  	_ =	shalt  }
0x76: {  	_ =	shalt  }
0x77: {  	_ =	shalt  }
0x78: {  	_ =	shalt  }
0x79: {  	_ =	shalt  }
0x7a: {  	_ =	shalt  }
0x7b: {  	_ =	shalt  }
0x7c: {  	_ =	shalt  }
0x7d: {  	_ =	shalt  }
0x7e: {  	_ =	shalt  }
0x7f: {  	_ =	shalt  }
0x80: {  	_ =	shalt  }
0x81: {  	_ =	shalt  }
0x82: {  	_ =	shalt  }
0x83: {  	_ =	shalt  }
0x84: {  	_ =	shalt  }
0x85: {  	_ =	shalt  }
0x86: {  	_ =	shalt  }
0x87: {  	_ =	shalt  }
.Lfunc_end0:
.L_simem_size_0:
called_computation.1_lowered:
.L_overlay_start_0:
0x88: {  	s2 =	sld [smem:$0x3FD9]  }
0x89: {  	s3 =	sld [smem:$0x3FFE];
	_ =	sdelay $0x1  }
0x8a: {  	s1 =	srdreg.scid  }
0x8b: {  	s0 =	sand.u32 $0x1, s1  }
0x8c: {  	s16 =	sshll.u32 s0, $0xA;
	s2 =	sadd.s32 s3, s2  }
0x8d: {  	s2 =	sadd.s32 s2, s16  }
0x8e: {  	[smem:$0x3FBD] =	sst s2  }
0x8f: {  	_ = 	snop  }
0x90: {  	(tm) =	ssettm $0x1  }
0x91: {  	s17 =	sld [smem:$0x3FFB];
	_ =	sdelay $0x3  }
0x92: {  	_ =	strace s17  }
0x93: {  	s2 =	sld [smem:$0x3FFC];
	_ =	sdelay $0x3  }
0x94: {  	_ =	strace s2  }
0x95: {  	s2 =	sld [smem:$0x3FFD];
	_ =	sdelay $0x3  }
0x96: {  	_ =	strace s2  }
0x97: {  	_ =	strace $0x8FFFFFFF  }
0x98: {  	s18 =	sld [smem:$0x3FDB];
	_ =	sdelay $0x1  }
0x99: {  	s19 =	simm.s32 $_scs_section_size  }
0x9a: {  	s4 =	simm.s32 $_size__tile_overlayer_lowered;
	s5 =	simm.s32 $_tile_overlayer_lowered  }
0x9b: {  	s22 =	simm.s32 $0x1BFF;
	s21 =	sshll.u32 s5, $0x1;
	s2 =	sadd.s32 s19, s18  }
0x9c: {  	s6 =	simm.s32 $0x0;
	s20 =	sshll.u32 s4, $0x1;
	s4 =	sadd.s32 s21, s2  }
0x9d: {  	[timem:s6], [sflag:s22] =	dma.local [hbm:s4], s20  }
0x9e: {  	_ =	swait.ge [sflag:s22], s20  }
0x9f: {  	s3 =	ssub.s32 $0x0, s20;
	[sflag:s22] =	ssyncset.done $0x0  }
0xa0: {  	[sflag:s22] =	ssyncadd.s32 s3;
	_ =	sdelay $0x1  }
0xa1: {  	s23 =	simm.s32 $0x1B8B  }
0xa2: {  	_ =	swait.ge [sflag:s23], $0x1  }
0xa3: {  	[sflag:s23] =	ssyncset.done $0x0  }
0xa4: {  	s25 =	simm.s32 $0x1B8E;
	s24 =	sld [smem:$0x3FFE];
	[sflag:s23] =	ssyncadd.s32 $0xFFFFFFFF  }
0xa5: {  	s26 =	simm.s32 $execute0_lowered;
	[smem:$0x3FD2] =	sst s25  }
0xa6: {  	s4 =	sshll.u32 s26, $0x1;
	_ =	strace $0x80000049;
	[dreg:$0x1] =	wrdreg $0xFFFFFFFF  }
0xa7: {  	s28 =	simm.s32 $_size_execute0_lowered;
	s2 =	sadd.s32 s2, s4;
	[dreg:$0x0] =	wrdreg $0x0  }
0xa8: {  	s4 =	sshll.u32 s28, $0x1;
	[dreg:$0x2] =	wrdreg s2  }
0xa9: {  	[dreg:$0x3] =	wrdreg s4  }
0xaa: {  	[dreg:$0x4] =	wrdreg $0xC0  }
0xab: {  	_ =	task [dreg:s6], $0x5FFFF  }
0xac: {  	[dreg:$0x1] =	wrdreg $0xFFFFFFFF  }
0xad: {  	[dreg:$0x0] =	wrdreg $0x60  }
0xae: {  	[dreg:$0x2] =	wrdreg s24  }
0xaf: {  	[dreg:$0x3] =	wrdreg $0x14A000  }
0xb0: {  	[dreg:$0x4] =	wrdreg $0x9  }
0xb1: {  	_ =	task.clear_ibuf [dreg:s6], $0x5FFFF;
	_ =	strace $0x90000049  }
0xb2: {  	s29 =	simm.s32 $0x9;
	_ =	strace $0x8000004B  }
0xb3: {  	_ =	swait.ge [sflag:s29], $0x1  }
0xb4: {  	[sflag:s29] =	ssyncadd.s32 $0xFFFFFFFF  }
0xb5: {  	_ =	strace $0x9000004B  }
0xb6: {  	_ =	sfence  }
0xb7: {  	s30 =	sld [smem:$0x0];
	_ =	sdelay $0x2  }
0xb8: {  	s31 =	sshll.u32 s1, $0xD;
	s1 =	sshrl.u32 s1, $0x2  }
0xb9: {  	s3 =	sand.u32 $0x4000, s31;
	s1 =	sadd.s32 s1, s30  }
0xba: {  	s0 =	sor.u32 s3, s0;
	s1 =	sshll.u32 s1, $0x11  }
0xbb: {  	s0 =	sor.u32 s1, s0  }
0xbc: {  	s0 =	sadd.s32 $0x8F2B, s0  }
0xbd: {  	[sflag:s0] =	ssyncadd.remote.s32 $0x1  }
0xbe: {  	_ =	sfence.sel $0xFFFF  }
0xbf: {  	[dreg:$0x0] =	wrdreg $0xFFFFFFFF;
	(pc) =	sbr.abs _section_cstart, $3  }
0xc0: {  	[dreg:$0x1] =	wrdreg $0xFFFFFFFF  }
0xc1: {  	_ =	task.clear_ibuf [dreg:s6], $0x2FFFF;
	_ =	strace $0x9FFFFFFF  }
0xc2: {  	(tm) =	ssettm $0x7FFFFFFF  }
0xc3: {  	_ =	shalt  }
tec
execute0_lowered:
.L_overlay_start_1:
0x0: {  	(tag) =	ssettag $0x1  }
0x1: {  	s0 =	srdreg.scid  }
0x2: {  	s1 =	rddreg [dreg:$0x0];
	s9 =	stileid.u32  }
0x3: {  	s2 =	rddreg [dreg:$0x1];
	s3 =	simm.s32 $0x0;
	s12 =	simm.s32 $0xA00  }
0x4: {  	s13 =	simm.s32 $0x2;
	s14 =	simm.s32 $0x500;
	s20 =	simm.s32 $0x100  }
0x5: {  	s21 =	simm.s32 $0x180;
	s22 =	simm.s32 $0x200;
	s23 =	simm.s32 $0x280  }
0x6: {  	s24 =	simm.s32 $0x300;
	s25 =	simm.s32 $0x380;
	s26 =	simm.s32 $0x400  }
0x7: {  	s28 =	simm.s32 $0x580;
	s5 =	smul.u32 $0x500, s9;
	[smem:$0x7FF] =	sst s3  }
0x8: {  	s6 =	smul.u32 $0xA0, s9;
	_ =	strace $0x8000004A;
	[dreg:$0x5] =	wrdreg s20  }
0x9: {  	s29 =	simm.s32 $0x600;
	s7 =	smul.u32 $0xA000, s9;
	[dreg:$0x6] =	wrdreg s21  }
0xa: {  	s0 =	sand.u32 $0x1, s0;
	s9 =	smul.u32 $0x28000, s9;
	[dreg:$0x7] =	wrdreg s22  }
0xb: {  	s30 =	simm.s32 $0x680;
	s4 =	smul.u32 $0x50000, s0;
	[dreg:$0x8] =	wrdreg s23  }
0xc: {  	s31 =	simm.s32 $0x700;
	s8 =	smul.u32 $0xA0000, s0;
	[dreg:$0x9] =	wrdreg s24  }
0xd: {  	s0 =	ssub.s32 $0x2, s0;
	s20 =	simm.s32 $0xAA00;
	[dreg:$0xa] =	wrdreg s25  }
0xe: {  	s21 =	simm.s32 $0xCA00;
	s22 =	simm.s32 $0xEA00;
	[dreg:$0xb] =	wrdreg s26  }
0xf: {  	s23 =	simm.s32 $0x10A00;
	s24 =	simm.s32 $0x480;
	s25 =	simm.s32 $0x12A00  }
0x10: {  	s26 =	simm.s32 $0x1;
	s6 =	sadd.s32 s6, s1;
	s9 =	sshrl.u32 s9, $0x2  }
0x11: {  	s15 =	sshrl.u32 s0, $0x1;
	s5 =	sor.u32 s5, s4;
	s4 =	sadd.s32 $0x98C00, s1  }
0x12: {  	s8 =	sadd.s32 s7, s8;
	s9 =	sadd.s32 s9, s2;
	s0 =	ssub.s32 s0, s15  }
0x13: {  	s7 =	sadd.s32 s7, s2;
	s6 =	sadd.s32 $0x2200, s6;
	s15 =	simm.s32 $0x80  }
0x14: {  	s5 =	sshrl.u32 s5, $0x3;
	s8 =	sshrl.u32 s8, $0x3;
	[dreg:$0xc] =	wrdreg s7  }
0x15: {  	s16 =	sadd.s32 $0x2000, s9;
	s17 =	sadd.s32 $0x4000, s9;
	[dreg:$0x3] =	wrdreg s6  }
0x16: {  	s18 =	sadd.s32 $0x6000, s9;
	s19 =	sadd.s32 $0x8000, s9;
	[dreg:$0xd] =	wrdreg s16  }
0x17: {  	s0 =	smax.u32 s0, $0x1;
	s6 =	simm.s32 $0x880;
	[dreg:$0xe] =	wrdreg s17  }
0x18: {  	s7 =	simm.s32 $0x900;
	s9 =	simm.s32 $0x0;
	[dreg:$0xf] =	wrdreg s18  }
0x19: {  	s5 =	sadd.s32 s5, s1;
	s1 =	sadd.s32 s8, s1;
	[dreg:$0x10] =	wrdreg s19  }
0x1a: {  	[dreg:$0x12] =	wrdreg s0;
	s16 =	simm.s32 $0x2A00;
	s17 =	simm.s32 $0x4A00  }
0x1b: {  	s18 =	simm.s32 $0x6A00;
	s19 =	simm.s32 $0x8A00;
	s1 =	sadd.s32 $0xC0C00, s1  }
0x1c: {  	s0 =	simm.s32 $0x800;
	s5 =	sadd.s32 $0xCC00, s5;
	[dreg:$0x11] =	wrdreg s1  }
0x1d: {  	v0 =	vimm.f32 $0.0e+00;
	s8 =	simm.s32 $0x980;
	[dreg:$0x4] =	wrdreg s5;
	s1 =	simm.s32 $0x780  }
.LBB2_1:
0x1e: {  	s11 =	simm.s32 $0x100;
	s10 =	simm.s32 $0x0  }
.LBB2_2:
0x1f: {  	p0 =	sne.s32 s11, $0x7F00;
	[tilespmem:s10+$0xA30] =	vst v0;
	s5 =	smov.u32 s11;
	s11 =	sadd.s32 $0x100, s11  }
.Ltmp0:
0x20: {  	[tilespmem:s10+$0xA20] =	vst v0;
	(pc) =	sbr.rel @p0 .LBB2_2-.Ltmp0, $3  }
0x21: {  	[tilespmem:s10+$0xA00] =	vst v0  }
0x22: {  	[tilespmem:s10+$0xA10] =	vst v0;
	_ =	sdelay $0x1  }
0x23: {  	s10 =	sshra.s32 s5, $0x2  }
0x24: {  	[tilespmem:s10+$0xA30] =	vst v0  }
0x25: {  	[tilespmem:s10+$0xA20] =	vst v0  }
0x26: {  	[dreg:$0x13] =	wrdreg s9;
	[tilespmem:s10+$0xA00] =	vst v0  }
0x27: {  	[tilespmem:s10+$0xA10] =	vst v0;
	s5 =	rddreg [dreg:$0xc]  }
0x28: {  	[spmem:s5] =	stream.linear.scatter [tilespmem:s12], [sflag:$0x2], $0x2000, $0x38;
	[tilespmem:$0x1EA00] =	vst v63  }
0x29: {  	_ =	swait.ge [sflag:s13], $0x2000  }
0x2a: {  	[sflag:s13] =	ssyncset.done $0x0  }
0x2b: {  	s11 =	rddreg [dreg:$0xd];
	[sflag:s13] =	ssyncadd.s32 $0xFFFFE000  }
0x2c: {  	[spmem:s11] =	stream.linear.scatter [tilespmem:s12], [sflag:$0x2], $0x2000, $0x38;
	[tilespmem:$0x1EA00] =	vst v63  }
0x2d: {  	_ =	swait.ge [sflag:s13], $0x2000  }
0x2e: {  	[sflag:s13] =	ssyncset.done $0x0  }
0x2f: {  	s9 =	rddreg [dreg:$0xe];
	[sflag:s13] =	ssyncadd.s32 $0xFFFFE000  }
0x30: {  	[spmem:s9] =	stream.linear.scatter [tilespmem:s12], [sflag:$0x2], $0x2000, $0x38;
	[tilespmem:$0x1EA00] =	vst v63  }
0x31: {  	_ =	swait.ge [sflag:s13], $0x2000  }
0x32: {  	[sflag:s13] =	ssyncset.done $0x0  }
0x33: {  	s10 =	rddreg [dreg:$0xf];
	[sflag:s13] =	ssyncadd.s32 $0xFFFFE000  }
0x34: {  	[spmem:s10] =	stream.linear.scatter [tilespmem:s12], [sflag:$0x2], $0x2000, $0x38;
	[tilespmem:$0x1EA00] =	vst v63  }
0x35: {  	_ =	swait.ge [sflag:s13], $0x2000  }
0x36: {  	[sflag:s13] =	ssyncset.done $0x0  }
0x37: {  	s11 =	rddreg [dreg:$0x10];
	[sflag:s13] =	ssyncadd.s32 $0xFFFFE000  }
0x38: {  	[spmem:s11] =	stream.linear.scatter [tilespmem:s12], [sflag:$0x2], $0x2000, $0x38;
	[tilespmem:$0x1EA00] =	vst v63  }
0x39: {  	_ =	swait.ge [sflag:s13], $0x2000  }
0x3a: {  	[sflag:s13] =	ssyncset.done $0x0  }
0x3b: {  	[sflag:s13] =	ssyncadd.s32 $0xFFFFE000  }
0x3c: {  	[bflag:$0x0] =	sbarrier.arrive $0xFFFF  }
0x3d: {  	s9 =	rddreg [dreg:$0x4]  }
0x3e: {  	s5 =	sadd.s32 $0x0, s9  }
0x3f: {  	[tilespmem:s3], [sflag:$0x2] =	stream.linear.gather [hbm4b:s5+s3], $0x500, $0x38;
	[tilespmem:$0x1EA00] =	vst v63  }
0x40: {  	_ =	swait.ge [sflag:s13], $0x500  }
0x41: {  	s10 =	rddreg [dreg:$0x3];
	[sflag:s13] =	ssyncset.done $0x0  }
0x42: {  	[sflag:s13] =	ssyncadd.s32 $0xFFFFFB00;
	s5 =	sadd.s32 $0x0, s10  }
0x43: {  	[tilespmem:s14], [sflag:$0x2] =	stream.linear.gather [hbm4b:s5+s3], $0x500, $0x38;
	[tilespmem:$0x1EA00] =	vst v63  }
0x44: {  	_ =	swait.ge [sflag:s13], $0x500  }
0x45: {  	[sflag:s13] =	ssyncset.done $0x0  }
0x46: {  	[sflag:s13] =	ssyncadd.s32 $0xFFFFFB00  }
0x47: {  	[tilespmem:s12], [sflag:$0x1] =	stream.indirect.gather [hbm4b:s4+s15], $0x40, s3, s15, $0xb8;
	[tilespmem:$0x1EA00] =	vst v63  }
0x48: {  	_ = 	snop  }
0x49: {  	[tilespmem:s16], [sflag:$0x1] =	stream.indirect.gather [hbm4b:s4+s15], $0x40, s15, s15, $0xb8;
	[tilespmem:$0x1EA00] =	vst v63  }
0x4a: {  	s11 =	rddreg [dreg:$0x5]  }
0x4b: {  	[tilespmem:s17], [sflag:$0x1] =	stream.indirect.gather [hbm4b:s4+s15], $0x40, s11, s15, $0xb8;
	[tilespmem:$0x1EA00] =	vst v63  }
0x4c: {  	s9 =	rddreg [dreg:$0x6]  }
0x4d: {  	[tilespmem:s18], [sflag:$0x1] =	stream.indirect.gather [hbm4b:s4+s15], $0x40, s9, s15, $0xb8;
	[tilespmem:$0x1EA00] =	vst v63  }
0x4e: {  	s11 =	rddreg [dreg:$0x7]  }
0x4f: {  	[tilespmem:s19], [sflag:$0x1] =	stream.indirect.gather [hbm4b:s4+s15], $0x40, s11, s15, $0xb8;
	[tilespmem:$0x1EA00] =	vst v63  }
0x50: {  	s9 =	rddreg [dreg:$0x8]  }
0x51: {  	[tilespmem:s20], [sflag:$0x1] =	stream.indirect.gather [hbm4b:s4+s15], $0x40, s9, s15, $0xb8;
	[tilespmem:$0x1EA00] =	vst v63  }
0x52: {  	s11 =	rddreg [dreg:$0x9]  }
0x53: {  	[tilespmem:s21], [sflag:$0x1] =	stream.indirect.gather [hbm4b:s4+s15], $0x40, s11, s15, $0xb8;
	[tilespmem:$0x1EA00] =	vst v63  }
0x54: {  	s9 =	rddreg [dreg:$0xa]  }
0x55: {  	[tilespmem:s22], [sflag:$0x1] =	stream.indirect.gather [hbm4b:s4+s15], $0x40, s9, s15, $0xb8;
	[tilespmem:$0x1EA00] =	vst v63  }
0x56: {  	s11 =	rddreg [dreg:$0xb]  }
0x57: {  	[tilespmem:s23], [sflag:$0x1] =	stream.indirect.gather [hbm4b:s4+s15], $0x40, s11, s15, $0xb8;
	[tilespmem:$0x1EA00] =	vst v63  }
0x58: {  	_ = 	snop  }
0x59: {  	[tilespmem:s25], [sflag:$0x1] =	stream.indirect.gather [hbm4b:s4+s15], $0x40, s24, s15, $0xb8;
	[tilespmem:$0x1EA00] =	vst v63  }
0x5a: {  	_ =	swait.ge [sflag:s26], $0x2000  }
0x5b: {  	[sflag:s26] =	ssyncset.done $0x0  }
0x5c: {  	[sflag:s26] =	ssyncadd.s32 $0xFFFFE000  }
0x5d: {  	[spmem:s2] =	stream.indirect.scatter.add.f32 [tilespmem:s12], [sflag:$0x2], $0x40, s14, s15, $0xb8;
	[tilespmem:$0x1EA00] =	vst v63  }
0x5e: {  	_ =	swait.ge [sflag:s13], $0x2000  }
0x5f: {  	[sflag:s13] =	ssyncset.done $0x0  }
0x60: {  	[sflag:s13] =	ssyncadd.s32 $0xFFFFE000  }
0x61: {  	_ =	swait.ge [sflag:s26], $0x2000  }
0x62: {  	[sflag:s26] =	ssyncset.done $0x0  }
0x63: {  	[sflag:s26] =	ssyncadd.s32 $0xFFFFE000  }
0x64: {  	[spmem:s2] =	stream.indirect.scatter.add.f32 [tilespmem:s16], [sflag:$0x2], $0x40, s28, s15, $0xb8;
	[tilespmem:$0x1EA00] =	vst v63  }
0x65: {  	_ =	swait.ge [sflag:s13], $0x2000  }
0x66: {  	[sflag:s13] =	ssyncset.done $0x0  }
0x67: {  	[sflag:s13] =	ssyncadd.s32 $0xFFFFE000  }
0x68: {  	_ =	swait.ge [sflag:s26], $0x2000  }
0x69: {  	[sflag:s26] =	ssyncset.done $0x0  }
0x6a: {  	[sflag:s26] =	ssyncadd.s32 $0xFFFFE000  }
0x6b: {  	[spmem:s2] =	stream.indirect.scatter.add.f32 [tilespmem:s17], [sflag:$0x2], $0x40, s29, s15, $0xb8;
	[tilespmem:$0x1EA00] =	vst v63  }
0x6c: {  	_ =	swait.ge [sflag:s13], $0x2000  }
0x6d: {  	[sflag:s13] =	ssyncset.done $0x0  }
0x6e: {  	[sflag:s13] =	ssyncadd.s32 $0xFFFFE000  }
0x6f: {  	_ =	swait.ge [sflag:s26], $0x2000  }
0x70: {  	[sflag:s26] =	ssyncset.done $0x0  }
0x71: {  	[sflag:s26] =	ssyncadd.s32 $0xFFFFE000  }
0x72: {  	[spmem:s2] =	stream.indirect.scatter.add.f32 [tilespmem:s18], [sflag:$0x2], $0x40, s30, s15, $0xb8;
	[tilespmem:$0x1EA00] =	vst v63  }
0x73: {  	_ =	swait.ge [sflag:s13], $0x2000  }
0x74: {  	[sflag:s13] =	ssyncset.done $0x0  }
0x75: {  	[sflag:s13] =	ssyncadd.s32 $0xFFFFE000  }
0x76: {  	_ =	swait.ge [sflag:s26], $0x2000  }
0x77: {  	[sflag:s26] =	ssyncset.done $0x0  }
0x78: {  	[sflag:s26] =	ssyncadd.s32 $0xFFFFE000  }
0x79: {  	[spmem:s2] =	stream.indirect.scatter.add.f32 [tilespmem:s19], [sflag:$0x2], $0x40, s31, s15, $0xb8;
	[tilespmem:$0x1EA00] =	vst v63  }
0x7a: {  	_ =	swait.ge [sflag:s13], $0x2000  }
0x7b: {  	[sflag:s13] =	ssyncset.done $0x0  }
0x7c: {  	[sflag:s13] =	ssyncadd.s32 $0xFFFFE000  }
0x7d: {  	_ =	swait.ge [sflag:s26], $0x2000  }
0x7e: {  	[sflag:s26] =	ssyncset.done $0x0  }
0x7f: {  	[sflag:s26] =	ssyncadd.s32 $0xFFFFE000  }
0x80: {  	[spmem:s2] =	stream.indirect.scatter.add.f32 [tilespmem:s20], [sflag:$0x2], $0x40, s1, s15, $0xb8;
	[tilespmem:$0x1EA00] =	vst v63  }
0x81: {  	_ =	swait.ge [sflag:s13], $0x2000  }
0x82: {  	[sflag:s13] =	ssyncset.done $0x0  }
0x83: {  	[sflag:s13] =	ssyncadd.s32 $0xFFFFE000  }
0x84: {  	_ =	swait.ge [sflag:s26], $0x2000  }
0x85: {  	[sflag:s26] =	ssyncset.done $0x0  }
0x86: {  	[sflag:s26] =	ssyncadd.s32 $0xFFFFE000  }
0x87: {  	[spmem:s2] =	stream.indirect.scatter.add.f32 [tilespmem:s21], [sflag:$0x2], $0x40, s0, s15, $0xb8;
	[tilespmem:$0x1EA00] =	vst v63  }
0x88: {  	_ =	swait.ge [sflag:s13], $0x2000  }
0x89: {  	[sflag:s13] =	ssyncset.done $0x0  }
0x8a: {  	[sflag:s13] =	ssyncadd.s32 $0xFFFFE000  }
0x8b: {  	_ =	swait.ge [sflag:s26], $0x2000  }
0x8c: {  	[sflag:s26] =	ssyncset.done $0x0  }
0x8d: {  	[sflag:s26] =	ssyncadd.s32 $0xFFFFE000  }
0x8e: {  	[spmem:s2] =	stream.indirect.scatter.add.f32 [tilespmem:s22], [sflag:$0x2], $0x40, s6, s15, $0xb8;
	[tilespmem:$0x1EA00] =	vst v63  }
0x8f: {  	_ =	swait.ge [sflag:s13], $0x2000  }
0x90: {  	[sflag:s13] =	ssyncset.done $0x0  }
0x91: {  	[sflag:s13] =	ssyncadd.s32 $0xFFFFE000  }
0x92: {  	_ =	swait.ge [sflag:s26], $0x2000  }
0x93: {  	[sflag:s26] =	ssyncset.done $0x0  }
0x94: {  	[sflag:s26] =	ssyncadd.s32 $0xFFFFE000  }
0x95: {  	[spmem:s2] =	stream.indirect.scatter.add.f32 [tilespmem:s23], [sflag:$0x2], $0x40, s7, s15, $0xb8;
	[tilespmem:$0x1EA00] =	vst v63  }
0x96: {  	_ =	swait.ge [sflag:s13], $0x2000  }
0x97: {  	[sflag:s13] =	ssyncset.done $0x0  }
0x98: {  	[sflag:s13] =	ssyncadd.s32 $0xFFFFE000  }
0x99: {  	_ =	swait.ge [sflag:s26], $0x2000  }
0x9a: {  	[sflag:s26] =	ssyncset.done $0x0  }
0x9b: {  	[sflag:s26] =	ssyncadd.s32 $0xFFFFE000  }
0x9c: {  	[spmem:s2] =	stream.indirect.scatter.add.f32 [tilespmem:s25], [sflag:$0x2], $0x40, s8, s15, $0xb8;
	[tilespmem:$0x1EA00] =	vst v63  }
0x9d: {  	s10 =	simm.s32 $0xA00;
	_ =	swait.ge [sflag:s13], $0x2000  }
0x9e: {  	s11 =	simm.s32 $0x1400;
	s5 =	rddreg [dreg:$0x4];
	[sflag:s13] =	ssyncset.done $0x0  }
.LBB2_4:
0x9f: {  	[sflag:s13] =	ssyncadd.s32 $0xFFFFE000;
	s5 =	sadd.s32 s10, s5  }
0xa0: {  	[tilespmem:s3], [sflag:$0x2] =	stream.linear.gather [hbm4b:s5+s3], $0x500, $0x38;
	[tilespmem:$0x1EA00] =	vst v63  }
0xa1: {  	_ =	swait.ge [sflag:s13], $0x500  }
0xa2: {  	s5 =	rddreg [dreg:$0x3];
	[sflag:s13] =	ssyncset.done $0x0  }
0xa3: {  	[sflag:s13] =	ssyncadd.s32 $0xFFFFFB00;
	s5 =	sadd.s32 s10, s5  }
0xa4: {  	[tilespmem:s14], [sflag:$0x2] =	stream.linear.gather [hbm4b:s5+s3], $0x500, $0x38;
	[tilespmem:$0x1EA00] =	vst v63  }
0xa5: {  	_ =	swait.ge [sflag:s13], $0x500  }
0xa6: {  	[sflag:s13] =	ssyncset.done $0x0  }
0xa7: {  	[sflag:s13] =	ssyncadd.s32 $0xFFFFFB00  }
0xa8: {  	[tilespmem:s12], [sflag:$0x1] =	stream.indirect.gather [hbm4b:s4+s15], $0x40, s3, s15, $0xb8;
	[tilespmem:$0x1EA00] =	vst v63  }
0xa9: {  	_ = 	snop  }
0xaa: {  	[tilespmem:s16], [sflag:$0x1] =	stream.indirect.gather [hbm4b:s4+s15], $0x40, s15, s15, $0xb8;
	[tilespmem:$0x1EA00] =	vst v63  }
0xab: {  	s9 =	smov.u32 s11;
	s5 =	rddreg [dreg:$0x5]  }
0xac: {  	[tilespmem:s17], [sflag:$0x1] =	stream.indirect.gather [hbm4b:s4+s15], $0x40, s5, s15, $0xb8;
	[tilespmem:$0x1EA00] =	vst v63  }
0xad: {  	s10 =	smov.u32 s9;
	s9 =	rddreg [dreg:$0x6]  }
0xae: {  	[tilespmem:s18], [sflag:$0x1] =	stream.indirect.gather [hbm4b:s4+s15], $0x40, s9, s15, $0xb8;
	[tilespmem:$0x1EA00] =	vst v63  }
0xaf: {  	s5 =	rddreg [dreg:$0x7]  }
0xb0: {  	[tilespmem:s19], [sflag:$0x1] =	stream.indirect.gather [hbm4b:s4+s15], $0x40, s5, s15, $0xb8;
	[tilespmem:$0x1EA00] =	vst v63  }
0xb1: {  	s9 =	rddreg [dreg:$0x8]  }
0xb2: {  	[tilespmem:s20], [sflag:$0x1] =	stream.indirect.gather [hbm4b:s4+s15], $0x40, s9, s15, $0xb8;
	[tilespmem:$0x1EA00] =	vst v63  }
0xb3: {  	s5 =	rddreg [dreg:$0x9]  }
0xb4: {  	[tilespmem:s21], [sflag:$0x1] =	stream.indirect.gather [hbm4b:s4+s15], $0x40, s5, s15, $0xb8;
	[tilespmem:$0x1EA00] =	vst v63  }
0xb5: {  	s9 =	rddreg [dreg:$0xa]  }
0xb6: {  	[tilespmem:s22], [sflag:$0x1] =	stream.indirect.gather [hbm4b:s4+s15], $0x40, s9, s15, $0xb8;
	[tilespmem:$0x1EA00] =	vst v63  }
0xb7: {  	s5 =	rddreg [dreg:$0xb]  }
0xb8: {  	[tilespmem:s23], [sflag:$0x1] =	stream.indirect.gather [hbm4b:s4+s15], $0x40, s5, s15, $0xb8;
	[tilespmem:$0x1EA00] =	vst v63  }
0xb9: {  	_ = 	snop  }
0xba: {  	[tilespmem:s25], [sflag:$0x1] =	stream.indirect.gather [hbm4b:s4+s15], $0x40, s24, s15, $0xb8;
	[tilespmem:$0x1EA00] =	vst v63  }
0xbb: {  	_ =	swait.ge [sflag:s26], $0x2000  }
0xbc: {  	[sflag:s26] =	ssyncset.done $0x0  }
0xbd: {  	[sflag:s26] =	ssyncadd.s32 $0xFFFFE000  }
0xbe: {  	[spmem:s2] =	stream.indirect.scatter.add.f32 [tilespmem:s12], [sflag:$0x2], $0x40, s14, s15, $0xb8;
	[tilespmem:$0x1EA00] =	vst v63  }
0xbf: {  	_ =	swait.ge [sflag:s13], $0x2000  }
0xc0: {  	[sflag:s13] =	ssyncset.done $0x0  }
0xc1: {  	[sflag:s13] =	ssyncadd.s32 $0xFFFFE000  }
0xc2: {  	_ =	swait.ge [sflag:s26], $0x2000  }
0xc3: {  	[sflag:s26] =	ssyncset.done $0x0  }
0xc4: {  	[sflag:s26] =	ssyncadd.s32 $0xFFFFE000  }
0xc5: {  	[spmem:s2] =	stream.indirect.scatter.add.f32 [tilespmem:s16], [sflag:$0x2], $0x40, s28, s15, $0xb8;
	[tilespmem:$0x1EA00] =	vst v63  }
0xc6: {  	_ =	swait.ge [sflag:s13], $0x2000  }
0xc7: {  	[sflag:s13] =	ssyncset.done $0x0  }
0xc8: {  	[sflag:s13] =	ssyncadd.s32 $0xFFFFE000  }
0xc9: {  	_ =	swait.ge [sflag:s26], $0x2000  }
0xca: {  	[sflag:s26] =	ssyncset.done $0x0  }
0xcb: {  	[sflag:s26] =	ssyncadd.s32 $0xFFFFE000  }
0xcc: {  	[spmem:s2] =	stream.indirect.scatter.add.f32 [tilespmem:s17], [sflag:$0x2], $0x40, s29, s15, $0xb8;
	[tilespmem:$0x1EA00] =	vst v63  }
0xcd: {  	_ =	swait.ge [sflag:s13], $0x2000  }
0xce: {  	[sflag:s13] =	ssyncset.done $0x0  }
0xcf: {  	[sflag:s13] =	ssyncadd.s32 $0xFFFFE000  }
0xd0: {  	_ =	swait.ge [sflag:s26], $0x2000  }
0xd1: {  	[sflag:s26] =	ssyncset.done $0x0  }
0xd2: {  	[sflag:s26] =	ssyncadd.s32 $0xFFFFE000  }
0xd3: {  	[spmem:s2] =	stream.indirect.scatter.add.f32 [tilespmem:s18], [sflag:$0x2], $0x40, s30, s15, $0xb8;
	[tilespmem:$0x1EA00] =	vst v63  }
0xd4: {  	_ =	swait.ge [sflag:s13], $0x2000  }
0xd5: {  	[sflag:s13] =	ssyncset.done $0x0  }
0xd6: {  	[sflag:s13] =	ssyncadd.s32 $0xFFFFE000  }
0xd7: {  	_ =	swait.ge [sflag:s26], $0x2000  }
0xd8: {  	[sflag:s26] =	ssyncset.done $0x0  }
0xd9: {  	[sflag:s26] =	ssyncadd.s32 $0xFFFFE000  }
0xda: {  	[spmem:s2] =	stream.indirect.scatter.add.f32 [tilespmem:s19], [sflag:$0x2], $0x40, s31, s15, $0xb8;
	[tilespmem:$0x1EA00] =	vst v63  }
0xdb: {  	_ =	swait.ge [sflag:s13], $0x2000  }
0xdc: {  	[sflag:s13] =	ssyncset.done $0x0  }
0xdd: {  	[sflag:s13] =	ssyncadd.s32 $0xFFFFE000  }
0xde: {  	_ =	swait.ge [sflag:s26], $0x2000  }
0xdf: {  	[sflag:s26] =	ssyncset.done $0x0  }
0xe0: {  	[sflag:s26] =	ssyncadd.s32 $0xFFFFE000  }
0xe1: {  	[spmem:s2] =	stream.indirect.scatter.add.f32 [tilespmem:s20], [sflag:$0x2], $0x40, s1, s15, $0xb8;
	[tilespmem:$0x1EA00] =	vst v63  }
0xe2: {  	_ =	swait.ge [sflag:s13], $0x2000  }
0xe3: {  	[sflag:s13] =	ssyncset.done $0x0  }
0xe4: {  	[sflag:s13] =	ssyncadd.s32 $0xFFFFE000  }
0xe5: {  	_ =	swait.ge [sflag:s26], $0x2000  }
0xe6: {  	[sflag:s26] =	ssyncset.done $0x0  }
0xe7: {  	[sflag:s26] =	ssyncadd.s32 $0xFFFFE000  }
0xe8: {  	[spmem:s2] =	stream.indirect.scatter.add.f32 [tilespmem:s21], [sflag:$0x2], $0x40, s0, s15, $0xb8;
	[tilespmem:$0x1EA00] =	vst v63  }
0xe9: {  	_ =	swait.ge [sflag:s13], $0x2000  }
0xea: {  	[sflag:s13] =	ssyncset.done $0x0  }
0xeb: {  	[sflag:s13] =	ssyncadd.s32 $0xFFFFE000  }
0xec: {  	_ =	swait.ge [sflag:s26], $0x2000  }
0xed: {  	[sflag:s26] =	ssyncset.done $0x0  }
0xee: {  	[sflag:s26] =	ssyncadd.s32 $0xFFFFE000  }
0xef: {  	[spmem:s2] =	stream.indirect.scatter.add.f32 [tilespmem:s22], [sflag:$0x2], $0x40, s6, s15, $0xb8;
	[tilespmem:$0x1EA00] =	vst v63  }
0xf0: {  	_ =	swait.ge [sflag:s13], $0x2000  }
0xf1: {  	[sflag:s13] =	ssyncset.done $0x0  }
0xf2: {  	[sflag:s13] =	ssyncadd.s32 $0xFFFFE000  }
0xf3: {  	_ =	swait.ge [sflag:s26], $0x2000  }
0xf4: {  	[sflag:s26] =	ssyncset.done $0x0  }
0xf5: {  	[sflag:s26] =	ssyncadd.s32 $0xFFFFE000  }
0xf6: {  	[spmem:s2] =	stream.indirect.scatter.add.f32 [tilespmem:s23], [sflag:$0x2], $0x40, s7, s15, $0xb8;
	[tilespmem:$0x1EA00] =	vst v63  }
0xf7: {  	_ =	swait.ge [sflag:s13], $0x2000  }
0xf8: {  	[sflag:s13] =	ssyncset.done $0x0  }
0xf9: {  	[sflag:s13] =	ssyncadd.s32 $0xFFFFE000  }
0xfa: {  	p0 =	sne.s32 s11, $0x9600;
	_ =	swait.ge [sflag:s26], $0x2000  }
.Ltmp1:
0xfb: {  	[sflag:s26] =	ssyncset.done $0x0;
	(pc) =	sbr.rel @p0 .LBB2_4-.Ltmp1, $4  }
0xfc: {  	[sflag:s26] =	ssyncadd.s32 $0xFFFFE000  }
0xfd: {  	[spmem:s2] =	stream.indirect.scatter.add.f32 [tilespmem:s25], [sflag:$0x2], $0x40, s8, s15, $0xb8;
	[tilespmem:$0x1EA00] =	vst v63  }
0xfe: {  	_ =	swait.ge [sflag:s13], $0x2000  }
0xff: {  	s11 =	sadd.s32 $0xA00, s11;
	s5 =	rddreg [dreg:$0x4];
	[sflag:s13] =	ssyncset.done $0x0  }
0x100: {  	[sflag:s13] =	ssyncadd.s32 $0xFFFFE000;
	s5 =	sadd.s32 s10, s5  }
0x101: {  	[tilespmem:s3], [sflag:$0x2] =	stream.linear.gather [hbm4b:s5+s3], $0x500, $0x38;
	[tilespmem:$0x1EA00] =	vst v63  }
0x102: {  	_ =	swait.ge [sflag:s13], $0x500  }
0x103: {  	s9 =	rddreg [dreg:$0x3];
	[sflag:s13] =	ssyncset.done $0x0  }
0x104: {  	[sflag:s13] =	ssyncadd.s32 $0xFFFFFB00;
	s5 =	sadd.s32 s10, s9  }
0x105: {  	[tilespmem:s14], [sflag:$0x2] =	stream.linear.gather [hbm4b:s5+s3], $0x500, $0x38;
	[tilespmem:$0x1EA00] =	vst v63  }
0x106: {  	_ =	swait.ge [sflag:s13], $0x500  }
0x107: {  	[sflag:s13] =	ssyncset.done $0x0  }
0x108: {  	[sflag:s13] =	ssyncadd.s32 $0xFFFFFB00  }
0x109: {  	[tilespmem:s12], [sflag:$0x1] =	stream.indirect.gather [hbm4b:s4+s15], $0x40, s3, s15, $0xb8;
	[tilespmem:$0x1EA00] =	vst v63  }
0x10a: {  	_ = 	snop  }
0x10b: {  	[tilespmem:s16], [sflag:$0x1] =	stream.indirect.gather [hbm4b:s4+s15], $0x40, s15, s15, $0xb8;
	[tilespmem:$0x1EA00] =	vst v63  }
0x10c: {  	s10 =	rddreg [dreg:$0x5]  }
0x10d: {  	[tilespmem:s17], [sflag:$0x1] =	stream.indirect.gather [hbm4b:s4+s15], $0x40, s10, s15, $0xb8;
	[tilespmem:$0x1EA00] =	vst v63  }
0x10e: {  	s9 =	rddreg [dreg:$0x6]  }
0x10f: {  	[tilespmem:s18], [sflag:$0x1] =	stream.indirect.gather [hbm4b:s4+s15], $0x40, s9, s15, $0xb8;
	[tilespmem:$0x1EA00] =	vst v63  }
0x110: {  	s11 =	rddreg [dreg:$0x7]  }
0x111: {  	[tilespmem:s19], [sflag:$0x1] =	stream.indirect.gather [hbm4b:s4+s15], $0x40, s11, s15, $0xb8;
	[tilespmem:$0x1EA00] =	vst v63  }
0x112: {  	s10 =	rddreg [dreg:$0x8]  }
0x113: {  	[tilespmem:s20], [sflag:$0x1] =	stream.indirect.gather [hbm4b:s4+s15], $0x40, s10, s15, $0xb8;
	[tilespmem:$0x1EA00] =	vst v63  }
0x114: {  	s11 =	rddreg [dreg:$0x9]  }
0x115: {  	[tilespmem:s21], [sflag:$0x1] =	stream.indirect.gather [hbm4b:s4+s15], $0x40, s11, s15, $0xb8;
	[tilespmem:$0x1EA00] =	vst v63  }
0x116: {  	s10 =	rddreg [dreg:$0xa]  }
0x117: {  	[tilespmem:s22], [sflag:$0x1] =	stream.indirect.gather [hbm4b:s4+s15], $0x40, s10, s15, $0xb8;
	[tilespmem:$0x1EA00] =	vst v63  }
0x118: {  	s11 =	rddreg [dreg:$0xb]  }
0x119: {  	[tilespmem:s23], [sflag:$0x1] =	stream.indirect.gather [hbm4b:s4+s15], $0x40, s11, s15, $0xb8;
	[tilespmem:$0x1EA00] =	vst v63  }
0x11a: {  	_ = 	snop  }
0x11b: {  	[tilespmem:s25], [sflag:$0x1] =	stream.indirect.gather [hbm4b:s4+s15], $0x40, s24, s15, $0xb8;
	[tilespmem:$0x1EA00] =	vst v63  }
0x11c: {  	_ =	swait.ge [sflag:s26], $0x2000  }
0x11d: {  	[sflag:s26] =	ssyncset.done $0x0  }
0x11e: {  	[sflag:s26] =	ssyncadd.s32 $0xFFFFE000  }
0x11f: {  	[spmem:s2] =	stream.indirect.scatter.add.f32 [tilespmem:s12], [sflag:$0x2], $0x40, s14, s15, $0xb8;
	[tilespmem:$0x1EA00] =	vst v63  }
0x120: {  	_ =	swait.ge [sflag:s13], $0x2000  }
0x121: {  	[sflag:s13] =	ssyncset.done $0x0  }
0x122: {  	[sflag:s13] =	ssyncadd.s32 $0xFFFFE000  }
0x123: {  	_ =	swait.ge [sflag:s26], $0x2000  }
0x124: {  	[sflag:s26] =	ssyncset.done $0x0  }
0x125: {  	[sflag:s26] =	ssyncadd.s32 $0xFFFFE000  }
0x126: {  	[spmem:s2] =	stream.indirect.scatter.add.f32 [tilespmem:s16], [sflag:$0x2], $0x40, s28, s15, $0xb8;
	[tilespmem:$0x1EA00] =	vst v63  }
0x127: {  	_ =	swait.ge [sflag:s13], $0x2000  }
0x128: {  	[sflag:s13] =	ssyncset.done $0x0  }
0x129: {  	[sflag:s13] =	ssyncadd.s32 $0xFFFFE000  }
0x12a: {  	_ =	swait.ge [sflag:s26], $0x2000  }
0x12b: {  	[sflag:s26] =	ssyncset.done $0x0  }
0x12c: {  	[sflag:s26] =	ssyncadd.s32 $0xFFFFE000  }
0x12d: {  	[spmem:s2] =	stream.indirect.scatter.add.f32 [tilespmem:s17], [sflag:$0x2], $0x40, s29, s15, $0xb8;
	[tilespmem:$0x1EA00] =	vst v63  }
0x12e: {  	_ =	swait.ge [sflag:s13], $0x2000  }
0x12f: {  	[sflag:s13] =	ssyncset.done $0x0  }
0x130: {  	[sflag:s13] =	ssyncadd.s32 $0xFFFFE000  }
0x131: {  	_ =	swait.ge [sflag:s26], $0x2000  }
0x132: {  	[sflag:s26] =	ssyncset.done $0x0  }
0x133: {  	[sflag:s26] =	ssyncadd.s32 $0xFFFFE000  }
0x134: {  	[spmem:s2] =	stream.indirect.scatter.add.f32 [tilespmem:s18], [sflag:$0x2], $0x40, s30, s15, $0xb8;
	[tilespmem:$0x1EA00] =	vst v63  }
0x135: {  	_ =	swait.ge [sflag:s13], $0x2000  }
0x136: {  	[sflag:s13] =	ssyncset.done $0x0  }
0x137: {  	[sflag:s13] =	ssyncadd.s32 $0xFFFFE000  }
0x138: {  	_ =	swait.ge [sflag:s26], $0x2000  }
0x139: {  	[sflag:s26] =	ssyncset.done $0x0  }
0x13a: {  	[sflag:s26] =	ssyncadd.s32 $0xFFFFE000  }
0x13b: {  	[spmem:s2] =	stream.indirect.scatter.add.f32 [tilespmem:s19], [sflag:$0x2], $0x40, s31, s15, $0xb8;
	[tilespmem:$0x1EA00] =	vst v63  }
0x13c: {  	_ =	swait.ge [sflag:s13], $0x2000  }
0x13d: {  	[sflag:s13] =	ssyncset.done $0x0  }
0x13e: {  	[sflag:s13] =	ssyncadd.s32 $0xFFFFE000  }
0x13f: {  	_ =	swait.ge [sflag:s26], $0x2000  }
0x140: {  	[sflag:s26] =	ssyncset.done $0x0  }
0x141: {  	[sflag:s26] =	ssyncadd.s32 $0xFFFFE000  }
0x142: {  	[spmem:s2] =	stream.indirect.scatter.add.f32 [tilespmem:s20], [sflag:$0x2], $0x40, s1, s15, $0xb8;
	[tilespmem:$0x1EA00] =	vst v63  }
0x143: {  	_ =	swait.ge [sflag:s13], $0x2000  }
0x144: {  	[sflag:s13] =	ssyncset.done $0x0  }
0x145: {  	[sflag:s13] =	ssyncadd.s32 $0xFFFFE000  }
0x146: {  	_ =	swait.ge [sflag:s26], $0x2000  }
0x147: {  	[sflag:s26] =	ssyncset.done $0x0  }
0x148: {  	[sflag:s26] =	ssyncadd.s32 $0xFFFFE000  }
0x149: {  	[spmem:s2] =	stream.indirect.scatter.add.f32 [tilespmem:s21], [sflag:$0x2], $0x40, s0, s15, $0xb8;
	[tilespmem:$0x1EA00] =	vst v63  }
0x14a: {  	_ =	swait.ge [sflag:s13], $0x2000  }
0x14b: {  	[sflag:s13] =	ssyncset.done $0x0  }
0x14c: {  	[sflag:s13] =	ssyncadd.s32 $0xFFFFE000  }
0x14d: {  	_ =	swait.ge [sflag:s26], $0x2000  }
0x14e: {  	[sflag:s26] =	ssyncset.done $0x0  }
0x14f: {  	[sflag:s26] =	ssyncadd.s32 $0xFFFFE000  }
0x150: {  	[spmem:s2] =	stream.indirect.scatter.add.f32 [tilespmem:s22], [sflag:$0x2], $0x40, s6, s15, $0xb8;
	[tilespmem:$0x1EA00] =	vst v63  }
0x151: {  	_ =	swait.ge [sflag:s13], $0x2000  }
0x152: {  	[sflag:s13] =	ssyncset.done $0x0  }
0x153: {  	[sflag:s13] =	ssyncadd.s32 $0xFFFFE000  }
0x154: {  	_ =	swait.ge [sflag:s26], $0x2000  }
0x155: {  	[sflag:s26] =	ssyncset.done $0x0  }
0x156: {  	[sflag:s26] =	ssyncadd.s32 $0xFFFFE000  }
0x157: {  	[spmem:s2] =	stream.indirect.scatter.add.f32 [tilespmem:s23], [sflag:$0x2], $0x40, s7, s15, $0xb8;
	[tilespmem:$0x1EA00] =	vst v63  }
0x158: {  	_ =	swait.ge [sflag:s13], $0x2000  }
0x159: {  	[sflag:s13] =	ssyncset.done $0x0  }
0x15a: {  	[sflag:s13] =	ssyncadd.s32 $0xFFFFE000  }
0x15b: {  	_ =	swait.ge [sflag:s26], $0x2000  }
0x15c: {  	[sflag:s26] =	ssyncset.done $0x0  }
0x15d: {  	[sflag:s26] =	ssyncadd.s32 $0xFFFFE000  }
0x15e: {  	[spmem:s2] =	stream.indirect.scatter.add.f32 [tilespmem:s25], [sflag:$0x2], $0x40, s8, s15, $0xb8;
	[tilespmem:$0x1EA00] =	vst v63  }
0x15f: {  	_ =	swait.ge [sflag:s13], $0x2000  }
0x160: {  	[sflag:s13] =	ssyncset.done $0x0  }
0x161: {  	[sflag:s13] =	ssyncadd.s32 $0xFFFFE000  }
0x162: {  	s9 =	stileid.u32;
	[bflag:$0x0] =	sbarrier.arrive $0xFFFF  }
0x163: {  	s5 =	sshll.u32 s9, $0x6;
	s10 =	rddreg [dreg:$0xc]  }
0x164: {  	s5 =	sor.u32 $0x1C02, s5;
	s11 =	rddreg [dreg:$0x11];
	s9 =	sshrl.u32 s10, $0x3  }
0x165: {  	[hbm:s11], [sflag:s5] =	dma.local [spmem:s9], $0x1400  }
0x166: {  	_ =	swait.ge [sflag:s13], $0x1400  }
0x167: {  	s10 =	rddreg [dreg:$0x13]  }
0x168: {  	s11 =	rddreg [dreg:$0x12];
	s9 =	sadd.s32 $0x1, s10  }
0x169: {  	p0 =	sne.s32 s9, s11  }
.Ltmp2:
0x16a: {  	_ = 	snop;
	(pc) =	sbr.rel @p0 .LBB2_1-.Ltmp2, $3  }
0x16b: {  	_ =	sdelay $0x1  }
0x16c: {  	[sflag:s13] =	ssyncset.done $0x0  }
0x16d: {  	[sflag:s13] =	ssyncadd.s32 $0xFFFFEC00  }
0x16e: {  	_ =	sfence.sel $0x180000  }
0x16f: {  	[bflag:$0x0] =	sbarrier.arrive $0xFFFF  }
0x170: {  	_ =	strace $0x9000004A  }
0x171: {  	s0 =	stileid.u32;
	[bflag:$0x2] =	sbarrier.arrive $0xFFFF  }
0x172: {  	p0 =	sne.s32 s0, $0x0;
	s0 =	rddreg [dreg:$0x2]  }
0x173: {  	s0 =	sadd.s32 @!p0 $0x100000, s0  }
0x174: {  	[sflag:s0] =	ssyncadd.tile.s32 @!p0 $0x1;
	_ =	shalt  }
.Lfunc_end2:
_tile_overlayer_lowered:
.L_overlay_start_2:
0x175: {  	(tag) =	ssettag $0x2  }
0x176: {  	s0 =	rddreg [dreg:$0x0];
	s2 =	stileid.u32  }
0x177: {  	s1 =	rddreg [dreg:$0x1];
	p0 =	sne.s32 s2, $0x0  }
0x178: {  	s3 =	rddreg [dreg:$0x2];
	[bflag:$0x3] =	sbarrier.arrive $0xFFFF;
	s2 =	simm.s32 @!p0 $0x1C02  }
0x179: {  	[timem:s3], [sflag:s2] =	dma.local @!p0 [hbm:s0], s1  }
0x17a: {  	s0 =	simm.s32 @!p0 $0x2  }
0x17b: {  	_ =	swait.ge @!p0 [sflag:s0], s1  }
0x17c: {  	s1 =	ssub.s32 @!p0 $0x0, s1;
	[sflag:s0] =	ssyncset.done @!p0 $0x0  }
0x17d: {  	[sflag:s0] =	ssyncadd.s32 @!p0 s1  }
0x17e: {  	[bflag:$0x3] =	sbarrier.arrive $0xFFFF  }
0x17f: {  	_ =	shalt  }

// kernel: kernel.16.cloned.1.call-start
scs
__scs_entry_jumppad:
0x0: {  	(pc) =	sbr.rel $0x88, $3  }
0x1: {  	(tag) =	ssettag $0x0;
	lr =	simm.s32 $0x1  }
0x2: {  	[smem:$0x3F96] =	sst lr;
	_ =	strace $0xD0000000  }
0x3: {  	_ = 	snop  }
0x4: {  	_ = 	snop  }
0x5: {  	_ = 	snop  }
0x6: {  	_ = 	snop  }
0x7: {  	_ = 	snop  }
__scs_overlays_trampoline_lowered:
0x8: {  	[smem:$0x3FA5] =	sst s0  }
0x9: {  	[smem:$0x3FA6] =	sst s1  }
0xa: {  	[smem:$0x3FA7] =	sst s2  }
0xb: {  	[smem:$0x3FA8] =	sst s3  }
0xc: {  	[smem:$0x3FA9] =	sst s4  }
0xd: {  	[smem:$0x3FAA] =	sst s5  }
0xe: {  	[smem:$0x3FAB] =	sst s6  }
0xf: {  	[smem:$0x3FAC] =	sst s7  }
0x10: {  	[smem:$0x3FAD] =	sst s8  }
0x11: {  	[smem:$0x3FAE] =	sst s9;
	s0 =	simm.s32 @!p0 $0x0  }
0x12: {  	s1 =	sld [smem:$0x3F94];
	s0 =	simm.s32 @p0 $0x1  }
0x13: {  	[smem:$0x3FAF] =	sst s0;
	s0 =	simm.s32 @!p1 $0x0  }
0x14: {  	s2 =	sld [smem:$0x3F93];
	s0 =	simm.s32 @p1 $0x1  }
0x15: {  	[smem:$0x3FB0] =	sst s0;
	s0 =	simm.s32 @!p2 $0x0  }
0x16: {  	s3 =	sld [smem:$0x3FDB];
	s0 =	simm.s32 @p2 $0x1  }
0x17: {  	s4 =	simm.s32 $0x1BF5;
	[smem:$0x3FB2] =	sst s0  }
0x18: {  	s0 =	sld [smem:$0x3F95];
	_ =	swait.ge [sflag:s4], $0x0  }
0x19: {  	s7 =	sld [smem:$0x3F96]  }
0x1a: {  	s8 =	sadd.s32 $0xFFFFE003, lr  }
0x1b: {  	s9 =	sadd.s32 $0xFFFFFEF7, lr;
	s5 =	simm.s32 $0xFFFFFFFF;
	p2 =	slt.u32 s8, $0xFFFFF086  }
0x1c: {  	p1 =	slt.u32 s9, $0xF7A;
	s5 =	simm.s32 @!p2 $0x0  }
0x1d: {  	s5 =	simm.s32 @p1 $0x1;
	p0 =	seq.s32 s7, s2  }
0x1e: {  	s7 =	smul.u32 @!p0 $0xF7A, s2;
	p2 =	seq.s32 @!p0 s5, $0x0  }
0x1f: {  	s9 =	smul.u32 $0xF7A, s1;
	s8 =	simm.s32 @!p0 $0x1BF5;
	p2 =	por !p2, p0  }
0x20: {  	[sflag:s8] =	ssyncset.s32 @!p0 $0xFFFFF086;
	s6 =	sadd.s32 @!p0 s3, s7;
	s7 =	simm.s32 @!p0 $0x108  }
0x21: {  	s3 =	sadd.s32 s3, s9;
	s6 =	sadd.s32 @!p0 $0x88, s6;
	s7 =	simm.s32 @p2 $0x1082  }
0x22: {  	[simem:s7], [sflag:s8] =	dma.local @!p0 [hbm:s6], $0xF7A  }
0x23: {  	s9 =	sor.u32 $0xD0000000, s2;
	s6 =	simm.s32 $0x108;
	_ =	swait.ge @!p0 [sflag:s8], $0x0  }
0x24: {  	s3 =	sadd.s32 $0x88, s3;
	s6 =	simm.s32 @!p1 $0x1082;
	[sflag:s4] =	ssyncset.s32 $0xFFFFF086  }
0x25: {  	[simem:s6], [sflag:s4] =	dma.local [hbm:s3], $0xF7A  }
0x26: {  	[smem:$0x3F96] =	sst s1;
	(tag) =	ssettag s2;
	_ =	strace s9  }
0x27: {  	s1 =	sld [smem:$0x3FA6]  }
0x28: {  	s2 =	sld [smem:$0x3FA7]  }
0x29: {  	s4 =	sld [smem:$0x3FA9]  }
0x2a: {  	p0 =	seq.s32 s5, $0x0;
	s5 =	sld [smem:$0x3FAA]  }
0x2b: {  	s6 =	sld [smem:$0x3FAB]  }
0x2c: {  	s7 =	sld [smem:$0x3FAC]  }
0x2d: {  	s3 =	simm.s32 $0x108;
	s8 =	sld [smem:$0x3FAD]  }
0x2e: {  	s3 =	simm.s32 @!p0 $0x1082;
	s9 =	sld [smem:$0x3FAE]  }
0x2f: {  	lr =	sadd.s32 s0, s3;
	s0 =	sld [smem:$0x3FA5]  }
0x30: {  	s3 =	sld [smem:$0x3FA8]  }
0x31: {  	[smem:$0x3FB1] =	sst s10  }
0x32: {  	s10 =	sld [smem:$0x3FAF];
	_ =	sdelay $0x3  }
0x33: {  	p0 =	seq.s32 s10, $0x1;
	s10 =	sld [smem:$0x3FB1];
	_ =	sdelay $0x3  }
0x34: {  	[smem:$0x3FB1] =	sst s10  }
0x35: {  	s10 =	sld [smem:$0x3FB0];
	_ =	sdelay $0x3  }
0x36: {  	p1 =	seq.s32 s10, $0x1;
	s10 =	sld [smem:$0x3FB1];
	_ =	sdelay $0x3  }
0x37: {  	[smem:$0x3FB1] =	sst s10  }
0x38: {  	s10 =	sld [smem:$0x3FB2]  }
0x39: {  	_ = 	snop;
	(pc) =	sbr.ind lr, $3  }
0x3a: {  	_ = 	snop  }
0x3b: {  	_ = 	snop  }
0x3c: {  	p2 =	seq.s32 s10, $0x1;
	s10 =	sld [smem:$0x3FB1]  }
0x3d: {  	_ =	shalt  }
0x3e: {  	_ =	shalt  }
0x3f: {  	_ =	shalt  }
0x40: {  	_ =	shalt  }
0x41: {  	_ =	shalt  }
0x42: {  	_ =	shalt  }
0x43: {  	_ =	shalt  }
0x44: {  	_ =	shalt  }
0x45: {  	_ =	shalt  }
0x46: {  	_ =	shalt  }
0x47: {  	_ =	shalt  }
0x48: {  	_ =	shalt  }
0x49: {  	_ =	shalt  }
0x4a: {  	_ =	shalt  }
0x4b: {  	_ =	shalt  }
0x4c: {  	_ =	shalt  }
0x4d: {  	_ =	shalt  }
0x4e: {  	_ =	shalt  }
0x4f: {  	_ =	shalt  }
0x50: {  	_ =	shalt  }
0x51: {  	_ =	shalt  }
0x52: {  	_ =	shalt  }
0x53: {  	_ =	shalt  }
0x54: {  	_ =	shalt  }
0x55: {  	_ =	shalt  }
0x56: {  	_ =	shalt  }
0x57: {  	_ =	shalt  }
0x58: {  	_ =	shalt  }
0x59: {  	_ =	shalt  }
0x5a: {  	_ =	shalt  }
0x5b: {  	_ =	shalt  }
0x5c: {  	_ =	shalt  }
0x5d: {  	_ =	shalt  }
0x5e: {  	_ =	shalt  }
0x5f: {  	_ =	shalt  }
0x60: {  	_ =	shalt  }
0x61: {  	_ =	shalt  }
0x62: {  	_ =	shalt  }
0x63: {  	_ =	shalt  }
0x64: {  	_ =	shalt  }
0x65: {  	_ =	shalt  }
0x66: {  	_ =	shalt  }
0x67: {  	_ =	shalt  }
0x68: {  	_ =	shalt  }
0x69: {  	_ =	shalt  }
0x6a: {  	_ =	shalt  }
0x6b: {  	_ =	shalt  }
0x6c: {  	_ =	shalt  }
0x6d: {  	_ =	shalt  }
0x6e: {  	_ =	shalt  }
0x6f: {  	_ =	shalt  }
0x70: {  	_ =	shalt  }
0x71: {  	_ =	shalt  }
0x72: {  	_ =	shalt  }
0x73: {  	_ =	shalt  }
0x74: {  	_ =	shalt  }
0x75: {  	_ =	shalt  }
0x76: {  	_ =	shalt  }
0x77: {  	_ =	shalt  }
0x78: {  	_ =	shalt  }
0x79: {  	_ =	shalt  }
0x7a: {  	_ =	shalt  }
0x7b: {  	_ =	shalt  }
0x7c: {  	_ =	shalt  }
0x7d: {  	_ =	shalt  }
0x7e: {  	_ =	shalt  }
0x7f: {  	_ =	shalt  }
0x80: {  	_ =	shalt  }
0x81: {  	_ =	shalt  }
0x82: {  	_ =	shalt  }
0x83: {  	_ =	shalt  }
0x84: {  	_ =	shalt  }
0x85: {  	_ =	shalt  }
0x86: {  	_ =	shalt  }
0x87: {  	_ =	shalt  }
.Lfunc_end0:
.L_simem_size_0:
called_computation.2_lowered:
.L_overlay_start_0:
0x88: {  	s2 =	sld [smem:$0x3FD9]  }
0x89: {  	s3 =	sld [smem:$0x3FFE];
	_ =	sdelay $0x1  }
0x8a: {  	s1 =	srdreg.scid  }
0x8b: {  	s0 =	sand.u32 $0x1, s1  }
0x8c: {  	s16 =	sshll.u32 s0, $0xA;
	s2 =	sadd.s32 s3, s2  }
0x8d: {  	s2 =	sadd.s32 s2, s16  }
0x8e: {  	[smem:$0x3FBD] =	sst s2  }
0x8f: {  	_ = 	snop  }
0x90: {  	(tm) =	ssettm $0x1  }
0x91: {  	s17 =	sld [smem:$0x3FFB];
	_ =	sdelay $0x3  }
0x92: {  	_ =	strace s17  }
0x93: {  	s2 =	sld [smem:$0x3FFC];
	_ =	sdelay $0x3  }
0x94: {  	_ =	strace s2  }
0x95: {  	s2 =	sld [smem:$0x3FFD];
	_ =	sdelay $0x3  }
0x96: {  	_ =	strace s2  }
0x97: {  	_ =	strace $0x8FFFFFFF  }
0x98: {  	s18 =	sld [smem:$0x3FDB];
	_ =	sdelay $0x1  }
0x99: {  	s19 =	simm.s32 $_scs_section_size  }
0x9a: {  	s4 =	simm.s32 $_size__tile_overlayer_lowered;
	s5 =	simm.s32 $_tile_overlayer_lowered  }
0x9b: {  	s22 =	simm.s32 $0x1BFF;
	s21 =	sshll.u32 s5, $0x1;
	s2 =	sadd.s32 s19, s18  }
0x9c: {  	s6 =	simm.s32 $0x0;
	s20 =	sshll.u32 s4, $0x1;
	s4 =	sadd.s32 s21, s2  }
0x9d: {  	[timem:s6], [sflag:s22] =	dma.local [hbm:s4], s20  }
0x9e: {  	_ =	swait.ge [sflag:s22], s20  }
0x9f: {  	s3 =	ssub.s32 $0x0, s20;
	[sflag:s22] =	ssyncset.done $0x0  }
0xa0: {  	[sflag:s22] =	ssyncadd.s32 s3;
	_ =	sdelay $0x1  }
0xa1: {  	s23 =	simm.s32 $0x1B8B  }
0xa2: {  	_ =	swait.ge [sflag:s23], $0x1  }
0xa3: {  	[sflag:s23] =	ssyncset.done $0x0  }
0xa4: {  	s25 =	simm.s32 $0x1B8E;
	s24 =	sld [smem:$0x3FFE];
	[sflag:s23] =	ssyncadd.s32 $0xFFFFFFFF  }
0xa5: {  	s26 =	simm.s32 $execute0_lowered;
	[smem:$0x3FD2] =	sst s25  }
0xa6: {  	s4 =	sshll.u32 s26, $0x1;
	_ =	strace $0x8000004C;
	[dreg:$0x1] =	wrdreg $0xFFFFFFFF  }
0xa7: {  	s28 =	simm.s32 $_size_execute0_lowered;
	s2 =	sadd.s32 s2, s4;
	[dreg:$0x0] =	wrdreg $0x0  }
0xa8: {  	s4 =	sshll.u32 s28, $0x1;
	[dreg:$0x2] =	wrdreg s2  }
0xa9: {  	[dreg:$0x3] =	wrdreg s4  }
0xaa: {  	[dreg:$0x4] =	wrdreg $0xC0  }
0xab: {  	_ =	task [dreg:s6], $0x5FFFF  }
0xac: {  	[dreg:$0x1] =	wrdreg $0xFFFFFFFF  }
0xad: {  	[dreg:$0x0] =	wrdreg $0x60  }
0xae: {  	[dreg:$0x2] =	wrdreg s24  }
0xaf: {  	[dreg:$0x3] =	wrdreg $0x90000  }
0xb0: {  	[dreg:$0x4] =	wrdreg $0x9  }
0xb1: {  	_ =	task.clear_ibuf [dreg:s6], $0x5FFFF;
	_ =	strace $0x9000004C  }
0xb2: {  	s29 =	simm.s32 $0x9;
	_ =	strace $0x8000004E  }
0xb3: {  	_ =	swait.ge [sflag:s29], $0x1  }
0xb4: {  	[sflag:s29] =	ssyncadd.s32 $0xFFFFFFFF  }
0xb5: {  	_ =	strace $0x9000004E  }
0xb6: {  	_ =	sfence  }
0xb7: {  	s30 =	sld [smem:$0x0];
	_ =	sdelay $0x2  }
0xb8: {  	s31 =	sshll.u32 s1, $0xD;
	s1 =	sshrl.u32 s1, $0x2  }
0xb9: {  	s3 =	sand.u32 $0x4000, s31;
	s1 =	sadd.s32 s1, s30  }
0xba: {  	s0 =	sor.u32 s3, s0;
	s1 =	sshll.u32 s1, $0x11  }
0xbb: {  	s0 =	sor.u32 s1, s0  }
0xbc: {  	s0 =	sadd.s32 $0x8F2B, s0  }
0xbd: {  	[sflag:s0] =	ssyncadd.remote.s32 $0x1  }
0xbe: {  	_ =	sfence.sel $0xFFFF  }
0xbf: {  	[dreg:$0x0] =	wrdreg $0xFFFFFFFF;
	(pc) =	sbr.abs _section_cstart, $3  }
0xc0: {  	[dreg:$0x1] =	wrdreg $0xFFFFFFFF  }
0xc1: {  	_ =	task.clear_ibuf [dreg:s6], $0x2FFFF;
	_ =	strace $0x9FFFFFFF  }
0xc2: {  	(tm) =	ssettm $0x7FFFFFFF  }
0xc3: {  	_ =	shalt  }
tec
execute0_lowered:
.L_overlay_start_1:
0x0: {  	(tag) =	ssettag $0x1  }
0x1: {  	s0 =	rddreg [dreg:$0x0]  }
0x2: {  	s1 =	srdreg.scid;
	s2 =	rddreg [dreg:$0x1]  }
0x3: {  	s9 =	stileid.u32;
	s3 =	simm.s32 $0x0;
	s14 =	simm.s32 $0x100  }
0x4: {  	s15 =	simm.s32 $0x180;
	s17 =	simm.s32 $0x200;
	s18 =	simm.s32 $0x280  }
0x5: {  	s20 =	simm.s32 $0x300;
	s21 =	simm.s32 $0x380;
	[smem:$0x7FF] =	sst s3  }
0x6: {  	s23 =	simm.s32 $0x400;
	_ =	strace $0x8000004D;
	[dreg:$0x5] =	wrdreg s14  }
0x7: {  	s24 =	simm.s32 $0x480;
	s26 =	simm.s32 $0x500;
	[dreg:$0x6] =	wrdreg s15  }
0x8: {  	s28 =	simm.s32 $0x7000;
	s29 =	simm.s32 $0x7800;
	[dreg:$0x7] =	wrdreg s17  }
0x9: {  	s30 =	simm.s32 $0x8000;
	s31 =	simm.s32 $0x8800;
	[dreg:$0x8] =	wrdreg s18  }
0xa: {  	s1 =	sand.u32 $0x1, s1;
	s12 =	smul.u32 $0x2800, s9;
	[dreg:$0x9] =	wrdreg s20  }
0xb: {  	s5 =	sshll.u32 s9, $0xB;
	s19 =	smul.u32 $0xA000, s9;
	[dreg:$0xa] =	wrdreg s21  }
0xc: {  	s8 =	sshll.u32 s9, $0x8;
	s4 =	smul.u32 $0x50000, s1;
	[dreg:$0xb] =	wrdreg s23  }
0xd: {  	s9 =	simm.s32 $0x580;
	s7 =	smul.u32 $0x28000, s1;
	[dreg:$0xc] =	wrdreg s24  }
0xe: {  	s8 =	sadd.s32 s8, s0;
	s1 =	ssub.s32 $0x2, s1;
	[dreg:$0xd] =	wrdreg s26  }
0xf: {  	[dreg:$0xe] =	wrdreg s9;
	s14 =	simm.s32 $0x700;
	s15 =	simm.s32 $0x780  }
0x10: {  	s17 =	simm.s32 $0x900;
	s18 =	simm.s32 $0x980;
	s20 =	simm.s32 $0xA80  }
0x11: {  	s21 =	simm.s32 $0xB00;
	s23 =	simm.s32 $0xC00;
	[dreg:$0x11] =	wrdreg s14  }
0x12: {  	s24 =	simm.s32 $0xC80;
	s26 =	simm.s32 $0xD80;
	[dreg:$0x12] =	wrdreg s15  }
0x13: {  	s9 =	simm.s32 $0x0;
	s13 =	sadd.s32 $0x2200, s8;
	[dreg:$0x14] =	wrdreg s17  }
0x14: {  	s16 =	sshrl.u32 s1, $0x1;
	s11 =	sadd.s32 s12, s2;
	[dreg:$0x15] =	wrdreg s18  }
0x15: {  	s22 =	sshrl.u32 s19, $0x2;
	s14 =	simm.s32 $0x800;
	[dreg:$0x17] =	wrdreg s20  }
0x16: {  	s15 =	simm.s32 $0x80;
	s19 =	simm.s32 $0xA00;
	[dreg:$0x18] =	wrdreg s21  }
0x17: {  	s17 =	simm.s32 $0x2000;
	s18 =	simm.s32 $0x2800;
	[dreg:$0x1a] =	wrdreg s23  }
0x18: {  	s20 =	simm.s32 $0x3800;
	s21 =	simm.s32 $0x4000;
	[dreg:$0x1b] =	wrdreg s24  }
0x19: {  	s23 =	simm.s32 $0x5000;
	s24 =	simm.s32 $0x5800;
	[dreg:$0x1d] =	wrdreg s26  }
0x1a: {  	s26 =	simm.s32 $0x6800;
	s4 =	sor.u32 s5, s4;
	s7 =	sadd.s32 s12, s7  }
0x1b: {  	[dreg:$0x4] =	wrdreg s13;
	s1 =	ssub.s32 s1, s16;
	s12 =	simm.s32 $0x600  }
0x1c: {  	s13 =	simm.s32 $0x680;
	s16 =	simm.s32 $0x880;
	[dreg:$0x16] =	wrdreg s19  }
0x1d: {  	s19 =	simm.s32 $0x3000;
	[dreg:$0x1e] =	wrdreg s11;
	s6 =	sshrl.u32 s4, $0x3  }
0x1e: {  	s4 =	sadd.s32 $0x70C00, s0;
	s7 =	sshrl.u32 s7, $0x3;
	[dreg:$0xf] =	wrdreg s12  }
0x1f: {  	[dreg:$0x10] =	wrdreg s13;
	s1 =	smax.u32 s1, $0x1;
	s12 =	simm.s32 $0x1000  }
0x20: {  	s13 =	simm.s32 $0x2;
	[dreg:$0x13] =	wrdreg s16;
	s6 =	sadd.s32 s6, s0  }
0x21: {  	s0 =	sadd.s32 s7, s0;
	[smem:$0x7FD] =	sst s1;
	s6 =	sadd.s32 $0xCC00, s6  }
0x22: {  	s16 =	simm.s32 $0x1800;
	s0 =	sadd.s32 $0x7AC00, s0;
	[dreg:$0x3] =	wrdreg s6  }
0x23: {  	s6 =	sadd.s32 s22, s2;
	[smem:$0x7FC] =	sst s0;
	s22 =	simm.s32 $0xB80  }
0x24: {  	s1 =	simm.s32 $0xE00;
	s25 =	sadd.s32 $0x800, s6;
	[dreg:$0x19] =	wrdreg s22  }
0x25: {  	s7 =	simm.s32 $0xF00;
	s8 =	sadd.s32 $0x1000, s6;
	[dreg:$0x1f] =	wrdreg s25  }
0x26: {  	s0 =	simm.s32 $0x1;
	s10 =	sadd.s32 $0x1800, s6;
	[smem:$0x7F9] =	sst s8  }
0x27: {  	s6 =	sadd.s32 $0x2000, s6;
	s22 =	simm.s32 $0x4800;
	[smem:$0x7FA] =	sst s10  }
0x28: {  	[smem:$0x7FB] =	sst s6;
	s25 =	simm.s32 $0xD00;
	s6 =	simm.s32 $0xE80  }
0x29: {  	v0 =	vimm.f32 $0.0e+00;
	s8 =	simm.s32 $0xF80;
	[dreg:$0x1c] =	wrdreg s25;
	s25 =	simm.s32 $0x6000  }
.LBB2_1:
0x2a: {  	s5 =	simm.s32 $0x40;
	s10 =	simm.s32 $0x0  }
.LBB2_2:
0x2b: {  	p0 =	sne.s32 s5, $0x1FC0;
	[tilespmem:s10+$0x1000] =	vst v0;
	s10 =	smov.u32 s5;
	s5 =	sadd.s32 $0x40, s5  }
.Ltmp0:
0x2c: {  	(pc) =	sbr.rel @p0 .LBB2_2-.Ltmp0, $2  }
0x2d: {  	_ =	sdelay $0x2  }
0x2e: {  	s10 =	sshra.s32 s10, $0x2  }
0x2f: {  	[smem:$0x7F8] =	sst s9;
	[tilespmem:s10+$0x1000] =	vst v0  }
0x30: {  	[spmem:s11] =	stream.linear.scatter [tilespmem:s12], [sflag:$0x2], $0x800, $0x38;
	[tilespmem:$0xB800] =	vst v63  }
0x31: {  	_ =	swait.ge [sflag:s13], $0x800  }
0x32: {  	[sflag:s13] =	ssyncset.done $0x0  }
0x33: {  	s5 =	rddreg [dreg:$0x1f];
	[sflag:s13] =	ssyncadd.s32 $0xFFFFF800  }
0x34: {  	[spmem:s5] =	stream.linear.scatter [tilespmem:s12], [sflag:$0x2], $0x800, $0x38;
	[tilespmem:$0xB800] =	vst v63  }
0x35: {  	_ =	swait.ge [sflag:s13], $0x800  }
0x36: {  	s9 =	sld [smem:$0x7F9]  }
0x37: {  	[sflag:s13] =	ssyncset.done $0x0  }
0x38: {  	[sflag:s13] =	ssyncadd.s32 $0xFFFFF800  }
0x39: {  	[spmem:s9] =	stream.linear.scatter [tilespmem:s12], [sflag:$0x2], $0x800, $0x38;
	[tilespmem:$0xB800] =	vst v63  }
0x3a: {  	_ =	swait.ge [sflag:s13], $0x800  }
0x3b: {  	s10 =	sld [smem:$0x7FA]  }
0x3c: {  	[sflag:s13] =	ssyncset.done $0x0  }
0x3d: {  	[sflag:s13] =	ssyncadd.s32 $0xFFFFF800  }
0x3e: {  	[spmem:s10] =	stream.linear.scatter [tilespmem:s12], [sflag:$0x2], $0x800, $0x38;
	[tilespmem:$0xB800] =	vst v63  }
0x3f: {  	_ =	swait.ge [sflag:s13], $0x800  }
0x40: {  	s11 =	sld [smem:$0x7FB]  }
0x41: {  	[sflag:s13] =	ssyncset.done $0x0  }
0x42: {  	[sflag:s13] =	ssyncadd.s32 $0xFFFFF800  }
0x43: {  	[spmem:s11] =	stream.linear.scatter [tilespmem:s12], [sflag:$0x2], $0x800, $0x38;
	[tilespmem:$0xB800] =	vst v63  }
0x44: {  	_ =	swait.ge [sflag:s13], $0x800  }
0x45: {  	[sflag:s13] =	ssyncset.done $0x0  }
0x46: {  	[sflag:s13] =	ssyncadd.s32 $0xFFFFF800  }
0x47: {  	[bflag:$0x0] =	sbarrier.arrive $0xFFFF  }
0x48: {  	s9 =	rddreg [dreg:$0x3]  }
0x49: {  	s5 =	sadd.s32 $0x0, s9  }
0x4a: {  	[tilespmem:s3], [sflag:$0x2] =	stream.linear.gather [hbm4b:s5+s3], $0x800, $0x38;
	[tilespmem:$0xB800] =	vst v63  }
0x4b: {  	_ =	swait.ge [sflag:s13], $0x800  }
0x4c: {  	s10 =	rddreg [dreg:$0x4];
	[sflag:s13] =	ssyncset.done $0x0  }
0x4d: {  	[sflag:s13] =	ssyncadd.s32 $0xFFFFF800;
	s5 =	sadd.s32 $0x0, s10  }
0x4e: {  	[tilespmem:s14], [sflag:$0x2] =	stream.linear.gather [hbm4b:s5+s3], $0x800, $0x38;
	[tilespmem:$0xB800] =	vst v63  }
0x4f: {  	_ =	swait.ge [sflag:s13], $0x800  }
0x50: {  	[sflag:s13] =	ssyncset.done $0x0  }
0x51: {  	[sflag:s13] =	ssyncadd.s32 $0xFFFFF800  }
0x52: {  	[tilespmem:s12], [sflag:$0x1] =	stream.indirect.gather [hbm4b:s4+s15], $0x10, s3, s15, $0xb8;
	[tilespmem:$0xB800] =	vst v63  }
0x53: {  	_ = 	snop  }
0x54: {  	[tilespmem:s16], [sflag:$0x1] =	stream.indirect.gather [hbm4b:s4+s15], $0x10, s15, s15, $0xb8;
	[tilespmem:$0xB800] =	vst v63  }
0x55: {  	s11 =	rddreg [dreg:$0x5]  }
0x56: {  	[tilespmem:s17], [sflag:$0x1] =	stream.indirect.gather [hbm4b:s4+s15], $0x10, s11, s15, $0xb8;
	[tilespmem:$0xB800] =	vst v63  }
0x57: {  	s9 =	rddreg [dreg:$0x6]  }
0x58: {  	[tilespmem:s18], [sflag:$0x1] =	stream.indirect.gather [hbm4b:s4+s15], $0x10, s9, s15, $0xb8;
	[tilespmem:$0xB800] =	vst v63  }
0x59: {  	s11 =	rddreg [dreg:$0x7]  }
0x5a: {  	[tilespmem:s19], [sflag:$0x1] =	stream.indirect.gather [hbm4b:s4+s15], $0x10, s11, s15, $0xb8;
	[tilespmem:$0xB800] =	vst v63  }
0x5b: {  	s9 =	rddreg [dreg:$0x8]  }
0x5c: {  	[tilespmem:s20], [sflag:$0x1] =	stream.indirect.gather [hbm4b:s4+s15], $0x10, s9, s15, $0xb8;
	[tilespmem:$0xB800] =	vst v63  }
0x5d: {  	s11 =	rddreg [dreg:$0x9]  }
0x5e: {  	[tilespmem:s21], [sflag:$0x1] =	stream.indirect.gather [hbm4b:s4+s15], $0x10, s11, s15, $0xb8;
	[tilespmem:$0xB800] =	vst v63  }
0x5f: {  	s9 =	rddreg [dreg:$0xa]  }
0x60: {  	[tilespmem:s22], [sflag:$0x1] =	stream.indirect.gather [hbm4b:s4+s15], $0x10, s9, s15, $0xb8;
	[tilespmem:$0xB800] =	vst v63  }
0x61: {  	s11 =	rddreg [dreg:$0xb]  }
0x62: {  	[tilespmem:s23], [sflag:$0x1] =	stream.indirect.gather [hbm4b:s4+s15], $0x10, s11, s15, $0xb8;
	[tilespmem:$0xB800] =	vst v63  }
0x63: {  	s9 =	rddreg [dreg:$0xc]  }
0x64: {  	[tilespmem:s24], [sflag:$0x1] =	stream.indirect.gather [hbm4b:s4+s15], $0x10, s9, s15, $0xb8;
	[tilespmem:$0xB800] =	vst v63  }
0x65: {  	s11 =	rddreg [dreg:$0xd]  }
0x66: {  	[tilespmem:s25], [sflag:$0x1] =	stream.indirect.gather [hbm4b:s4+s15], $0x10, s11, s15, $0xb8;
	[tilespmem:$0xB800] =	vst v63  }
0x67: {  	s9 =	rddreg [dreg:$0xe]  }
0x68: {  	[tilespmem:s26], [sflag:$0x1] =	stream.indirect.gather [hbm4b:s4+s15], $0x10, s9, s15, $0xb8;
	[tilespmem:$0xB800] =	vst v63  }
0x69: {  	s11 =	rddreg [dreg:$0xf]  }
0x6a: {  	[tilespmem:s28], [sflag:$0x1] =	stream.indirect.gather [hbm4b:s4+s15], $0x10, s11, s15, $0xb8;
	[tilespmem:$0xB800] =	vst v63  }
0x6b: {  	s9 =	rddreg [dreg:$0x10]  }
0x6c: {  	[tilespmem:s29], [sflag:$0x1] =	stream.indirect.gather [hbm4b:s4+s15], $0x10, s9, s15, $0xb8;
	[tilespmem:$0xB800] =	vst v63  }
0x6d: {  	s11 =	rddreg [dreg:$0x11]  }
0x6e: {  	[tilespmem:s30], [sflag:$0x1] =	stream.indirect.gather [hbm4b:s4+s15], $0x10, s11, s15, $0xb8;
	[tilespmem:$0xB800] =	vst v63  }
0x6f: {  	s9 =	rddreg [dreg:$0x12]  }
0x70: {  	[tilespmem:s31], [sflag:$0x1] =	stream.indirect.gather [hbm4b:s4+s15], $0x10, s9, s15, $0xb8;
	[tilespmem:$0xB800] =	vst v63  }
0x71: {  	_ =	swait.ge [sflag:s0], $0x800  }
0x72: {  	[sflag:s0] =	ssyncset.done $0x0  }
0x73: {  	[sflag:s0] =	ssyncadd.s32 $0xFFFFF800  }
0x74: {  	[spmem:s2] =	stream.indirect.scatter.add.f32 [tilespmem:s12], [sflag:$0x2], $0x10, s14, s15, $0xb8;
	[tilespmem:$0xB800] =	vst v63  }
0x75: {  	_ =	swait.ge [sflag:s13], $0x800  }
0x76: {  	[sflag:s13] =	ssyncset.done $0x0  }
0x77: {  	[sflag:s13] =	ssyncadd.s32 $0xFFFFF800  }
0x78: {  	_ =	swait.ge [sflag:s0], $0x800  }
0x79: {  	[sflag:s0] =	ssyncset.done $0x0  }
0x7a: {  	s10 =	rddreg [dreg:$0x13];
	[sflag:s0] =	ssyncadd.s32 $0xFFFFF800  }
0x7b: {  	[spmem:s2] =	stream.indirect.scatter.add.f32 [tilespmem:s16], [sflag:$0x2], $0x10, s10, s15, $0xb8;
	[tilespmem:$0xB800] =	vst v63  }
0x7c: {  	_ =	swait.ge [sflag:s13], $0x800  }
0x7d: {  	[sflag:s13] =	ssyncset.done $0x0  }
0x7e: {  	[sflag:s13] =	ssyncadd.s32 $0xFFFFF800  }
0x7f: {  	_ =	swait.ge [sflag:s0], $0x800  }
0x80: {  	[sflag:s0] =	ssyncset.done $0x0  }
0x81: {  	s11 =	rddreg [dreg:$0x14];
	[sflag:s0] =	ssyncadd.s32 $0xFFFFF800  }
0x82: {  	[spmem:s2] =	stream.indirect.scatter.add.f32 [tilespmem:s17], [sflag:$0x2], $0x10, s11, s15, $0xb8;
	[tilespmem:$0xB800] =	vst v63  }
0x83: {  	_ =	swait.ge [sflag:s13], $0x800  }
0x84: {  	[sflag:s13] =	ssyncset.done $0x0  }
0x85: {  	[sflag:s13] =	ssyncadd.s32 $0xFFFFF800  }
0x86: {  	_ =	swait.ge [sflag:s0], $0x800  }
0x87: {  	[sflag:s0] =	ssyncset.done $0x0  }
0x88: {  	s9 =	rddreg [dreg:$0x15];
	[sflag:s0] =	ssyncadd.s32 $0xFFFFF800  }
0x89: {  	[spmem:s2] =	stream.indirect.scatter.add.f32 [tilespmem:s18], [sflag:$0x2], $0x10, s9, s15, $0xb8;
	[tilespmem:$0xB800] =	vst v63  }
0x8a: {  	_ =	swait.ge [sflag:s13], $0x800  }
0x8b: {  	[sflag:s13] =	ssyncset.done $0x0  }
0x8c: {  	[sflag:s13] =	ssyncadd.s32 $0xFFFFF800  }
0x8d: {  	_ =	swait.ge [sflag:s0], $0x800  }
0x8e: {  	[sflag:s0] =	ssyncset.done $0x0  }
0x8f: {  	s10 =	rddreg [dreg:$0x16];
	[sflag:s0] =	ssyncadd.s32 $0xFFFFF800  }
0x90: {  	[spmem:s2] =	stream.indirect.scatter.add.f32 [tilespmem:s19], [sflag:$0x2], $0x10, s10, s15, $0xb8;
	[tilespmem:$0xB800] =	vst v63  }
0x91: {  	_ =	swait.ge [sflag:s13], $0x800  }
0x92: {  	[sflag:s13] =	ssyncset.done $0x0  }
0x93: {  	[sflag:s13] =	ssyncadd.s32 $0xFFFFF800  }
0x94: {  	_ =	swait.ge [sflag:s0], $0x800  }
0x95: {  	[sflag:s0] =	ssyncset.done $0x0  }
0x96: {  	s11 =	rddreg [dreg:$0x17];
	[sflag:s0] =	ssyncadd.s32 $0xFFFFF800  }
0x97: {  	[spmem:s2] =	stream.indirect.scatter.add.f32 [tilespmem:s20], [sflag:$0x2], $0x10, s11, s15, $0xb8;
	[tilespmem:$0xB800] =	vst v63  }
0x98: {  	_ =	swait.ge [sflag:s13], $0x800  }
0x99: {  	[sflag:s13] =	ssyncset.done $0x0  }
0x9a: {  	[sflag:s13] =	ssyncadd.s32 $0xFFFFF800  }
0x9b: {  	_ =	swait.ge [sflag:s0], $0x800  }
0x9c: {  	[sflag:s0] =	ssyncset.done $0x0  }
0x9d: {  	s9 =	rddreg [dreg:$0x18];
	[sflag:s0] =	ssyncadd.s32 $0xFFFFF800  }
0x9e: {  	[spmem:s2] =	stream.indirect.scatter.add.f32 [tilespmem:s21], [sflag:$0x2], $0x10, s9, s15, $0xb8;
	[tilespmem:$0xB800] =	vst v63  }
0x9f: {  	_ =	swait.ge [sflag:s13], $0x800  }
0xa0: {  	[sflag:s13] =	ssyncset.done $0x0  }
0xa1: {  	[sflag:s13] =	ssyncadd.s32 $0xFFFFF800  }
0xa2: {  	_ =	swait.ge [sflag:s0], $0x800  }
0xa3: {  	[sflag:s0] =	ssyncset.done $0x0  }
0xa4: {  	s10 =	rddreg [dreg:$0x19];
	[sflag:s0] =	ssyncadd.s32 $0xFFFFF800  }
0xa5: {  	[spmem:s2] =	stream.indirect.scatter.add.f32 [tilespmem:s22], [sflag:$0x2], $0x10, s10, s15, $0xb8;
	[tilespmem:$0xB800] =	vst v63  }
0xa6: {  	_ =	swait.ge [sflag:s13], $0x800  }
0xa7: {  	[sflag:s13] =	ssyncset.done $0x0  }
0xa8: {  	[sflag:s13] =	ssyncadd.s32 $0xFFFFF800  }
0xa9: {  	_ =	swait.ge [sflag:s0], $0x800  }
0xaa: {  	[sflag:s0] =	ssyncset.done $0x0  }
0xab: {  	s11 =	rddreg [dreg:$0x1a];
	[sflag:s0] =	ssyncadd.s32 $0xFFFFF800  }
0xac: {  	[spmem:s2] =	stream.indirect.scatter.add.f32 [tilespmem:s23], [sflag:$0x2], $0x10, s11, s15, $0xb8;
	[tilespmem:$0xB800] =	vst v63  }
0xad: {  	_ =	swait.ge [sflag:s13], $0x800  }
0xae: {  	[sflag:s13] =	ssyncset.done $0x0  }
0xaf: {  	[sflag:s13] =	ssyncadd.s32 $0xFFFFF800  }
0xb0: {  	_ =	swait.ge [sflag:s0], $0x800  }
0xb1: {  	[sflag:s0] =	ssyncset.done $0x0  }
0xb2: {  	s9 =	rddreg [dreg:$0x1b];
	[sflag:s0] =	ssyncadd.s32 $0xFFFFF800  }
0xb3: {  	[spmem:s2] =	stream.indirect.scatter.add.f32 [tilespmem:s24], [sflag:$0x2], $0x10, s9, s15, $0xb8;
	[tilespmem:$0xB800] =	vst v63  }
0xb4: {  	_ =	swait.ge [sflag:s13], $0x800  }
0xb5: {  	[sflag:s13] =	ssyncset.done $0x0  }
0xb6: {  	[sflag:s13] =	ssyncadd.s32 $0xFFFFF800  }
0xb7: {  	_ =	swait.ge [sflag:s0], $0x800  }
0xb8: {  	[sflag:s0] =	ssyncset.done $0x0  }
0xb9: {  	s10 =	rddreg [dreg:$0x1c];
	[sflag:s0] =	ssyncadd.s32 $0xFFFFF800  }
0xba: {  	[spmem:s2] =	stream.indirect.scatter.add.f32 [tilespmem:s25], [sflag:$0x2], $0x10, s10, s15, $0xb8;
	[tilespmem:$0xB800] =	vst v63  }
0xbb: {  	_ =	swait.ge [sflag:s13], $0x800  }
0xbc: {  	[sflag:s13] =	ssyncset.done $0x0  }
0xbd: {  	[sflag:s13] =	ssyncadd.s32 $0xFFFFF800  }
0xbe: {  	_ =	swait.ge [sflag:s0], $0x800  }
0xbf: {  	[sflag:s0] =	ssyncset.done $0x0  }
0xc0: {  	s11 =	rddreg [dreg:$0x1d];
	[sflag:s0] =	ssyncadd.s32 $0xFFFFF800  }
0xc1: {  	[spmem:s2] =	stream.indirect.scatter.add.f32 [tilespmem:s26], [sflag:$0x2], $0x10, s11, s15, $0xb8;
	[tilespmem:$0xB800] =	vst v63  }
0xc2: {  	_ =	swait.ge [sflag:s13], $0x800  }
0xc3: {  	[sflag:s13] =	ssyncset.done $0x0  }
0xc4: {  	[sflag:s13] =	ssyncadd.s32 $0xFFFFF800  }
0xc5: {  	_ =	swait.ge [sflag:s0], $0x800  }
0xc6: {  	[sflag:s0] =	ssyncset.done $0x0  }
0xc7: {  	[sflag:s0] =	ssyncadd.s32 $0xFFFFF800  }
0xc8: {  	[spmem:s2] =	stream.indirect.scatter.add.f32 [tilespmem:s28], [sflag:$0x2], $0x10, s1, s15, $0xb8;
	[tilespmem:$0xB800] =	vst v63  }
0xc9: {  	_ =	swait.ge [sflag:s13], $0x800  }
0xca: {  	[sflag:s13] =	ssyncset.done $0x0  }
0xcb: {  	[sflag:s13] =	ssyncadd.s32 $0xFFFFF800  }
0xcc: {  	_ =	swait.ge [sflag:s0], $0x800  }
0xcd: {  	[sflag:s0] =	ssyncset.done $0x0  }
0xce: {  	[sflag:s0] =	ssyncadd.s32 $0xFFFFF800  }
0xcf: {  	[spmem:s2] =	stream.indirect.scatter.add.f32 [tilespmem:s29], [sflag:$0x2], $0x10, s6, s15, $0xb8;
	[tilespmem:$0xB800] =	vst v63  }
0xd0: {  	_ =	swait.ge [sflag:s13], $0x800  }
0xd1: {  	[sflag:s13] =	ssyncset.done $0x0  }
0xd2: {  	[sflag:s13] =	ssyncadd.s32 $0xFFFFF800  }
0xd3: {  	_ =	swait.ge [sflag:s0], $0x800  }
0xd4: {  	[sflag:s0] =	ssyncset.done $0x0  }
0xd5: {  	[sflag:s0] =	ssyncadd.s32 $0xFFFFF800  }
0xd6: {  	[spmem:s2] =	stream.indirect.scatter.add.f32 [tilespmem:s30], [sflag:$0x2], $0x10, s7, s15, $0xb8;
	[tilespmem:$0xB800] =	vst v63  }
0xd7: {  	_ =	swait.ge [sflag:s13], $0x800  }
0xd8: {  	[sflag:s13] =	ssyncset.done $0x0  }
0xd9: {  	[sflag:s13] =	ssyncadd.s32 $0xFFFFF800  }
0xda: {  	_ =	swait.ge [sflag:s0], $0x800  }
0xdb: {  	[sflag:s0] =	ssyncset.done $0x0  }
0xdc: {  	[sflag:s0] =	ssyncadd.s32 $0xFFFFF800  }
0xdd: {  	[spmem:s2] =	stream.indirect.scatter.add.f32 [tilespmem:s31], [sflag:$0x2], $0x10, s8, s15, $0xb8;
	[tilespmem:$0xB800] =	vst v63  }
0xde: {  	s10 =	simm.s32 $0x1000;
	_ =	swait.ge [sflag:s13], $0x800  }
0xdf: {  	s11 =	simm.s32 $0x2000;
	s5 =	rddreg [dreg:$0x3];
	[sflag:s13] =	ssyncset.done $0x0  }
.LBB2_4:
0xe0: {  	[sflag:s13] =	ssyncadd.s32 $0xFFFFF800;
	s5 =	sadd.s32 s10, s5  }
0xe1: {  	[tilespmem:s3], [sflag:$0x2] =	stream.linear.gather [hbm4b:s5+s3], $0x800, $0x38;
	[tilespmem:$0xB800] =	vst v63  }
0xe2: {  	_ =	swait.ge [sflag:s13], $0x800  }
0xe3: {  	s5 =	rddreg [dreg:$0x4];
	[sflag:s13] =	ssyncset.done $0x0  }
0xe4: {  	[sflag:s13] =	ssyncadd.s32 $0xFFFFF800;
	s5 =	sadd.s32 s10, s5  }
0xe5: {  	[tilespmem:s14], [sflag:$0x2] =	stream.linear.gather [hbm4b:s5+s3], $0x800, $0x38;
	[tilespmem:$0xB800] =	vst v63  }
0xe6: {  	_ =	swait.ge [sflag:s13], $0x800  }
0xe7: {  	[sflag:s13] =	ssyncset.done $0x0  }
0xe8: {  	[sflag:s13] =	ssyncadd.s32 $0xFFFFF800  }
0xe9: {  	[tilespmem:s12], [sflag:$0x1] =	stream.indirect.gather [hbm4b:s4+s15], $0x10, s3, s15, $0xb8;
	[tilespmem:$0xB800] =	vst v63  }
0xea: {  	_ = 	snop  }
0xeb: {  	[tilespmem:s16], [sflag:$0x1] =	stream.indirect.gather [hbm4b:s4+s15], $0x10, s15, s15, $0xb8;
	[tilespmem:$0xB800] =	vst v63  }
0xec: {  	s9 =	smov.u32 s11;
	s5 =	rddreg [dreg:$0x5]  }
0xed: {  	[tilespmem:s17], [sflag:$0x1] =	stream.indirect.gather [hbm4b:s4+s15], $0x10, s5, s15, $0xb8;
	[tilespmem:$0xB800] =	vst v63  }
0xee: {  	s10 =	smov.u32 s9;
	s9 =	rddreg [dreg:$0x6]  }
0xef: {  	[tilespmem:s18], [sflag:$0x1] =	stream.indirect.gather [hbm4b:s4+s15], $0x10, s9, s15, $0xb8;
	[tilespmem:$0xB800] =	vst v63  }
0xf0: {  	s5 =	rddreg [dreg:$0x7]  }
0xf1: {  	[tilespmem:s19], [sflag:$0x1] =	stream.indirect.gather [hbm4b:s4+s15], $0x10, s5, s15, $0xb8;
	[tilespmem:$0xB800] =	vst v63  }
0xf2: {  	s9 =	rddreg [dreg:$0x8]  }
0xf3: {  	[tilespmem:s20], [sflag:$0x1] =	stream.indirect.gather [hbm4b:s4+s15], $0x10, s9, s15, $0xb8;
	[tilespmem:$0xB800] =	vst v63  }
0xf4: {  	s5 =	rddreg [dreg:$0x9]  }
0xf5: {  	[tilespmem:s21], [sflag:$0x1] =	stream.indirect.gather [hbm4b:s4+s15], $0x10, s5, s15, $0xb8;
	[tilespmem:$0xB800] =	vst v63  }
0xf6: {  	s9 =	rddreg [dreg:$0xa]  }
0xf7: {  	[tilespmem:s22], [sflag:$0x1] =	stream.indirect.gather [hbm4b:s4+s15], $0x10, s9, s15, $0xb8;
	[tilespmem:$0xB800] =	vst v63  }
0xf8: {  	s5 =	rddreg [dreg:$0xb]  }
0xf9: {  	[tilespmem:s23], [sflag:$0x1] =	stream.indirect.gather [hbm4b:s4+s15], $0x10, s5, s15, $0xb8;
	[tilespmem:$0xB800] =	vst v63  }
0xfa: {  	s9 =	rddreg [dreg:$0xc]  }
0xfb: {  	[tilespmem:s24], [sflag:$0x1] =	stream.indirect.gather [hbm4b:s4+s15], $0x10, s9, s15, $0xb8;
	[tilespmem:$0xB800] =	vst v63  }
0xfc: {  	s5 =	rddreg [dreg:$0xd]  }
0xfd: {  	[tilespmem:s25], [sflag:$0x1] =	stream.indirect.gather [hbm4b:s4+s15], $0x10, s5, s15, $0xb8;
	[tilespmem:$0xB800] =	vst v63  }
0xfe: {  	s9 =	rddreg [dreg:$0xe]  }
0xff: {  	[tilespmem:s26], [sflag:$0x1] =	stream.indirect.gather [hbm4b:s4+s15], $0x10, s9, s15, $0xb8;
	[tilespmem:$0xB800] =	vst v63  }
0x100: {  	s5 =	rddreg [dreg:$0xf]  }
0x101: {  	[tilespmem:s28], [sflag:$0x1] =	stream.indirect.gather [hbm4b:s4+s15], $0x10, s5, s15, $0xb8;
	[tilespmem:$0xB800] =	vst v63  }
0x102: {  	s9 =	rddreg [dreg:$0x10]  }
0x103: {  	[tilespmem:s29], [sflag:$0x1] =	stream.indirect.gather [hbm4b:s4+s15], $0x10, s9, s15, $0xb8;
	[tilespmem:$0xB800] =	vst v63  }
0x104: {  	s5 =	rddreg [dreg:$0x11]  }
0x105: {  	[tilespmem:s30], [sflag:$0x1] =	stream.indirect.gather [hbm4b:s4+s15], $0x10, s5, s15, $0xb8;
	[tilespmem:$0xB800] =	vst v63  }
0x106: {  	s9 =	rddreg [dreg:$0x12]  }
0x107: {  	[tilespmem:s31], [sflag:$0x1] =	stream.indirect.gather [hbm4b:s4+s15], $0x10, s9, s15, $0xb8;
	[tilespmem:$0xB800] =	vst v63  }
0x108: {  	_ =	swait.ge [sflag:s0], $0x800  }
0x109: {  	[sflag:s0] =	ssyncset.done $0x0  }
0x10a: {  	[sflag:s0] =	ssyncadd.s32 $0xFFFFF800  }
0x10b: {  	[spmem:s2] =	stream.indirect.scatter.add.f32 [tilespmem:s12], [sflag:$0x2], $0x10, s14, s15, $0xb8;
	[tilespmem:$0xB800] =	vst v63  }
0x10c: {  	_ =	swait.ge [sflag:s13], $0x800  }
0x10d: {  	[sflag:s13] =	ssyncset.done $0x0  }
0x10e: {  	[sflag:s13] =	ssyncadd.s32 $0xFFFFF800  }
0x10f: {  	_ =	swait.ge [sflag:s0], $0x800  }
0x110: {  	[sflag:s0] =	ssyncset.done $0x0  }
0x111: {  	s9 =	rddreg [dreg:$0x13];
	[sflag:s0] =	ssyncadd.s32 $0xFFFFF800  }
0x112: {  	[spmem:s2] =	stream.indirect.scatter.add.f32 [tilespmem:s16], [sflag:$0x2], $0x10, s9, s15, $0xb8;
	[tilespmem:$0xB800] =	vst v63  }
0x113: {  	_ =	swait.ge [sflag:s13], $0x800  }
0x114: {  	[sflag:s13] =	ssyncset.done $0x0  }
0x115: {  	[sflag:s13] =	ssyncadd.s32 $0xFFFFF800  }
0x116: {  	_ =	swait.ge [sflag:s0], $0x800  }
0x117: {  	[sflag:s0] =	ssyncset.done $0x0  }
0x118: {  	s9 =	rddreg [dreg:$0x14];
	[sflag:s0] =	ssyncadd.s32 $0xFFFFF800  }
0x119: {  	[spmem:s2] =	stream.indirect.scatter.add.f32 [tilespmem:s17], [sflag:$0x2], $0x10, s9, s15, $0xb8;
	[tilespmem:$0xB800] =	vst v63  }
0x11a: {  	_ =	swait.ge [sflag:s13], $0x800  }
0x11b: {  	[sflag:s13] =	ssyncset.done $0x0  }
0x11c: {  	[sflag:s13] =	ssyncadd.s32 $0xFFFFF800  }
0x11d: {  	_ =	swait.ge [sflag:s0], $0x800  }
0x11e: {  	[sflag:s0] =	ssyncset.done $0x0  }
0x11f: {  	s9 =	rddreg [dreg:$0x15];
	[sflag:s0] =	ssyncadd.s32 $0xFFFFF800  }
0x120: {  	[spmem:s2] =	stream.indirect.scatter.add.f32 [tilespmem:s18], [sflag:$0x2], $0x10, s9, s15, $0xb8;
	[tilespmem:$0xB800] =	vst v63  }
0x121: {  	_ =	swait.ge [sflag:s13], $0x800  }
0x122: {  	[sflag:s13] =	ssyncset.done $0x0  }
0x123: {  	[sflag:s13] =	ssyncadd.s32 $0xFFFFF800  }
0x124: {  	_ =	swait.ge [sflag:s0], $0x800  }
0x125: {  	[sflag:s0] =	ssyncset.done $0x0  }
0x126: {  	s9 =	rddreg [dreg:$0x16];
	[sflag:s0] =	ssyncadd.s32 $0xFFFFF800  }
0x127: {  	[spmem:s2] =	stream.indirect.scatter.add.f32 [tilespmem:s19], [sflag:$0x2], $0x10, s9, s15, $0xb8;
	[tilespmem:$0xB800] =	vst v63  }
0x128: {  	_ =	swait.ge [sflag:s13], $0x800  }
0x129: {  	[sflag:s13] =	ssyncset.done $0x0  }
0x12a: {  	[sflag:s13] =	ssyncadd.s32 $0xFFFFF800  }
0x12b: {  	_ =	swait.ge [sflag:s0], $0x800  }
0x12c: {  	[sflag:s0] =	ssyncset.done $0x0  }
0x12d: {  	s9 =	rddreg [dreg:$0x17];
	[sflag:s0] =	ssyncadd.s32 $0xFFFFF800  }
0x12e: {  	[spmem:s2] =	stream.indirect.scatter.add.f32 [tilespmem:s20], [sflag:$0x2], $0x10, s9, s15, $0xb8;
	[tilespmem:$0xB800] =	vst v63  }
0x12f: {  	_ =	swait.ge [sflag:s13], $0x800  }
0x130: {  	[sflag:s13] =	ssyncset.done $0x0  }
0x131: {  	[sflag:s13] =	ssyncadd.s32 $0xFFFFF800  }
0x132: {  	_ =	swait.ge [sflag:s0], $0x800  }
0x133: {  	[sflag:s0] =	ssyncset.done $0x0  }
0x134: {  	s9 =	rddreg [dreg:$0x18];
	[sflag:s0] =	ssyncadd.s32 $0xFFFFF800  }
0x135: {  	[spmem:s2] =	stream.indirect.scatter.add.f32 [tilespmem:s21], [sflag:$0x2], $0x10, s9, s15, $0xb8;
	[tilespmem:$0xB800] =	vst v63  }
0x136: {  	_ =	swait.ge [sflag:s13], $0x800  }
0x137: {  	[sflag:s13] =	ssyncset.done $0x0  }
0x138: {  	[sflag:s13] =	ssyncadd.s32 $0xFFFFF800  }
0x139: {  	_ =	swait.ge [sflag:s0], $0x800  }
0x13a: {  	[sflag:s0] =	ssyncset.done $0x0  }
0x13b: {  	s9 =	rddreg [dreg:$0x19];
	[sflag:s0] =	ssyncadd.s32 $0xFFFFF800  }
0x13c: {  	[spmem:s2] =	stream.indirect.scatter.add.f32 [tilespmem:s22], [sflag:$0x2], $0x10, s9, s15, $0xb8;
	[tilespmem:$0xB800] =	vst v63  }
0x13d: {  	_ =	swait.ge [sflag:s13], $0x800  }
0x13e: {  	[sflag:s13] =	ssyncset.done $0x0  }
0x13f: {  	[sflag:s13] =	ssyncadd.s32 $0xFFFFF800  }
0x140: {  	_ =	swait.ge [sflag:s0], $0x800  }
0x141: {  	[sflag:s0] =	ssyncset.done $0x0  }
0x142: {  	s9 =	rddreg [dreg:$0x1a];
	[sflag:s0] =	ssyncadd.s32 $0xFFFFF800  }
0x143: {  	[spmem:s2] =	stream.indirect.scatter.add.f32 [tilespmem:s23], [sflag:$0x2], $0x10, s9, s15, $0xb8;
	[tilespmem:$0xB800] =	vst v63  }
0x144: {  	_ =	swait.ge [sflag:s13], $0x800  }
0x145: {  	[sflag:s13] =	ssyncset.done $0x0  }
0x146: {  	[sflag:s13] =	ssyncadd.s32 $0xFFFFF800  }
0x147: {  	_ =	swait.ge [sflag:s0], $0x800  }
0x148: {  	[sflag:s0] =	ssyncset.done $0x0  }
0x149: {  	s9 =	rddreg [dreg:$0x1b];
	[sflag:s0] =	ssyncadd.s32 $0xFFFFF800  }
0x14a: {  	[spmem:s2] =	stream.indirect.scatter.add.f32 [tilespmem:s24], [sflag:$0x2], $0x10, s9, s15, $0xb8;
	[tilespmem:$0xB800] =	vst v63  }
0x14b: {  	_ =	swait.ge [sflag:s13], $0x800  }
0x14c: {  	[sflag:s13] =	ssyncset.done $0x0  }
0x14d: {  	[sflag:s13] =	ssyncadd.s32 $0xFFFFF800  }
0x14e: {  	_ =	swait.ge [sflag:s0], $0x800  }
0x14f: {  	[sflag:s0] =	ssyncset.done $0x0  }
0x150: {  	s9 =	rddreg [dreg:$0x1c];
	[sflag:s0] =	ssyncadd.s32 $0xFFFFF800  }
0x151: {  	[spmem:s2] =	stream.indirect.scatter.add.f32 [tilespmem:s25], [sflag:$0x2], $0x10, s9, s15, $0xb8;
	[tilespmem:$0xB800] =	vst v63  }
0x152: {  	_ =	swait.ge [sflag:s13], $0x800  }
0x153: {  	[sflag:s13] =	ssyncset.done $0x0  }
0x154: {  	[sflag:s13] =	ssyncadd.s32 $0xFFFFF800  }
0x155: {  	_ =	swait.ge [sflag:s0], $0x800  }
0x156: {  	[sflag:s0] =	ssyncset.done $0x0  }
0x157: {  	s9 =	rddreg [dreg:$0x1d];
	[sflag:s0] =	ssyncadd.s32 $0xFFFFF800  }
0x158: {  	[spmem:s2] =	stream.indirect.scatter.add.f32 [tilespmem:s26], [sflag:$0x2], $0x10, s9, s15, $0xb8;
	[tilespmem:$0xB800] =	vst v63  }
0x159: {  	_ =	swait.ge [sflag:s13], $0x800  }
0x15a: {  	[sflag:s13] =	ssyncset.done $0x0  }
0x15b: {  	[sflag:s13] =	ssyncadd.s32 $0xFFFFF800  }
0x15c: {  	_ =	swait.ge [sflag:s0], $0x800  }
0x15d: {  	[sflag:s0] =	ssyncset.done $0x0  }
0x15e: {  	[sflag:s0] =	ssyncadd.s32 $0xFFFFF800  }
0x15f: {  	[spmem:s2] =	stream.indirect.scatter.add.f32 [tilespmem:s28], [sflag:$0x2], $0x10, s1, s15, $0xb8;
	[tilespmem:$0xB800] =	vst v63  }
0x160: {  	_ =	swait.ge [sflag:s13], $0x800  }
0x161: {  	[sflag:s13] =	ssyncset.done $0x0  }
0x162: {  	[sflag:s13] =	ssyncadd.s32 $0xFFFFF800  }
0x163: {  	_ =	swait.ge [sflag:s0], $0x800  }
0x164: {  	[sflag:s0] =	ssyncset.done $0x0  }
0x165: {  	[sflag:s0] =	ssyncadd.s32 $0xFFFFF800  }
0x166: {  	[spmem:s2] =	stream.indirect.scatter.add.f32 [tilespmem:s29], [sflag:$0x2], $0x10, s6, s15, $0xb8;
	[tilespmem:$0xB800] =	vst v63  }
0x167: {  	_ =	swait.ge [sflag:s13], $0x800  }
0x168: {  	[sflag:s13] =	ssyncset.done $0x0  }
0x169: {  	[sflag:s13] =	ssyncadd.s32 $0xFFFFF800  }
0x16a: {  	_ =	swait.ge [sflag:s0], $0x800  }
0x16b: {  	[sflag:s0] =	ssyncset.done $0x0  }
0x16c: {  	[sflag:s0] =	ssyncadd.s32 $0xFFFFF800  }
0x16d: {  	[spmem:s2] =	stream.indirect.scatter.add.f32 [tilespmem:s30], [sflag:$0x2], $0x10, s7, s15, $0xb8;
	[tilespmem:$0xB800] =	vst v63  }
0x16e: {  	_ =	swait.ge [sflag:s13], $0x800  }
0x16f: {  	[sflag:s13] =	ssyncset.done $0x0  }
0x170: {  	[sflag:s13] =	ssyncadd.s32 $0xFFFFF800  }
0x171: {  	p0 =	sne.s32 s11, $0x9000;
	_ =	swait.ge [sflag:s0], $0x800  }
.Ltmp1:
0x172: {  	[sflag:s0] =	ssyncset.done $0x0;
	(pc) =	sbr.rel @p0 .LBB2_4-.Ltmp1, $4  }
0x173: {  	[sflag:s0] =	ssyncadd.s32 $0xFFFFF800  }
0x174: {  	[spmem:s2] =	stream.indirect.scatter.add.f32 [tilespmem:s31], [sflag:$0x2], $0x10, s8, s15, $0xb8;
	[tilespmem:$0xB800] =	vst v63  }
0x175: {  	_ =	swait.ge [sflag:s13], $0x800  }
0x176: {  	s11 =	sadd.s32 $0x1000, s11;
	s5 =	rddreg [dreg:$0x3];
	[sflag:s13] =	ssyncset.done $0x0  }
0x177: {  	[sflag:s13] =	ssyncadd.s32 $0xFFFFF800;
	s5 =	sadd.s32 s10, s5  }
0x178: {  	[tilespmem:s3], [sflag:$0x2] =	stream.linear.gather [hbm4b:s5+s3], $0x800, $0x38;
	[tilespmem:$0xB800] =	vst v63  }
0x179: {  	_ =	swait.ge [sflag:s13], $0x800  }
0x17a: {  	s9 =	rddreg [dreg:$0x4];
	[sflag:s13] =	ssyncset.done $0x0  }
0x17b: {  	[sflag:s13] =	ssyncadd.s32 $0xFFFFF800;
	s5 =	sadd.s32 s10, s9  }
0x17c: {  	[tilespmem:s14], [sflag:$0x2] =	stream.linear.gather [hbm4b:s5+s3], $0x800, $0x38;
	[tilespmem:$0xB800] =	vst v63  }
0x17d: {  	_ =	swait.ge [sflag:s13], $0x800  }
0x17e: {  	[sflag:s13] =	ssyncset.done $0x0  }
0x17f: {  	[sflag:s13] =	ssyncadd.s32 $0xFFFFF800  }
0x180: {  	[tilespmem:s12], [sflag:$0x1] =	stream.indirect.gather [hbm4b:s4+s15], $0x10, s3, s15, $0xb8;
	[tilespmem:$0xB800] =	vst v63  }
0x181: {  	_ = 	snop  }
0x182: {  	[tilespmem:s16], [sflag:$0x1] =	stream.indirect.gather [hbm4b:s4+s15], $0x10, s15, s15, $0xb8;
	[tilespmem:$0xB800] =	vst v63  }
0x183: {  	s11 =	rddreg [dreg:$0x5]  }
0x184: {  	[tilespmem:s17], [sflag:$0x1] =	stream.indirect.gather [hbm4b:s4+s15], $0x10, s11, s15, $0xb8;
	[tilespmem:$0xB800] =	vst v63  }
0x185: {  	s9 =	rddreg [dreg:$0x6]  }
0x186: {  	[tilespmem:s18], [sflag:$0x1] =	stream.indirect.gather [hbm4b:s4+s15], $0x10, s9, s15, $0xb8;
	[tilespmem:$0xB800] =	vst v63  }
0x187: {  	s10 =	rddreg [dreg:$0x7]  }
0x188: {  	[tilespmem:s19], [sflag:$0x1] =	stream.indirect.gather [hbm4b:s4+s15], $0x10, s10, s15, $0xb8;
	[tilespmem:$0xB800] =	vst v63  }
0x189: {  	s11 =	rddreg [dreg:$0x8]  }
0x18a: {  	[tilespmem:s20], [sflag:$0x1] =	stream.indirect.gather [hbm4b:s4+s15], $0x10, s11, s15, $0xb8;
	[tilespmem:$0xB800] =	vst v63  }
0x18b: {  	s10 =	rddreg [dreg:$0x9]  }
0x18c: {  	[tilespmem:s21], [sflag:$0x1] =	stream.indirect.gather [hbm4b:s4+s15], $0x10, s10, s15, $0xb8;
	[tilespmem:$0xB800] =	vst v63  }
0x18d: {  	s11 =	rddreg [dreg:$0xa]  }
0x18e: {  	[tilespmem:s22], [sflag:$0x1] =	stream.indirect.gather [hbm4b:s4+s15], $0x10, s11, s15, $0xb8;
	[tilespmem:$0xB800] =	vst v63  }
0x18f: {  	s10 =	rddreg [dreg:$0xb]  }
0x190: {  	[tilespmem:s23], [sflag:$0x1] =	stream.indirect.gather [hbm4b:s4+s15], $0x10, s10, s15, $0xb8;
	[tilespmem:$0xB800] =	vst v63  }
0x191: {  	s11 =	rddreg [dreg:$0xc]  }
0x192: {  	[tilespmem:s24], [sflag:$0x1] =	stream.indirect.gather [hbm4b:s4+s15], $0x10, s11, s15, $0xb8;
	[tilespmem:$0xB800] =	vst v63  }
0x193: {  	s10 =	rddreg [dreg:$0xd]  }
0x194: {  	[tilespmem:s25], [sflag:$0x1] =	stream.indirect.gather [hbm4b:s4+s15], $0x10, s10, s15, $0xb8;
	[tilespmem:$0xB800] =	vst v63  }
0x195: {  	s11 =	rddreg [dreg:$0xe]  }
0x196: {  	[tilespmem:s26], [sflag:$0x1] =	stream.indirect.gather [hbm4b:s4+s15], $0x10, s11, s15, $0xb8;
	[tilespmem:$0xB800] =	vst v63  }
0x197: {  	s10 =	rddreg [dreg:$0xf]  }
0x198: {  	[tilespmem:s28], [sflag:$0x1] =	stream.indirect.gather [hbm4b:s4+s15], $0x10, s10, s15, $0xb8;
	[tilespmem:$0xB800] =	vst v63  }
0x199: {  	s11 =	rddreg [dreg:$0x10]  }
0x19a: {  	[tilespmem:s29], [sflag:$0x1] =	stream.indirect.gather [hbm4b:s4+s15], $0x10, s11, s15, $0xb8;
	[tilespmem:$0xB800] =	vst v63  }
0x19b: {  	s10 =	rddreg [dreg:$0x11]  }
0x19c: {  	[tilespmem:s30], [sflag:$0x1] =	stream.indirect.gather [hbm4b:s4+s15], $0x10, s10, s15, $0xb8;
	[tilespmem:$0xB800] =	vst v63  }
0x19d: {  	s11 =	rddreg [dreg:$0x12]  }
0x19e: {  	[tilespmem:s31], [sflag:$0x1] =	stream.indirect.gather [hbm4b:s4+s15], $0x10, s11, s15, $0xb8;
	[tilespmem:$0xB800] =	vst v63  }
0x19f: {  	_ =	swait.ge [sflag:s0], $0x800  }
0x1a0: {  	[sflag:s0] =	ssyncset.done $0x0  }
0x1a1: {  	[sflag:s0] =	ssyncadd.s32 $0xFFFFF800  }
0x1a2: {  	[spmem:s2] =	stream.indirect.scatter.add.f32 [tilespmem:s12], [sflag:$0x2], $0x10, s14, s15, $0xb8;
	[tilespmem:$0xB800] =	vst v63  }
0x1a3: {  	_ =	swait.ge [sflag:s13], $0x800  }
0x1a4: {  	[sflag:s13] =	ssyncset.done $0x0  }
0x1a5: {  	[sflag:s13] =	ssyncadd.s32 $0xFFFFF800  }
0x1a6: {  	_ =	swait.ge [sflag:s0], $0x800  }
0x1a7: {  	[sflag:s0] =	ssyncset.done $0x0  }
0x1a8: {  	s9 =	rddreg [dreg:$0x13];
	[sflag:s0] =	ssyncadd.s32 $0xFFFFF800  }
0x1a9: {  	[spmem:s2] =	stream.indirect.scatter.add.f32 [tilespmem:s16], [sflag:$0x2], $0x10, s9, s15, $0xb8;
	[tilespmem:$0xB800] =	vst v63  }
0x1aa: {  	_ =	swait.ge [sflag:s13], $0x800  }
0x1ab: {  	[sflag:s13] =	ssyncset.done $0x0  }
0x1ac: {  	[sflag:s13] =	ssyncadd.s32 $0xFFFFF800  }
0x1ad: {  	_ =	swait.ge [sflag:s0], $0x800  }
0x1ae: {  	[sflag:s0] =	ssyncset.done $0x0  }
0x1af: {  	s10 =	rddreg [dreg:$0x14];
	[sflag:s0] =	ssyncadd.s32 $0xFFFFF800  }
0x1b0: {  	[spmem:s2] =	stream.indirect.scatter.add.f32 [tilespmem:s17], [sflag:$0x2], $0x10, s10, s15, $0xb8;
	[tilespmem:$0xB800] =	vst v63  }
0x1b1: {  	_ =	swait.ge [sflag:s13], $0x800  }
0x1b2: {  	[sflag:s13] =	ssyncset.done $0x0  }
0x1b3: {  	[sflag:s13] =	ssyncadd.s32 $0xFFFFF800  }
0x1b4: {  	_ =	swait.ge [sflag:s0], $0x800  }
0x1b5: {  	[sflag:s0] =	ssyncset.done $0x0  }
0x1b6: {  	s11 =	rddreg [dreg:$0x15];
	[sflag:s0] =	ssyncadd.s32 $0xFFFFF800  }
0x1b7: {  	[spmem:s2] =	stream.indirect.scatter.add.f32 [tilespmem:s18], [sflag:$0x2], $0x10, s11, s15, $0xb8;
	[tilespmem:$0xB800] =	vst v63  }
0x1b8: {  	_ =	swait.ge [sflag:s13], $0x800  }
0x1b9: {  	[sflag:s13] =	ssyncset.done $0x0  }
0x1ba: {  	[sflag:s13] =	ssyncadd.s32 $0xFFFFF800  }
0x1bb: {  	_ =	swait.ge [sflag:s0], $0x800  }
0x1bc: {  	[sflag:s0] =	ssyncset.done $0x0  }
0x1bd: {  	s9 =	rddreg [dreg:$0x16];
	[sflag:s0] =	ssyncadd.s32 $0xFFFFF800  }
0x1be: {  	[spmem:s2] =	stream.indirect.scatter.add.f32 [tilespmem:s19], [sflag:$0x2], $0x10, s9, s15, $0xb8;
	[tilespmem:$0xB800] =	vst v63  }
0x1bf: {  	_ =	swait.ge [sflag:s13], $0x800  }
0x1c0: {  	[sflag:s13] =	ssyncset.done $0x0  }
0x1c1: {  	[sflag:s13] =	ssyncadd.s32 $0xFFFFF800  }
0x1c2: {  	_ =	swait.ge [sflag:s0], $0x800  }
0x1c3: {  	[sflag:s0] =	ssyncset.done $0x0  }
0x1c4: {  	s10 =	rddreg [dreg:$0x17];
	[sflag:s0] =	ssyncadd.s32 $0xFFFFF800  }
0x1c5: {  	[spmem:s2] =	stream.indirect.scatter.add.f32 [tilespmem:s20], [sflag:$0x2], $0x10, s10, s15, $0xb8;
	[tilespmem:$0xB800] =	vst v63  }
0x1c6: {  	_ =	swait.ge [sflag:s13], $0x800  }
0x1c7: {  	[sflag:s13] =	ssyncset.done $0x0  }
0x1c8: {  	[sflag:s13] =	ssyncadd.s32 $0xFFFFF800  }
0x1c9: {  	_ =	swait.ge [sflag:s0], $0x800  }
0x1ca: {  	[sflag:s0] =	ssyncset.done $0x0  }
0x1cb: {  	s11 =	rddreg [dreg:$0x18];
	[sflag:s0] =	ssyncadd.s32 $0xFFFFF800  }
0x1cc: {  	[spmem:s2] =	stream.indirect.scatter.add.f32 [tilespmem:s21], [sflag:$0x2], $0x10, s11, s15, $0xb8;
	[tilespmem:$0xB800] =	vst v63  }
0x1cd: {  	_ =	swait.ge [sflag:s13], $0x800  }
0x1ce: {  	[sflag:s13] =	ssyncset.done $0x0  }
0x1cf: {  	[sflag:s13] =	ssyncadd.s32 $0xFFFFF800  }
0x1d0: {  	_ =	swait.ge [sflag:s0], $0x800  }
0x1d1: {  	[sflag:s0] =	ssyncset.done $0x0  }
0x1d2: {  	s9 =	rddreg [dreg:$0x19];
	[sflag:s0] =	ssyncadd.s32 $0xFFFFF800  }
0x1d3: {  	[spmem:s2] =	stream.indirect.scatter.add.f32 [tilespmem:s22], [sflag:$0x2], $0x10, s9, s15, $0xb8;
	[tilespmem:$0xB800] =	vst v63  }
0x1d4: {  	_ =	swait.ge [sflag:s13], $0x800  }
0x1d5: {  	[sflag:s13] =	ssyncset.done $0x0  }
0x1d6: {  	[sflag:s13] =	ssyncadd.s32 $0xFFFFF800  }
0x1d7: {  	_ =	swait.ge [sflag:s0], $0x800  }
0x1d8: {  	[sflag:s0] =	ssyncset.done $0x0  }
0x1d9: {  	s10 =	rddreg [dreg:$0x1a];
	[sflag:s0] =	ssyncadd.s32 $0xFFFFF800  }
0x1da: {  	[spmem:s2] =	stream.indirect.scatter.add.f32 [tilespmem:s23], [sflag:$0x2], $0x10, s10, s15, $0xb8;
	[tilespmem:$0xB800] =	vst v63  }
0x1db: {  	_ =	swait.ge [sflag:s13], $0x800  }
0x1dc: {  	[sflag:s13] =	ssyncset.done $0x0  }
0x1dd: {  	[sflag:s13] =	ssyncadd.s32 $0xFFFFF800  }
0x1de: {  	_ =	swait.ge [sflag:s0], $0x800  }
0x1df: {  	[sflag:s0] =	ssyncset.done $0x0  }
0x1e0: {  	s11 =	rddreg [dreg:$0x1b];
	[sflag:s0] =	ssyncadd.s32 $0xFFFFF800  }
0x1e1: {  	[spmem:s2] =	stream.indirect.scatter.add.f32 [tilespmem:s24], [sflag:$0x2], $0x10, s11, s15, $0xb8;
	[tilespmem:$0xB800] =	vst v63  }
0x1e2: {  	_ =	swait.ge [sflag:s13], $0x800  }
0x1e3: {  	[sflag:s13] =	ssyncset.done $0x0  }
0x1e4: {  	[sflag:s13] =	ssyncadd.s32 $0xFFFFF800  }
0x1e5: {  	_ =	swait.ge [sflag:s0], $0x800  }
0x1e6: {  	[sflag:s0] =	ssyncset.done $0x0  }
0x1e7: {  	s9 =	rddreg [dreg:$0x1c];
	[sflag:s0] =	ssyncadd.s32 $0xFFFFF800  }
0x1e8: {  	[spmem:s2] =	stream.indirect.scatter.add.f32 [tilespmem:s25], [sflag:$0x2], $0x10, s9, s15, $0xb8;
	[tilespmem:$0xB800] =	vst v63  }
0x1e9: {  	_ =	swait.ge [sflag:s13], $0x800  }
0x1ea: {  	[sflag:s13] =	ssyncset.done $0x0  }
0x1eb: {  	[sflag:s13] =	ssyncadd.s32 $0xFFFFF800  }
0x1ec: {  	_ =	swait.ge [sflag:s0], $0x800  }
0x1ed: {  	[sflag:s0] =	ssyncset.done $0x0  }
0x1ee: {  	s10 =	rddreg [dreg:$0x1d];
	[sflag:s0] =	ssyncadd.s32 $0xFFFFF800  }
0x1ef: {  	[spmem:s2] =	stream.indirect.scatter.add.f32 [tilespmem:s26], [sflag:$0x2], $0x10, s10, s15, $0xb8;
	[tilespmem:$0xB800] =	vst v63  }
0x1f0: {  	_ =	swait.ge [sflag:s13], $0x800  }
0x1f1: {  	[sflag:s13] =	ssyncset.done $0x0  }
0x1f2: {  	[sflag:s13] =	ssyncadd.s32 $0xFFFFF800  }
0x1f3: {  	_ =	swait.ge [sflag:s0], $0x800  }
0x1f4: {  	[sflag:s0] =	ssyncset.done $0x0  }
0x1f5: {  	[sflag:s0] =	ssyncadd.s32 $0xFFFFF800  }
0x1f6: {  	[spmem:s2] =	stream.indirect.scatter.add.f32 [tilespmem:s28], [sflag:$0x2], $0x10, s1, s15, $0xb8;
	[tilespmem:$0xB800] =	vst v63  }
0x1f7: {  	_ =	swait.ge [sflag:s13], $0x800  }
0x1f8: {  	[sflag:s13] =	ssyncset.done $0x0  }
0x1f9: {  	[sflag:s13] =	ssyncadd.s32 $0xFFFFF800  }
0x1fa: {  	_ =	swait.ge [sflag:s0], $0x800  }
0x1fb: {  	[sflag:s0] =	ssyncset.done $0x0  }
0x1fc: {  	[sflag:s0] =	ssyncadd.s32 $0xFFFFF800  }
0x1fd: {  	[spmem:s2] =	stream.indirect.scatter.add.f32 [tilespmem:s29], [sflag:$0x2], $0x10, s6, s15, $0xb8;
	[tilespmem:$0xB800] =	vst v63  }
0x1fe: {  	_ =	swait.ge [sflag:s13], $0x800  }
0x1ff: {  	[sflag:s13] =	ssyncset.done $0x0  }
0x200: {  	[sflag:s13] =	ssyncadd.s32 $0xFFFFF800  }
0x201: {  	_ =	swait.ge [sflag:s0], $0x800  }
0x202: {  	[sflag:s0] =	ssyncset.done $0x0  }
0x203: {  	[sflag:s0] =	ssyncadd.s32 $0xFFFFF800  }
0x204: {  	[spmem:s2] =	stream.indirect.scatter.add.f32 [tilespmem:s30], [sflag:$0x2], $0x10, s7, s15, $0xb8;
	[tilespmem:$0xB800] =	vst v63  }
0x205: {  	_ =	swait.ge [sflag:s13], $0x800  }
0x206: {  	[sflag:s13] =	ssyncset.done $0x0  }
0x207: {  	[sflag:s13] =	ssyncadd.s32 $0xFFFFF800  }
0x208: {  	_ =	swait.ge [sflag:s0], $0x800  }
0x209: {  	[sflag:s0] =	ssyncset.done $0x0  }
0x20a: {  	[sflag:s0] =	ssyncadd.s32 $0xFFFFF800  }
0x20b: {  	[spmem:s2] =	stream.indirect.scatter.add.f32 [tilespmem:s31], [sflag:$0x2], $0x10, s8, s15, $0xb8;
	[tilespmem:$0xB800] =	vst v63  }
0x20c: {  	_ =	swait.ge [sflag:s13], $0x800  }
0x20d: {  	[sflag:s13] =	ssyncset.done $0x0  }
0x20e: {  	[sflag:s13] =	ssyncadd.s32 $0xFFFFF800  }
0x20f: {  	[bflag:$0x0] =	sbarrier.arrive $0xFFFF  }
0x210: {  	s11 =	stileid.u32;
	s10 =	sld [smem:$0x7FC]  }
0x211: {  	s5 =	sshll.u32 s11, $0x6;
	s11 =	rddreg [dreg:$0x1e]  }
0x212: {  	s5 =	sor.u32 $0x1C02, s5;
	s9 =	sshrl.u32 s11, $0x3  }
0x213: {  	[hbm:s10], [sflag:s5] =	dma.local [spmem:s9], $0x500  }
0x214: {  	_ =	swait.ge [sflag:s13], $0x500  }
0x215: {  	s5 =	sld [smem:$0x7F8]  }
0x216: {  	s10 =	sld [smem:$0x7FD];
	_ =	sdelay $0x1  }
0x217: {  	s9 =	sadd.s32 $0x1, s5  }
0x218: {  	p0 =	sne.s32 s9, s10  }
.Ltmp2:
0x219: {  	_ = 	snop;
	(pc) =	sbr.rel @p0 .LBB2_1-.Ltmp2, $3  }
0x21a: {  	_ =	sdelay $0x1  }
0x21b: {  	[sflag:s13] =	ssyncset.done $0x0  }
0x21c: {  	[sflag:s13] =	ssyncadd.s32 $0xFFFFFB00  }
0x21d: {  	_ =	sfence.sel $0x180000  }
0x21e: {  	[bflag:$0x0] =	sbarrier.arrive $0xFFFF  }
0x21f: {  	_ =	strace $0x9000004D  }
0x220: {  	s0 =	stileid.u32;
	[bflag:$0x2] =	sbarrier.arrive $0xFFFF  }
0x221: {  	p0 =	sne.s32 s0, $0x0;
	s0 =	rddreg [dreg:$0x2]  }
0x222: {  	s0 =	sadd.s32 @!p0 $0x100000, s0  }
0x223: {  	[sflag:s0] =	ssyncadd.tile.s32 @!p0 $0x1;
	_ =	shalt  }
.Lfunc_end2:
_tile_overlayer_lowered:
.L_overlay_start_2:
0x224: {  	(tag) =	ssettag $0x2  }
0x225: {  	s0 =	rddreg [dreg:$0x0];
	s2 =	stileid.u32  }
0x226: {  	s1 =	rddreg [dreg:$0x1];
	p0 =	sne.s32 s2, $0x0  }
0x227: {  	s3 =	rddreg [dreg:$0x2];
	[bflag:$0x3] =	sbarrier.arrive $0xFFFF;
	s2 =	simm.s32 @!p0 $0x1C02  }
0x228: {  	[timem:s3], [sflag:s2] =	dma.local @!p0 [hbm:s0], s1  }
0x229: {  	s0 =	simm.s32 @!p0 $0x2  }
0x22a: {  	_ =	swait.ge @!p0 [sflag:s0], s1  }
0x22b: {  	s1 =	ssub.s32 @!p0 $0x0, s1;
	[sflag:s0] =	ssyncset.done @!p0 $0x0  }
0x22c: {  	[sflag:s0] =	ssyncadd.s32 @!p0 s1  }
0x22d: {  	[bflag:$0x3] =	sbarrier.arrive $0xFFFF  }
0x22e: {  	_ =	shalt  }

// kernel: kernel.19.cloned.1.call-start
scs
__scs_entry_jumppad:
0x0: {  	(pc) =	sbr.rel $0x88, $3  }
0x1: {  	(tag) =	ssettag $0x0;
	lr =	simm.s32 $0x1  }
0x2: {  	[smem:$0x3F96] =	sst lr;
	_ =	strace $0xD0000000  }
0x3: {  	_ = 	snop  }
0x4: {  	_ = 	snop  }
0x5: {  	_ = 	snop  }
0x6: {  	_ = 	snop  }
0x7: {  	_ = 	snop  }
__scs_overlays_trampoline_lowered:
0x8: {  	[smem:$0x3FA5] =	sst s0  }
0x9: {  	[smem:$0x3FA6] =	sst s1  }
0xa: {  	[smem:$0x3FA7] =	sst s2  }
0xb: {  	[smem:$0x3FA8] =	sst s3  }
0xc: {  	[smem:$0x3FA9] =	sst s4  }
0xd: {  	[smem:$0x3FAA] =	sst s5  }
0xe: {  	[smem:$0x3FAB] =	sst s6  }
0xf: {  	[smem:$0x3FAC] =	sst s7  }
0x10: {  	[smem:$0x3FAD] =	sst s8  }
0x11: {  	[smem:$0x3FAE] =	sst s9;
	s0 =	simm.s32 @!p0 $0x0  }
0x12: {  	s1 =	sld [smem:$0x3F94];
	s0 =	simm.s32 @p0 $0x1  }
0x13: {  	[smem:$0x3FAF] =	sst s0;
	s0 =	simm.s32 @!p1 $0x0  }
0x14: {  	s2 =	sld [smem:$0x3F93];
	s0 =	simm.s32 @p1 $0x1  }
0x15: {  	[smem:$0x3FB0] =	sst s0;
	s0 =	simm.s32 @!p2 $0x0  }
0x16: {  	s3 =	sld [smem:$0x3FDB];
	s0 =	simm.s32 @p2 $0x1  }
0x17: {  	s4 =	simm.s32 $0x1BF5;
	[smem:$0x3FB2] =	sst s0  }
0x18: {  	s0 =	sld [smem:$0x3F95];
	_ =	swait.ge [sflag:s4], $0x0  }
0x19: {  	s7 =	sld [smem:$0x3F96]  }
0x1a: {  	s8 =	sadd.s32 $0xFFFFE003, lr  }
0x1b: {  	s9 =	sadd.s32 $0xFFFFFEF7, lr;
	s5 =	simm.s32 $0xFFFFFFFF;
	p2 =	slt.u32 s8, $0xFFFFF086  }
0x1c: {  	p1 =	slt.u32 s9, $0xF7A;
	s5 =	simm.s32 @!p2 $0x0  }
0x1d: {  	s5 =	simm.s32 @p1 $0x1;
	p0 =	seq.s32 s7, s2  }
0x1e: {  	s7 =	smul.u32 @!p0 $0xF7A, s2;
	p2 =	seq.s32 @!p0 s5, $0x0  }
0x1f: {  	s9 =	smul.u32 $0xF7A, s1;
	s8 =	simm.s32 @!p0 $0x1BF5;
	p2 =	por !p2, p0  }
0x20: {  	[sflag:s8] =	ssyncset.s32 @!p0 $0xFFFFF086;
	s6 =	sadd.s32 @!p0 s3, s7;
	s7 =	simm.s32 @!p0 $0x108  }
0x21: {  	s3 =	sadd.s32 s3, s9;
	s6 =	sadd.s32 @!p0 $0x88, s6;
	s7 =	simm.s32 @p2 $0x1082  }
0x22: {  	[simem:s7], [sflag:s8] =	dma.local @!p0 [hbm:s6], $0xF7A  }
0x23: {  	s9 =	sor.u32 $0xD0000000, s2;
	s6 =	simm.s32 $0x108;
	_ =	swait.ge @!p0 [sflag:s8], $0x0  }
0x24: {  	s3 =	sadd.s32 $0x88, s3;
	s6 =	simm.s32 @!p1 $0x1082;
	[sflag:s4] =	ssyncset.s32 $0xFFFFF086  }
0x25: {  	[simem:s6], [sflag:s4] =	dma.local [hbm:s3], $0xF7A  }
0x26: {  	[smem:$0x3F96] =	sst s1;
	(tag) =	ssettag s2;
	_ =	strace s9  }
0x27: {  	s1 =	sld [smem:$0x3FA6]  }
0x28: {  	s2 =	sld [smem:$0x3FA7]  }
0x29: {  	s4 =	sld [smem:$0x3FA9]  }
0x2a: {  	p0 =	seq.s32 s5, $0x0;
	s5 =	sld [smem:$0x3FAA]  }
0x2b: {  	s6 =	sld [smem:$0x3FAB]  }
0x2c: {  	s7 =	sld [smem:$0x3FAC]  }
0x2d: {  	s3 =	simm.s32 $0x108;
	s8 =	sld [smem:$0x3FAD]  }
0x2e: {  	s3 =	simm.s32 @!p0 $0x1082;
	s9 =	sld [smem:$0x3FAE]  }
0x2f: {  	lr =	sadd.s32 s0, s3;
	s0 =	sld [smem:$0x3FA5]  }
0x30: {  	s3 =	sld [smem:$0x3FA8]  }
0x31: {  	[smem:$0x3FB1] =	sst s10  }
0x32: {  	s10 =	sld [smem:$0x3FAF];
	_ =	sdelay $0x3  }
0x33: {  	p0 =	seq.s32 s10, $0x1;
	s10 =	sld [smem:$0x3FB1];
	_ =	sdelay $0x3  }
0x34: {  	[smem:$0x3FB1] =	sst s10  }
0x35: {  	s10 =	sld [smem:$0x3FB0];
	_ =	sdelay $0x3  }
0x36: {  	p1 =	seq.s32 s10, $0x1;
	s10 =	sld [smem:$0x3FB1];
	_ =	sdelay $0x3  }
0x37: {  	[smem:$0x3FB1] =	sst s10  }
0x38: {  	s10 =	sld [smem:$0x3FB2]  }
0x39: {  	_ = 	snop;
	(pc) =	sbr.ind lr, $3  }
0x3a: {  	_ = 	snop  }
0x3b: {  	_ = 	snop  }
0x3c: {  	p2 =	seq.s32 s10, $0x1;
	s10 =	sld [smem:$0x3FB1]  }
0x3d: {  	_ =	shalt  }
0x3e: {  	_ =	shalt  }
0x3f: {  	_ =	shalt  }
0x40: {  	_ =	shalt  }
0x41: {  	_ =	shalt  }
0x42: {  	_ =	shalt  }
0x43: {  	_ =	shalt  }
0x44: {  	_ =	shalt  }
0x45: {  	_ =	shalt  }
0x46: {  	_ =	shalt  }
0x47: {  	_ =	shalt  }
0x48: {  	_ =	shalt  }
0x49: {  	_ =	shalt  }
0x4a: {  	_ =	shalt  }
0x4b: {  	_ =	shalt  }
0x4c: {  	_ =	shalt  }
0x4d: {  	_ =	shalt  }
0x4e: {  	_ =	shalt  }
0x4f: {  	_ =	shalt  }
0x50: {  	_ =	shalt  }
0x51: {  	_ =	shalt  }
0x52: {  	_ =	shalt  }
0x53: {  	_ =	shalt  }
0x54: {  	_ =	shalt  }
0x55: {  	_ =	shalt  }
0x56: {  	_ =	shalt  }
0x57: {  	_ =	shalt  }
0x58: {  	_ =	shalt  }
0x59: {  	_ =	shalt  }
0x5a: {  	_ =	shalt  }
0x5b: {  	_ =	shalt  }
0x5c: {  	_ =	shalt  }
0x5d: {  	_ =	shalt  }
0x5e: {  	_ =	shalt  }
0x5f: {  	_ =	shalt  }
0x60: {  	_ =	shalt  }
0x61: {  	_ =	shalt  }
0x62: {  	_ =	shalt  }
0x63: {  	_ =	shalt  }
0x64: {  	_ =	shalt  }
0x65: {  	_ =	shalt  }
0x66: {  	_ =	shalt  }
0x67: {  	_ =	shalt  }
0x68: {  	_ =	shalt  }
0x69: {  	_ =	shalt  }
0x6a: {  	_ =	shalt  }
0x6b: {  	_ =	shalt  }
0x6c: {  	_ =	shalt  }
0x6d: {  	_ =	shalt  }
0x6e: {  	_ =	shalt  }
0x6f: {  	_ =	shalt  }
0x70: {  	_ =	shalt  }
0x71: {  	_ =	shalt  }
0x72: {  	_ =	shalt  }
0x73: {  	_ =	shalt  }
0x74: {  	_ =	shalt  }
0x75: {  	_ =	shalt  }
0x76: {  	_ =	shalt  }
0x77: {  	_ =	shalt  }
0x78: {  	_ =	shalt  }
0x79: {  	_ =	shalt  }
0x7a: {  	_ =	shalt  }
0x7b: {  	_ =	shalt  }
0x7c: {  	_ =	shalt  }
0x7d: {  	_ =	shalt  }
0x7e: {  	_ =	shalt  }
0x7f: {  	_ =	shalt  }
0x80: {  	_ =	shalt  }
0x81: {  	_ =	shalt  }
0x82: {  	_ =	shalt  }
0x83: {  	_ =	shalt  }
0x84: {  	_ =	shalt  }
0x85: {  	_ =	shalt  }
0x86: {  	_ =	shalt  }
0x87: {  	_ =	shalt  }
.Lfunc_end0:
.L_simem_size_0:
called_computation.3_lowered:
.L_overlay_start_0:
0x88: {  	s2 =	sld [smem:$0x3FD9]  }
0x89: {  	s3 =	sld [smem:$0x3FFE];
	_ =	sdelay $0x1  }
0x8a: {  	s1 =	srdreg.scid  }
0x8b: {  	s0 =	sand.u32 $0x1, s1  }
0x8c: {  	s17 =	sshll.u32 s0, $0xA;
	s2 =	sadd.s32 s3, s2  }
0x8d: {  	s2 =	sadd.s32 s2, s17  }
0x8e: {  	[smem:$0x3FBD] =	sst s2  }
0x8f: {  	_ = 	snop  }
0x90: {  	s2 =	sld [smem:$0x3FC7];
	(tm) =	ssettm $0x1  }
0x91: {  	s18 =	sld [smem:$0x3FFB];
	_ =	sdelay $0x3  }
0x92: {  	_ =	strace s18  }
0x93: {  	s3 =	sld [smem:$0x3FFC];
	_ =	sdelay $0x3  }
0x94: {  	_ =	strace s3  }
0x95: {  	s3 =	sld [smem:$0x3FFD];
	_ =	sdelay $0x3  }
0x96: {  	_ =	strace s3  }
0x97: {  	_ =	strace $0x8FFFFFFF  }
0x98: {  	s19 =	sld [smem:$0x3FDB];
	_ =	sdelay $0x1  }
0x99: {  	s4 =	simm.s32 $_scs_section_size  }
0x9a: {  	s5 =	simm.s32 $_size__tile_overlayer_lowered;
	s6 =	simm.s32 $_tile_overlayer_lowered  }
0x9b: {  	s22 =	simm.s32 $0x1BFF;
	s21 =	sshll.u32 s6, $0x1;
	s3 =	sadd.s32 s4, s19  }
0x9c: {  	s7 =	simm.s32 $0x0;
	s20 =	sshll.u32 s5, $0x1;
	s5 =	sadd.s32 s21, s3  }
0x9d: {  	[timem:s7], [sflag:s22] =	dma.local [hbm:s5], s20  }
0x9e: {  	_ =	swait.ge [sflag:s22], s20  }
0x9f: {  	s4 =	ssub.s32 $0x0, s20;
	[sflag:s22] =	ssyncset.done $0x0  }
0xa0: {  	[sflag:s22] =	ssyncadd.s32 s4;
	_ =	sdelay $0x1  }
0xa1: {  	s23 =	simm.s32 $0x1B8B  }
0xa2: {  	_ =	swait.ge [sflag:s23], $0x1  }
0xa3: {  	[sflag:s23] =	ssyncset.done $0x0  }
0xa4: {  	s25 =	simm.s32 $0x1B8E;
	s24 =	sld [smem:$0x3FFE];
	[sflag:s23] =	ssyncadd.s32 $0xFFFFFFFF  }
0xa5: {  	s26 =	simm.s32 $execute0_lowered;
	[smem:$0x3FD2] =	sst s25  }
0xa6: {  	s5 =	sshll.u32 s26, $0x1;
	_ =	strace $0x8000004F;
	[dreg:$0x1] =	wrdreg $0xFFFFFFFF  }
0xa7: {  	s28 =	simm.s32 $_size_execute0_lowered;
	s3 =	sadd.s32 s3, s5;
	[dreg:$0x0] =	wrdreg $0x0  }
0xa8: {  	s5 =	sshll.u32 s28, $0x1;
	[dreg:$0x2] =	wrdreg s3  }
0xa9: {  	[dreg:$0x3] =	wrdreg s5  }
0xaa: {  	[dreg:$0x4] =	wrdreg $0xC0  }
0xab: {  	_ =	task [dreg:s7], $0x5FFFF  }
0xac: {  	[dreg:$0x1] =	wrdreg $0xFFFFFFFF  }
0xad: {  	[dreg:$0x0] =	wrdreg $0x60  }
0xae: {  	[dreg:$0x2] =	wrdreg s24  }
0xaf: {  	[dreg:$0x3] =	wrdreg s2  }
0xb0: {  	[dreg:$0x4] =	wrdreg $0x9  }
0xb1: {  	_ =	task.clear_ibuf [dreg:s7], $0x5FFFF;
	_ =	strace $0x9000004F  }
0xb2: {  	s29 =	simm.s32 $0x9;
	_ =	strace $0x80000051  }
0xb3: {  	_ =	swait.ge [sflag:s29], $0x1  }
0xb4: {  	[sflag:s29] =	ssyncadd.s32 $0xFFFFFFFF  }
0xb5: {  	_ =	strace $0x90000051  }
0xb6: {  	_ =	sfence  }
0xb7: {  	s30 =	sld [smem:$0x0];
	_ =	sdelay $0x2  }
0xb8: {  	s31 =	sshll.u32 s1, $0xD;
	s1 =	sshrl.u32 s1, $0x2  }
0xb9: {  	s3 =	sand.u32 $0x4000, s31;
	s1 =	sadd.s32 s1, s30  }
0xba: {  	s0 =	sor.u32 s3, s0;
	s1 =	sshll.u32 s1, $0x11  }
0xbb: {  	s0 =	sor.u32 s1, s0  }
0xbc: {  	s0 =	sadd.s32 $0x8F2B, s0  }
0xbd: {  	[sflag:s0] =	ssyncadd.remote.s32 $0x1  }
0xbe: {  	_ =	sfence.sel $0xFFFF  }
0xbf: {  	[dreg:$0x0] =	wrdreg $0xFFFFFFFF;
	(pc) =	sbr.abs _section_cstart, $3  }
0xc0: {  	[dreg:$0x1] =	wrdreg $0xFFFFFFFF  }
0xc1: {  	_ =	task.clear_ibuf [dreg:s7], $0x2FFFF;
	_ =	strace $0x9FFFFFFF  }
0xc2: {  	(tm) =	ssettm $0x7FFFFFFF  }
0xc3: {  	_ =	shalt  }
tec
execute0_lowered:
.L_overlay_start_1:
0x0: {  	(tag) =	ssettag $0x1  }
0x1: {  	s1 =	srdreg.scid  }
0x2: {  	s8 =	rddreg [dreg:$0x0];
	s0 =	stileid.u32  }
0x3: {  	s3 =	rddreg [dreg:$0x1];
	s2 =	simm.s32 $0x0;
	s6 =	sand.u32 $0x1, s1  }
0x4: {  	s4 =	sshll.u32 s0, $0x6;
	s1 =	rddreg [dreg:$0x2];
	s5 =	sshll.u32 s6, $0x5  }
0x5: {  	s7 =	simm.s32 $0x1;
	[smem:$0x7FF] =	sst s2;
	s9 =	sor.u32 s5, s4  }
0x6: {  	_ =	strace $0x80000050;
	s10 =	ssub.s32 $0x2, s6;
	s4 =	sshrl.u32 s9, $0x3  }
0x7: {  	s6 =	simm.s32 $0x20;
	s4 =	sadd.s32 s3, s4;
	s3 =	simm.s32 $0x2  }
0x8: {  	[tilespmem:s2], [sflag:$0x2] =	stream.linear.gather [hbm4b:s4+s2], $0x20, $0x38;
	[tilespmem:$0x420] =	vst v63  }
0x9: {  	s5 =	sadd.s32 $0x2200, s8;
	s11 =	sshrl.u32 s10, $0x1;
	_ =	swait.ge [sflag:s3], $0x20  }
0xa: {  	s9 =	sshll.u32 s9, $0x2;
	s31 =	ssub.s32 s10, s11;
	[sflag:s3] =	ssyncset.done $0x0  }
0xb: {  	s8 =	sadd.s32 s9, s8;
	s9 =	smax.u32 s31, $0x1;
	[sflag:s3] =	ssyncadd.s32 $0xFFFFFFE0  }
0xc: {  	[tilespmem:s6], [sflag:$0x1] =	stream.indirect.gather [hbm4b:s5+s6], $0x20, s2, s6, $0xb8;
	[tilespmem:$0x420] =	vst v63  }
0xd: {  	p0 =	sne.s32 s9, $0x1;
	_ =	swait.ge [sflag:s7], $0x400  }
.Ltmp0:
0xe: {  	[sflag:s7] =	ssyncset.done $0x0;
	(pc) =	sbr.rel @!p0 .LBB2_2-.Ltmp0, $4  }
0xf: {  	s8 =	sadd.s32 $0xC200, s8;
	[sflag:s7] =	ssyncadd.s32 $0xFFFFFC00  }
0x10: {  	[hbm4b:s8+s2] =	stream.linear.scatter [tilespmem:s6], [sflag:$0x2], $0x400, $0x38;
	[tilespmem:$0x420] =	vst v63  }
0x11: {  	_ =	swait.ge [sflag:s3], $0x400  }
0x12: {  	s9 =	sadd.s32 $0xFFFFFFFF, s9;
	[sflag:s3] =	ssyncset.done $0x0  }
.LBB2_1:
0x13: {  	p0 =	sne.s32 s9, $0x1;
	s9 =	sadd.s32 $0xFFFFFFFF, s9;
	[sflag:s3] =	ssyncadd.s32 $0xFFFFFC00  }
0x14: {  	[tilespmem:s2], [sflag:$0x2] =	stream.linear.gather [hbm4b:s4+s2], $0x20, $0x38;
	[tilespmem:$0x420] =	vst v63  }
0x15: {  	_ =	swait.ge [sflag:s3], $0x20  }
0x16: {  	[sflag:s3] =	ssyncset.done $0x0  }
0x17: {  	[sflag:s3] =	ssyncadd.s32 $0xFFFFFFE0  }
0x18: {  	[tilespmem:s6], [sflag:$0x1] =	stream.indirect.gather [hbm4b:s5+s6], $0x20, s2, s6, $0xb8;
	[tilespmem:$0x420] =	vst v63  }
0x19: {  	_ =	swait.ge [sflag:s7], $0x400  }
.Ltmp1:
0x1a: {  	[sflag:s7] =	ssyncset.done $0x0;
	(pc) =	sbr.rel @p0 .LBB2_1-.Ltmp1, $4  }
0x1b: {  	[sflag:s7] =	ssyncadd.s32 $0xFFFFFC00  }
0x1c: {  	[hbm4b:s8+s2] =	stream.linear.scatter [tilespmem:s6], [sflag:$0x2], $0x400, $0x38;
	[tilespmem:$0x420] =	vst v63  }
0x1d: {  	_ =	swait.ge [sflag:s3], $0x400  }
0x1e: {  	[sflag:s3] =	ssyncset.done $0x0  }
.LBB2_2:
0x1f: {  	[sflag:s3] =	ssyncadd.s32 $0xFFFFFC00  }
0x20: {  	_ =	sfence.sel $0x180000  }
0x21: {  	[bflag:$0x0] =	sbarrier.arrive $0xFFFF  }
0x22: {  	p0 =	sne.s32 s0, $0x0;
	_ =	strace $0x90000050  }
0x23: {  	s0 =	sadd.s32 @!p0 $0x100000, s1;
	[bflag:$0x2] =	sbarrier.arrive $0xFFFF  }
0x24: {  	[sflag:s0] =	ssyncadd.tile.s32 @!p0 $0x1;
	_ =	shalt  }
.Lfunc_end2:
_tile_overlayer_lowered:
.L_overlay_start_2:
0x25: {  	(tag) =	ssettag $0x2  }
0x26: {  	s0 =	rddreg [dreg:$0x0];
	s2 =	stileid.u32  }
0x27: {  	s1 =	rddreg [dreg:$0x1];
	p0 =	sne.s32 s2, $0x0  }
0x28: {  	s3 =	rddreg [dreg:$0x2];
	[bflag:$0x3] =	sbarrier.arrive $0xFFFF;
	s2 =	simm.s32 @!p0 $0x1C02  }
0x29: {  	[timem:s3], [sflag:s2] =	dma.local @!p0 [hbm:s0], s1  }
0x2a: {  	s0 =	simm.s32 @!p0 $0x2  }
0x2b: {  	_ =	swait.ge @!p0 [sflag:s0], s1  }
0x2c: {  	s1 =	ssub.s32 @!p0 $0x0, s1;
	[sflag:s0] =	ssyncset.done @!p0 $0x0  }
0x2d: {  	[sflag:s0] =	ssyncadd.s32 @!p0 s1  }
0x2e: {  	[bflag:$0x3] =	sbarrier.arrive $0xFFFF  }
0x2f: {  	_ =	shalt  }

</sc_bundles>
